<compile_context>
chip_gen: v7x
topology: tpu7x:2x2x1
jax: 0.10.2.dev20260603
libtpu: 0.0.44.dev20260713+nightly
codegen_flags: <defaults>
</compile_context>

<pallas_src>
import functools

import jax
import jax.numpy as jnp
from jax import lax
from jax.experimental import pallas as pl
from jax.experimental.pallas import tpu as pltpu
from jax.experimental.pallas import tpu_sc as plsc

_D = 64
_BB = 128
_NC = 2
_NS = 16
_NW = _NC * _NS
_NBUF = 5


@functools.lru_cache(maxsize=None)
def _make_kernel(batch, hist):
    assert batch == _BB * _NW
    assert hist % _NBUF == 0
    mesh = plsc.VectorSubcoreMesh(core_axis_name="c", subcore_axis_name="s")

    @functools.partial(
        pl.kernel,
        out_type=jax.ShapeDtypeStruct(
            (hist, _D // 8, batch // _BB, 8, _BB), jnp.float32
        ),
        mesh=mesh,
        scratch_types=[
            pltpu.VMEM((hist, _BB), jnp.int32),
            pltpu.VMEM((_NBUF, _BB, _D), jnp.float32),
            pltpu.VMEM((_NBUF, _D // 8, 8, _BB + 1), jnp.float32),
            pltpu.SemaphoreType.DMA((_NBUF,)),
            pltpu.SemaphoreType.DMA((_NBUF,)),
            pltpu.SemaphoreType.DMA,
        ],
        compiler_params=pltpu.CompilerParams(
            use_tc_tiling_on_sc=False, needs_layout_passes=False
        ),
        cost_estimate=pl.CostEstimate(
            flops=0,
            bytes_accessed=batch * hist * (2 * 4 * _D + 8),
            transcendentals=0,
        ),
    )
    def body(wt_hbm, table_hbm, out_hbm, idx_v, rows_v, t_v, g_sem, o_sem,
             i_sem):
        wid = lax.axis_index("s") * _NC + lax.axis_index("c")
        pltpu.async_copy(
            wt_hbm.at[:, pl.ds(wid * _BB, _BB)], idx_v, i_sem
        ).wait()

        def start_gather(h, slot):
            pltpu.async_copy(
                table_hbm.at[idx_v.at[h]], rows_v.at[slot], g_sem.at[slot]
            )

        for p in range(_NBUF):
            start_gather(p, p)

        dvecs = [
            lax.iota(jnp.int32, 16) + 16 * j for j in range(_D // 16)
        ]
        d0vecs = [dv // 8 for dv in dvecs]
        d1vecs = [dv % 8 for dv in dvecs]
        z16 = jnp.zeros((16,), jnp.int32)

        def group(g, carry):
            for p in range(_NBUF):
                h = g * _NBUF + p

                pltpu.make_async_copy(
                    table_hbm.at[idx_v.at[h]],
                    rows_v.at[p],
                    g_sem.at[p],
                ).wait()

                @pl.when(h >= _NBUF)
                def _():
                    pltpu.make_async_copy(
                        t_v.at[p, :, :, pl.ds(0, _BB)],
                        out_hbm.at[0, :, 0],
                        o_sem.at[p],
                    ).wait()

                rows = rows_v.at[p]
                t2 = t_v.at[p]

                def tr_body(g, bvec):
                    for u in range(8):
                        b = 8 * g + u
                        bu = bvec + u if u else bvec
                        for j in range(_D // 16):
                            v = rows[b, pl.ds(16 * j, 16)]
                            plsc.store_scatter(
                                t2, [d0vecs[j], d1vecs[j], bu], v
                            )
                    return bvec + 8

                lax.fori_loop(0, _BB // 8, tr_body, z16)

                pltpu.async_copy(
                    t_v.at[p, :, :, pl.ds(0, _BB)],
                    out_hbm.at[h, :, wid],
                    o_sem.at[p],
                )

                h2 = h + _NBUF

                @pl.when(h2 < hist)
                def _():
                    start_gather(h2, p)
            return carry

        lax.fori_loop(0, hist // _NBUF, group, 0)

        for p in range(_NBUF):
            pltpu.make_async_copy(
                t_v.at[p, :, :, pl.ds(0, _BB)], out_hbm.at[0, :, 0],
                o_sem.at[p],
            ).wait()

    return body


def kernel(words, table):
    b, h = words.shape
    out5 = _make_kernel(b, h)(words.T, table)
    return out5.transpose(2, 4, 0, 1, 3).reshape(b, h, _D)

# --- scband reference (transcript-rebuilt; emitter-appended) ---
"""Pipeline reference for scband-embedding-dropout-88759794139281 (READ-ONLY COPY).

The authoritative reference and input builder live on the scoring server;
editing this copy changes nothing except your own understanding.
"""

import jax, jax.numpy as jnp
import numpy as np

VOCAB = 1000000
EMBED_DIM = 64
BATCH = 4096
HIST = 200


def setup_inputs(seed: int = 0) -> dict:
    key = jax.random.key(seed)
    k_idx, k_tab = jax.random.split(key)
    words = jax.random.randint(k_idx, (BATCH, HIST), 0, VOCAB, dtype=jnp.int32)
    table = jax.random.normal(k_tab, (VOCAB, EMBED_DIM), dtype=jnp.float32)
    return {"words": words, "table": table}


def reference(words, table):
    # Eval-mode EmbeddingDropout: embed_p dropout is only applied in training,
    # and scale is None, so forward is a plain embedding lookup.
    # padding_idx=-1 only affects the backward pass (grad zeroing), not forward.
    return jnp.take(table, words, axis=0)

if __name__ == "__main__":
    import jax
    _d = setup_inputs()
    print(jax.jit(kernel)(*tuple(_d.values())))

</pallas_src>

<mosaic_0001>
#map = affine_map<(d0, d1) -> (0, 0)>
#map1 = affine_map<(d0, d1) -> (0, 0, 0, 0, 0)>
module attributes {stable_mosaic.version = 14 : i64} {
  func.func @body(%arg0: i32, %arg1: i32, %arg2: memref<200x4096xi32, #tpu.memory_space<hbm>>, %arg3: memref<1000000x64xf32, #tpu.memory_space<hbm>>, %arg4: memref<200x8x32x8x128xf32, #tpu.memory_space<hbm>>, %arg5: memref<200x128xi32, #tpu.memory_space<vmem>>, %arg6: memref<5x128x64xf32, #tpu.memory_space<vmem>>, %arg7: memref<5x8x8x129xf32, #tpu.memory_space<vmem>>, %arg8: memref<5x!tpu.dma_semaphore, #tpu.memory_space<semaphore_mem>>, %arg9: memref<5x!tpu.dma_semaphore, #tpu.memory_space<semaphore_mem>>, %arg10: memref<!tpu.dma_semaphore, #tpu.memory_space<semaphore_mem>>) attributes {dimension_semantics = [#tpu.dimension_semantics<core_parallel>, #tpu.dimension_semantics<subcore_parallel>], iteration_bounds = array<i64: 2, 16>, scalar_prefetch = 0 : i64, scratch_operands = 6 : i64, tpu.core_type = #tpu.core_type<sc_vector_subcore>, window_params = [{transform_indices = #map}, {transform_indices = #map}, {transform_indices = #map1}]} {
    %mul3A = arith.constant 2 : i32
    %mul3A_0 = arith.muli %arg1, %mul3A : i32
    %add3A = arith.addi %mul3A_0, %arg0 : i32
    %mul3A_1 = arith.constant 128 : i32
    %mul3A_2 = arith.muli %add3A, %mul3A_1 : i32
    %dma_start3A = arith.constant 0 : i32
    %dma_start3A_3 = tpu.memref_slice %arg2[%dma_start3A, %mul3A_2] : memref<200x4096xi32, #tpu.memory_space<hbm>> -> memref<200x128xi32, #tpu.memory_space<hbm>>
    %dma_start3A_4 = arith.constant 0 : i32
    %dma_start3A_5 = tpu.memref_slice %arg2[%dma_start3A_4, %mul3A_2] : memref<200x4096xi32, #tpu.memory_space<hbm>> -> memref<200x128xi32, #tpu.memory_space<hbm>>
    tpu.enqueue_dma source(%dma_start3A_5 : memref<200x128xi32, #tpu.memory_space<hbm>>) target(%arg5 : memref<200x128xi32, #tpu.memory_space<vmem>>) target_semaphore(%arg10 : memref<!tpu.dma_semaphore, #tpu.memory_space<semaphore_mem>>)
    %dma_wait3A = arith.constant 0 : i32
    %dma_wait3A_6 = tpu.memref_slice %arg2[%dma_wait3A, %mul3A_2] : memref<200x4096xi32, #tpu.memory_space<hbm>> -> memref<200x128xi32, #tpu.memory_space<hbm>>
    %dma_wait3A_7 = arith.constant 0 : i32
    %dma_wait3A_8 = tpu.memref_slice %arg2[%dma_wait3A_7, %mul3A_2] : memref<200x4096xi32, #tpu.memory_space<hbm>> -> memref<200x128xi32, #tpu.memory_space<hbm>>
    tpu.wait_dma2 semaphore(%arg10 : memref<!tpu.dma_semaphore, #tpu.memory_space<semaphore_mem>>) src(%dma_wait3A_8 : memref<200x128xi32, #tpu.memory_space<hbm>>) dst(%arg5 : memref<200x128xi32, #tpu.memory_space<vmem>>)
    %dma_start3A_9 = arith.constant 0 : i32
    %dma_start3A_10 = arith.constant 0 : i32
    %dma_start3A_11 = arith.constant 0 : i32
    %dma_start3A_12 = arith.constant 0 : i32
    %dma_start3A_13 = arith.constant 0 : i32
    %dma_start3A_14 = tpu.memref_slice %arg6[%dma_start3A_10, %dma_start3A_12, %dma_start3A_13] : memref<5x128x64xf32, #tpu.memory_space<vmem>> -> memref<1x128x64xf32, #tpu.memory_space<vmem>>
    %dma_start3A_15 = tpu.memref_squeeze %dma_start3A_14 : memref<1x128x64xf32, #tpu.memory_space<vmem>> -> memref<128x64xf32, #tpu.memory_space<vmem>>
    %dma_start3A_16 = arith.constant 0 : i32
    %dma_start3A_17 = tpu.memref_slice %arg5[%dma_start3A_9, %dma_start3A_16] : memref<200x128xi32, #tpu.memory_space<vmem>> -> memref<1x128xi32, #tpu.memory_space<vmem>>
    %dma_start3A_18 = tpu.memref_squeeze %dma_start3A_17 : memref<1x128xi32, #tpu.memory_space<vmem>> -> memref<128xi32, #tpu.memory_space<vmem>>
    %dma_start3A_19 = arith.constant 0 : i32
    %dma_start3A_20 = arith.constant 0 : i32
    %dma_start3A_21 = tpu.memref_slice %arg3[%dma_start3A_19, %dma_start3A_20] : memref<1000000x64xf32, #tpu.memory_space<hbm>> -> memref<1000000x64xf32, #tpu.memory_space<hbm>>
    %dma_start3A_22 = tpu.memref_slice %arg8[%dma_start3A_11] : memref<5x!tpu.dma_semaphore, #tpu.memory_space<semaphore_mem>> -> memref<1x!tpu.dma_semaphore, #tpu.memory_space<semaphore_mem>>
    %dma_start3A_23 = tpu.memref_squeeze %dma_start3A_22 : memref<1x!tpu.dma_semaphore, #tpu.memory_space<semaphore_mem>> -> memref<!tpu.dma_semaphore, #tpu.memory_space<semaphore_mem>>
    tpu.enqueue_indirect_dma source(%dma_start3A_21 : memref<1000000x64xf32, #tpu.memory_space<hbm>>) target(%dma_start3A_15 : memref<128x64xf32, #tpu.memory_space<vmem>>) offsets(%dma_start3A_18 : memref<128xi32, #tpu.memory_space<vmem>>) semaphore(%dma_start3A_23 : memref<!tpu.dma_semaphore, #tpu.memory_space<semaphore_mem>>)
    %dma_start3A_24 = arith.constant 1 : i32
    %dma_start3A_25 = arith.constant 1 : i32
    %dma_start3A_26 = arith.constant 1 : i32
    %dma_start3A_27 = arith.constant 0 : i32
    %dma_start3A_28 = arith.constant 0 : i32
    %dma_start3A_29 = tpu.memref_slice %arg6[%dma_start3A_25, %dma_start3A_27, %dma_start3A_28] : memref<5x128x64xf32, #tpu.memory_space<vmem>> -> memref<1x128x64xf32, #tpu.memory_space<vmem>>
    %dma_start3A_30 = tpu.memref_squeeze %dma_start3A_29 : memref<1x128x64xf32, #tpu.memory_space<vmem>> -> memref<128x64xf32, #tpu.memory_space<vmem>>
    %dma_start3A_31 = arith.constant 0 : i32
    %dma_start3A_32 = tpu.memref_slice %arg5[%dma_start3A_24, %dma_start3A_31] : memref<200x128xi32, #tpu.memory_space<vmem>> -> memref<1x128xi32, #tpu.memory_space<vmem>>
    %dma_start3A_33 = tpu.memref_squeeze %dma_start3A_32 : memref<1x128xi32, #tpu.memory_space<vmem>> -> memref<128xi32, #tpu.memory_space<vmem>>
    %dma_start3A_34 = arith.constant 0 : i32
    %dma_start3A_35 = arith.constant 0 : i32
    %dma_start3A_36 = tpu.memref_slice %arg3[%dma_start3A_34, %dma_start3A_35] : memref<1000000x64xf32, #tpu.memory_space<hbm>> -> memref<1000000x64xf32, #tpu.memory_space<hbm>>
    %dma_start3A_37 = tpu.memref_slice %arg8[%dma_start3A_26] : memref<5x!tpu.dma_semaphore, #tpu.memory_space<semaphore_mem>> -> memref<1x!tpu.dma_semaphore, #tpu.memory_space<semaphore_mem>>
    %dma_start3A_38 = tpu.memref_squeeze %dma_start3A_37 : memref<1x!tpu.dma_semaphore, #tpu.memory_space<semaphore_mem>> -> memref<!tpu.dma_semaphore, #tpu.memory_space<semaphore_mem>>
    tpu.enqueue_indirect_dma source(%dma_start3A_36 : memref<1000000x64xf32, #tpu.memory_space<hbm>>) target(%dma_start3A_30 : memref<128x64xf32, #tpu.memory_space<vmem>>) offsets(%dma_start3A_33 : memref<128xi32, #tpu.memory_space<vmem>>) semaphore(%dma_start3A_38 : memref<!tpu.dma_semaphore, #tpu.memory_space<semaphore_mem>>)
    %dma_start3A_39 = arith.constant 2 : i32
    %dma_start3A_40 = arith.constant 2 : i32
    %dma_start3A_41 = arith.constant 2 : i32
    %dma_start3A_42 = arith.constant 0 : i32
    %dma_start3A_43 = arith.constant 0 : i32
    %dma_start3A_44 = tpu.memref_slice %arg6[%dma_start3A_40, %dma_start3A_42, %dma_start3A_43] : memref<5x128x64xf32, #tpu.memory_space<vmem>> -> memref<1x128x64xf32, #tpu.memory_space<vmem>>
    %dma_start3A_45 = tpu.memref_squeeze %dma_start3A_44 : memref<1x128x64xf32, #tpu.memory_space<vmem>> -> memref<128x64xf32, #tpu.memory_space<vmem>>
    %dma_start3A_46 = arith.constant 0 : i32
    %dma_start3A_47 = tpu.memref_slice %arg5[%dma_start3A_39, %dma_start3A_46] : memref<200x128xi32, #tpu.memory_space<vmem>> -> memref<1x128xi32, #tpu.memory_space<vmem>>
    %dma_start3A_48 = tpu.memref_squeeze %dma_start3A_47 : memref<1x128xi32, #tpu.memory_space<vmem>> -> memref<128xi32, #tpu.memory_space<vmem>>
    %dma_start3A_49 = arith.constant 0 : i32
    %dma_start3A_50 = arith.constant 0 : i32
    %dma_start3A_51 = tpu.memref_slice %arg3[%dma_start3A_49, %dma_start3A_50] : memref<1000000x64xf32, #tpu.memory_space<hbm>> -> memref<1000000x64xf32, #tpu.memory_space<hbm>>
    %dma_start3A_52 = tpu.memref_slice %arg8[%dma_start3A_41] : memref<5x!tpu.dma_semaphore, #tpu.memory_space<semaphore_mem>> -> memref<1x!tpu.dma_semaphore, #tpu.memory_space<semaphore_mem>>
    %dma_start3A_53 = tpu.memref_squeeze %dma_start3A_52 : memref<1x!tpu.dma_semaphore, #tpu.memory_space<semaphore_mem>> -> memref<!tpu.dma_semaphore, #tpu.memory_space<semaphore_mem>>
    tpu.enqueue_indirect_dma source(%dma_start3A_51 : memref<1000000x64xf32, #tpu.memory_space<hbm>>) target(%dma_start3A_45 : memref<128x64xf32, #tpu.memory_space<vmem>>) offsets(%dma_start3A_48 : memref<128xi32, #tpu.memory_space<vmem>>) semaphore(%dma_start3A_53 : memref<!tpu.dma_semaphore, #tpu.memory_space<semaphore_mem>>)
    %dma_start3A_54 = arith.constant 3 : i32
    %dma_start3A_55 = arith.constant 3 : i32
    %dma_start3A_56 = arith.constant 3 : i32
    %dma_start3A_57 = arith.constant 0 : i32
    %dma_start3A_58 = arith.constant 0 : i32
    %dma_start3A_59 = tpu.memref_slice %arg6[%dma_start3A_55, %dma_start3A_57, %dma_start3A_58] : memref<5x128x64xf32, #tpu.memory_space<vmem>> -> memref<1x128x64xf32, #tpu.memory_space<vmem>>
    %dma_start3A_60 = tpu.memref_squeeze %dma_start3A_59 : memref<1x128x64xf32, #tpu.memory_space<vmem>> -> memref<128x64xf32, #tpu.memory_space<vmem>>
    %dma_start3A_61 = arith.constant 0 : i32
    %dma_start3A_62 = tpu.memref_slice %arg5[%dma_start3A_54, %dma_start3A_61] : memref<200x128xi32, #tpu.memory_space<vmem>> -> memref<1x128xi32, #tpu.memory_space<vmem>>
    %dma_start3A_63 = tpu.memref_squeeze %dma_start3A_62 : memref<1x128xi32, #tpu.memory_space<vmem>> -> memref<128xi32, #tpu.memory_space<vmem>>
    %dma_start3A_64 = arith.constant 0 : i32
    %dma_start3A_65 = arith.constant 0 : i32
    %dma_start3A_66 = tpu.memref_slice %arg3[%dma_start3A_64, %dma_start3A_65] : memref<1000000x64xf32, #tpu.memory_space<hbm>> -> memref<1000000x64xf32, #tpu.memory_space<hbm>>
    %dma_start3A_67 = tpu.memref_slice %arg8[%dma_start3A_56] : memref<5x!tpu.dma_semaphore, #tpu.memory_space<semaphore_mem>> -> memref<1x!tpu.dma_semaphore, #tpu.memory_space<semaphore_mem>>
    %dma_start3A_68 = tpu.memref_squeeze %dma_start3A_67 : memref<1x!tpu.dma_semaphore, #tpu.memory_space<semaphore_mem>> -> memref<!tpu.dma_semaphore, #tpu.memory_space<semaphore_mem>>
    tpu.enqueue_indirect_dma source(%dma_start3A_66 : memref<1000000x64xf32, #tpu.memory_space<hbm>>) target(%dma_start3A_60 : memref<128x64xf32, #tpu.memory_space<vmem>>) offsets(%dma_start3A_63 : memref<128xi32, #tpu.memory_space<vmem>>) semaphore(%dma_start3A_68 : memref<!tpu.dma_semaphore, #tpu.memory_space<semaphore_mem>>)
    %dma_start3A_69 = arith.constant 4 : i32
    %dma_start3A_70 = arith.constant 4 : i32
    %dma_start3A_71 = arith.constant 4 : i32
    %dma_start3A_72 = arith.constant 0 : i32
    %dma_start3A_73 = arith.constant 0 : i32
    %dma_start3A_74 = tpu.memref_slice %arg6[%dma_start3A_70, %dma_start3A_72, %dma_start3A_73] : memref<5x128x64xf32, #tpu.memory_space<vmem>> -> memref<1x128x64xf32, #tpu.memory_space<vmem>>
    %dma_start3A_75 = tpu.memref_squeeze %dma_start3A_74 : memref<1x128x64xf32, #tpu.memory_space<vmem>> -> memref<128x64xf32, #tpu.memory_space<vmem>>
    %dma_start3A_76 = arith.constant 0 : i32
    %dma_start3A_77 = tpu.memref_slice %arg5[%dma_start3A_69, %dma_start3A_76] : memref<200x128xi32, #tpu.memory_space<vmem>> -> memref<1x128xi32, #tpu.memory_space<vmem>>
    %dma_start3A_78 = tpu.memref_squeeze %dma_start3A_77 : memref<1x128xi32, #tpu.memory_space<vmem>> -> memref<128xi32, #tpu.memory_space<vmem>>
    %dma_start3A_79 = arith.constant 0 : i32
    %dma_start3A_80 = arith.constant 0 : i32
    %dma_start3A_81 = tpu.memref_slice %arg3[%dma_start3A_79, %dma_start3A_80] : memref<1000000x64xf32, #tpu.memory_space<hbm>> -> memref<1000000x64xf32, #tpu.memory_space<hbm>>
    %dma_start3A_82 = tpu.memref_slice %arg8[%dma_start3A_71] : memref<5x!tpu.dma_semaphore, #tpu.memory_space<semaphore_mem>> -> memref<1x!tpu.dma_semaphore, #tpu.memory_space<semaphore_mem>>
    %dma_start3A_83 = tpu.memref_squeeze %dma_start3A_82 : memref<1x!tpu.dma_semaphore, #tpu.memory_space<semaphore_mem>> -> memref<!tpu.dma_semaphore, #tpu.memory_space<semaphore_mem>>
    tpu.enqueue_indirect_dma source(%dma_start3A_81 : memref<1000000x64xf32, #tpu.memory_space<hbm>>) target(%dma_start3A_75 : memref<128x64xf32, #tpu.memory_space<vmem>>) offsets(%dma_start3A_78 : memref<128xi32, #tpu.memory_space<vmem>>) semaphore(%dma_start3A_83 : memref<!tpu.dma_semaphore, #tpu.memory_space<semaphore_mem>>)
    %iota3A = tpu.iota {dimensions = array<i32: 0>} : vector<16xi32>
    %add3A_84 = arith.constant 0 : i32
    %add3A_85 = vector.broadcast %add3A_84 : i32 to vector<16xi32>
    %add3A_86 = arith.addi %iota3A, %add3A_85 : vector<16xi32>
    %iota3A_87 = tpu.iota {dimensions = array<i32: 0>} : vector<16xi32>
    %add3A_88 = arith.constant 16 : i32
    %add3A_89 = vector.broadcast %add3A_88 : i32 to vector<16xi32>
    %add3A_90 = arith.addi %iota3A_87, %add3A_89 : vector<16xi32>
    %iota3A_91 = tpu.iota {dimensions = array<i32: 0>} : vector<16xi32>
    %add3A_92 = arith.constant 32 : i32
    %add3A_93 = vector.broadcast %add3A_92 : i32 to vector<16xi32>
    %add3A_94 = arith.addi %iota3A_91, %add3A_93 : vector<16xi32>
    %iota3A_95 = tpu.iota {dimensions = array<i32: 0>} : vector<16xi32>
    %add3A_96 = arith.constant 48 : i32
    %add3A_97 = vector.broadcast %add3A_96 : i32 to vector<16xi32>
    %add3A_98 = arith.addi %iota3A_95, %add3A_97 : vector<16xi32>
    %jit3A = arith.constant 8 : i32
    %div3A = vector.broadcast %jit3A : i32 to vector<16xi32>
    %div3A_99 = arith.divsi %add3A_86, %div3A : vector<16xi32>
    %sign3A = arith.constant 0 : i32
    %sign3A_100 = vector.broadcast %sign3A : i32 to vector<16xi32>
    %sign3A_101 = arith.cmpi sgt, %add3A_86, %sign3A_100 : vector<16xi32>
    %sign3A_102 = arith.extui %sign3A_101 : vector<16xi1> to vector<16xi32>
    %sign3A_103 = arith.constant 0 : i32
    %sign3A_104 = vector.broadcast %sign3A_103 : i32 to vector<16xi32>
    %sign3A_105 = arith.cmpi slt, %add3A_86, %sign3A_104 : vector<16xi32>
    %sign3A_106 = arith.extui %sign3A_105 : vector<16xi1> to vector<16xi32>
    %sign3A_107 = arith.subi %sign3A_102, %sign3A_106 : vector<16xi32>
    %sign3A_108 = arith.constant 0 : i32
    %sign3A_109 = arith.cmpi sgt, %jit3A, %sign3A_108 : i32
    %sign3A_110 = arith.extui %sign3A_109 : i1 to i32
    %sign3A_111 = arith.constant 0 : i32
    %sign3A_112 = arith.cmpi slt, %jit3A, %sign3A_111 : i32
    %sign3A_113 = arith.extui %sign3A_112 : i1 to i32
    %sign3A_114 = arith.subi %sign3A_110, %sign3A_113 : i32
    %ne3A = vector.broadcast %sign3A_114 : i32 to vector<16xi32>
    %ne3A_115 = arith.cmpi ne, %sign3A_107, %ne3A : vector<16xi32>
    %rem3A = vector.broadcast %jit3A : i32 to vector<16xi32>
    %rem3A_116 = arith.remsi %add3A_86, %rem3A : vector<16xi32>
    %ne3A_117 = arith.constant 0 : i32
    %ne3A_118 = vector.broadcast %ne3A_117 : i32 to vector<16xi32>
    %ne3A_119 = arith.cmpi ne, %rem3A_116, %ne3A_118 : vector<16xi32>
    %and3A = arith.andi %ne3A_115, %ne3A_119 : vector<16xi1>
    %sub3A = arith.constant 1 : i32
    %sub3A_120 = vector.broadcast %sub3A : i32 to vector<16xi32>
    %sub3A_121 = arith.subi %div3A_99, %sub3A_120 : vector<16xi32>
    %select_n3A = arith.select %and3A, %sub3A_121, %div3A_99 : vector<16xi1>, vector<16xi32>
    %jit3A_122 = arith.constant 8 : i32
    %div3A_123 = vector.broadcast %jit3A_122 : i32 to vector<16xi32>
    %div3A_124 = arith.divsi %add3A_90, %div3A_123 : vector<16xi32>
    %sign3A_125 = arith.constant 0 : i32
    %sign3A_126 = vector.broadcast %sign3A_125 : i32 to vector<16xi32>
    %sign3A_127 = arith.cmpi sgt, %add3A_90, %sign3A_126 : vector<16xi32>
    %sign3A_128 = arith.extui %sign3A_127 : vector<16xi1> to vector<16xi32>
    %sign3A_129 = arith.constant 0 : i32
    %sign3A_130 = vector.broadcast %sign3A_129 : i32 to vector<16xi32>
    %sign3A_131 = arith.cmpi slt, %add3A_90, %sign3A_130 : vector<16xi32>
    %sign3A_132 = arith.extui %sign3A_131 : vector<16xi1> to vector<16xi32>
    %sign3A_133 = arith.subi %sign3A_128, %sign3A_132 : vector<16xi32>
    %sign3A_134 = arith.constant 0 : i32
    %sign3A_135 = arith.cmpi sgt, %jit3A_122, %sign3A_134 : i32
    %sign3A_136 = arith.extui %sign3A_135 : i1 to i32
    %sign3A_137 = arith.constant 0 : i32
    %sign3A_138 = arith.cmpi slt, %jit3A_122, %sign3A_137 : i32
    %sign3A_139 = arith.extui %sign3A_138 : i1 to i32
    %sign3A_140 = arith.subi %sign3A_136, %sign3A_139 : i32
    %ne3A_141 = vector.broadcast %sign3A_140 : i32 to vector<16xi32>
    %ne3A_142 = arith.cmpi ne, %sign3A_133, %ne3A_141 : vector<16xi32>
    %rem3A_143 = vector.broadcast %jit3A_122 : i32 to vector<16xi32>
    %rem3A_144 = arith.remsi %add3A_90, %rem3A_143 : vector<16xi32>
    %ne3A_145 = arith.constant 0 : i32
    %ne3A_146 = vector.broadcast %ne3A_145 : i32 to vector<16xi32>
    %ne3A_147 = arith.cmpi ne, %rem3A_144, %ne3A_146 : vector<16xi32>
    %and3A_148 = arith.andi %ne3A_142, %ne3A_147 : vector<16xi1>
    %sub3A_149 = arith.constant 1 : i32
    %sub3A_150 = vector.broadcast %sub3A_149 : i32 to vector<16xi32>
    %sub3A_151 = arith.subi %div3A_124, %sub3A_150 : vector<16xi32>
    %select_n3A_152 = arith.select %and3A_148, %sub3A_151, %div3A_124 : vector<16xi1>, vector<16xi32>
    %jit3A_153 = arith.constant 8 : i32
    %div3A_154 = vector.broadcast %jit3A_153 : i32 to vector<16xi32>
    %div3A_155 = arith.divsi %add3A_94, %div3A_154 : vector<16xi32>
    %sign3A_156 = arith.constant 0 : i32
    %sign3A_157 = vector.broadcast %sign3A_156 : i32 to vector<16xi32>
    %sign3A_158 = arith.cmpi sgt, %add3A_94, %sign3A_157 : vector<16xi32>
    %sign3A_159 = arith.extui %sign3A_158 : vector<16xi1> to vector<16xi32>
    %sign3A_160 = arith.constant 0 : i32
    %sign3A_161 = vector.broadcast %sign3A_160 : i32 to vector<16xi32>
    %sign3A_162 = arith.cmpi slt, %add3A_94, %sign3A_161 : vector<16xi32>
    %sign3A_163 = arith.extui %sign3A_162 : vector<16xi1> to vector<16xi32>
    %sign3A_164 = arith.subi %sign3A_159, %sign3A_163 : vector<16xi32>
    %sign3A_165 = arith.constant 0 : i32
    %sign3A_166 = arith.cmpi sgt, %jit3A_153, %sign3A_165 : i32
    %sign3A_167 = arith.extui %sign3A_166 : i1 to i32
    %sign3A_168 = arith.constant 0 : i32
    %sign3A_169 = arith.cmpi slt, %jit3A_153, %sign3A_168 : i32
    %sign3A_170 = arith.extui %sign3A_169 : i1 to i32
    %sign3A_171 = arith.subi %sign3A_167, %sign3A_170 : i32
    %ne3A_172 = vector.broadcast %sign3A_171 : i32 to vector<16xi32>
    %ne3A_173 = arith.cmpi ne, %sign3A_164, %ne3A_172 : vector<16xi32>
    %rem3A_174 = vector.broadcast %jit3A_153 : i32 to vector<16xi32>
    %rem3A_175 = arith.remsi %add3A_94, %rem3A_174 : vector<16xi32>
    %ne3A_176 = arith.constant 0 : i32
    %ne3A_177 = vector.broadcast %ne3A_176 : i32 to vector<16xi32>
    %ne3A_178 = arith.cmpi ne, %rem3A_175, %ne3A_177 : vector<16xi32>
    %and3A_179 = arith.andi %ne3A_173, %ne3A_178 : vector<16xi1>
    %sub3A_180 = arith.constant 1 : i32
    %sub3A_181 = vector.broadcast %sub3A_180 : i32 to vector<16xi32>
    %sub3A_182 = arith.subi %div3A_155, %sub3A_181 : vector<16xi32>
    %select_n3A_183 = arith.select %and3A_179, %sub3A_182, %div3A_155 : vector<16xi1>, vector<16xi32>
    %jit3A_184 = arith.constant 8 : i32
    %div3A_185 = vector.broadcast %jit3A_184 : i32 to vector<16xi32>
    %div3A_186 = arith.divsi %add3A_98, %div3A_185 : vector<16xi32>
    %sign3A_187 = arith.constant 0 : i32
    %sign3A_188 = vector.broadcast %sign3A_187 : i32 to vector<16xi32>
    %sign3A_189 = arith.cmpi sgt, %add3A_98, %sign3A_188 : vector<16xi32>
    %sign3A_190 = arith.extui %sign3A_189 : vector<16xi1> to vector<16xi32>
    %sign3A_191 = arith.constant 0 : i32
    %sign3A_192 = vector.broadcast %sign3A_191 : i32 to vector<16xi32>
    %sign3A_193 = arith.cmpi slt, %add3A_98, %sign3A_192 : vector<16xi32>
    %sign3A_194 = arith.extui %sign3A_193 : vector<16xi1> to vector<16xi32>
    %sign3A_195 = arith.subi %sign3A_190, %sign3A_194 : vector<16xi32>
    %sign3A_196 = arith.constant 0 : i32
    %sign3A_197 = arith.cmpi sgt, %jit3A_184, %sign3A_196 : i32
    %sign3A_198 = arith.extui %sign3A_197 : i1 to i32
    %sign3A_199 = arith.constant 0 : i32
    %sign3A_200 = arith.cmpi slt, %jit3A_184, %sign3A_199 : i32
    %sign3A_201 = arith.extui %sign3A_200 : i1 to i32
    %sign3A_202 = arith.subi %sign3A_198, %sign3A_201 : i32
    %ne3A_203 = vector.broadcast %sign3A_202 : i32 to vector<16xi32>
    %ne3A_204 = arith.cmpi ne, %sign3A_195, %ne3A_203 : vector<16xi32>
    %rem3A_205 = vector.broadcast %jit3A_184 : i32 to vector<16xi32>
    %rem3A_206 = arith.remsi %add3A_98, %rem3A_205 : vector<16xi32>
    %ne3A_207 = arith.constant 0 : i32
    %ne3A_208 = vector.broadcast %ne3A_207 : i32 to vector<16xi32>
    %ne3A_209 = arith.cmpi ne, %rem3A_206, %ne3A_208 : vector<16xi32>
    %and3A_210 = arith.andi %ne3A_204, %ne3A_209 : vector<16xi1>
    %sub3A_211 = arith.constant 1 : i32
    %sub3A_212 = vector.broadcast %sub3A_211 : i32 to vector<16xi32>
    %sub3A_213 = arith.subi %div3A_186, %sub3A_212 : vector<16xi32>
    %select_n3A_214 = arith.select %and3A_210, %sub3A_213, %div3A_186 : vector<16xi1>, vector<16xi32>
    %jit3A_215 = arith.constant 8 : i32
    %eq3A = arith.constant 0 : i32
    %eq3A_216 = arith.cmpi eq, %jit3A_215, %eq3A : i32
    %jit3A_217 = arith.constant 1 : i32
    %select_n3A_218 = arith.select %eq3A_216, %jit3A_217, %jit3A_215 : i32
    %rem3A_219 = vector.broadcast %select_n3A_218 : i32 to vector<16xi32>
    %rem3A_220 = arith.remsi %add3A_86, %rem3A_219 : vector<16xi32>
    %ne3A_221 = arith.constant 0 : i32
    %ne3A_222 = vector.broadcast %ne3A_221 : i32 to vector<16xi32>
    %ne3A_223 = arith.cmpi ne, %rem3A_220, %ne3A_222 : vector<16xi32>
    %lt3A = arith.constant 0 : i32
    %lt3A_224 = vector.broadcast %lt3A : i32 to vector<16xi32>
    %lt3A_225 = arith.cmpi slt, %rem3A_220, %lt3A_224 : vector<16xi32>
    %lt3A_226 = arith.constant 0 : i32
    %lt3A_227 = arith.cmpi slt, %select_n3A_218, %lt3A_226 : i32
    %ne3A_228 = vector.broadcast %lt3A_227 : i1 to vector<16xi1>
    %ne3A_229 = vector.broadcast %ne3A_228 : vector<16xi1> to vector<16xi1>
    %ne3A_230 = arith.xori %lt3A_225, %ne3A_229 : vector<16xi1>
    %and3A_231 = arith.andi %ne3A_230, %ne3A_223 : vector<16xi1>
    %add3A_232 = vector.broadcast %select_n3A_218 : i32 to vector<16xi32>
    %add3A_233 = arith.addi %rem3A_220, %add3A_232 : vector<16xi32>
    %select_n3A_234 = arith.select %and3A_231, %add3A_233, %rem3A_220 : vector<16xi1>, vector<16xi32>
    %jit3A_235 = arith.constant 8 : i32
    %eq3A_236 = arith.constant 0 : i32
    %eq3A_237 = arith.cmpi eq, %jit3A_235, %eq3A_236 : i32
    %jit3A_238 = arith.constant 1 : i32
    %select_n3A_239 = arith.select %eq3A_237, %jit3A_238, %jit3A_235 : i32
    %rem3A_240 = vector.broadcast %select_n3A_239 : i32 to vector<16xi32>
    %rem3A_241 = arith.remsi %add3A_90, %rem3A_240 : vector<16xi32>
    %ne3A_242 = arith.constant 0 : i32
    %ne3A_243 = vector.broadcast %ne3A_242 : i32 to vector<16xi32>
    %ne3A_244 = arith.cmpi ne, %rem3A_241, %ne3A_243 : vector<16xi32>
    %lt3A_245 = arith.constant 0 : i32
    %lt3A_246 = vector.broadcast %lt3A_245 : i32 to vector<16xi32>
    %lt3A_247 = arith.cmpi slt, %rem3A_241, %lt3A_246 : vector<16xi32>
    %lt3A_248 = arith.constant 0 : i32
    %lt3A_249 = arith.cmpi slt, %select_n3A_239, %lt3A_248 : i32
    %ne3A_250 = vector.broadcast %lt3A_249 : i1 to vector<16xi1>
    %ne3A_251 = vector.broadcast %ne3A_250 : vector<16xi1> to vector<16xi1>
    %ne3A_252 = arith.xori %lt3A_247, %ne3A_251 : vector<16xi1>
    %and3A_253 = arith.andi %ne3A_252, %ne3A_244 : vector<16xi1>
    %add3A_254 = vector.broadcast %select_n3A_239 : i32 to vector<16xi32>
    %add3A_255 = arith.addi %rem3A_241, %add3A_254 : vector<16xi32>
    %select_n3A_256 = arith.select %and3A_253, %add3A_255, %rem3A_241 : vector<16xi1>, vector<16xi32>
    %jit3A_257 = arith.constant 8 : i32
    %eq3A_258 = arith.constant 0 : i32
    %eq3A_259 = arith.cmpi eq, %jit3A_257, %eq3A_258 : i32
    %jit3A_260 = arith.constant 1 : i32
    %select_n3A_261 = arith.select %eq3A_259, %jit3A_260, %jit3A_257 : i32
    %rem3A_262 = vector.broadcast %select_n3A_261 : i32 to vector<16xi32>
    %rem3A_263 = arith.remsi %add3A_94, %rem3A_262 : vector<16xi32>
    %ne3A_264 = arith.constant 0 : i32
    %ne3A_265 = vector.broadcast %ne3A_264 : i32 to vector<16xi32>
    %ne3A_266 = arith.cmpi ne, %rem3A_263, %ne3A_265 : vector<16xi32>
    %lt3A_267 = arith.constant 0 : i32
    %lt3A_268 = vector.broadcast %lt3A_267 : i32 to vector<16xi32>
    %lt3A_269 = arith.cmpi slt, %rem3A_263, %lt3A_268 : vector<16xi32>
    %lt3A_270 = arith.constant 0 : i32
    %lt3A_271 = arith.cmpi slt, %select_n3A_261, %lt3A_270 : i32
    %ne3A_272 = vector.broadcast %lt3A_271 : i1 to vector<16xi1>
    %ne3A_273 = vector.broadcast %ne3A_272 : vector<16xi1> to vector<16xi1>
    %ne3A_274 = arith.xori %lt3A_269, %ne3A_273 : vector<16xi1>
    %and3A_275 = arith.andi %ne3A_274, %ne3A_266 : vector<16xi1>
    %add3A_276 = vector.broadcast %select_n3A_261 : i32 to vector<16xi32>
    %add3A_277 = arith.addi %rem3A_263, %add3A_276 : vector<16xi32>
    %select_n3A_278 = arith.select %and3A_275, %add3A_277, %rem3A_263 : vector<16xi1>, vector<16xi32>
    %jit3A_279 = arith.constant 8 : i32
    %eq3A_280 = arith.constant 0 : i32
    %eq3A_281 = arith.cmpi eq, %jit3A_279, %eq3A_280 : i32
    %jit3A_282 = arith.constant 1 : i32
    %select_n3A_283 = arith.select %eq3A_281, %jit3A_282, %jit3A_279 : i32
    %rem3A_284 = vector.broadcast %select_n3A_283 : i32 to vector<16xi32>
    %rem3A_285 = arith.remsi %add3A_98, %rem3A_284 : vector<16xi32>
    %ne3A_286 = arith.constant 0 : i32
    %ne3A_287 = vector.broadcast %ne3A_286 : i32 to vector<16xi32>
    %ne3A_288 = arith.cmpi ne, %rem3A_285, %ne3A_287 : vector<16xi32>
    %lt3A_289 = arith.constant 0 : i32
    %lt3A_290 = vector.broadcast %lt3A_289 : i32 to vector<16xi32>
    %lt3A_291 = arith.cmpi slt, %rem3A_285, %lt3A_290 : vector<16xi32>
    %lt3A_292 = arith.constant 0 : i32
    %lt3A_293 = arith.cmpi slt, %select_n3A_283, %lt3A_292 : i32
    %ne3A_294 = vector.broadcast %lt3A_293 : i1 to vector<16xi1>
    %ne3A_295 = vector.broadcast %ne3A_294 : vector<16xi1> to vector<16xi1>
    %ne3A_296 = arith.xori %lt3A_291, %ne3A_295 : vector<16xi1>
    %and3A_297 = arith.andi %ne3A_296, %ne3A_288 : vector<16xi1>
    %add3A_298 = vector.broadcast %select_n3A_283 : i32 to vector<16xi32>
    %add3A_299 = arith.addi %rem3A_285, %add3A_298 : vector<16xi32>
    %select_n3A_300 = arith.select %and3A_297, %add3A_299, %rem3A_285 : vector<16xi1>, vector<16xi32>
    %broadcast_in_dim3A = arith.constant 0 : i32
    %broadcast_in_dim3A_301 = vector.broadcast %broadcast_in_dim3A : i32 to vector<16xi32>
    %scan3A = arith.constant 0 : i32
    %scan3A_302 = arith.constant 0 : i32
    %scan3A_303 = arith.constant 40 : i32
    %scan3A_304 = arith.addi %scan3A_302, %scan3A_303 : i32
    %scan3A_305 = arith.constant 1 : i32
    scf.for %scan3A_437 = %scan3A_302 to %scan3A_304 step %scan3A_305  : i32 {
      %mul3A_438 = arith.constant 5 : i32
      %mul3A_439 = arith.muli %scan3A_437, %mul3A_438 : i32
      %add3A_440 = arith.constant 0 : i32
      %add3A_441 = arith.addi %mul3A_439, %add3A_440 : i32
      %dma_wait3A_442 = arith.constant 0 : i32
      %dma_wait3A_443 = arith.constant 0 : i32
      %dma_wait3A_444 = arith.constant 0 : i32
      %dma_wait3A_445 = arith.constant 0 : i32
      %dma_wait3A_446 = tpu.memref_slice %arg6[%dma_wait3A_442, %dma_wait3A_444, %dma_wait3A_445] : memref<5x128x64xf32, #tpu.memory_space<vmem>> -> memref<1x128x64xf32, #tpu.memory_space<vmem>>
      %dma_wait3A_447 = tpu.memref_squeeze %dma_wait3A_446 : memref<1x128x64xf32, #tpu.memory_space<vmem>> -> memref<128x64xf32, #tpu.memory_space<vmem>>
      %dma_wait3A_448 = arith.constant 0 : i32
      %dma_wait3A_449 = tpu.memref_slice %arg5[%add3A_441, %dma_wait3A_448] : memref<200x128xi32, #tpu.memory_space<vmem>> -> memref<1x128xi32, #tpu.memory_space<vmem>>
      %dma_wait3A_450 = tpu.memref_squeeze %dma_wait3A_449 : memref<1x128xi32, #tpu.memory_space<vmem>> -> memref<128xi32, #tpu.memory_space<vmem>>
      %dma_wait3A_451 = arith.constant 0 : i32
      %dma_wait3A_452 = arith.constant 0 : i32
      %dma_wait3A_453 = tpu.memref_slice %arg3[%dma_wait3A_451, %dma_wait3A_452] : memref<1000000x64xf32, #tpu.memory_space<hbm>> -> memref<1000000x64xf32, #tpu.memory_space<hbm>>
      %dma_wait3A_454 = tpu.memref_slice %arg8[%dma_wait3A_443] : memref<5x!tpu.dma_semaphore, #tpu.memory_space<semaphore_mem>> -> memref<1x!tpu.dma_semaphore, #tpu.memory_space<semaphore_mem>>
      %dma_wait3A_455 = tpu.memref_squeeze %dma_wait3A_454 : memref<1x!tpu.dma_semaphore, #tpu.memory_space<semaphore_mem>> -> memref<!tpu.dma_semaphore, #tpu.memory_space<semaphore_mem>>
      tpu.wait_indirect_dma semaphore(%dma_wait3A_455 : memref<!tpu.dma_semaphore, #tpu.memory_space<semaphore_mem>>) src(%dma_wait3A_453 : memref<1000000x64xf32, #tpu.memory_space<hbm>>) dst(%dma_wait3A_447 : memref<128x64xf32, #tpu.memory_space<vmem>>)
      %ge3A = arith.constant 5 : i32
      %ge3A_456 = arith.cmpi sge, %add3A_441, %ge3A : i32
      %convert_element_type3A = arith.extui %ge3A_456 : i1 to i32
      %cond3A = arith.constant 0 : i32
      %cond3A_457 = arith.cmpi ne, %convert_element_type3A, %cond3A : i32
      scf.if %cond3A_457 {
        %dma_wait3A_745 = arith.constant 0 : i32
        %dma_wait3A_746 = arith.constant 0 : i32
        %dma_wait3A_747 = arith.constant 0 : i32
        %dma_wait3A_748 = arith.constant 0 : i32
        %dma_wait3A_749 = arith.constant 0 : i32
        %dma_wait3A_750 = arith.constant 0 : i32
        %dma_wait3A_751 = arith.constant 0 : i32
        %dma_wait3A_752 = tpu.memref_slice %arg7[%dma_wait3A_745, %dma_wait3A_749, %dma_wait3A_750, %dma_wait3A_751] : memref<5x8x8x129xf32, #tpu.memory_space<vmem>> -> memref<1x8x8x128xf32, #tpu.memory_space<vmem>>
        %dma_wait3A_753 = tpu.memref_squeeze %dma_wait3A_752 : memref<1x8x8x128xf32, #tpu.memory_space<vmem>> -> memref<8x8x128xf32, #tpu.memory_space<vmem>>
        %dma_wait3A_754 = arith.constant 0 : i32
        %dma_wait3A_755 = arith.constant 0 : i32
        %dma_wait3A_756 = arith.constant 0 : i32
        %dma_wait3A_757 = tpu.memref_slice %arg4[%dma_wait3A_746, %dma_wait3A_754, %dma_wait3A_747, %dma_wait3A_755, %dma_wait3A_756] : memref<200x8x32x8x128xf32, #tpu.memory_space<hbm>> -> memref<1x8x1x8x128xf32, #tpu.memory_space<hbm>>
        %dma_wait3A_758 = tpu.memref_squeeze %dma_wait3A_757 : memref<1x8x1x8x128xf32, #tpu.memory_space<hbm>> -> memref<8x8x128xf32, #tpu.memory_space<hbm>>
        %dma_wait3A_759 = tpu.memref_slice %arg9[%dma_wait3A_748] : memref<5x!tpu.dma_semaphore, #tpu.memory_space<semaphore_mem>> -> memref<1x!tpu.dma_semaphore, #tpu.memory_space<semaphore_mem>>
        %dma_wait3A_760 = tpu.memref_squeeze %dma_wait3A_759 : memref<1x!tpu.dma_semaphore, #tpu.memory_space<semaphore_mem>> -> memref<!tpu.dma_semaphore, #tpu.memory_space<semaphore_mem>>
        %dma_wait3A_761 = arith.constant 0 : i32
        %dma_wait3A_762 = arith.constant 0 : i32
        %dma_wait3A_763 = arith.constant 0 : i32
        %dma_wait3A_764 = tpu.memref_slice %arg4[%dma_wait3A_746, %dma_wait3A_761, %dma_wait3A_747, %dma_wait3A_762, %dma_wait3A_763] : memref<200x8x32x8x128xf32, #tpu.memory_space<hbm>> -> memref<1x8x1x8x128xf32, #tpu.memory_space<hbm>>
        %dma_wait3A_765 = tpu.memref_squeeze %dma_wait3A_764 : memref<1x8x1x8x128xf32, #tpu.memory_space<hbm>> -> memref<8x8x128xf32, #tpu.memory_space<hbm>>
        %dma_wait3A_766 = arith.constant 0 : i32
        %dma_wait3A_767 = arith.constant 0 : i32
        %dma_wait3A_768 = arith.constant 0 : i32
        %dma_wait3A_769 = tpu.memref_slice %arg7[%dma_wait3A_745, %dma_wait3A_766, %dma_wait3A_767, %dma_wait3A_768] : memref<5x8x8x129xf32, #tpu.memory_space<vmem>> -> memref<1x8x8x128xf32, #tpu.memory_space<vmem>>
        %dma_wait3A_770 = tpu.memref_squeeze %dma_wait3A_769 : memref<1x8x8x128xf32, #tpu.memory_space<vmem>> -> memref<8x8x128xf32, #tpu.memory_space<vmem>>
        tpu.wait_dma2 semaphore(%dma_wait3A_760 : memref<!tpu.dma_semaphore, #tpu.memory_space<semaphore_mem>>) src(%dma_wait3A_770 : memref<8x8x128xf32, #tpu.memory_space<vmem>>) dst(%dma_wait3A_765 : memref<8x8x128xf32, #tpu.memory_space<hbm>>)
      } else {
      }
      %scan3A_458 = arith.constant 0 : i32
      %scan3A_459 = arith.constant 0 : i32
      %scan3A_460 = arith.constant 0 : i32
      %scan3A_461 = arith.constant 16 : i32
      %scan3A_462 = arith.addi %scan3A_460, %scan3A_461 : i32
      %scan3A_463 = arith.constant 1 : i32
      %scan3A_464 = scf.for %scan3A_745 = %scan3A_460 to %scan3A_462 step %scan3A_463 iter_args(%scan3A_746 = %broadcast_in_dim3A_301) -> (vector<16xi32>)  : i32 {
        %mul3A_747 = arith.constant 8 : i32
        %mul3A_748 = arith.muli %mul3A_747, %scan3A_745 : i32
        %add3A_749 = arith.constant 0 : i32
        %add3A_750 = arith.addi %mul3A_748, %add3A_749 : i32
        %get3A = arith.constant 0 : i32
        %get3A_751 = arith.constant 0 : i32
        %get3A_752 = tpu.memref_slice %arg6[%scan3A_458, %get3A, %get3A_751] : memref<5x128x64xf32, #tpu.memory_space<vmem>> -> memref<1x128x64xf32, #tpu.memory_space<vmem>>
        %get3A_753 = tpu.memref_squeeze %get3A_752 : memref<1x128x64xf32, #tpu.memory_space<vmem>> -> memref<128x64xf32, #tpu.memory_space<vmem>>
        %get3A_754 = arith.index_cast %add3A_750 : i32 to index
        %get3A_755 = arith.constant 0 : index
        %get3A_756 = tpu.vector_load %get3A_753[%get3A_754, %get3A_755] {strides = array<i32>} : memref<128x64xf32, #tpu.memory_space<vmem>>, vector<16xf32>,
        %scatter3A = arith.constant 0 : i32
        %scatter3A_757 = arith.constant 0 : i32
        %scatter3A_758 = arith.constant 0 : i32
        %scatter3A_759 = tpu.memref_slice %arg7[%scan3A_459, %scatter3A, %scatter3A_757, %scatter3A_758] : memref<5x8x8x129xf32, #tpu.memory_space<vmem>> -> memref<1x8x8x129xf32, #tpu.memory_space<vmem>>
        %scatter3A_760 = tpu.memref_squeeze %scatter3A_759 : memref<1x8x8x129xf32, #tpu.memory_space<vmem>> -> memref<8x8x129xf32, #tpu.memory_space<vmem>>
        tpu.vector_store_idx %scatter3A_760[%select_n3A, %select_n3A_234, %scan3A_746], %get3A_756 : memref<8x8x129xf32, #tpu.memory_space<vmem>>[vector<16xi32>, vector<16xi32>, vector<16xi32>], vector<16xf32>,
        %get3A_761 = arith.constant 0 : i32
        %get3A_762 = arith.constant 0 : i32
        %get3A_763 = tpu.memref_slice %arg6[%scan3A_458, %get3A_761, %get3A_762] : memref<5x128x64xf32, #tpu.memory_space<vmem>> -> memref<1x128x64xf32, #tpu.memory_space<vmem>>
        %get3A_764 = tpu.memref_squeeze %get3A_763 : memref<1x128x64xf32, #tpu.memory_space<vmem>> -> memref<128x64xf32, #tpu.memory_space<vmem>>
        %get3A_765 = arith.index_cast %add3A_750 : i32 to index
        %get3A_766 = arith.constant 16 : index
        %get3A_767 = tpu.vector_load %get3A_764[%get3A_765, %get3A_766] {strides = array<i32>} : memref<128x64xf32, #tpu.memory_space<vmem>>, vector<16xf32>,
        %scatter3A_768 = arith.constant 0 : i32
        %scatter3A_769 = arith.constant 0 : i32
        %scatter3A_770 = arith.constant 0 : i32
        %scatter3A_771 = tpu.memref_slice %arg7[%scan3A_459, %scatter3A_768, %scatter3A_769, %scatter3A_770] : memref<5x8x8x129xf32, #tpu.memory_space<vmem>> -> memref<1x8x8x129xf32, #tpu.memory_space<vmem>>
        %scatter3A_772 = tpu.memref_squeeze %scatter3A_771 : memref<1x8x8x129xf32, #tpu.memory_space<vmem>> -> memref<8x8x129xf32, #tpu.memory_space<vmem>>
        tpu.vector_store_idx %scatter3A_772[%select_n3A_152, %select_n3A_256, %scan3A_746], %get3A_767 : memref<8x8x129xf32, #tpu.memory_space<vmem>>[vector<16xi32>, vector<16xi32>, vector<16xi32>], vector<16xf32>,
        %get3A_773 = arith.constant 0 : i32
        %get3A_774 = arith.constant 0 : i32
        %get3A_775 = tpu.memref_slice %arg6[%scan3A_458, %get3A_773, %get3A_774] : memref<5x128x64xf32, #tpu.memory_space<vmem>> -> memref<1x128x64xf32, #tpu.memory_space<vmem>>
        %get3A_776 = tpu.memref_squeeze %get3A_775 : memref<1x128x64xf32, #tpu.memory_space<vmem>> -> memref<128x64xf32, #tpu.memory_space<vmem>>
        %get3A_777 = arith.index_cast %add3A_750 : i32 to index
        %get3A_778 = arith.constant 32 : index
        %get3A_779 = tpu.vector_load %get3A_776[%get3A_777, %get3A_778] {strides = array<i32>} : memref<128x64xf32, #tpu.memory_space<vmem>>, vector<16xf32>,
        %scatter3A_780 = arith.constant 0 : i32
        %scatter3A_781 = arith.constant 0 : i32
        %scatter3A_782 = arith.constant 0 : i32
        %scatter3A_783 = tpu.memref_slice %arg7[%scan3A_459, %scatter3A_780, %scatter3A_781, %scatter3A_782] : memref<5x8x8x129xf32, #tpu.memory_space<vmem>> -> memref<1x8x8x129xf32, #tpu.memory_space<vmem>>
        %scatter3A_784 = tpu.memref_squeeze %scatter3A_783 : memref<1x8x8x129xf32, #tpu.memory_space<vmem>> -> memref<8x8x129xf32, #tpu.memory_space<vmem>>
        tpu.vector_store_idx %scatter3A_784[%select_n3A_183, %select_n3A_278, %scan3A_746], %get3A_779 : memref<8x8x129xf32, #tpu.memory_space<vmem>>[vector<16xi32>, vector<16xi32>, vector<16xi32>], vector<16xf32>,
        %get3A_785 = arith.constant 0 : i32
        %get3A_786 = arith.constant 0 : i32
        %get3A_787 = tpu.memref_slice %arg6[%scan3A_458, %get3A_785, %get3A_786] : memref<5x128x64xf32, #tpu.memory_space<vmem>> -> memref<1x128x64xf32, #tpu.memory_space<vmem>>
        %get3A_788 = tpu.memref_squeeze %get3A_787 : memref<1x128x64xf32, #tpu.memory_space<vmem>> -> memref<128x64xf32, #tpu.memory_space<vmem>>
        %get3A_789 = arith.index_cast %add3A_750 : i32 to index
        %get3A_790 = arith.constant 48 : index
        %get3A_791 = tpu.vector_load %get3A_788[%get3A_789, %get3A_790] {strides = array<i32>} : memref<128x64xf32, #tpu.memory_space<vmem>>, vector<16xf32>,
        %scatter3A_792 = arith.constant 0 : i32
        %scatter3A_793 = arith.constant 0 : i32
        %scatter3A_794 = arith.constant 0 : i32
        %scatter3A_795 = tpu.memref_slice %arg7[%scan3A_459, %scatter3A_792, %scatter3A_793, %scatter3A_794] : memref<5x8x8x129xf32, #tpu.memory_space<vmem>> -> memref<1x8x8x129xf32, #tpu.memory_space<vmem>>
        %scatter3A_796 = tpu.memref_squeeze %scatter3A_795 : memref<1x8x8x129xf32, #tpu.memory_space<vmem>> -> memref<8x8x129xf32, #tpu.memory_space<vmem>>
        tpu.vector_store_idx %scatter3A_796[%select_n3A_214, %select_n3A_300, %scan3A_746], %get3A_791 : memref<8x8x129xf32, #tpu.memory_space<vmem>>[vector<16xi32>, vector<16xi32>, vector<16xi32>], vector<16xf32>,
        %mul3A_797 = arith.constant 8 : i32
        %mul3A_798 = arith.muli %mul3A_797, %scan3A_745 : i32
        %add3A_799 = arith.constant 1 : i32
        %add3A_800 = arith.addi %mul3A_798, %add3A_799 : i32
        %add3A_801 = arith.constant 1 : i32
        %add3A_802 = vector.broadcast %add3A_801 : i32 to vector<16xi32>
        %add3A_803 = arith.addi %scan3A_746, %add3A_802 : vector<16xi32>
        %get3A_804 = arith.constant 0 : i32
        %get3A_805 = arith.constant 0 : i32
        %get3A_806 = tpu.memref_slice %arg6[%scan3A_458, %get3A_804, %get3A_805] : memref<5x128x64xf32, #tpu.memory_space<vmem>> -> memref<1x128x64xf32, #tpu.memory_space<vmem>>
        %get3A_807 = tpu.memref_squeeze %get3A_806 : memref<1x128x64xf32, #tpu.memory_space<vmem>> -> memref<128x64xf32, #tpu.memory_space<vmem>>
        %get3A_808 = arith.index_cast %add3A_800 : i32 to index
        %get3A_809 = arith.constant 0 : index
        %get3A_810 = tpu.vector_load %get3A_807[%get3A_808, %get3A_809] {strides = array<i32>} : memref<128x64xf32, #tpu.memory_space<vmem>>, vector<16xf32>,
        %scatter3A_811 = arith.constant 0 : i32
        %scatter3A_812 = arith.constant 0 : i32
        %scatter3A_813 = arith.constant 0 : i32
        %scatter3A_814 = tpu.memref_slice %arg7[%scan3A_459, %scatter3A_811, %scatter3A_812, %scatter3A_813] : memref<5x8x8x129xf32, #tpu.memory_space<vmem>> -> memref<1x8x8x129xf32, #tpu.memory_space<vmem>>
        %scatter3A_815 = tpu.memref_squeeze %scatter3A_814 : memref<1x8x8x129xf32, #tpu.memory_space<vmem>> -> memref<8x8x129xf32, #tpu.memory_space<vmem>>
        tpu.vector_store_idx %scatter3A_815[%select_n3A, %select_n3A_234, %add3A_803], %get3A_810 : memref<8x8x129xf32, #tpu.memory_space<vmem>>[vector<16xi32>, vector<16xi32>, vector<16xi32>], vector<16xf32>,
        %get3A_816 = arith.constant 0 : i32
        %get3A_817 = arith.constant 0 : i32
        %get3A_818 = tpu.memref_slice %arg6[%scan3A_458, %get3A_816, %get3A_817] : memref<5x128x64xf32, #tpu.memory_space<vmem>> -> memref<1x128x64xf32, #tpu.memory_space<vmem>>
        %get3A_819 = tpu.memref_squeeze %get3A_818 : memref<1x128x64xf32, #tpu.memory_space<vmem>> -> memref<128x64xf32, #tpu.memory_space<vmem>>
        %get3A_820 = arith.index_cast %add3A_800 : i32 to index
        %get3A_821 = arith.constant 16 : index
        %get3A_822 = tpu.vector_load %get3A_819[%get3A_820, %get3A_821] {strides = array<i32>} : memref<128x64xf32, #tpu.memory_space<vmem>>, vector<16xf32>,
        %scatter3A_823 = arith.constant 0 : i32
        %scatter3A_824 = arith.constant 0 : i32
        %scatter3A_825 = arith.constant 0 : i32
        %scatter3A_826 = tpu.memref_slice %arg7[%scan3A_459, %scatter3A_823, %scatter3A_824, %scatter3A_825] : memref<5x8x8x129xf32, #tpu.memory_space<vmem>> -> memref<1x8x8x129xf32, #tpu.memory_space<vmem>>
        %scatter3A_827 = tpu.memref_squeeze %scatter3A_826 : memref<1x8x8x129xf32, #tpu.memory_space<vmem>> -> memref<8x8x129xf32, #tpu.memory_space<vmem>>
        tpu.vector_store_idx %scatter3A_827[%select_n3A_152, %select_n3A_256, %add3A_803], %get3A_822 : memref<8x8x129xf32, #tpu.memory_space<vmem>>[vector<16xi32>, vector<16xi32>, vector<16xi32>], vector<16xf32>,
        %get3A_828 = arith.constant 0 : i32
        %get3A_829 = arith.constant 0 : i32
        %get3A_830 = tpu.memref_slice %arg6[%scan3A_458, %get3A_828, %get3A_829] : memref<5x128x64xf32, #tpu.memory_space<vmem>> -> memref<1x128x64xf32, #tpu.memory_space<vmem>>
        %get3A_831 = tpu.memref_squeeze %get3A_830 : memref<1x128x64xf32, #tpu.memory_space<vmem>> -> memref<128x64xf32, #tpu.memory_space<vmem>>
        %get3A_832 = arith.index_cast %add3A_800 : i32 to index
        %get3A_833 = arith.constant 32 : index
        %get3A_834 = tpu.vector_load %get3A_831[%get3A_832, %get3A_833] {strides = array<i32>} : memref<128x64xf32, #tpu.memory_space<vmem>>, vector<16xf32>,
        %scatter3A_835 = arith.constant 0 : i32
        %scatter3A_836 = arith.constant 0 : i32
        %scatter3A_837 = arith.constant 0 : i32
        %scatter3A_838 = tpu.memref_slice %arg7[%scan3A_459, %scatter3A_835, %scatter3A_836, %scatter3A_837] : memref<5x8x8x129xf32, #tpu.memory_space<vmem>> -> memref<1x8x8x129xf32, #tpu.memory_space<vmem>>
        %scatter3A_839 = tpu.memref_squeeze %scatter3A_838 : memref<1x8x8x129xf32, #tpu.memory_space<vmem>> -> memref<8x8x129xf32, #tpu.memory_space<vmem>>
        tpu.vector_store_idx %scatter3A_839[%select_n3A_183, %select_n3A_278, %add3A_803], %get3A_834 : memref<8x8x129xf32, #tpu.memory_space<vmem>>[vector<16xi32>, vector<16xi32>, vector<16xi32>], vector<16xf32>,
        %get3A_840 = arith.constant 0 : i32
        %get3A_841 = arith.constant 0 : i32
        %get3A_842 = tpu.memref_slice %arg6[%scan3A_458, %get3A_840, %get3A_841] : memref<5x128x64xf32, #tpu.memory_space<vmem>> -> memref<1x128x64xf32, #tpu.memory_space<vmem>>
        %get3A_843 = tpu.memref_squeeze %get3A_842 : memref<1x128x64xf32, #tpu.memory_space<vmem>> -> memref<128x64xf32, #tpu.memory_space<vmem>>
        %get3A_844 = arith.index_cast %add3A_800 : i32 to index
        %get3A_845 = arith.constant 48 : index
        %get3A_846 = tpu.vector_load %get3A_843[%get3A_844, %get3A_845] {strides = array<i32>} : memref<128x64xf32, #tpu.memory_space<vmem>>, vector<16xf32>,
        %scatter3A_847 = arith.constant 0 : i32
        %scatter3A_848 = arith.constant 0 : i32
        %scatter3A_849 = arith.constant 0 : i32
        %scatter3A_850 = tpu.memref_slice %arg7[%scan3A_459, %scatter3A_847, %scatter3A_848, %scatter3A_849] : memref<5x8x8x129xf32, #tpu.memory_space<vmem>> -> memref<1x8x8x129xf32, #tpu.memory_space<vmem>>
        %scatter3A_851 = tpu.memref_squeeze %scatter3A_850 : memref<1x8x8x129xf32, #tpu.memory_space<vmem>> -> memref<8x8x129xf32, #tpu.memory_space<vmem>>
        tpu.vector_store_idx %scatter3A_851[%select_n3A_214, %select_n3A_300, %add3A_803], %get3A_846 : memref<8x8x129xf32, #tpu.memory_space<vmem>>[vector<16xi32>, vector<16xi32>, vector<16xi32>], vector<16xf32>,
        %mul3A_852 = arith.constant 8 : i32
        %mul3A_853 = arith.muli %mul3A_852, %scan3A_745 : i32
        %add3A_854 = arith.constant 2 : i32
        %add3A_855 = arith.addi %mul3A_853, %add3A_854 : i32
        %add3A_856 = arith.constant 2 : i32
        %add3A_857 = vector.broadcast %add3A_856 : i32 to vector<16xi32>
        %add3A_858 = arith.addi %scan3A_746, %add3A_857 : vector<16xi32>
        %get3A_859 = arith.constant 0 : i32
        %get3A_860 = arith.constant 0 : i32
        %get3A_861 = tpu.memref_slice %arg6[%scan3A_458, %get3A_859, %get3A_860] : memref<5x128x64xf32, #tpu.memory_space<vmem>> -> memref<1x128x64xf32, #tpu.memory_space<vmem>>
        %get3A_862 = tpu.memref_squeeze %get3A_861 : memref<1x128x64xf32, #tpu.memory_space<vmem>> -> memref<128x64xf32, #tpu.memory_space<vmem>>
        %get3A_863 = arith.index_cast %add3A_855 : i32 to index
        %get3A_864 = arith.constant 0 : index
        %get3A_865 = tpu.vector_load %get3A_862[%get3A_863, %get3A_864] {strides = array<i32>} : memref<128x64xf32, #tpu.memory_space<vmem>>, vector<16xf32>,
        %scatter3A_866 = arith.constant 0 : i32
        %scatter3A_867 = arith.constant 0 : i32
        %scatter3A_868 = arith.constant 0 : i32
        %scatter3A_869 = tpu.memref_slice %arg7[%scan3A_459, %scatter3A_866, %scatter3A_867, %scatter3A_868] : memref<5x8x8x129xf32, #tpu.memory_space<vmem>> -> memref<1x8x8x129xf32, #tpu.memory_space<vmem>>
        %scatter3A_870 = tpu.memref_squeeze %scatter3A_869 : memref<1x8x8x129xf32, #tpu.memory_space<vmem>> -> memref<8x8x129xf32, #tpu.memory_space<vmem>>
        tpu.vector_store_idx %scatter3A_870[%select_n3A, %select_n3A_234, %add3A_858], %get3A_865 : memref<8x8x129xf32, #tpu.memory_space<vmem>>[vector<16xi32>, vector<16xi32>, vector<16xi32>], vector<16xf32>,
        %get3A_871 = arith.constant 0 : i32
        %get3A_872 = arith.constant 0 : i32
        %get3A_873 = tpu.memref_slice %arg6[%scan3A_458, %get3A_871, %get3A_872] : memref<5x128x64xf32, #tpu.memory_space<vmem>> -> memref<1x128x64xf32, #tpu.memory_space<vmem>>
        %get3A_874 = tpu.memref_squeeze %get3A_873 : memref<1x128x64xf32, #tpu.memory_space<vmem>> -> memref<128x64xf32, #tpu.memory_space<vmem>>
        %get3A_875 = arith.index_cast %add3A_855 : i32 to index
        %get3A_876 = arith.constant 16 : index
        %get3A_877 = tpu.vector_load %get3A_874[%get3A_875, %get3A_876] {strides = array<i32>} : memref<128x64xf32, #tpu.memory_space<vmem>>, vector<16xf32>,
        %scatter3A_878 = arith.constant 0 : i32
        %scatter3A_879 = arith.constant 0 : i32
        %scatter3A_880 = arith.constant 0 : i32
        %scatter3A_881 = tpu.memref_slice %arg7[%scan3A_459, %scatter3A_878, %scatter3A_879, %scatter3A_880] : memref<5x8x8x129xf32, #tpu.memory_space<vmem>> -> memref<1x8x8x129xf32, #tpu.memory_space<vmem>>
        %scatter3A_882 = tpu.memref_squeeze %scatter3A_881 : memref<1x8x8x129xf32, #tpu.memory_space<vmem>> -> memref<8x8x129xf32, #tpu.memory_space<vmem>>
        tpu.vector_store_idx %scatter3A_882[%select_n3A_152, %select_n3A_256, %add3A_858], %get3A_877 : memref<8x8x129xf32, #tpu.memory_space<vmem>>[vector<16xi32>, vector<16xi32>, vector<16xi32>], vector<16xf32>,
        %get3A_883 = arith.constant 0 : i32
        %get3A_884 = arith.constant 0 : i32
        %get3A_885 = tpu.memref_slice %arg6[%scan3A_458, %get3A_883, %get3A_884] : memref<5x128x64xf32, #tpu.memory_space<vmem>> -> memref<1x128x64xf32, #tpu.memory_space<vmem>>
        %get3A_886 = tpu.memref_squeeze %get3A_885 : memref<1x128x64xf32, #tpu.memory_space<vmem>> -> memref<128x64xf32, #tpu.memory_space<vmem>>
        %get3A_887 = arith.index_cast %add3A_855 : i32 to index
        %get3A_888 = arith.constant 32 : index
        %get3A_889 = tpu.vector_load %get3A_886[%get3A_887, %get3A_888] {strides = array<i32>} : memref<128x64xf32, #tpu.memory_space<vmem>>, vector<16xf32>,
        %scatter3A_890 = arith.constant 0 : i32
        %scatter3A_891 = arith.constant 0 : i32
        %scatter3A_892 = arith.constant 0 : i32
        %scatter3A_893 = tpu.memref_slice %arg7[%scan3A_459, %scatter3A_890, %scatter3A_891, %scatter3A_892] : memref<5x8x8x129xf32, #tpu.memory_space<vmem>> -> memref<1x8x8x129xf32, #tpu.memory_space<vmem>>
        %scatter3A_894 = tpu.memref_squeeze %scatter3A_893 : memref<1x8x8x129xf32, #tpu.memory_space<vmem>> -> memref<8x8x129xf32, #tpu.memory_space<vmem>>
        tpu.vector_store_idx %scatter3A_894[%select_n3A_183, %select_n3A_278, %add3A_858], %get3A_889 : memref<8x8x129xf32, #tpu.memory_space<vmem>>[vector<16xi32>, vector<16xi32>, vector<16xi32>], vector<16xf32>,
        %get3A_895 = arith.constant 0 : i32
        %get3A_896 = arith.constant 0 : i32
        %get3A_897 = tpu.memref_slice %arg6[%scan3A_458, %get3A_895, %get3A_896] : memref<5x128x64xf32, #tpu.memory_space<vmem>> -> memref<1x128x64xf32, #tpu.memory_space<vmem>>
        %get3A_898 = tpu.memref_squeeze %get3A_897 : memref<1x128x64xf32, #tpu.memory_space<vmem>> -> memref<128x64xf32, #tpu.memory_space<vmem>>
        %get3A_899 = arith.index_cast %add3A_855 : i32 to index
        %get3A_900 = arith.constant 48 : index
        %get3A_901 = tpu.vector_load %get3A_898[%get3A_899, %get3A_900] {strides = array<i32>} : memref<128x64xf32, #tpu.memory_space<vmem>>, vector<16xf32>,
        %scatter3A_902 = arith.constant 0 : i32
        %scatter3A_903 = arith.constant 0 : i32
        %scatter3A_904 = arith.constant 0 : i32
        %scatter3A_905 = tpu.memref_slice %arg7[%scan3A_459, %scatter3A_902, %scatter3A_903, %scatter3A_904] : memref<5x8x8x129xf32, #tpu.memory_space<vmem>> -> memref<1x8x8x129xf32, #tpu.memory_space<vmem>>
        %scatter3A_906 = tpu.memref_squeeze %scatter3A_905 : memref<1x8x8x129xf32, #tpu.memory_space<vmem>> -> memref<8x8x129xf32, #tpu.memory_space<vmem>>
        tpu.vector_store_idx %scatter3A_906[%select_n3A_214, %select_n3A_300, %add3A_858], %get3A_901 : memref<8x8x129xf32, #tpu.memory_space<vmem>>[vector<16xi32>, vector<16xi32>, vector<16xi32>], vector<16xf32>,
        %mul3A_907 = arith.constant 8 : i32
        %mul3A_908 = arith.muli %mul3A_907, %scan3A_745 : i32
        %add3A_909 = arith.constant 3 : i32
        %add3A_910 = arith.addi %mul3A_908, %add3A_909 : i32
        %add3A_911 = arith.constant 3 : i32
        %add3A_912 = vector.broadcast %add3A_911 : i32 to vector<16xi32>
        %add3A_913 = arith.addi %scan3A_746, %add3A_912 : vector<16xi32>
        %get3A_914 = arith.constant 0 : i32
        %get3A_915 = arith.constant 0 : i32
        %get3A_916 = tpu.memref_slice %arg6[%scan3A_458, %get3A_914, %get3A_915] : memref<5x128x64xf32, #tpu.memory_space<vmem>> -> memref<1x128x64xf32, #tpu.memory_space<vmem>>
        %get3A_917 = tpu.memref_squeeze %get3A_916 : memref<1x128x64xf32, #tpu.memory_space<vmem>> -> memref<128x64xf32, #tpu.memory_space<vmem>>
        %get3A_918 = arith.index_cast %add3A_910 : i32 to index
        %get3A_919 = arith.constant 0 : index
        %get3A_920 = tpu.vector_load %get3A_917[%get3A_918, %get3A_919] {strides = array<i32>} : memref<128x64xf32, #tpu.memory_space<vmem>>, vector<16xf32>,
        %scatter3A_921 = arith.constant 0 : i32
        %scatter3A_922 = arith.constant 0 : i32
        %scatter3A_923 = arith.constant 0 : i32
        %scatter3A_924 = tpu.memref_slice %arg7[%scan3A_459, %scatter3A_921, %scatter3A_922, %scatter3A_923] : memref<5x8x8x129xf32, #tpu.memory_space<vmem>> -> memref<1x8x8x129xf32, #tpu.memory_space<vmem>>
        %scatter3A_925 = tpu.memref_squeeze %scatter3A_924 : memref<1x8x8x129xf32, #tpu.memory_space<vmem>> -> memref<8x8x129xf32, #tpu.memory_space<vmem>>
        tpu.vector_store_idx %scatter3A_925[%select_n3A, %select_n3A_234, %add3A_913], %get3A_920 : memref<8x8x129xf32, #tpu.memory_space<vmem>>[vector<16xi32>, vector<16xi32>, vector<16xi32>], vector<16xf32>,
        %get3A_926 = arith.constant 0 : i32
        %get3A_927 = arith.constant 0 : i32
        %get3A_928 = tpu.memref_slice %arg6[%scan3A_458, %get3A_926, %get3A_927] : memref<5x128x64xf32, #tpu.memory_space<vmem>> -> memref<1x128x64xf32, #tpu.memory_space<vmem>>
        %get3A_929 = tpu.memref_squeeze %get3A_928 : memref<1x128x64xf32, #tpu.memory_space<vmem>> -> memref<128x64xf32, #tpu.memory_space<vmem>>
        %get3A_930 = arith.index_cast %add3A_910 : i32 to index
        %get3A_931 = arith.constant 16 : index
        %get3A_932 = tpu.vector_load %get3A_929[%get3A_930, %get3A_931] {strides = array<i32>} : memref<128x64xf32, #tpu.memory_space<vmem>>, vector<16xf32>,
        %scatter3A_933 = arith.constant 0 : i32
        %scatter3A_934 = arith.constant 0 : i32
        %scatter3A_935 = arith.constant 0 : i32
        %scatter3A_936 = tpu.memref_slice %arg7[%scan3A_459, %scatter3A_933, %scatter3A_934, %scatter3A_935] : memref<5x8x8x129xf32, #tpu.memory_space<vmem>> -> memref<1x8x8x129xf32, #tpu.memory_space<vmem>>
        %scatter3A_937 = tpu.memref_squeeze %scatter3A_936 : memref<1x8x8x129xf32, #tpu.memory_space<vmem>> -> memref<8x8x129xf32, #tpu.memory_space<vmem>>
        tpu.vector_store_idx %scatter3A_937[%select_n3A_152, %select_n3A_256, %add3A_913], %get3A_932 : memref<8x8x129xf32, #tpu.memory_space<vmem>>[vector<16xi32>, vector<16xi32>, vector<16xi32>], vector<16xf32>,
        %get3A_938 = arith.constant 0 : i32
        %get3A_939 = arith.constant 0 : i32
        %get3A_940 = tpu.memref_slice %arg6[%scan3A_458, %get3A_938, %get3A_939] : memref<5x128x64xf32, #tpu.memory_space<vmem>> -> memref<1x128x64xf32, #tpu.memory_space<vmem>>
        %get3A_941 = tpu.memref_squeeze %get3A_940 : memref<1x128x64xf32, #tpu.memory_space<vmem>> -> memref<128x64xf32, #tpu.memory_space<vmem>>
        %get3A_942 = arith.index_cast %add3A_910 : i32 to index
        %get3A_943 = arith.constant 32 : index
        %get3A_944 = tpu.vector_load %get3A_941[%get3A_942, %get3A_943] {strides = array<i32>} : memref<128x64xf32, #tpu.memory_space<vmem>>, vector<16xf32>,
        %scatter3A_945 = arith.constant 0 : i32
        %scatter3A_946 = arith.constant 0 : i32
        %scatter3A_947 = arith.constant 0 : i32
        %scatter3A_948 = tpu.memref_slice %arg7[%scan3A_459, %scatter3A_945, %scatter3A_946, %scatter3A_947] : memref<5x8x8x129xf32, #tpu.memory_space<vmem>> -> memref<1x8x8x129xf32, #tpu.memory_space<vmem>>
        %scatter3A_949 = tpu.memref_squeeze %scatter3A_948 : memref<1x8x8x129xf32, #tpu.memory_space<vmem>> -> memref<8x8x129xf32, #tpu.memory_space<vmem>>
        tpu.vector_store_idx %scatter3A_949[%select_n3A_183, %select_n3A_278, %add3A_913], %get3A_944 : memref<8x8x129xf32, #tpu.memory_space<vmem>>[vector<16xi32>, vector<16xi32>, vector<16xi32>], vector<16xf32>,
        %get3A_950 = arith.constant 0 : i32
        %get3A_951 = arith.constant 0 : i32
        %get3A_952 = tpu.memref_slice %arg6[%scan3A_458, %get3A_950, %get3A_951] : memref<5x128x64xf32, #tpu.memory_space<vmem>> -> memref<1x128x64xf32, #tpu.memory_space<vmem>>
        %get3A_953 = tpu.memref_squeeze %get3A_952 : memref<1x128x64xf32, #tpu.memory_space<vmem>> -> memref<128x64xf32, #tpu.memory_space<vmem>>
        %get3A_954 = arith.index_cast %add3A_910 : i32 to index
        %get3A_955 = arith.constant 48 : index
        %get3A_956 = tpu.vector_load %get3A_953[%get3A_954, %get3A_955] {strides = array<i32>} : memref<128x64xf32, #tpu.memory_space<vmem>>, vector<16xf32>,
        %scatter3A_957 = arith.constant 0 : i32
        %scatter3A_958 = arith.constant 0 : i32
        %scatter3A_959 = arith.constant 0 : i32
        %scatter3A_960 = tpu.memref_slice %arg7[%scan3A_459, %scatter3A_957, %scatter3A_958, %scatter3A_959] : memref<5x8x8x129xf32, #tpu.memory_space<vmem>> -> memref<1x8x8x129xf32, #tpu.memory_space<vmem>>
        %scatter3A_961 = tpu.memref_squeeze %scatter3A_960 : memref<1x8x8x129xf32, #tpu.memory_space<vmem>> -> memref<8x8x129xf32, #tpu.memory_space<vmem>>
        tpu.vector_store_idx %scatter3A_961[%select_n3A_214, %select_n3A_300, %add3A_913], %get3A_956 : memref<8x8x129xf32, #tpu.memory_space<vmem>>[vector<16xi32>, vector<16xi32>, vector<16xi32>], vector<16xf32>,
        %mul3A_962 = arith.constant 8 : i32
        %mul3A_963 = arith.muli %mul3A_962, %scan3A_745 : i32
        %add3A_964 = arith.constant 4 : i32
        %add3A_965 = arith.addi %mul3A_963, %add3A_964 : i32
        %add3A_966 = arith.constant 4 : i32
        %add3A_967 = vector.broadcast %add3A_966 : i32 to vector<16xi32>
        %add3A_968 = arith.addi %scan3A_746, %add3A_967 : vector<16xi32>
        %get3A_969 = arith.constant 0 : i32
        %get3A_970 = arith.constant 0 : i32
        %get3A_971 = tpu.memref_slice %arg6[%scan3A_458, %get3A_969, %get3A_970] : memref<5x128x64xf32, #tpu.memory_space<vmem>> -> memref<1x128x64xf32, #tpu.memory_space<vmem>>
        %get3A_972 = tpu.memref_squeeze %get3A_971 : memref<1x128x64xf32, #tpu.memory_space<vmem>> -> memref<128x64xf32, #tpu.memory_space<vmem>>
        %get3A_973 = arith.index_cast %add3A_965 : i32 to index
        %get3A_974 = arith.constant 0 : index
        %get3A_975 = tpu.vector_load %get3A_972[%get3A_973, %get3A_974] {strides = array<i32>} : memref<128x64xf32, #tpu.memory_space<vmem>>, vector<16xf32>,
        %scatter3A_976 = arith.constant 0 : i32
        %scatter3A_977 = arith.constant 0 : i32
        %scatter3A_978 = arith.constant 0 : i32
        %scatter3A_979 = tpu.memref_slice %arg7[%scan3A_459, %scatter3A_976, %scatter3A_977, %scatter3A_978] : memref<5x8x8x129xf32, #tpu.memory_space<vmem>> -> memref<1x8x8x129xf32, #tpu.memory_space<vmem>>
        %scatter3A_980 = tpu.memref_squeeze %scatter3A_979 : memref<1x8x8x129xf32, #tpu.memory_space<vmem>> -> memref<8x8x129xf32, #tpu.memory_space<vmem>>
        tpu.vector_store_idx %scatter3A_980[%select_n3A, %select_n3A_234, %add3A_968], %get3A_975 : memref<8x8x129xf32, #tpu.memory_space<vmem>>[vector<16xi32>, vector<16xi32>, vector<16xi32>], vector<16xf32>,
        %get3A_981 = arith.constant 0 : i32
        %get3A_982 = arith.constant 0 : i32
        %get3A_983 = tpu.memref_slice %arg6[%scan3A_458, %get3A_981, %get3A_982] : memref<5x128x64xf32, #tpu.memory_space<vmem>> -> memref<1x128x64xf32, #tpu.memory_space<vmem>>
        %get3A_984 = tpu.memref_squeeze %get3A_983 : memref<1x128x64xf32, #tpu.memory_space<vmem>> -> memref<128x64xf32, #tpu.memory_space<vmem>>
        %get3A_985 = arith.index_cast %add3A_965 : i32 to index
        %get3A_986 = arith.constant 16 : index
        %get3A_987 = tpu.vector_load %get3A_984[%get3A_985, %get3A_986] {strides = array<i32>} : memref<128x64xf32, #tpu.memory_space<vmem>>, vector<16xf32>,
        %scatter3A_988 = arith.constant 0 : i32
        %scatter3A_989 = arith.constant 0 : i32
        %scatter3A_990 = arith.constant 0 : i32
        %scatter3A_991 = tpu.memref_slice %arg7[%scan3A_459, %scatter3A_988, %scatter3A_989, %scatter3A_990] : memref<5x8x8x129xf32, #tpu.memory_space<vmem>> -> memref<1x8x8x129xf32, #tpu.memory_space<vmem>>
        %scatter3A_992 = tpu.memref_squeeze %scatter3A_991 : memref<1x8x8x129xf32, #tpu.memory_space<vmem>> -> memref<8x8x129xf32, #tpu.memory_space<vmem>>
        tpu.vector_store_idx %scatter3A_992[%select_n3A_152, %select_n3A_256, %add3A_968], %get3A_987 : memref<8x8x129xf32, #tpu.memory_space<vmem>>[vector<16xi32>, vector<16xi32>, vector<16xi32>], vector<16xf32>,
        %get3A_993 = arith.constant 0 : i32
        %get3A_994 = arith.constant 0 : i32
        %get3A_995 = tpu.memref_slice %arg6[%scan3A_458, %get3A_993, %get3A_994] : memref<5x128x64xf32, #tpu.memory_space<vmem>> -> memref<1x128x64xf32, #tpu.memory_space<vmem>>
        %get3A_996 = tpu.memref_squeeze %get3A_995 : memref<1x128x64xf32, #tpu.memory_space<vmem>> -> memref<128x64xf32, #tpu.memory_space<vmem>>
        %get3A_997 = arith.index_cast %add3A_965 : i32 to index
        %get3A_998 = arith.constant 32 : index
        %get3A_999 = tpu.vector_load %get3A_996[%get3A_997, %get3A_998] {strides = array<i32>} : memref<128x64xf32, #tpu.memory_space<vmem>>, vector<16xf32>,
        %scatter3A_1000 = arith.constant 0 : i32
        %scatter3A_1001 = arith.constant 0 : i32
        %scatter3A_1002 = arith.constant 0 : i32
        %scatter3A_1003 = tpu.memref_slice %arg7[%scan3A_459, %scatter3A_1000, %scatter3A_1001, %scatter3A_1002] : memref<5x8x8x129xf32, #tpu.memory_space<vmem>> -> memref<1x8x8x129xf32, #tpu.memory_space<vmem>>
        %scatter3A_1004 = tpu.memref_squeeze %scatter3A_1003 : memref<1x8x8x129xf32, #tpu.memory_space<vmem>> -> memref<8x8x129xf32, #tpu.memory_space<vmem>>
        tpu.vector_store_idx %scatter3A_1004[%select_n3A_183, %select_n3A_278, %add3A_968], %get3A_999 : memref<8x8x129xf32, #tpu.memory_space<vmem>>[vector<16xi32>, vector<16xi32>, vector<16xi32>], vector<16xf32>,
        %get3A_1005 = arith.constant 0 : i32
        %get3A_1006 = arith.constant 0 : i32
        %get3A_1007 = tpu.memref_slice %arg6[%scan3A_458, %get3A_1005, %get3A_1006] : memref<5x128x64xf32, #tpu.memory_space<vmem>> -> memref<1x128x64xf32, #tpu.memory_space<vmem>>
        %get3A_1008 = tpu.memref_squeeze %get3A_1007 : memref<1x128x64xf32, #tpu.memory_space<vmem>> -> memref<128x64xf32, #tpu.memory_space<vmem>>
        %get3A_1009 = arith.index_cast %add3A_965 : i32 to index
        %get3A_1010 = arith.constant 48 : index
        %get3A_1011 = tpu.vector_load %get3A_1008[%get3A_1009, %get3A_1010] {strides = array<i32>} : memref<128x64xf32, #tpu.memory_space<vmem>>, vector<16xf32>,
        %scatter3A_1012 = arith.constant 0 : i32
        %scatter3A_1013 = arith.constant 0 : i32
        %scatter3A_1014 = arith.constant 0 : i32
        %scatter3A_1015 = tpu.memref_slice %arg7[%scan3A_459, %scatter3A_1012, %scatter3A_1013, %scatter3A_1014] : memref<5x8x8x129xf32, #tpu.memory_space<vmem>> -> memref<1x8x8x129xf32, #tpu.memory_space<vmem>>
        %scatter3A_1016 = tpu.memref_squeeze %scatter3A_1015 : memref<1x8x8x129xf32, #tpu.memory_space<vmem>> -> memref<8x8x129xf32, #tpu.memory_space<vmem>>
        tpu.vector_store_idx %scatter3A_1016[%select_n3A_214, %select_n3A_300, %add3A_968], %get3A_1011 : memref<8x8x129xf32, #tpu.memory_space<vmem>>[vector<16xi32>, vector<16xi32>, vector<16xi32>], vector<16xf32>,
        %mul3A_1017 = arith.constant 8 : i32
        %mul3A_1018 = arith.muli %mul3A_1017, %scan3A_745 : i32
        %add3A_1019 = arith.constant 5 : i32
        %add3A_1020 = arith.addi %mul3A_1018, %add3A_1019 : i32
        %add3A_1021 = arith.constant 5 : i32
        %add3A_1022 = vector.broadcast %add3A_1021 : i32 to vector<16xi32>
        %add3A_1023 = arith.addi %scan3A_746, %add3A_1022 : vector<16xi32>
        %get3A_1024 = arith.constant 0 : i32
        %get3A_1025 = arith.constant 0 : i32
        %get3A_1026 = tpu.memref_slice %arg6[%scan3A_458, %get3A_1024, %get3A_1025] : memref<5x128x64xf32, #tpu.memory_space<vmem>> -> memref<1x128x64xf32, #tpu.memory_space<vmem>>
        %get3A_1027 = tpu.memref_squeeze %get3A_1026 : memref<1x128x64xf32, #tpu.memory_space<vmem>> -> memref<128x64xf32, #tpu.memory_space<vmem>>
        %get3A_1028 = arith.index_cast %add3A_1020 : i32 to index
        %get3A_1029 = arith.constant 0 : index
        %get3A_1030 = tpu.vector_load %get3A_1027[%get3A_1028, %get3A_1029] {strides = array<i32>} : memref<128x64xf32, #tpu.memory_space<vmem>>, vector<16xf32>,
        %scatter3A_1031 = arith.constant 0 : i32
        %scatter3A_1032 = arith.constant 0 : i32
        %scatter3A_1033 = arith.constant 0 : i32
        %scatter3A_1034 = tpu.memref_slice %arg7[%scan3A_459, %scatter3A_1031, %scatter3A_1032, %scatter3A_1033] : memref<5x8x8x129xf32, #tpu.memory_space<vmem>> -> memref<1x8x8x129xf32, #tpu.memory_space<vmem>>
        %scatter3A_1035 = tpu.memref_squeeze %scatter3A_1034 : memref<1x8x8x129xf32, #tpu.memory_space<vmem>> -> memref<8x8x129xf32, #tpu.memory_space<vmem>>
        tpu.vector_store_idx %scatter3A_1035[%select_n3A, %select_n3A_234, %add3A_1023], %get3A_1030 : memref<8x8x129xf32, #tpu.memory_space<vmem>>[vector<16xi32>, vector<16xi32>, vector<16xi32>], vector<16xf32>,
        %get3A_1036 = arith.constant 0 : i32
        %get3A_1037 = arith.constant 0 : i32
        %get3A_1038 = tpu.memref_slice %arg6[%scan3A_458, %get3A_1036, %get3A_1037] : memref<5x128x64xf32, #tpu.memory_space<vmem>> -> memref<1x128x64xf32, #tpu.memory_space<vmem>>
        %get3A_1039 = tpu.memref_squeeze %get3A_1038 : memref<1x128x64xf32, #tpu.memory_space<vmem>> -> memref<128x64xf32, #tpu.memory_space<vmem>>
        %get3A_1040 = arith.index_cast %add3A_1020 : i32 to index
        %get3A_1041 = arith.constant 16 : index
        %get3A_1042 = tpu.vector_load %get3A_1039[%get3A_1040, %get3A_1041] {strides = array<i32>} : memref<128x64xf32, #tpu.memory_space<vmem>>, vector<16xf32>,
        %scatter3A_1043 = arith.constant 0 : i32
        %scatter3A_1044 = arith.constant 0 : i32
        %scatter3A_1045 = arith.constant 0 : i32
        %scatter3A_1046 = tpu.memref_slice %arg7[%scan3A_459, %scatter3A_1043, %scatter3A_1044, %scatter3A_1045] : memref<5x8x8x129xf32, #tpu.memory_space<vmem>> -> memref<1x8x8x129xf32, #tpu.memory_space<vmem>>
        %scatter3A_1047 = tpu.memref_squeeze %scatter3A_1046 : memref<1x8x8x129xf32, #tpu.memory_space<vmem>> -> memref<8x8x129xf32, #tpu.memory_space<vmem>>
        tpu.vector_store_idx %scatter3A_1047[%select_n3A_152, %select_n3A_256, %add3A_1023], %get3A_1042 : memref<8x8x129xf32, #tpu.memory_space<vmem>>[vector<16xi32>, vector<16xi32>, vector<16xi32>], vector<16xf32>,
        %get3A_1048 = arith.constant 0 : i32
        %get3A_1049 = arith.constant 0 : i32
        %get3A_1050 = tpu.memref_slice %arg6[%scan3A_458, %get3A_1048, %get3A_1049] : memref<5x128x64xf32, #tpu.memory_space<vmem>> -> memref<1x128x64xf32, #tpu.memory_space<vmem>>
        %get3A_1051 = tpu.memref_squeeze %get3A_1050 : memref<1x128x64xf32, #tpu.memory_space<vmem>> -> memref<128x64xf32, #tpu.memory_space<vmem>>
        %get3A_1052 = arith.index_cast %add3A_1020 : i32 to index
        %get3A_1053 = arith.constant 32 : index
        %get3A_1054 = tpu.vector_load %get3A_1051[%get3A_1052, %get3A_1053] {strides = array<i32>} : memref<128x64xf32, #tpu.memory_space<vmem>>, vector<16xf32>,
        %scatter3A_1055 = arith.constant 0 : i32
        %scatter3A_1056 = arith.constant 0 : i32
        %scatter3A_1057 = arith.constant 0 : i32
        %scatter3A_1058 = tpu.memref_slice %arg7[%scan3A_459, %scatter3A_1055, %scatter3A_1056, %scatter3A_1057] : memref<5x8x8x129xf32, #tpu.memory_space<vmem>> -> memref<1x8x8x129xf32, #tpu.memory_space<vmem>>
        %scatter3A_1059 = tpu.memref_squeeze %scatter3A_1058 : memref<1x8x8x129xf32, #tpu.memory_space<vmem>> -> memref<8x8x129xf32, #tpu.memory_space<vmem>>
        tpu.vector_store_idx %scatter3A_1059[%select_n3A_183, %select_n3A_278, %add3A_1023], %get3A_1054 : memref<8x8x129xf32, #tpu.memory_space<vmem>>[vector<16xi32>, vector<16xi32>, vector<16xi32>], vector<16xf32>,
        %get3A_1060 = arith.constant 0 : i32
        %get3A_1061 = arith.constant 0 : i32
        %get3A_1062 = tpu.memref_slice %arg6[%scan3A_458, %get3A_1060, %get3A_1061] : memref<5x128x64xf32, #tpu.memory_space<vmem>> -> memref<1x128x64xf32, #tpu.memory_space<vmem>>
        %get3A_1063 = tpu.memref_squeeze %get3A_1062 : memref<1x128x64xf32, #tpu.memory_space<vmem>> -> memref<128x64xf32, #tpu.memory_space<vmem>>
        %get3A_1064 = arith.index_cast %add3A_1020 : i32 to index
        %get3A_1065 = arith.constant 48 : index
        %get3A_1066 = tpu.vector_load %get3A_1063[%get3A_1064, %get3A_1065] {strides = array<i32>} : memref<128x64xf32, #tpu.memory_space<vmem>>, vector<16xf32>,
        %scatter3A_1067 = arith.constant 0 : i32
        %scatter3A_1068 = arith.constant 0 : i32
        %scatter3A_1069 = arith.constant 0 : i32
        %scatter3A_1070 = tpu.memref_slice %arg7[%scan3A_459, %scatter3A_1067, %scatter3A_1068, %scatter3A_1069] : memref<5x8x8x129xf32, #tpu.memory_space<vmem>> -> memref<1x8x8x129xf32, #tpu.memory_space<vmem>>
        %scatter3A_1071 = tpu.memref_squeeze %scatter3A_1070 : memref<1x8x8x129xf32, #tpu.memory_space<vmem>> -> memref<8x8x129xf32, #tpu.memory_space<vmem>>
        tpu.vector_store_idx %scatter3A_1071[%select_n3A_214, %select_n3A_300, %add3A_1023], %get3A_1066 : memref<8x8x129xf32, #tpu.memory_space<vmem>>[vector<16xi32>, vector<16xi32>, vector<16xi32>], vector<16xf32>,
        %mul3A_1072 = arith.constant 8 : i32
        %mul3A_1073 = arith.muli %mul3A_1072, %scan3A_745 : i32
        %add3A_1074 = arith.constant 6 : i32
        %add3A_1075 = arith.addi %mul3A_1073, %add3A_1074 : i32
        %add3A_1076 = arith.constant 6 : i32
        %add3A_1077 = vector.broadcast %add3A_1076 : i32 to vector<16xi32>
        %add3A_1078 = arith.addi %scan3A_746, %add3A_1077 : vector<16xi32>
        %get3A_1079 = arith.constant 0 : i32
        %get3A_1080 = arith.constant 0 : i32
        %get3A_1081 = tpu.memref_slice %arg6[%scan3A_458, %get3A_1079, %get3A_1080] : memref<5x128x64xf32, #tpu.memory_space<vmem>> -> memref<1x128x64xf32, #tpu.memory_space<vmem>>
        %get3A_1082 = tpu.memref_squeeze %get3A_1081 : memref<1x128x64xf32, #tpu.memory_space<vmem>> -> memref<128x64xf32, #tpu.memory_space<vmem>>
        %get3A_1083 = arith.index_cast %add3A_1075 : i32 to index
        %get3A_1084 = arith.constant 0 : index
        %get3A_1085 = tpu.vector_load %get3A_1082[%get3A_1083, %get3A_1084] {strides = array<i32>} : memref<128x64xf32, #tpu.memory_space<vmem>>, vector<16xf32>,
        %scatter3A_1086 = arith.constant 0 : i32
        %scatter3A_1087 = arith.constant 0 : i32
        %scatter3A_1088 = arith.constant 0 : i32
        %scatter3A_1089 = tpu.memref_slice %arg7[%scan3A_459, %scatter3A_1086, %scatter3A_1087, %scatter3A_1088] : memref<5x8x8x129xf32, #tpu.memory_space<vmem>> -> memref<1x8x8x129xf32, #tpu.memory_space<vmem>>
        %scatter3A_1090 = tpu.memref_squeeze %scatter3A_1089 : memref<1x8x8x129xf32, #tpu.memory_space<vmem>> -> memref<8x8x129xf32, #tpu.memory_space<vmem>>
        tpu.vector_store_idx %scatter3A_1090[%select_n3A, %select_n3A_234, %add3A_1078], %get3A_1085 : memref<8x8x129xf32, #tpu.memory_space<vmem>>[vector<16xi32>, vector<16xi32>, vector<16xi32>], vector<16xf32>,
        %get3A_1091 = arith.constant 0 : i32
        %get3A_1092 = arith.constant 0 : i32
        %get3A_1093 = tpu.memref_slice %arg6[%scan3A_458, %get3A_1091, %get3A_1092] : memref<5x128x64xf32, #tpu.memory_space<vmem>> -> memref<1x128x64xf32, #tpu.memory_space<vmem>>
        %get3A_1094 = tpu.memref_squeeze %get3A_1093 : memref<1x128x64xf32, #tpu.memory_space<vmem>> -> memref<128x64xf32, #tpu.memory_space<vmem>>
        %get3A_1095 = arith.index_cast %add3A_1075 : i32 to index
        %get3A_1096 = arith.constant 16 : index
        %get3A_1097 = tpu.vector_load %get3A_1094[%get3A_1095, %get3A_1096] {strides = array<i32>} : memref<128x64xf32, #tpu.memory_space<vmem>>, vector<16xf32>,
        %scatter3A_1098 = arith.constant 0 : i32
        %scatter3A_1099 = arith.constant 0 : i32
        %scatter3A_1100 = arith.constant 0 : i32
        %scatter3A_1101 = tpu.memref_slice %arg7[%scan3A_459, %scatter3A_1098, %scatter3A_1099, %scatter3A_1100] : memref<5x8x8x129xf32, #tpu.memory_space<vmem>> -> memref<1x8x8x129xf32, #tpu.memory_space<vmem>>
        %scatter3A_1102 = tpu.memref_squeeze %scatter3A_1101 : memref<1x8x8x129xf32, #tpu.memory_space<vmem>> -> memref<8x8x129xf32, #tpu.memory_space<vmem>>
        tpu.vector_store_idx %scatter3A_1102[%select_n3A_152, %select_n3A_256, %add3A_1078], %get3A_1097 : memref<8x8x129xf32, #tpu.memory_space<vmem>>[vector<16xi32>, vector<16xi32>, vector<16xi32>], vector<16xf32>,
        %get3A_1103 = arith.constant 0 : i32
        %get3A_1104 = arith.constant 0 : i32
        %get3A_1105 = tpu.memref_slice %arg6[%scan3A_458, %get3A_1103, %get3A_1104] : memref<5x128x64xf32, #tpu.memory_space<vmem>> -> memref<1x128x64xf32, #tpu.memory_space<vmem>>
        %get3A_1106 = tpu.memref_squeeze %get3A_1105 : memref<1x128x64xf32, #tpu.memory_space<vmem>> -> memref<128x64xf32, #tpu.memory_space<vmem>>
        %get3A_1107 = arith.index_cast %add3A_1075 : i32 to index
        %get3A_1108 = arith.constant 32 : index
        %get3A_1109 = tpu.vector_load %get3A_1106[%get3A_1107, %get3A_1108] {strides = array<i32>} : memref<128x64xf32, #tpu.memory_space<vmem>>, vector<16xf32>,
        %scatter3A_1110 = arith.constant 0 : i32
        %scatter3A_1111 = arith.constant 0 : i32
        %scatter3A_1112 = arith.constant 0 : i32
        %scatter3A_1113 = tpu.memref_slice %arg7[%scan3A_459, %scatter3A_1110, %scatter3A_1111, %scatter3A_1112] : memref<5x8x8x129xf32, #tpu.memory_space<vmem>> -> memref<1x8x8x129xf32, #tpu.memory_space<vmem>>
        %scatter3A_1114 = tpu.memref_squeeze %scatter3A_1113 : memref<1x8x8x129xf32, #tpu.memory_space<vmem>> -> memref<8x8x129xf32, #tpu.memory_space<vmem>>
        tpu.vector_store_idx %scatter3A_1114[%select_n3A_183, %select_n3A_278, %add3A_1078], %get3A_1109 : memref<8x8x129xf32, #tpu.memory_space<vmem>>[vector<16xi32>, vector<16xi32>, vector<16xi32>], vector<16xf32>,
        %get3A_1115 = arith.constant 0 : i32
        %get3A_1116 = arith.constant 0 : i32
        %get3A_1117 = tpu.memref_slice %arg6[%scan3A_458, %get3A_1115, %get3A_1116] : memref<5x128x64xf32, #tpu.memory_space<vmem>> -> memref<1x128x64xf32, #tpu.memory_space<vmem>>
        %get3A_1118 = tpu.memref_squeeze %get3A_1117 : memref<1x128x64xf32, #tpu.memory_space<vmem>> -> memref<128x64xf32, #tpu.memory_space<vmem>>
        %get3A_1119 = arith.index_cast %add3A_1075 : i32 to index
        %get3A_1120 = arith.constant 48 : index
        %get3A_1121 = tpu.vector_load %get3A_1118[%get3A_1119, %get3A_1120] {strides = array<i32>} : memref<128x64xf32, #tpu.memory_space<vmem>>, vector<16xf32>,
        %scatter3A_1122 = arith.constant 0 : i32
        %scatter3A_1123 = arith.constant 0 : i32
        %scatter3A_1124 = arith.constant 0 : i32
        %scatter3A_1125 = tpu.memref_slice %arg7[%scan3A_459, %scatter3A_1122, %scatter3A_1123, %scatter3A_1124] : memref<5x8x8x129xf32, #tpu.memory_space<vmem>> -> memref<1x8x8x129xf32, #tpu.memory_space<vmem>>
        %scatter3A_1126 = tpu.memref_squeeze %scatter3A_1125 : memref<1x8x8x129xf32, #tpu.memory_space<vmem>> -> memref<8x8x129xf32, #tpu.memory_space<vmem>>
        tpu.vector_store_idx %scatter3A_1126[%select_n3A_214, %select_n3A_300, %add3A_1078], %get3A_1121 : memref<8x8x129xf32, #tpu.memory_space<vmem>>[vector<16xi32>, vector<16xi32>, vector<16xi32>], vector<16xf32>,
        %mul3A_1127 = arith.constant 8 : i32
        %mul3A_1128 = arith.muli %mul3A_1127, %scan3A_745 : i32
        %add3A_1129 = arith.constant 7 : i32
        %add3A_1130 = arith.addi %mul3A_1128, %add3A_1129 : i32
        %add3A_1131 = arith.constant 7 : i32
        %add3A_1132 = vector.broadcast %add3A_1131 : i32 to vector<16xi32>
        %add3A_1133 = arith.addi %scan3A_746, %add3A_1132 : vector<16xi32>
        %get3A_1134 = arith.constant 0 : i32
        %get3A_1135 = arith.constant 0 : i32
        %get3A_1136 = tpu.memref_slice %arg6[%scan3A_458, %get3A_1134, %get3A_1135] : memref<5x128x64xf32, #tpu.memory_space<vmem>> -> memref<1x128x64xf32, #tpu.memory_space<vmem>>
        %get3A_1137 = tpu.memref_squeeze %get3A_1136 : memref<1x128x64xf32, #tpu.memory_space<vmem>> -> memref<128x64xf32, #tpu.memory_space<vmem>>
        %get3A_1138 = arith.index_cast %add3A_1130 : i32 to index
        %get3A_1139 = arith.constant 0 : index
        %get3A_1140 = tpu.vector_load %get3A_1137[%get3A_1138, %get3A_1139] {strides = array<i32>} : memref<128x64xf32, #tpu.memory_space<vmem>>, vector<16xf32>,
        %scatter3A_1141 = arith.constant 0 : i32
        %scatter3A_1142 = arith.constant 0 : i32
        %scatter3A_1143 = arith.constant 0 : i32
        %scatter3A_1144 = tpu.memref_slice %arg7[%scan3A_459, %scatter3A_1141, %scatter3A_1142, %scatter3A_1143] : memref<5x8x8x129xf32, #tpu.memory_space<vmem>> -> memref<1x8x8x129xf32, #tpu.memory_space<vmem>>
        %scatter3A_1145 = tpu.memref_squeeze %scatter3A_1144 : memref<1x8x8x129xf32, #tpu.memory_space<vmem>> -> memref<8x8x129xf32, #tpu.memory_space<vmem>>
        tpu.vector_store_idx %scatter3A_1145[%select_n3A, %select_n3A_234, %add3A_1133], %get3A_1140 : memref<8x8x129xf32, #tpu.memory_space<vmem>>[vector<16xi32>, vector<16xi32>, vector<16xi32>], vector<16xf32>,
        %get3A_1146 = arith.constant 0 : i32
        %get3A_1147 = arith.constant 0 : i32
        %get3A_1148 = tpu.memref_slice %arg6[%scan3A_458, %get3A_1146, %get3A_1147] : memref<5x128x64xf32, #tpu.memory_space<vmem>> -> memref<1x128x64xf32, #tpu.memory_space<vmem>>
        %get3A_1149 = tpu.memref_squeeze %get3A_1148 : memref<1x128x64xf32, #tpu.memory_space<vmem>> -> memref<128x64xf32, #tpu.memory_space<vmem>>
        %get3A_1150 = arith.index_cast %add3A_1130 : i32 to index
        %get3A_1151 = arith.constant 16 : index
        %get3A_1152 = tpu.vector_load %get3A_1149[%get3A_1150, %get3A_1151] {strides = array<i32>} : memref<128x64xf32, #tpu.memory_space<vmem>>, vector<16xf32>,
        %scatter3A_1153 = arith.constant 0 : i32
        %scatter3A_1154 = arith.constant 0 : i32
        %scatter3A_1155 = arith.constant 0 : i32
        %scatter3A_1156 = tpu.memref_slice %arg7[%scan3A_459, %scatter3A_1153, %scatter3A_1154, %scatter3A_1155] : memref<5x8x8x129xf32, #tpu.memory_space<vmem>> -> memref<1x8x8x129xf32, #tpu.memory_space<vmem>>
        %scatter3A_1157 = tpu.memref_squeeze %scatter3A_1156 : memref<1x8x8x129xf32, #tpu.memory_space<vmem>> -> memref<8x8x129xf32, #tpu.memory_space<vmem>>
        tpu.vector_store_idx %scatter3A_1157[%select_n3A_152, %select_n3A_256, %add3A_1133], %get3A_1152 : memref<8x8x129xf32, #tpu.memory_space<vmem>>[vector<16xi32>, vector<16xi32>, vector<16xi32>], vector<16xf32>,
        %get3A_1158 = arith.constant 0 : i32
        %get3A_1159 = arith.constant 0 : i32
        %get3A_1160 = tpu.memref_slice %arg6[%scan3A_458, %get3A_1158, %get3A_1159] : memref<5x128x64xf32, #tpu.memory_space<vmem>> -> memref<1x128x64xf32, #tpu.memory_space<vmem>>
        %get3A_1161 = tpu.memref_squeeze %get3A_1160 : memref<1x128x64xf32, #tpu.memory_space<vmem>> -> memref<128x64xf32, #tpu.memory_space<vmem>>
        %get3A_1162 = arith.index_cast %add3A_1130 : i32 to index
        %get3A_1163 = arith.constant 32 : index
        %get3A_1164 = tpu.vector_load %get3A_1161[%get3A_1162, %get3A_1163] {strides = array<i32>} : memref<128x64xf32, #tpu.memory_space<vmem>>, vector<16xf32>,
        %scatter3A_1165 = arith.constant 0 : i32
        %scatter3A_1166 = arith.constant 0 : i32
        %scatter3A_1167 = arith.constant 0 : i32
        %scatter3A_1168 = tpu.memref_slice %arg7[%scan3A_459, %scatter3A_1165, %scatter3A_1166, %scatter3A_1167] : memref<5x8x8x129xf32, #tpu.memory_space<vmem>> -> memref<1x8x8x129xf32, #tpu.memory_space<vmem>>
        %scatter3A_1169 = tpu.memref_squeeze %scatter3A_1168 : memref<1x8x8x129xf32, #tpu.memory_space<vmem>> -> memref<8x8x129xf32, #tpu.memory_space<vmem>>
        tpu.vector_store_idx %scatter3A_1169[%select_n3A_183, %select_n3A_278, %add3A_1133], %get3A_1164 : memref<8x8x129xf32, #tpu.memory_space<vmem>>[vector<16xi32>, vector<16xi32>, vector<16xi32>], vector<16xf32>,
        %get3A_1170 = arith.constant 0 : i32
        %get3A_1171 = arith.constant 0 : i32
        %get3A_1172 = tpu.memref_slice %arg6[%scan3A_458, %get3A_1170, %get3A_1171] : memref<5x128x64xf32, #tpu.memory_space<vmem>> -> memref<1x128x64xf32, #tpu.memory_space<vmem>>
        %get3A_1173 = tpu.memref_squeeze %get3A_1172 : memref<1x128x64xf32, #tpu.memory_space<vmem>> -> memref<128x64xf32, #tpu.memory_space<vmem>>
        %get3A_1174 = arith.index_cast %add3A_1130 : i32 to index
        %get3A_1175 = arith.constant 48 : index
        %get3A_1176 = tpu.vector_load %get3A_1173[%get3A_1174, %get3A_1175] {strides = array<i32>} : memref<128x64xf32, #tpu.memory_space<vmem>>, vector<16xf32>,
        %scatter3A_1177 = arith.constant 0 : i32
        %scatter3A_1178 = arith.constant 0 : i32
        %scatter3A_1179 = arith.constant 0 : i32
        %scatter3A_1180 = tpu.memref_slice %arg7[%scan3A_459, %scatter3A_1177, %scatter3A_1178, %scatter3A_1179] : memref<5x8x8x129xf32, #tpu.memory_space<vmem>> -> memref<1x8x8x129xf32, #tpu.memory_space<vmem>>
        %scatter3A_1181 = tpu.memref_squeeze %scatter3A_1180 : memref<1x8x8x129xf32, #tpu.memory_space<vmem>> -> memref<8x8x129xf32, #tpu.memory_space<vmem>>
        tpu.vector_store_idx %scatter3A_1181[%select_n3A_214, %select_n3A_300, %add3A_1133], %get3A_1176 : memref<8x8x129xf32, #tpu.memory_space<vmem>>[vector<16xi32>, vector<16xi32>, vector<16xi32>], vector<16xf32>,
        %add3A_1182 = arith.constant 8 : i32
        %add3A_1183 = vector.broadcast %add3A_1182 : i32 to vector<16xi32>
        %add3A_1184 = arith.addi %scan3A_746, %add3A_1183 : vector<16xi32>
        scf.yield %add3A_1184 : vector<16xi32>
      }
      %scan3A_465 = arith.constant 16 : i32
      %dma_start3A_466 = arith.constant 0 : i32
      %dma_start3A_467 = arith.constant 0 : i32
      %dma_start3A_468 = arith.constant 0 : i32
      %dma_start3A_469 = arith.constant 0 : i32
      %dma_start3A_470 = arith.constant 0 : i32
      %dma_start3A_471 = tpu.memref_slice %arg7[%dma_start3A_466, %dma_start3A_468, %dma_start3A_469, %dma_start3A_470] : memref<5x8x8x129xf32, #tpu.memory_space<vmem>> -> memref<1x8x8x128xf32, #tpu.memory_space<vmem>>
      %dma_start3A_472 = tpu.memref_squeeze %dma_start3A_471 : memref<1x8x8x128xf32, #tpu.memory_space<vmem>> -> memref<8x8x128xf32, #tpu.memory_space<vmem>>
      %dma_start3A_473 = arith.constant 0 : i32
      %dma_start3A_474 = arith.constant 0 : i32
      %dma_start3A_475 = arith.constant 0 : i32
      %dma_start3A_476 = tpu.memref_slice %arg4[%add3A_441, %dma_start3A_473, %add3A, %dma_start3A_474, %dma_start3A_475] : memref<200x8x32x8x128xf32, #tpu.memory_space<hbm>> -> memref<1x8x1x8x128xf32, #tpu.memory_space<hbm>>
      %dma_start3A_477 = tpu.memref_squeeze %dma_start3A_476 : memref<1x8x1x8x128xf32, #tpu.memory_space<hbm>> -> memref<8x8x128xf32, #tpu.memory_space<hbm>>
      %dma_start3A_478 = tpu.memref_slice %arg9[%dma_start3A_467] : memref<5x!tpu.dma_semaphore, #tpu.memory_space<semaphore_mem>> -> memref<1x!tpu.dma_semaphore, #tpu.memory_space<semaphore_mem>>
      %dma_start3A_479 = tpu.memref_squeeze %dma_start3A_478 : memref<1x!tpu.dma_semaphore, #tpu.memory_space<semaphore_mem>> -> memref<!tpu.dma_semaphore, #tpu.memory_space<semaphore_mem>>
      %dma_start3A_480 = arith.constant 0 : i32
      %dma_start3A_481 = arith.constant 0 : i32
      %dma_start3A_482 = arith.constant 0 : i32
      %dma_start3A_483 = tpu.memref_slice %arg4[%add3A_441, %dma_start3A_480, %add3A, %dma_start3A_481, %dma_start3A_482] : memref<200x8x32x8x128xf32, #tpu.memory_space<hbm>> -> memref<1x8x1x8x128xf32, #tpu.memory_space<hbm>>
      %dma_start3A_484 = tpu.memref_squeeze %dma_start3A_483 : memref<1x8x1x8x128xf32, #tpu.memory_space<hbm>> -> memref<8x8x128xf32, #tpu.memory_space<hbm>>
      %dma_start3A_485 = arith.constant 0 : i32
      %dma_start3A_486 = arith.constant 0 : i32
      %dma_start3A_487 = arith.constant 0 : i32
      %dma_start3A_488 = tpu.memref_slice %arg7[%dma_start3A_466, %dma_start3A_485, %dma_start3A_486, %dma_start3A_487] : memref<5x8x8x129xf32, #tpu.memory_space<vmem>> -> memref<1x8x8x128xf32, #tpu.memory_space<vmem>>
      %dma_start3A_489 = tpu.memref_squeeze %dma_start3A_488 : memref<1x8x8x128xf32, #tpu.memory_space<vmem>> -> memref<8x8x128xf32, #tpu.memory_space<vmem>>
      tpu.enqueue_dma source(%dma_start3A_489 : memref<8x8x128xf32, #tpu.memory_space<vmem>>) target(%dma_start3A_484 : memref<8x8x128xf32, #tpu.memory_space<hbm>>) target_semaphore(%dma_start3A_479 : memref<!tpu.dma_semaphore, #tpu.memory_space<semaphore_mem>>)
      %add3A_490 = arith.constant 5 : i32
      %add3A_491 = arith.addi %add3A_441, %add3A_490 : i32
      %lt3A_492 = arith.constant 200 : i32
      %lt3A_493 = arith.cmpi slt, %add3A_491, %lt3A_492 : i32
      %convert_element_type3A_494 = arith.extui %lt3A_493 : i1 to i32
      %cond3A_495 = arith.constant 0 : i32
      %cond3A_496 = arith.cmpi ne, %convert_element_type3A_494, %cond3A_495 : i32
      scf.if %cond3A_496 {
        %dma_start3A_745 = arith.constant 0 : i32
        %dma_start3A_746 = arith.constant 0 : i32
        %dma_start3A_747 = arith.constant 0 : i32
        %dma_start3A_748 = arith.constant 0 : i32
        %dma_start3A_749 = tpu.memref_slice %arg6[%dma_start3A_745, %dma_start3A_747, %dma_start3A_748] : memref<5x128x64xf32, #tpu.memory_space<vmem>> -> memref<1x128x64xf32, #tpu.memory_space<vmem>>
        %dma_start3A_750 = tpu.memref_squeeze %dma_start3A_749 : memref<1x128x64xf32, #tpu.memory_space<vmem>> -> memref<128x64xf32, #tpu.memory_space<vmem>>
        %dma_start3A_751 = arith.constant 0 : i32
        %dma_start3A_752 = tpu.memref_slice %arg5[%add3A_491, %dma_start3A_751] : memref<200x128xi32, #tpu.memory_space<vmem>> -> memref<1x128xi32, #tpu.memory_space<vmem>>
        %dma_start3A_753 = tpu.memref_squeeze %dma_start3A_752 : memref<1x128xi32, #tpu.memory_space<vmem>> -> memref<128xi32, #tpu.memory_space<vmem>>
        %dma_start3A_754 = arith.constant 0 : i32
        %dma_start3A_755 = arith.constant 0 : i32
        %dma_start3A_756 = tpu.memref_slice %arg3[%dma_start3A_754, %dma_start3A_755] : memref<1000000x64xf32, #tpu.memory_space<hbm>> -> memref<1000000x64xf32, #tpu.memory_space<hbm>>
        %dma_start3A_757 = tpu.memref_slice %arg8[%dma_start3A_746] : memref<5x!tpu.dma_semaphore, #tpu.memory_space<semaphore_mem>> -> memref<1x!tpu.dma_semaphore, #tpu.memory_space<semaphore_mem>>
        %dma_start3A_758 = tpu.memref_squeeze %dma_start3A_757 : memref<1x!tpu.dma_semaphore, #tpu.memory_space<semaphore_mem>> -> memref<!tpu.dma_semaphore, #tpu.memory_space<semaphore_mem>>
        tpu.enqueue_indirect_dma source(%dma_start3A_756 : memref<1000000x64xf32, #tpu.memory_space<hbm>>) target(%dma_start3A_750 : memref<128x64xf32, #tpu.memory_space<vmem>>) offsets(%dma_start3A_753 : memref<128xi32, #tpu.memory_space<vmem>>) semaphore(%dma_start3A_758 : memref<!tpu.dma_semaphore, #tpu.memory_space<semaphore_mem>>)
      } else {
      }
      %mul3A_497 = arith.constant 5 : i32
      %mul3A_498 = arith.muli %scan3A_437, %mul3A_497 : i32
      %add3A_499 = arith.constant 1 : i32
      %add3A_500 = arith.addi %mul3A_498, %add3A_499 : i32
      %dma_wait3A_501 = arith.constant 1 : i32
      %dma_wait3A_502 = arith.constant 1 : i32
      %dma_wait3A_503 = arith.constant 0 : i32
      %dma_wait3A_504 = arith.constant 0 : i32
      %dma_wait3A_505 = tpu.memref_slice %arg6[%dma_wait3A_501, %dma_wait3A_503, %dma_wait3A_504] : memref<5x128x64xf32, #tpu.memory_space<vmem>> -> memref<1x128x64xf32, #tpu.memory_space<vmem>>
      %dma_wait3A_506 = tpu.memref_squeeze %dma_wait3A_505 : memref<1x128x64xf32, #tpu.memory_space<vmem>> -> memref<128x64xf32, #tpu.memory_space<vmem>>
      %dma_wait3A_507 = arith.constant 0 : i32
      %dma_wait3A_508 = tpu.memref_slice %arg5[%add3A_500, %dma_wait3A_507] : memref<200x128xi32, #tpu.memory_space<vmem>> -> memref<1x128xi32, #tpu.memory_space<vmem>>
      %dma_wait3A_509 = tpu.memref_squeeze %dma_wait3A_508 : memref<1x128xi32, #tpu.memory_space<vmem>> -> memref<128xi32, #tpu.memory_space<vmem>>
      %dma_wait3A_510 = arith.constant 0 : i32
      %dma_wait3A_511 = arith.constant 0 : i32
      %dma_wait3A_512 = tpu.memref_slice %arg3[%dma_wait3A_510, %dma_wait3A_511] : memref<1000000x64xf32, #tpu.memory_space<hbm>> -> memref<1000000x64xf32, #tpu.memory_space<hbm>>
      %dma_wait3A_513 = tpu.memref_slice %arg8[%dma_wait3A_502] : memref<5x!tpu.dma_semaphore, #tpu.memory_space<semaphore_mem>> -> memref<1x!tpu.dma_semaphore, #tpu.memory_space<semaphore_mem>>
      %dma_wait3A_514 = tpu.memref_squeeze %dma_wait3A_513 : memref<1x!tpu.dma_semaphore, #tpu.memory_space<semaphore_mem>> -> memref<!tpu.dma_semaphore, #tpu.memory_space<semaphore_mem>>
      tpu.wait_indirect_dma semaphore(%dma_wait3A_514 : memref<!tpu.dma_semaphore, #tpu.memory_space<semaphore_mem>>) src(%dma_wait3A_512 : memref<1000000x64xf32, #tpu.memory_space<hbm>>) dst(%dma_wait3A_506 : memref<128x64xf32, #tpu.memory_space<vmem>>)
      %ge3A_515 = arith.constant 5 : i32
      %ge3A_516 = arith.cmpi sge, %add3A_500, %ge3A_515 : i32
      %convert_element_type3A_517 = arith.extui %ge3A_516 : i1 to i32
      %cond3A_518 = arith.constant 0 : i32
      %cond3A_519 = arith.cmpi ne, %convert_element_type3A_517, %cond3A_518 : i32
      scf.if %cond3A_519 {
        %dma_wait3A_745 = arith.constant 1 : i32
        %dma_wait3A_746 = arith.constant 0 : i32
        %dma_wait3A_747 = arith.constant 0 : i32
        %dma_wait3A_748 = arith.constant 1 : i32
        %dma_wait3A_749 = arith.constant 0 : i32
        %dma_wait3A_750 = arith.constant 0 : i32
        %dma_wait3A_751 = arith.constant 0 : i32
        %dma_wait3A_752 = tpu.memref_slice %arg7[%dma_wait3A_745, %dma_wait3A_749, %dma_wait3A_750, %dma_wait3A_751] : memref<5x8x8x129xf32, #tpu.memory_space<vmem>> -> memref<1x8x8x128xf32, #tpu.memory_space<vmem>>
        %dma_wait3A_753 = tpu.memref_squeeze %dma_wait3A_752 : memref<1x8x8x128xf32, #tpu.memory_space<vmem>> -> memref<8x8x128xf32, #tpu.memory_space<vmem>>
        %dma_wait3A_754 = arith.constant 0 : i32
        %dma_wait3A_755 = arith.constant 0 : i32
        %dma_wait3A_756 = arith.constant 0 : i32
        %dma_wait3A_757 = tpu.memref_slice %arg4[%dma_wait3A_746, %dma_wait3A_754, %dma_wait3A_747, %dma_wait3A_755, %dma_wait3A_756] : memref<200x8x32x8x128xf32, #tpu.memory_space<hbm>> -> memref<1x8x1x8x128xf32, #tpu.memory_space<hbm>>
        %dma_wait3A_758 = tpu.memref_squeeze %dma_wait3A_757 : memref<1x8x1x8x128xf32, #tpu.memory_space<hbm>> -> memref<8x8x128xf32, #tpu.memory_space<hbm>>
        %dma_wait3A_759 = tpu.memref_slice %arg9[%dma_wait3A_748] : memref<5x!tpu.dma_semaphore, #tpu.memory_space<semaphore_mem>> -> memref<1x!tpu.dma_semaphore, #tpu.memory_space<semaphore_mem>>
        %dma_wait3A_760 = tpu.memref_squeeze %dma_wait3A_759 : memref<1x!tpu.dma_semaphore, #tpu.memory_space<semaphore_mem>> -> memref<!tpu.dma_semaphore, #tpu.memory_space<semaphore_mem>>
        %dma_wait3A_761 = arith.constant 0 : i32
        %dma_wait3A_762 = arith.constant 0 : i32
        %dma_wait3A_763 = arith.constant 0 : i32
        %dma_wait3A_764 = tpu.memref_slice %arg4[%dma_wait3A_746, %dma_wait3A_761, %dma_wait3A_747, %dma_wait3A_762, %dma_wait3A_763] : memref<200x8x32x8x128xf32, #tpu.memory_space<hbm>> -> memref<1x8x1x8x128xf32, #tpu.memory_space<hbm>>
        %dma_wait3A_765 = tpu.memref_squeeze %dma_wait3A_764 : memref<1x8x1x8x128xf32, #tpu.memory_space<hbm>> -> memref<8x8x128xf32, #tpu.memory_space<hbm>>
        %dma_wait3A_766 = arith.constant 0 : i32
        %dma_wait3A_767 = arith.constant 0 : i32
        %dma_wait3A_768 = arith.constant 0 : i32
        %dma_wait3A_769 = tpu.memref_slice %arg7[%dma_wait3A_745, %dma_wait3A_766, %dma_wait3A_767, %dma_wait3A_768] : memref<5x8x8x129xf32, #tpu.memory_space<vmem>> -> memref<1x8x8x128xf32, #tpu.memory_space<vmem>>
        %dma_wait3A_770 = tpu.memref_squeeze %dma_wait3A_769 : memref<1x8x8x128xf32, #tpu.memory_space<vmem>> -> memref<8x8x128xf32, #tpu.memory_space<vmem>>
        tpu.wait_dma2 semaphore(%dma_wait3A_760 : memref<!tpu.dma_semaphore, #tpu.memory_space<semaphore_mem>>) src(%dma_wait3A_770 : memref<8x8x128xf32, #tpu.memory_space<vmem>>) dst(%dma_wait3A_765 : memref<8x8x128xf32, #tpu.memory_space<hbm>>)
      } else {
      }
      %scan3A_520 = arith.constant 1 : i32
      %scan3A_521 = arith.constant 1 : i32
      %scan3A_522 = arith.constant 0 : i32
      %scan3A_523 = arith.constant 16 : i32
      %scan3A_524 = arith.addi %scan3A_522, %scan3A_523 : i32
      %scan3A_525 = arith.constant 1 : i32
      %scan3A_526 = scf.for %scan3A_745 = %scan3A_522 to %scan3A_524 step %scan3A_525 iter_args(%scan3A_746 = %broadcast_in_dim3A_301) -> (vector<16xi32>)  : i32 {
        %mul3A_747 = arith.constant 8 : i32
        %mul3A_748 = arith.muli %mul3A_747, %scan3A_745 : i32
        %add3A_749 = arith.constant 0 : i32
        %add3A_750 = arith.addi %mul3A_748, %add3A_749 : i32
        %get3A = arith.constant 0 : i32
        %get3A_751 = arith.constant 0 : i32
        %get3A_752 = tpu.memref_slice %arg6[%scan3A_520, %get3A, %get3A_751] : memref<5x128x64xf32, #tpu.memory_space<vmem>> -> memref<1x128x64xf32, #tpu.memory_space<vmem>>
        %get3A_753 = tpu.memref_squeeze %get3A_752 : memref<1x128x64xf32, #tpu.memory_space<vmem>> -> memref<128x64xf32, #tpu.memory_space<vmem>>
        %get3A_754 = arith.index_cast %add3A_750 : i32 to index
        %get3A_755 = arith.constant 0 : index
        %get3A_756 = tpu.vector_load %get3A_753[%get3A_754, %get3A_755] {strides = array<i32>} : memref<128x64xf32, #tpu.memory_space<vmem>>, vector<16xf32>,
        %scatter3A = arith.constant 0 : i32
        %scatter3A_757 = arith.constant 0 : i32
        %scatter3A_758 = arith.constant 0 : i32
        %scatter3A_759 = tpu.memref_slice %arg7[%scan3A_521, %scatter3A, %scatter3A_757, %scatter3A_758] : memref<5x8x8x129xf32, #tpu.memory_space<vmem>> -> memref<1x8x8x129xf32, #tpu.memory_space<vmem>>
        %scatter3A_760 = tpu.memref_squeeze %scatter3A_759 : memref<1x8x8x129xf32, #tpu.memory_space<vmem>> -> memref<8x8x129xf32, #tpu.memory_space<vmem>>
        tpu.vector_store_idx %scatter3A_760[%select_n3A, %select_n3A_234, %scan3A_746], %get3A_756 : memref<8x8x129xf32, #tpu.memory_space<vmem>>[vector<16xi32>, vector<16xi32>, vector<16xi32>], vector<16xf32>,
        %get3A_761 = arith.constant 0 : i32
        %get3A_762 = arith.constant 0 : i32
        %get3A_763 = tpu.memref_slice %arg6[%scan3A_520, %get3A_761, %get3A_762] : memref<5x128x64xf32, #tpu.memory_space<vmem>> -> memref<1x128x64xf32, #tpu.memory_space<vmem>>
        %get3A_764 = tpu.memref_squeeze %get3A_763 : memref<1x128x64xf32, #tpu.memory_space<vmem>> -> memref<128x64xf32, #tpu.memory_space<vmem>>
        %get3A_765 = arith.index_cast %add3A_750 : i32 to index
        %get3A_766 = arith.constant 16 : index
        %get3A_767 = tpu.vector_load %get3A_764[%get3A_765, %get3A_766] {strides = array<i32>} : memref<128x64xf32, #tpu.memory_space<vmem>>, vector<16xf32>,
        %scatter3A_768 = arith.constant 0 : i32
        %scatter3A_769 = arith.constant 0 : i32
        %scatter3A_770 = arith.constant 0 : i32
        %scatter3A_771 = tpu.memref_slice %arg7[%scan3A_521, %scatter3A_768, %scatter3A_769, %scatter3A_770] : memref<5x8x8x129xf32, #tpu.memory_space<vmem>> -> memref<1x8x8x129xf32, #tpu.memory_space<vmem>>
        %scatter3A_772 = tpu.memref_squeeze %scatter3A_771 : memref<1x8x8x129xf32, #tpu.memory_space<vmem>> -> memref<8x8x129xf32, #tpu.memory_space<vmem>>
        tpu.vector_store_idx %scatter3A_772[%select_n3A_152, %select_n3A_256, %scan3A_746], %get3A_767 : memref<8x8x129xf32, #tpu.memory_space<vmem>>[vector<16xi32>, vector<16xi32>, vector<16xi32>], vector<16xf32>,
        %get3A_773 = arith.constant 0 : i32
        %get3A_774 = arith.constant 0 : i32
        %get3A_775 = tpu.memref_slice %arg6[%scan3A_520, %get3A_773, %get3A_774] : memref<5x128x64xf32, #tpu.memory_space<vmem>> -> memref<1x128x64xf32, #tpu.memory_space<vmem>>
        %get3A_776 = tpu.memref_squeeze %get3A_775 : memref<1x128x64xf32, #tpu.memory_space<vmem>> -> memref<128x64xf32, #tpu.memory_space<vmem>>
        %get3A_777 = arith.index_cast %add3A_750 : i32 to index
        %get3A_778 = arith.constant 32 : index
        %get3A_779 = tpu.vector_load %get3A_776[%get3A_777, %get3A_778] {strides = array<i32>} : memref<128x64xf32, #tpu.memory_space<vmem>>, vector<16xf32>,
        %scatter3A_780 = arith.constant 0 : i32
        %scatter3A_781 = arith.constant 0 : i32
        %scatter3A_782 = arith.constant 0 : i32
        %scatter3A_783 = tpu.memref_slice %arg7[%scan3A_521, %scatter3A_780, %scatter3A_781, %scatter3A_782] : memref<5x8x8x129xf32, #tpu.memory_space<vmem>> -> memref<1x8x8x129xf32, #tpu.memory_space<vmem>>
        %scatter3A_784 = tpu.memref_squeeze %scatter3A_783 : memref<1x8x8x129xf32, #tpu.memory_space<vmem>> -> memref<8x8x129xf32, #tpu.memory_space<vmem>>
        tpu.vector_store_idx %scatter3A_784[%select_n3A_183, %select_n3A_278, %scan3A_746], %get3A_779 : memref<8x8x129xf32, #tpu.memory_space<vmem>>[vector<16xi32>, vector<16xi32>, vector<16xi32>], vector<16xf32>,
        %get3A_785 = arith.constant 0 : i32
        %get3A_786 = arith.constant 0 : i32
        %get3A_787 = tpu.memref_slice %arg6[%scan3A_520, %get3A_785, %get3A_786] : memref<5x128x64xf32, #tpu.memory_space<vmem>> -> memref<1x128x64xf32, #tpu.memory_space<vmem>>
        %get3A_788 = tpu.memref_squeeze %get3A_787 : memref<1x128x64xf32, #tpu.memory_space<vmem>> -> memref<128x64xf32, #tpu.memory_space<vmem>>
        %get3A_789 = arith.index_cast %add3A_750 : i32 to index
        %get3A_790 = arith.constant 48 : index
        %get3A_791 = tpu.vector_load %get3A_788[%get3A_789, %get3A_790] {strides = array<i32>} : memref<128x64xf32, #tpu.memory_space<vmem>>, vector<16xf32>,
        %scatter3A_792 = arith.constant 0 : i32
        %scatter3A_793 = arith.constant 0 : i32
        %scatter3A_794 = arith.constant 0 : i32
        %scatter3A_795 = tpu.memref_slice %arg7[%scan3A_521, %scatter3A_792, %scatter3A_793, %scatter3A_794] : memref<5x8x8x129xf32, #tpu.memory_space<vmem>> -> memref<1x8x8x129xf32, #tpu.memory_space<vmem>>
        %scatter3A_796 = tpu.memref_squeeze %scatter3A_795 : memref<1x8x8x129xf32, #tpu.memory_space<vmem>> -> memref<8x8x129xf32, #tpu.memory_space<vmem>>
        tpu.vector_store_idx %scatter3A_796[%select_n3A_214, %select_n3A_300, %scan3A_746], %get3A_791 : memref<8x8x129xf32, #tpu.memory_space<vmem>>[vector<16xi32>, vector<16xi32>, vector<16xi32>], vector<16xf32>,
        %mul3A_797 = arith.constant 8 : i32
        %mul3A_798 = arith.muli %mul3A_797, %scan3A_745 : i32
        %add3A_799 = arith.constant 1 : i32
        %add3A_800 = arith.addi %mul3A_798, %add3A_799 : i32
        %add3A_801 = arith.constant 1 : i32
        %add3A_802 = vector.broadcast %add3A_801 : i32 to vector<16xi32>
        %add3A_803 = arith.addi %scan3A_746, %add3A_802 : vector<16xi32>
        %get3A_804 = arith.constant 0 : i32
        %get3A_805 = arith.constant 0 : i32
        %get3A_806 = tpu.memref_slice %arg6[%scan3A_520, %get3A_804, %get3A_805] : memref<5x128x64xf32, #tpu.memory_space<vmem>> -> memref<1x128x64xf32, #tpu.memory_space<vmem>>
        %get3A_807 = tpu.memref_squeeze %get3A_806 : memref<1x128x64xf32, #tpu.memory_space<vmem>> -> memref<128x64xf32, #tpu.memory_space<vmem>>
        %get3A_808 = arith.index_cast %add3A_800 : i32 to index
        %get3A_809 = arith.constant 0 : index
        %get3A_810 = tpu.vector_load %get3A_807[%get3A_808, %get3A_809] {strides = array<i32>} : memref<128x64xf32, #tpu.memory_space<vmem>>, vector<16xf32>,
        %scatter3A_811 = arith.constant 0 : i32
        %scatter3A_812 = arith.constant 0 : i32
        %scatter3A_813 = arith.constant 0 : i32
        %scatter3A_814 = tpu.memref_slice %arg7[%scan3A_521, %scatter3A_811, %scatter3A_812, %scatter3A_813] : memref<5x8x8x129xf32, #tpu.memory_space<vmem>> -> memref<1x8x8x129xf32, #tpu.memory_space<vmem>>
        %scatter3A_815 = tpu.memref_squeeze %scatter3A_814 : memref<1x8x8x129xf32, #tpu.memory_space<vmem>> -> memref<8x8x129xf32, #tpu.memory_space<vmem>>
        tpu.vector_store_idx %scatter3A_815[%select_n3A, %select_n3A_234, %add3A_803], %get3A_810 : memref<8x8x129xf32, #tpu.memory_space<vmem>>[vector<16xi32>, vector<16xi32>, vector<16xi32>], vector<16xf32>,
        %get3A_816 = arith.constant 0 : i32
        %get3A_817 = arith.constant 0 : i32
        %get3A_818 = tpu.memref_slice %arg6[%scan3A_520, %get3A_816, %get3A_817] : memref<5x128x64xf32, #tpu.memory_space<vmem>> -> memref<1x128x64xf32, #tpu.memory_space<vmem>>
        %get3A_819 = tpu.memref_squeeze %get3A_818 : memref<1x128x64xf32, #tpu.memory_space<vmem>> -> memref<128x64xf32, #tpu.memory_space<vmem>>
        %get3A_820 = arith.index_cast %add3A_800 : i32 to index
        %get3A_821 = arith.constant 16 : index
        %get3A_822 = tpu.vector_load %get3A_819[%get3A_820, %get3A_821] {strides = array<i32>} : memref<128x64xf32, #tpu.memory_space<vmem>>, vector<16xf32>,
        %scatter3A_823 = arith.constant 0 : i32
        %scatter3A_824 = arith.constant 0 : i32
        %scatter3A_825 = arith.constant 0 : i32
        %scatter3A_826 = tpu.memref_slice %arg7[%scan3A_521, %scatter3A_823, %scatter3A_824, %scatter3A_825] : memref<5x8x8x129xf32, #tpu.memory_space<vmem>> -> memref<1x8x8x129xf32, #tpu.memory_space<vmem>>
        %scatter3A_827 = tpu.memref_squeeze %scatter3A_826 : memref<1x8x8x129xf32, #tpu.memory_space<vmem>> -> memref<8x8x129xf32, #tpu.memory_space<vmem>>
        tpu.vector_store_idx %scatter3A_827[%select_n3A_152, %select_n3A_256, %add3A_803], %get3A_822 : memref<8x8x129xf32, #tpu.memory_space<vmem>>[vector<16xi32>, vector<16xi32>, vector<16xi32>], vector<16xf32>,
        %get3A_828 = arith.constant 0 : i32
        %get3A_829 = arith.constant 0 : i32
        %get3A_830 = tpu.memref_slice %arg6[%scan3A_520, %get3A_828, %get3A_829] : memref<5x128x64xf32, #tpu.memory_space<vmem>> -> memref<1x128x64xf32, #tpu.memory_space<vmem>>
        %get3A_831 = tpu.memref_squeeze %get3A_830 : memref<1x128x64xf32, #tpu.memory_space<vmem>> -> memref<128x64xf32, #tpu.memory_space<vmem>>
        %get3A_832 = arith.index_cast %add3A_800 : i32 to index
        %get3A_833 = arith.constant 32 : index
        %get3A_834 = tpu.vector_load %get3A_831[%get3A_832, %get3A_833] {strides = array<i32>} : memref<128x64xf32, #tpu.memory_space<vmem>>, vector<16xf32>,
        %scatter3A_835 = arith.constant 0 : i32
        %scatter3A_836 = arith.constant 0 : i32
        %scatter3A_837 = arith.constant 0 : i32
        %scatter3A_838 = tpu.memref_slice %arg7[%scan3A_521, %scatter3A_835, %scatter3A_836, %scatter3A_837] : memref<5x8x8x129xf32, #tpu.memory_space<vmem>> -> memref<1x8x8x129xf32, #tpu.memory_space<vmem>>
        %scatter3A_839 = tpu.memref_squeeze %scatter3A_838 : memref<1x8x8x129xf32, #tpu.memory_space<vmem>> -> memref<8x8x129xf32, #tpu.memory_space<vmem>>
        tpu.vector_store_idx %scatter3A_839[%select_n3A_183, %select_n3A_278, %add3A_803], %get3A_834 : memref<8x8x129xf32, #tpu.memory_space<vmem>>[vector<16xi32>, vector<16xi32>, vector<16xi32>], vector<16xf32>,
        %get3A_840 = arith.constant 0 : i32
        %get3A_841 = arith.constant 0 : i32
        %get3A_842 = tpu.memref_slice %arg6[%scan3A_520, %get3A_840, %get3A_841] : memref<5x128x64xf32, #tpu.memory_space<vmem>> -> memref<1x128x64xf32, #tpu.memory_space<vmem>>
        %get3A_843 = tpu.memref_squeeze %get3A_842 : memref<1x128x64xf32, #tpu.memory_space<vmem>> -> memref<128x64xf32, #tpu.memory_space<vmem>>
        %get3A_844 = arith.index_cast %add3A_800 : i32 to index
        %get3A_845 = arith.constant 48 : index
        %get3A_846 = tpu.vector_load %get3A_843[%get3A_844, %get3A_845] {strides = array<i32>} : memref<128x64xf32, #tpu.memory_space<vmem>>, vector<16xf32>,
        %scatter3A_847 = arith.constant 0 : i32
        %scatter3A_848 = arith.constant 0 : i32
        %scatter3A_849 = arith.constant 0 : i32
        %scatter3A_850 = tpu.memref_slice %arg7[%scan3A_521, %scatter3A_847, %scatter3A_848, %scatter3A_849] : memref<5x8x8x129xf32, #tpu.memory_space<vmem>> -> memref<1x8x8x129xf32, #tpu.memory_space<vmem>>
        %scatter3A_851 = tpu.memref_squeeze %scatter3A_850 : memref<1x8x8x129xf32, #tpu.memory_space<vmem>> -> memref<8x8x129xf32, #tpu.memory_space<vmem>>
        tpu.vector_store_idx %scatter3A_851[%select_n3A_214, %select_n3A_300, %add3A_803], %get3A_846 : memref<8x8x129xf32, #tpu.memory_space<vmem>>[vector<16xi32>, vector<16xi32>, vector<16xi32>], vector<16xf32>,
        %mul3A_852 = arith.constant 8 : i32
        %mul3A_853 = arith.muli %mul3A_852, %scan3A_745 : i32
        %add3A_854 = arith.constant 2 : i32
        %add3A_855 = arith.addi %mul3A_853, %add3A_854 : i32
        %add3A_856 = arith.constant 2 : i32
        %add3A_857 = vector.broadcast %add3A_856 : i32 to vector<16xi32>
        %add3A_858 = arith.addi %scan3A_746, %add3A_857 : vector<16xi32>
        %get3A_859 = arith.constant 0 : i32
        %get3A_860 = arith.constant 0 : i32
        %get3A_861 = tpu.memref_slice %arg6[%scan3A_520, %get3A_859, %get3A_860] : memref<5x128x64xf32, #tpu.memory_space<vmem>> -> memref<1x128x64xf32, #tpu.memory_space<vmem>>
        %get3A_862 = tpu.memref_squeeze %get3A_861 : memref<1x128x64xf32, #tpu.memory_space<vmem>> -> memref<128x64xf32, #tpu.memory_space<vmem>>
        %get3A_863 = arith.index_cast %add3A_855 : i32 to index
        %get3A_864 = arith.constant 0 : index
        %get3A_865 = tpu.vector_load %get3A_862[%get3A_863, %get3A_864] {strides = array<i32>} : memref<128x64xf32, #tpu.memory_space<vmem>>, vector<16xf32>,
        %scatter3A_866 = arith.constant 0 : i32
        %scatter3A_867 = arith.constant 0 : i32
        %scatter3A_868 = arith.constant 0 : i32
        %scatter3A_869 = tpu.memref_slice %arg7[%scan3A_521, %scatter3A_866, %scatter3A_867, %scatter3A_868] : memref<5x8x8x129xf32, #tpu.memory_space<vmem>> -> memref<1x8x8x129xf32, #tpu.memory_space<vmem>>
        %scatter3A_870 = tpu.memref_squeeze %scatter3A_869 : memref<1x8x8x129xf32, #tpu.memory_space<vmem>> -> memref<8x8x129xf32, #tpu.memory_space<vmem>>
        tpu.vector_store_idx %scatter3A_870[%select_n3A, %select_n3A_234, %add3A_858], %get3A_865 : memref<8x8x129xf32, #tpu.memory_space<vmem>>[vector<16xi32>, vector<16xi32>, vector<16xi32>], vector<16xf32>,
        %get3A_871 = arith.constant 0 : i32
        %get3A_872 = arith.constant 0 : i32
        %get3A_873 = tpu.memref_slice %arg6[%scan3A_520, %get3A_871, %get3A_872] : memref<5x128x64xf32, #tpu.memory_space<vmem>> -> memref<1x128x64xf32, #tpu.memory_space<vmem>>
        %get3A_874 = tpu.memref_squeeze %get3A_873 : memref<1x128x64xf32, #tpu.memory_space<vmem>> -> memref<128x64xf32, #tpu.memory_space<vmem>>
        %get3A_875 = arith.index_cast %add3A_855 : i32 to index
        %get3A_876 = arith.constant 16 : index
        %get3A_877 = tpu.vector_load %get3A_874[%get3A_875, %get3A_876] {strides = array<i32>} : memref<128x64xf32, #tpu.memory_space<vmem>>, vector<16xf32>,
        %scatter3A_878 = arith.constant 0 : i32
        %scatter3A_879 = arith.constant 0 : i32
        %scatter3A_880 = arith.constant 0 : i32
        %scatter3A_881 = tpu.memref_slice %arg7[%scan3A_521, %scatter3A_878, %scatter3A_879, %scatter3A_880] : memref<5x8x8x129xf32, #tpu.memory_space<vmem>> -> memref<1x8x8x129xf32, #tpu.memory_space<vmem>>
        %scatter3A_882 = tpu.memref_squeeze %scatter3A_881 : memref<1x8x8x129xf32, #tpu.memory_space<vmem>> -> memref<8x8x129xf32, #tpu.memory_space<vmem>>
        tpu.vector_store_idx %scatter3A_882[%select_n3A_152, %select_n3A_256, %add3A_858], %get3A_877 : memref<8x8x129xf32, #tpu.memory_space<vmem>>[vector<16xi32>, vector<16xi32>, vector<16xi32>], vector<16xf32>,
        %get3A_883 = arith.constant 0 : i32
        %get3A_884 = arith.constant 0 : i32
        %get3A_885 = tpu.memref_slice %arg6[%scan3A_520, %get3A_883, %get3A_884] : memref<5x128x64xf32, #tpu.memory_space<vmem>> -> memref<1x128x64xf32, #tpu.memory_space<vmem>>
        %get3A_886 = tpu.memref_squeeze %get3A_885 : memref<1x128x64xf32, #tpu.memory_space<vmem>> -> memref<128x64xf32, #tpu.memory_space<vmem>>
        %get3A_887 = arith.index_cast %add3A_855 : i32 to index
        %get3A_888 = arith.constant 32 : index
        %get3A_889 = tpu.vector_load %get3A_886[%get3A_887, %get3A_888] {strides = array<i32>} : memref<128x64xf32, #tpu.memory_space<vmem>>, vector<16xf32>,
        %scatter3A_890 = arith.constant 0 : i32
        %scatter3A_891 = arith.constant 0 : i32
        %scatter3A_892 = arith.constant 0 : i32
        %scatter3A_893 = tpu.memref_slice %arg7[%scan3A_521, %scatter3A_890, %scatter3A_891, %scatter3A_892] : memref<5x8x8x129xf32, #tpu.memory_space<vmem>> -> memref<1x8x8x129xf32, #tpu.memory_space<vmem>>
        %scatter3A_894 = tpu.memref_squeeze %scatter3A_893 : memref<1x8x8x129xf32, #tpu.memory_space<vmem>> -> memref<8x8x129xf32, #tpu.memory_space<vmem>>
        tpu.vector_store_idx %scatter3A_894[%select_n3A_183, %select_n3A_278, %add3A_858], %get3A_889 : memref<8x8x129xf32, #tpu.memory_space<vmem>>[vector<16xi32>, vector<16xi32>, vector<16xi32>], vector<16xf32>,
        %get3A_895 = arith.constant 0 : i32
        %get3A_896 = arith.constant 0 : i32
        %get3A_897 = tpu.memref_slice %arg6[%scan3A_520, %get3A_895, %get3A_896] : memref<5x128x64xf32, #tpu.memory_space<vmem>> -> memref<1x128x64xf32, #tpu.memory_space<vmem>>
        %get3A_898 = tpu.memref_squeeze %get3A_897 : memref<1x128x64xf32, #tpu.memory_space<vmem>> -> memref<128x64xf32, #tpu.memory_space<vmem>>
        %get3A_899 = arith.index_cast %add3A_855 : i32 to index
        %get3A_900 = arith.constant 48 : index
        %get3A_901 = tpu.vector_load %get3A_898[%get3A_899, %get3A_900] {strides = array<i32>} : memref<128x64xf32, #tpu.memory_space<vmem>>, vector<16xf32>,
        %scatter3A_902 = arith.constant 0 : i32
        %scatter3A_903 = arith.constant 0 : i32
        %scatter3A_904 = arith.constant 0 : i32
        %scatter3A_905 = tpu.memref_slice %arg7[%scan3A_521, %scatter3A_902, %scatter3A_903, %scatter3A_904] : memref<5x8x8x129xf32, #tpu.memory_space<vmem>> -> memref<1x8x8x129xf32, #tpu.memory_space<vmem>>
        %scatter3A_906 = tpu.memref_squeeze %scatter3A_905 : memref<1x8x8x129xf32, #tpu.memory_space<vmem>> -> memref<8x8x129xf32, #tpu.memory_space<vmem>>
        tpu.vector_store_idx %scatter3A_906[%select_n3A_214, %select_n3A_300, %add3A_858], %get3A_901 : memref<8x8x129xf32, #tpu.memory_space<vmem>>[vector<16xi32>, vector<16xi32>, vector<16xi32>], vector<16xf32>,
        %mul3A_907 = arith.constant 8 : i32
        %mul3A_908 = arith.muli %mul3A_907, %scan3A_745 : i32
        %add3A_909 = arith.constant 3 : i32
        %add3A_910 = arith.addi %mul3A_908, %add3A_909 : i32
        %add3A_911 = arith.constant 3 : i32
        %add3A_912 = vector.broadcast %add3A_911 : i32 to vector<16xi32>
        %add3A_913 = arith.addi %scan3A_746, %add3A_912 : vector<16xi32>
        %get3A_914 = arith.constant 0 : i32
        %get3A_915 = arith.constant 0 : i32
        %get3A_916 = tpu.memref_slice %arg6[%scan3A_520, %get3A_914, %get3A_915] : memref<5x128x64xf32, #tpu.memory_space<vmem>> -> memref<1x128x64xf32, #tpu.memory_space<vmem>>
        %get3A_917 = tpu.memref_squeeze %get3A_916 : memref<1x128x64xf32, #tpu.memory_space<vmem>> -> memref<128x64xf32, #tpu.memory_space<vmem>>
        %get3A_918 = arith.index_cast %add3A_910 : i32 to index
        %get3A_919 = arith.constant 0 : index
        %get3A_920 = tpu.vector_load %get3A_917[%get3A_918, %get3A_919] {strides = array<i32>} : memref<128x64xf32, #tpu.memory_space<vmem>>, vector<16xf32>,
        %scatter3A_921 = arith.constant 0 : i32
        %scatter3A_922 = arith.constant 0 : i32
        %scatter3A_923 = arith.constant 0 : i32
        %scatter3A_924 = tpu.memref_slice %arg7[%scan3A_521, %scatter3A_921, %scatter3A_922, %scatter3A_923] : memref<5x8x8x129xf32, #tpu.memory_space<vmem>> -> memref<1x8x8x129xf32, #tpu.memory_space<vmem>>
        %scatter3A_925 = tpu.memref_squeeze %scatter3A_924 : memref<1x8x8x129xf32, #tpu.memory_space<vmem>> -> memref<8x8x129xf32, #tpu.memory_space<vmem>>
        tpu.vector_store_idx %scatter3A_925[%select_n3A, %select_n3A_234, %add3A_913], %get3A_920 : memref<8x8x129xf32, #tpu.memory_space<vmem>>[vector<16xi32>, vector<16xi32>, vector<16xi32>], vector<16xf32>,
        %get3A_926 = arith.constant 0 : i32
        %get3A_927 = arith.constant 0 : i32
        %get3A_928 = tpu.memref_slice %arg6[%scan3A_520, %get3A_926, %get3A_927] : memref<5x128x64xf32, #tpu.memory_space<vmem>> -> memref<1x128x64xf32, #tpu.memory_space<vmem>>
        %get3A_929 = tpu.memref_squeeze %get3A_928 : memref<1x128x64xf32, #tpu.memory_space<vmem>> -> memref<128x64xf32, #tpu.memory_space<vmem>>
        %get3A_930 = arith.index_cast %add3A_910 : i32 to index
        %get3A_931 = arith.constant 16 : index
        %get3A_932 = tpu.vector_load %get3A_929[%get3A_930, %get3A_931] {strides = array<i32>} : memref<128x64xf32, #tpu.memory_space<vmem>>, vector<16xf32>,
        %scatter3A_933 = arith.constant 0 : i32
        %scatter3A_934 = arith.constant 0 : i32
        %scatter3A_935 = arith.constant 0 : i32
        %scatter3A_936 = tpu.memref_slice %arg7[%scan3A_521, %scatter3A_933, %scatter3A_934, %scatter3A_935] : memref<5x8x8x129xf32, #tpu.memory_space<vmem>> -> memref<1x8x8x129xf32, #tpu.memory_space<vmem>>
        %scatter3A_937 = tpu.memref_squeeze %scatter3A_936 : memref<1x8x8x129xf32, #tpu.memory_space<vmem>> -> memref<8x8x129xf32, #tpu.memory_space<vmem>>
        tpu.vector_store_idx %scatter3A_937[%select_n3A_152, %select_n3A_256, %add3A_913], %get3A_932 : memref<8x8x129xf32, #tpu.memory_space<vmem>>[vector<16xi32>, vector<16xi32>, vector<16xi32>], vector<16xf32>,
        %get3A_938 = arith.constant 0 : i32
        %get3A_939 = arith.constant 0 : i32
        %get3A_940 = tpu.memref_slice %arg6[%scan3A_520, %get3A_938, %get3A_939] : memref<5x128x64xf32, #tpu.memory_space<vmem>> -> memref<1x128x64xf32, #tpu.memory_space<vmem>>
        %get3A_941 = tpu.memref_squeeze %get3A_940 : memref<1x128x64xf32, #tpu.memory_space<vmem>> -> memref<128x64xf32, #tpu.memory_space<vmem>>
        %get3A_942 = arith.index_cast %add3A_910 : i32 to index
        %get3A_943 = arith.constant 32 : index
        %get3A_944 = tpu.vector_load %get3A_941[%get3A_942, %get3A_943] {strides = array<i32>} : memref<128x64xf32, #tpu.memory_space<vmem>>, vector<16xf32>,
        %scatter3A_945 = arith.constant 0 : i32
        %scatter3A_946 = arith.constant 0 : i32
        %scatter3A_947 = arith.constant 0 : i32
        %scatter3A_948 = tpu.memref_slice %arg7[%scan3A_521, %scatter3A_945, %scatter3A_946, %scatter3A_947] : memref<5x8x8x129xf32, #tpu.memory_space<vmem>> -> memref<1x8x8x129xf32, #tpu.memory_space<vmem>>
        %scatter3A_949 = tpu.memref_squeeze %scatter3A_948 : memref<1x8x8x129xf32, #tpu.memory_space<vmem>> -> memref<8x8x129xf32, #tpu.memory_space<vmem>>
        tpu.vector_store_idx %scatter3A_949[%select_n3A_183, %select_n3A_278, %add3A_913], %get3A_944 : memref<8x8x129xf32, #tpu.memory_space<vmem>>[vector<16xi32>, vector<16xi32>, vector<16xi32>], vector<16xf32>,
        %get3A_950 = arith.constant 0 : i32
        %get3A_951 = arith.constant 0 : i32
        %get3A_952 = tpu.memref_slice %arg6[%scan3A_520, %get3A_950, %get3A_951] : memref<5x128x64xf32, #tpu.memory_space<vmem>> -> memref<1x128x64xf32, #tpu.memory_space<vmem>>
        %get3A_953 = tpu.memref_squeeze %get3A_952 : memref<1x128x64xf32, #tpu.memory_space<vmem>> -> memref<128x64xf32, #tpu.memory_space<vmem>>
        %get3A_954 = arith.index_cast %add3A_910 : i32 to index
        %get3A_955 = arith.constant 48 : index
        %get3A_956 = tpu.vector_load %get3A_953[%get3A_954, %get3A_955] {strides = array<i32>} : memref<128x64xf32, #tpu.memory_space<vmem>>, vector<16xf32>,
        %scatter3A_957 = arith.constant 0 : i32
        %scatter3A_958 = arith.constant 0 : i32
        %scatter3A_959 = arith.constant 0 : i32
        %scatter3A_960 = tpu.memref_slice %arg7[%scan3A_521, %scatter3A_957, %scatter3A_958, %scatter3A_959] : memref<5x8x8x129xf32, #tpu.memory_space<vmem>> -> memref<1x8x8x129xf32, #tpu.memory_space<vmem>>
        %scatter3A_961 = tpu.memref_squeeze %scatter3A_960 : memref<1x8x8x129xf32, #tpu.memory_space<vmem>> -> memref<8x8x129xf32, #tpu.memory_space<vmem>>
        tpu.vector_store_idx %scatter3A_961[%select_n3A_214, %select_n3A_300, %add3A_913], %get3A_956 : memref<8x8x129xf32, #tpu.memory_space<vmem>>[vector<16xi32>, vector<16xi32>, vector<16xi32>], vector<16xf32>,
        %mul3A_962 = arith.constant 8 : i32
        %mul3A_963 = arith.muli %mul3A_962, %scan3A_745 : i32
        %add3A_964 = arith.constant 4 : i32
        %add3A_965 = arith.addi %mul3A_963, %add3A_964 : i32
        %add3A_966 = arith.constant 4 : i32
        %add3A_967 = vector.broadcast %add3A_966 : i32 to vector<16xi32>
        %add3A_968 = arith.addi %scan3A_746, %add3A_967 : vector<16xi32>
        %get3A_969 = arith.constant 0 : i32
        %get3A_970 = arith.constant 0 : i32
        %get3A_971 = tpu.memref_slice %arg6[%scan3A_520, %get3A_969, %get3A_970] : memref<5x128x64xf32, #tpu.memory_space<vmem>> -> memref<1x128x64xf32, #tpu.memory_space<vmem>>
        %get3A_972 = tpu.memref_squeeze %get3A_971 : memref<1x128x64xf32, #tpu.memory_space<vmem>> -> memref<128x64xf32, #tpu.memory_space<vmem>>
        %get3A_973 = arith.index_cast %add3A_965 : i32 to index
        %get3A_974 = arith.constant 0 : index
        %get3A_975 = tpu.vector_load %get3A_972[%get3A_973, %get3A_974] {strides = array<i32>} : memref<128x64xf32, #tpu.memory_space<vmem>>, vector<16xf32>,
        %scatter3A_976 = arith.constant 0 : i32
        %scatter3A_977 = arith.constant 0 : i32
        %scatter3A_978 = arith.constant 0 : i32
        %scatter3A_979 = tpu.memref_slice %arg7[%scan3A_521, %scatter3A_976, %scatter3A_977, %scatter3A_978] : memref<5x8x8x129xf32, #tpu.memory_space<vmem>> -> memref<1x8x8x129xf32, #tpu.memory_space<vmem>>
        %scatter3A_980 = tpu.memref_squeeze %scatter3A_979 : memref<1x8x8x129xf32, #tpu.memory_space<vmem>> -> memref<8x8x129xf32, #tpu.memory_space<vmem>>
        tpu.vector_store_idx %scatter3A_980[%select_n3A, %select_n3A_234, %add3A_968], %get3A_975 : memref<8x8x129xf32, #tpu.memory_space<vmem>>[vector<16xi32>, vector<16xi32>, vector<16xi32>], vector<16xf32>,
        %get3A_981 = arith.constant 0 : i32
        %get3A_982 = arith.constant 0 : i32
        %get3A_983 = tpu.memref_slice %arg6[%scan3A_520, %get3A_981, %get3A_982] : memref<5x128x64xf32, #tpu.memory_space<vmem>> -> memref<1x128x64xf32, #tpu.memory_space<vmem>>
        %get3A_984 = tpu.memref_squeeze %get3A_983 : memref<1x128x64xf32, #tpu.memory_space<vmem>> -> memref<128x64xf32, #tpu.memory_space<vmem>>
        %get3A_985 = arith.index_cast %add3A_965 : i32 to index
        %get3A_986 = arith.constant 16 : index
        %get3A_987 = tpu.vector_load %get3A_984[%get3A_985, %get3A_986] {strides = array<i32>} : memref<128x64xf32, #tpu.memory_space<vmem>>, vector<16xf32>,
        %scatter3A_988 = arith.constant 0 : i32
        %scatter3A_989 = arith.constant 0 : i32
        %scatter3A_990 = arith.constant 0 : i32
        %scatter3A_991 = tpu.memref_slice %arg7[%scan3A_521, %scatter3A_988, %scatter3A_989, %scatter3A_990] : memref<5x8x8x129xf32, #tpu.memory_space<vmem>> -> memref<1x8x8x129xf32, #tpu.memory_space<vmem>>
        %scatter3A_992 = tpu.memref_squeeze %scatter3A_991 : memref<1x8x8x129xf32, #tpu.memory_space<vmem>> -> memref<8x8x129xf32, #tpu.memory_space<vmem>>
        tpu.vector_store_idx %scatter3A_992[%select_n3A_152, %select_n3A_256, %add3A_968], %get3A_987 : memref<8x8x129xf32, #tpu.memory_space<vmem>>[vector<16xi32>, vector<16xi32>, vector<16xi32>], vector<16xf32>,
        %get3A_993 = arith.constant 0 : i32
        %get3A_994 = arith.constant 0 : i32
        %get3A_995 = tpu.memref_slice %arg6[%scan3A_520, %get3A_993, %get3A_994] : memref<5x128x64xf32, #tpu.memory_space<vmem>> -> memref<1x128x64xf32, #tpu.memory_space<vmem>>
        %get3A_996 = tpu.memref_squeeze %get3A_995 : memref<1x128x64xf32, #tpu.memory_space<vmem>> -> memref<128x64xf32, #tpu.memory_space<vmem>>
        %get3A_997 = arith.index_cast %add3A_965 : i32 to index
        %get3A_998 = arith.constant 32 : index
        %get3A_999 = tpu.vector_load %get3A_996[%get3A_997, %get3A_998] {strides = array<i32>} : memref<128x64xf32, #tpu.memory_space<vmem>>, vector<16xf32>,
        %scatter3A_1000 = arith.constant 0 : i32
        %scatter3A_1001 = arith.constant 0 : i32
        %scatter3A_1002 = arith.constant 0 : i32
        %scatter3A_1003 = tpu.memref_slice %arg7[%scan3A_521, %scatter3A_1000, %scatter3A_1001, %scatter3A_1002] : memref<5x8x8x129xf32, #tpu.memory_space<vmem>> -> memref<1x8x8x129xf32, #tpu.memory_space<vmem>>
        %scatter3A_1004 = tpu.memref_squeeze %scatter3A_1003 : memref<1x8x8x129xf32, #tpu.memory_space<vmem>> -> memref<8x8x129xf32, #tpu.memory_space<vmem>>
        tpu.vector_store_idx %scatter3A_1004[%select_n3A_183, %select_n3A_278, %add3A_968], %get3A_999 : memref<8x8x129xf32, #tpu.memory_space<vmem>>[vector<16xi32>, vector<16xi32>, vector<16xi32>], vector<16xf32>,
        %get3A_1005 = arith.constant 0 : i32
        %get3A_1006 = arith.constant 0 : i32
        %get3A_1007 = tpu.memref_slice %arg6[%scan3A_520, %get3A_1005, %get3A_1006] : memref<5x128x64xf32, #tpu.memory_space<vmem>> -> memref<1x128x64xf32, #tpu.memory_space<vmem>>
        %get3A_1008 = tpu.memref_squeeze %get3A_1007 : memref<1x128x64xf32, #tpu.memory_space<vmem>> -> memref<128x64xf32, #tpu.memory_space<vmem>>
        %get3A_1009 = arith.index_cast %add3A_965 : i32 to index
        %get3A_1010 = arith.constant 48 : index
        %get3A_1011 = tpu.vector_load %get3A_1008[%get3A_1009, %get3A_1010] {strides = array<i32>} : memref<128x64xf32, #tpu.memory_space<vmem>>, vector<16xf32>,
        %scatter3A_1012 = arith.constant 0 : i32
        %scatter3A_1013 = arith.constant 0 : i32
        %scatter3A_1014 = arith.constant 0 : i32
        %scatter3A_1015 = tpu.memref_slice %arg7[%scan3A_521, %scatter3A_1012, %scatter3A_1013, %scatter3A_1014] : memref<5x8x8x129xf32, #tpu.memory_space<vmem>> -> memref<1x8x8x129xf32, #tpu.memory_space<vmem>>
        %scatter3A_1016 = tpu.memref_squeeze %scatter3A_1015 : memref<1x8x8x129xf32, #tpu.memory_space<vmem>> -> memref<8x8x129xf32, #tpu.memory_space<vmem>>
        tpu.vector_store_idx %scatter3A_1016[%select_n3A_214, %select_n3A_300, %add3A_968], %get3A_1011 : memref<8x8x129xf32, #tpu.memory_space<vmem>>[vector<16xi32>, vector<16xi32>, vector<16xi32>], vector<16xf32>,
        %mul3A_1017 = arith.constant 8 : i32
        %mul3A_1018 = arith.muli %mul3A_1017, %scan3A_745 : i32
        %add3A_1019 = arith.constant 5 : i32
        %add3A_1020 = arith.addi %mul3A_1018, %add3A_1019 : i32
        %add3A_1021 = arith.constant 5 : i32
        %add3A_1022 = vector.broadcast %add3A_1021 : i32 to vector<16xi32>
        %add3A_1023 = arith.addi %scan3A_746, %add3A_1022 : vector<16xi32>
        %get3A_1024 = arith.constant 0 : i32
        %get3A_1025 = arith.constant 0 : i32
        %get3A_1026 = tpu.memref_slice %arg6[%scan3A_520, %get3A_1024, %get3A_1025] : memref<5x128x64xf32, #tpu.memory_space<vmem>> -> memref<1x128x64xf32, #tpu.memory_space<vmem>>
        %get3A_1027 = tpu.memref_squeeze %get3A_1026 : memref<1x128x64xf32, #tpu.memory_space<vmem>> -> memref<128x64xf32, #tpu.memory_space<vmem>>
        %get3A_1028 = arith.index_cast %add3A_1020 : i32 to index
        %get3A_1029 = arith.constant 0 : index
        %get3A_1030 = tpu.vector_load %get3A_1027[%get3A_1028, %get3A_1029] {strides = array<i32>} : memref<128x64xf32, #tpu.memory_space<vmem>>, vector<16xf32>,
        %scatter3A_1031 = arith.constant 0 : i32
        %scatter3A_1032 = arith.constant 0 : i32
        %scatter3A_1033 = arith.constant 0 : i32
        %scatter3A_1034 = tpu.memref_slice %arg7[%scan3A_521, %scatter3A_1031, %scatter3A_1032, %scatter3A_1033] : memref<5x8x8x129xf32, #tpu.memory_space<vmem>> -> memref<1x8x8x129xf32, #tpu.memory_space<vmem>>
        %scatter3A_1035 = tpu.memref_squeeze %scatter3A_1034 : memref<1x8x8x129xf32, #tpu.memory_space<vmem>> -> memref<8x8x129xf32, #tpu.memory_space<vmem>>
        tpu.vector_store_idx %scatter3A_1035[%select_n3A, %select_n3A_234, %add3A_1023], %get3A_1030 : memref<8x8x129xf32, #tpu.memory_space<vmem>>[vector<16xi32>, vector<16xi32>, vector<16xi32>], vector<16xf32>,
        %get3A_1036 = arith.constant 0 : i32
        %get3A_1037 = arith.constant 0 : i32
        %get3A_1038 = tpu.memref_slice %arg6[%scan3A_520, %get3A_1036, %get3A_1037] : memref<5x128x64xf32, #tpu.memory_space<vmem>> -> memref<1x128x64xf32, #tpu.memory_space<vmem>>
        %get3A_1039 = tpu.memref_squeeze %get3A_1038 : memref<1x128x64xf32, #tpu.memory_space<vmem>> -> memref<128x64xf32, #tpu.memory_space<vmem>>
        %get3A_1040 = arith.index_cast %add3A_1020 : i32 to index
        %get3A_1041 = arith.constant 16 : index
        %get3A_1042 = tpu.vector_load %get3A_1039[%get3A_1040, %get3A_1041] {strides = array<i32>} : memref<128x64xf32, #tpu.memory_space<vmem>>, vector<16xf32>,
        %scatter3A_1043 = arith.constant 0 : i32
        %scatter3A_1044 = arith.constant 0 : i32
        %scatter3A_1045 = arith.constant 0 : i32
        %scatter3A_1046 = tpu.memref_slice %arg7[%scan3A_521, %scatter3A_1043, %scatter3A_1044, %scatter3A_1045] : memref<5x8x8x129xf32, #tpu.memory_space<vmem>> -> memref<1x8x8x129xf32, #tpu.memory_space<vmem>>
        %scatter3A_1047 = tpu.memref_squeeze %scatter3A_1046 : memref<1x8x8x129xf32, #tpu.memory_space<vmem>> -> memref<8x8x129xf32, #tpu.memory_space<vmem>>
        tpu.vector_store_idx %scatter3A_1047[%select_n3A_152, %select_n3A_256, %add3A_1023], %get3A_1042 : memref<8x8x129xf32, #tpu.memory_space<vmem>>[vector<16xi32>, vector<16xi32>, vector<16xi32>], vector<16xf32>,
        %get3A_1048 = arith.constant 0 : i32
        %get3A_1049 = arith.constant 0 : i32
        %get3A_1050 = tpu.memref_slice %arg6[%scan3A_520, %get3A_1048, %get3A_1049] : memref<5x128x64xf32, #tpu.memory_space<vmem>> -> memref<1x128x64xf32, #tpu.memory_space<vmem>>
        %get3A_1051 = tpu.memref_squeeze %get3A_1050 : memref<1x128x64xf32, #tpu.memory_space<vmem>> -> memref<128x64xf32, #tpu.memory_space<vmem>>
        %get3A_1052 = arith.index_cast %add3A_1020 : i32 to index
        %get3A_1053 = arith.constant 32 : index
        %get3A_1054 = tpu.vector_load %get3A_1051[%get3A_1052, %get3A_1053] {strides = array<i32>} : memref<128x64xf32, #tpu.memory_space<vmem>>, vector<16xf32>,
        %scatter3A_1055 = arith.constant 0 : i32
        %scatter3A_1056 = arith.constant 0 : i32
        %scatter3A_1057 = arith.constant 0 : i32
        %scatter3A_1058 = tpu.memref_slice %arg7[%scan3A_521, %scatter3A_1055, %scatter3A_1056, %scatter3A_1057] : memref<5x8x8x129xf32, #tpu.memory_space<vmem>> -> memref<1x8x8x129xf32, #tpu.memory_space<vmem>>
        %scatter3A_1059 = tpu.memref_squeeze %scatter3A_1058 : memref<1x8x8x129xf32, #tpu.memory_space<vmem>> -> memref<8x8x129xf32, #tpu.memory_space<vmem>>
        tpu.vector_store_idx %scatter3A_1059[%select_n3A_183, %select_n3A_278, %add3A_1023], %get3A_1054 : memref<8x8x129xf32, #tpu.memory_space<vmem>>[vector<16xi32>, vector<16xi32>, vector<16xi32>], vector<16xf32>,
        %get3A_1060 = arith.constant 0 : i32
        %get3A_1061 = arith.constant 0 : i32
        %get3A_1062 = tpu.memref_slice %arg6[%scan3A_520, %get3A_1060, %get3A_1061] : memref<5x128x64xf32, #tpu.memory_space<vmem>> -> memref<1x128x64xf32, #tpu.memory_space<vmem>>
        %get3A_1063 = tpu.memref_squeeze %get3A_1062 : memref<1x128x64xf32, #tpu.memory_space<vmem>> -> memref<128x64xf32, #tpu.memory_space<vmem>>
        %get3A_1064 = arith.index_cast %add3A_1020 : i32 to index
        %get3A_1065 = arith.constant 48 : index
        %get3A_1066 = tpu.vector_load %get3A_1063[%get3A_1064, %get3A_1065] {strides = array<i32>} : memref<128x64xf32, #tpu.memory_space<vmem>>, vector<16xf32>,
        %scatter3A_1067 = arith.constant 0 : i32
        %scatter3A_1068 = arith.constant 0 : i32
        %scatter3A_1069 = arith.constant 0 : i32
        %scatter3A_1070 = tpu.memref_slice %arg7[%scan3A_521, %scatter3A_1067, %scatter3A_1068, %scatter3A_1069] : memref<5x8x8x129xf32, #tpu.memory_space<vmem>> -> memref<1x8x8x129xf32, #tpu.memory_space<vmem>>
        %scatter3A_1071 = tpu.memref_squeeze %scatter3A_1070 : memref<1x8x8x129xf32, #tpu.memory_space<vmem>> -> memref<8x8x129xf32, #tpu.memory_space<vmem>>
        tpu.vector_store_idx %scatter3A_1071[%select_n3A_214, %select_n3A_300, %add3A_1023], %get3A_1066 : memref<8x8x129xf32, #tpu.memory_space<vmem>>[vector<16xi32>, vector<16xi32>, vector<16xi32>], vector<16xf32>,
        %mul3A_1072 = arith.constant 8 : i32
        %mul3A_1073 = arith.muli %mul3A_1072, %scan3A_745 : i32
        %add3A_1074 = arith.constant 6 : i32
        %add3A_1075 = arith.addi %mul3A_1073, %add3A_1074 : i32
        %add3A_1076 = arith.constant 6 : i32
        %add3A_1077 = vector.broadcast %add3A_1076 : i32 to vector<16xi32>
        %add3A_1078 = arith.addi %scan3A_746, %add3A_1077 : vector<16xi32>
        %get3A_1079 = arith.constant 0 : i32
        %get3A_1080 = arith.constant 0 : i32
        %get3A_1081 = tpu.memref_slice %arg6[%scan3A_520, %get3A_1079, %get3A_1080] : memref<5x128x64xf32, #tpu.memory_space<vmem>> -> memref<1x128x64xf32, #tpu.memory_space<vmem>>
        %get3A_1082 = tpu.memref_squeeze %get3A_1081 : memref<1x128x64xf32, #tpu.memory_space<vmem>> -> memref<128x64xf32, #tpu.memory_space<vmem>>
        %get3A_1083 = arith.index_cast %add3A_1075 : i32 to index
        %get3A_1084 = arith.constant 0 : index
        %get3A_1085 = tpu.vector_load %get3A_1082[%get3A_1083, %get3A_1084] {strides = array<i32>} : memref<128x64xf32, #tpu.memory_space<vmem>>, vector<16xf32>,
        %scatter3A_1086 = arith.constant 0 : i32
        %scatter3A_1087 = arith.constant 0 : i32
        %scatter3A_1088 = arith.constant 0 : i32
        %scatter3A_1089 = tpu.memref_slice %arg7[%scan3A_521, %scatter3A_1086, %scatter3A_1087, %scatter3A_1088] : memref<5x8x8x129xf32, #tpu.memory_space<vmem>> -> memref<1x8x8x129xf32, #tpu.memory_space<vmem>>
        %scatter3A_1090 = tpu.memref_squeeze %scatter3A_1089 : memref<1x8x8x129xf32, #tpu.memory_space<vmem>> -> memref<8x8x129xf32, #tpu.memory_space<vmem>>
        tpu.vector_store_idx %scatter3A_1090[%select_n3A, %select_n3A_234, %add3A_1078], %get3A_1085 : memref<8x8x129xf32, #tpu.memory_space<vmem>>[vector<16xi32>, vector<16xi32>, vector<16xi32>], vector<16xf32>,
        %get3A_1091 = arith.constant 0 : i32
        %get3A_1092 = arith.constant 0 : i32
        %get3A_1093 = tpu.memref_slice %arg6[%scan3A_520, %get3A_1091, %get3A_1092] : memref<5x128x64xf32, #tpu.memory_space<vmem>> -> memref<1x128x64xf32, #tpu.memory_space<vmem>>
        %get3A_1094 = tpu.memref_squeeze %get3A_1093 : memref<1x128x64xf32, #tpu.memory_space<vmem>> -> memref<128x64xf32, #tpu.memory_space<vmem>>
        %get3A_1095 = arith.index_cast %add3A_1075 : i32 to index
        %get3A_1096 = arith.constant 16 : index
        %get3A_1097 = tpu.vector_load %get3A_1094[%get3A_1095, %get3A_1096] {strides = array<i32>} : memref<128x64xf32, #tpu.memory_space<vmem>>, vector<16xf32>,
        %scatter3A_1098 = arith.constant 0 : i32
        %scatter3A_1099 = arith.constant 0 : i32
        %scatter3A_1100 = arith.constant 0 : i32
        %scatter3A_1101 = tpu.memref_slice %arg7[%scan3A_521, %scatter3A_1098, %scatter3A_1099, %scatter3A_1100] : memref<5x8x8x129xf32, #tpu.memory_space<vmem>> -> memref<1x8x8x129xf32, #tpu.memory_space<vmem>>
        %scatter3A_1102 = tpu.memref_squeeze %scatter3A_1101 : memref<1x8x8x129xf32, #tpu.memory_space<vmem>> -> memref<8x8x129xf32, #tpu.memory_space<vmem>>
        tpu.vector_store_idx %scatter3A_1102[%select_n3A_152, %select_n3A_256, %add3A_1078], %get3A_1097 : memref<8x8x129xf32, #tpu.memory_space<vmem>>[vector<16xi32>, vector<16xi32>, vector<16xi32>], vector<16xf32>,
        %get3A_1103 = arith.constant 0 : i32
        %get3A_1104 = arith.constant 0 : i32
        %get3A_1105 = tpu.memref_slice %arg6[%scan3A_520, %get3A_1103, %get3A_1104] : memref<5x128x64xf32, #tpu.memory_space<vmem>> -> memref<1x128x64xf32, #tpu.memory_space<vmem>>
        %get3A_1106 = tpu.memref_squeeze %get3A_1105 : memref<1x128x64xf32, #tpu.memory_space<vmem>> -> memref<128x64xf32, #tpu.memory_space<vmem>>
        %get3A_1107 = arith.index_cast %add3A_1075 : i32 to index
        %get3A_1108 = arith.constant 32 : index
        %get3A_1109 = tpu.vector_load %get3A_1106[%get3A_1107, %get3A_1108] {strides = array<i32>} : memref<128x64xf32, #tpu.memory_space<vmem>>, vector<16xf32>,
        %scatter3A_1110 = arith.constant 0 : i32
        %scatter3A_1111 = arith.constant 0 : i32
        %scatter3A_1112 = arith.constant 0 : i32
        %scatter3A_1113 = tpu.memref_slice %arg7[%scan3A_521, %scatter3A_1110, %scatter3A_1111, %scatter3A_1112] : memref<5x8x8x129xf32, #tpu.memory_space<vmem>> -> memref<1x8x8x129xf32, #tpu.memory_space<vmem>>
        %scatter3A_1114 = tpu.memref_squeeze %scatter3A_1113 : memref<1x8x8x129xf32, #tpu.memory_space<vmem>> -> memref<8x8x129xf32, #tpu.memory_space<vmem>>
        tpu.vector_store_idx %scatter3A_1114[%select_n3A_183, %select_n3A_278, %add3A_1078], %get3A_1109 : memref<8x8x129xf32, #tpu.memory_space<vmem>>[vector<16xi32>, vector<16xi32>, vector<16xi32>], vector<16xf32>,
        %get3A_1115 = arith.constant 0 : i32
        %get3A_1116 = arith.constant 0 : i32
        %get3A_1117 = tpu.memref_slice %arg6[%scan3A_520, %get3A_1115, %get3A_1116] : memref<5x128x64xf32, #tpu.memory_space<vmem>> -> memref<1x128x64xf32, #tpu.memory_space<vmem>>
        %get3A_1118 = tpu.memref_squeeze %get3A_1117 : memref<1x128x64xf32, #tpu.memory_space<vmem>> -> memref<128x64xf32, #tpu.memory_space<vmem>>
        %get3A_1119 = arith.index_cast %add3A_1075 : i32 to index
        %get3A_1120 = arith.constant 48 : index
        %get3A_1121 = tpu.vector_load %get3A_1118[%get3A_1119, %get3A_1120] {strides = array<i32>} : memref<128x64xf32, #tpu.memory_space<vmem>>, vector<16xf32>,
        %scatter3A_1122 = arith.constant 0 : i32
        %scatter3A_1123 = arith.constant 0 : i32
        %scatter3A_1124 = arith.constant 0 : i32
        %scatter3A_1125 = tpu.memref_slice %arg7[%scan3A_521, %scatter3A_1122, %scatter3A_1123, %scatter3A_1124] : memref<5x8x8x129xf32, #tpu.memory_space<vmem>> -> memref<1x8x8x129xf32, #tpu.memory_space<vmem>>
        %scatter3A_1126 = tpu.memref_squeeze %scatter3A_1125 : memref<1x8x8x129xf32, #tpu.memory_space<vmem>> -> memref<8x8x129xf32, #tpu.memory_space<vmem>>
        tpu.vector_store_idx %scatter3A_1126[%select_n3A_214, %select_n3A_300, %add3A_1078], %get3A_1121 : memref<8x8x129xf32, #tpu.memory_space<vmem>>[vector<16xi32>, vector<16xi32>, vector<16xi32>], vector<16xf32>,
        %mul3A_1127 = arith.constant 8 : i32
        %mul3A_1128 = arith.muli %mul3A_1127, %scan3A_745 : i32
        %add3A_1129 = arith.constant 7 : i32
        %add3A_1130 = arith.addi %mul3A_1128, %add3A_1129 : i32
        %add3A_1131 = arith.constant 7 : i32
        %add3A_1132 = vector.broadcast %add3A_1131 : i32 to vector<16xi32>
        %add3A_1133 = arith.addi %scan3A_746, %add3A_1132 : vector<16xi32>
        %get3A_1134 = arith.constant 0 : i32
        %get3A_1135 = arith.constant 0 : i32
        %get3A_1136 = tpu.memref_slice %arg6[%scan3A_520, %get3A_1134, %get3A_1135] : memref<5x128x64xf32, #tpu.memory_space<vmem>> -> memref<1x128x64xf32, #tpu.memory_space<vmem>>
        %get3A_1137 = tpu.memref_squeeze %get3A_1136 : memref<1x128x64xf32, #tpu.memory_space<vmem>> -> memref<128x64xf32, #tpu.memory_space<vmem>>
        %get3A_1138 = arith.index_cast %add3A_1130 : i32 to index
        %get3A_1139 = arith.constant 0 : index
        %get3A_1140 = tpu.vector_load %get3A_1137[%get3A_1138, %get3A_1139] {strides = array<i32>} : memref<128x64xf32, #tpu.memory_space<vmem>>, vector<16xf32>,
        %scatter3A_1141 = arith.constant 0 : i32
        %scatter3A_1142 = arith.constant 0 : i32
        %scatter3A_1143 = arith.constant 0 : i32
        %scatter3A_1144 = tpu.memref_slice %arg7[%scan3A_521, %scatter3A_1141, %scatter3A_1142, %scatter3A_1143] : memref<5x8x8x129xf32, #tpu.memory_space<vmem>> -> memref<1x8x8x129xf32, #tpu.memory_space<vmem>>
        %scatter3A_1145 = tpu.memref_squeeze %scatter3A_1144 : memref<1x8x8x129xf32, #tpu.memory_space<vmem>> -> memref<8x8x129xf32, #tpu.memory_space<vmem>>
        tpu.vector_store_idx %scatter3A_1145[%select_n3A, %select_n3A_234, %add3A_1133], %get3A_1140 : memref<8x8x129xf32, #tpu.memory_space<vmem>>[vector<16xi32>, vector<16xi32>, vector<16xi32>], vector<16xf32>,
        %get3A_1146 = arith.constant 0 : i32
        %get3A_1147 = arith.constant 0 : i32
        %get3A_1148 = tpu.memref_slice %arg6[%scan3A_520, %get3A_1146, %get3A_1147] : memref<5x128x64xf32, #tpu.memory_space<vmem>> -> memref<1x128x64xf32, #tpu.memory_space<vmem>>
        %get3A_1149 = tpu.memref_squeeze %get3A_1148 : memref<1x128x64xf32, #tpu.memory_space<vmem>> -> memref<128x64xf32, #tpu.memory_space<vmem>>
        %get3A_1150 = arith.index_cast %add3A_1130 : i32 to index
        %get3A_1151 = arith.constant 16 : index
        %get3A_1152 = tpu.vector_load %get3A_1149[%get3A_1150, %get3A_1151] {strides = array<i32>} : memref<128x64xf32, #tpu.memory_space<vmem>>, vector<16xf32>,
        %scatter3A_1153 = arith.constant 0 : i32
        %scatter3A_1154 = arith.constant 0 : i32
        %scatter3A_1155 = arith.constant 0 : i32
        %scatter3A_1156 = tpu.memref_slice %arg7[%scan3A_521, %scatter3A_1153, %scatter3A_1154, %scatter3A_1155] : memref<5x8x8x129xf32, #tpu.memory_space<vmem>> -> memref<1x8x8x129xf32, #tpu.memory_space<vmem>>
        %scatter3A_1157 = tpu.memref_squeeze %scatter3A_1156 : memref<1x8x8x129xf32, #tpu.memory_space<vmem>> -> memref<8x8x129xf32, #tpu.memory_space<vmem>>
        tpu.vector_store_idx %scatter3A_1157[%select_n3A_152, %select_n3A_256, %add3A_1133], %get3A_1152 : memref<8x8x129xf32, #tpu.memory_space<vmem>>[vector<16xi32>, vector<16xi32>, vector<16xi32>], vector<16xf32>,
        %get3A_1158 = arith.constant 0 : i32
        %get3A_1159 = arith.constant 0 : i32
        %get3A_1160 = tpu.memref_slice %arg6[%scan3A_520, %get3A_1158, %get3A_1159] : memref<5x128x64xf32, #tpu.memory_space<vmem>> -> memref<1x128x64xf32, #tpu.memory_space<vmem>>
        %get3A_1161 = tpu.memref_squeeze %get3A_1160 : memref<1x128x64xf32, #tpu.memory_space<vmem>> -> memref<128x64xf32, #tpu.memory_space<vmem>>
        %get3A_1162 = arith.index_cast %add3A_1130 : i32 to index
        %get3A_1163 = arith.constant 32 : index
        %get3A_1164 = tpu.vector_load %get3A_1161[%get3A_1162, %get3A_1163] {strides = array<i32>} : memref<128x64xf32, #tpu.memory_space<vmem>>, vector<16xf32>,
        %scatter3A_1165 = arith.constant 0 : i32
        %scatter3A_1166 = arith.constant 0 : i32
        %scatter3A_1167 = arith.constant 0 : i32
        %scatter3A_1168 = tpu.memref_slice %arg7[%scan3A_521, %scatter3A_1165, %scatter3A_1166, %scatter3A_1167] : memref<5x8x8x129xf32, #tpu.memory_space<vmem>> -> memref<1x8x8x129xf32, #tpu.memory_space<vmem>>
        %scatter3A_1169 = tpu.memref_squeeze %scatter3A_1168 : memref<1x8x8x129xf32, #tpu.memory_space<vmem>> -> memref<8x8x129xf32, #tpu.memory_space<vmem>>
        tpu.vector_store_idx %scatter3A_1169[%select_n3A_183, %select_n3A_278, %add3A_1133], %get3A_1164 : memref<8x8x129xf32, #tpu.memory_space<vmem>>[vector<16xi32>, vector<16xi32>, vector<16xi32>], vector<16xf32>,
        %get3A_1170 = arith.constant 0 : i32
        %get3A_1171 = arith.constant 0 : i32
        %get3A_1172 = tpu.memref_slice %arg6[%scan3A_520, %get3A_1170, %get3A_1171] : memref<5x128x64xf32, #tpu.memory_space<vmem>> -> memref<1x128x64xf32, #tpu.memory_space<vmem>>
        %get3A_1173 = tpu.memref_squeeze %get3A_1172 : memref<1x128x64xf32, #tpu.memory_space<vmem>> -> memref<128x64xf32, #tpu.memory_space<vmem>>
        %get3A_1174 = arith.index_cast %add3A_1130 : i32 to index
        %get3A_1175 = arith.constant 48 : index
        %get3A_1176 = tpu.vector_load %get3A_1173[%get3A_1174, %get3A_1175] {strides = array<i32>} : memref<128x64xf32, #tpu.memory_space<vmem>>, vector<16xf32>,
        %scatter3A_1177 = arith.constant 0 : i32
        %scatter3A_1178 = arith.constant 0 : i32
        %scatter3A_1179 = arith.constant 0 : i32
        %scatter3A_1180 = tpu.memref_slice %arg7[%scan3A_521, %scatter3A_1177, %scatter3A_1178, %scatter3A_1179] : memref<5x8x8x129xf32, #tpu.memory_space<vmem>> -> memref<1x8x8x129xf32, #tpu.memory_space<vmem>>
        %scatter3A_1181 = tpu.memref_squeeze %scatter3A_1180 : memref<1x8x8x129xf32, #tpu.memory_space<vmem>> -> memref<8x8x129xf32, #tpu.memory_space<vmem>>
        tpu.vector_store_idx %scatter3A_1181[%select_n3A_214, %select_n3A_300, %add3A_1133], %get3A_1176 : memref<8x8x129xf32, #tpu.memory_space<vmem>>[vector<16xi32>, vector<16xi32>, vector<16xi32>], vector<16xf32>,
        %add3A_1182 = arith.constant 8 : i32
        %add3A_1183 = vector.broadcast %add3A_1182 : i32 to vector<16xi32>
        %add3A_1184 = arith.addi %scan3A_746, %add3A_1183 : vector<16xi32>
        scf.yield %add3A_1184 : vector<16xi32>
      }
      %scan3A_527 = arith.constant 16 : i32
      %dma_start3A_528 = arith.constant 1 : i32
      %dma_start3A_529 = arith.constant 1 : i32
      %dma_start3A_530 = arith.constant 0 : i32
      %dma_start3A_531 = arith.constant 0 : i32
      %dma_start3A_532 = arith.constant 0 : i32
      %dma_start3A_533 = tpu.memref_slice %arg7[%dma_start3A_528, %dma_start3A_530, %dma_start3A_531, %dma_start3A_532] : memref<5x8x8x129xf32, #tpu.memory_space<vmem>> -> memref<1x8x8x128xf32, #tpu.memory_space<vmem>>
      %dma_start3A_534 = tpu.memref_squeeze %dma_start3A_533 : memref<1x8x8x128xf32, #tpu.memory_space<vmem>> -> memref<8x8x128xf32, #tpu.memory_space<vmem>>
      %dma_start3A_535 = arith.constant 0 : i32
      %dma_start3A_536 = arith.constant 0 : i32
      %dma_start3A_537 = arith.constant 0 : i32
      %dma_start3A_538 = tpu.memref_slice %arg4[%add3A_500, %dma_start3A_535, %add3A, %dma_start3A_536, %dma_start3A_537] : memref<200x8x32x8x128xf32, #tpu.memory_space<hbm>> -> memref<1x8x1x8x128xf32, #tpu.memory_space<hbm>>
      %dma_start3A_539 = tpu.memref_squeeze %dma_start3A_538 : memref<1x8x1x8x128xf32, #tpu.memory_space<hbm>> -> memref<8x8x128xf32, #tpu.memory_space<hbm>>
      %dma_start3A_540 = tpu.memref_slice %arg9[%dma_start3A_529] : memref<5x!tpu.dma_semaphore, #tpu.memory_space<semaphore_mem>> -> memref<1x!tpu.dma_semaphore, #tpu.memory_space<semaphore_mem>>
      %dma_start3A_541 = tpu.memref_squeeze %dma_start3A_540 : memref<1x!tpu.dma_semaphore, #tpu.memory_space<semaphore_mem>> -> memref<!tpu.dma_semaphore, #tpu.memory_space<semaphore_mem>>
      %dma_start3A_542 = arith.constant 0 : i32
      %dma_start3A_543 = arith.constant 0 : i32
      %dma_start3A_544 = arith.constant 0 : i32
      %dma_start3A_545 = tpu.memref_slice %arg4[%add3A_500, %dma_start3A_542, %add3A, %dma_start3A_543, %dma_start3A_544] : memref<200x8x32x8x128xf32, #tpu.memory_space<hbm>> -> memref<1x8x1x8x128xf32, #tpu.memory_space<hbm>>
      %dma_start3A_546 = tpu.memref_squeeze %dma_start3A_545 : memref<1x8x1x8x128xf32, #tpu.memory_space<hbm>> -> memref<8x8x128xf32, #tpu.memory_space<hbm>>
      %dma_start3A_547 = arith.constant 0 : i32
      %dma_start3A_548 = arith.constant 0 : i32
      %dma_start3A_549 = arith.constant 0 : i32
      %dma_start3A_550 = tpu.memref_slice %arg7[%dma_start3A_528, %dma_start3A_547, %dma_start3A_548, %dma_start3A_549] : memref<5x8x8x129xf32, #tpu.memory_space<vmem>> -> memref<1x8x8x128xf32, #tpu.memory_space<vmem>>
      %dma_start3A_551 = tpu.memref_squeeze %dma_start3A_550 : memref<1x8x8x128xf32, #tpu.memory_space<vmem>> -> memref<8x8x128xf32, #tpu.memory_space<vmem>>
      tpu.enqueue_dma source(%dma_start3A_551 : memref<8x8x128xf32, #tpu.memory_space<vmem>>) target(%dma_start3A_546 : memref<8x8x128xf32, #tpu.memory_space<hbm>>) target_semaphore(%dma_start3A_541 : memref<!tpu.dma_semaphore, #tpu.memory_space<semaphore_mem>>)
      %add3A_552 = arith.constant 5 : i32
      %add3A_553 = arith.addi %add3A_500, %add3A_552 : i32
      %lt3A_554 = arith.constant 200 : i32
      %lt3A_555 = arith.cmpi slt, %add3A_553, %lt3A_554 : i32
      %convert_element_type3A_556 = arith.extui %lt3A_555 : i1 to i32
      %cond3A_557 = arith.constant 0 : i32
      %cond3A_558 = arith.cmpi ne, %convert_element_type3A_556, %cond3A_557 : i32
      scf.if %cond3A_558 {
        %dma_start3A_745 = arith.constant 1 : i32
        %dma_start3A_746 = arith.constant 1 : i32
        %dma_start3A_747 = arith.constant 0 : i32
        %dma_start3A_748 = arith.constant 0 : i32
        %dma_start3A_749 = tpu.memref_slice %arg6[%dma_start3A_745, %dma_start3A_747, %dma_start3A_748] : memref<5x128x64xf32, #tpu.memory_space<vmem>> -> memref<1x128x64xf32, #tpu.memory_space<vmem>>
        %dma_start3A_750 = tpu.memref_squeeze %dma_start3A_749 : memref<1x128x64xf32, #tpu.memory_space<vmem>> -> memref<128x64xf32, #tpu.memory_space<vmem>>
        %dma_start3A_751 = arith.constant 0 : i32
        %dma_start3A_752 = tpu.memref_slice %arg5[%add3A_553, %dma_start3A_751] : memref<200x128xi32, #tpu.memory_space<vmem>> -> memref<1x128xi32, #tpu.memory_space<vmem>>
        %dma_start3A_753 = tpu.memref_squeeze %dma_start3A_752 : memref<1x128xi32, #tpu.memory_space<vmem>> -> memref<128xi32, #tpu.memory_space<vmem>>
        %dma_start3A_754 = arith.constant 0 : i32
        %dma_start3A_755 = arith.constant 0 : i32
        %dma_start3A_756 = tpu.memref_slice %arg3[%dma_start3A_754, %dma_start3A_755] : memref<1000000x64xf32, #tpu.memory_space<hbm>> -> memref<1000000x64xf32, #tpu.memory_space<hbm>>
        %dma_start3A_757 = tpu.memref_slice %arg8[%dma_start3A_746] : memref<5x!tpu.dma_semaphore, #tpu.memory_space<semaphore_mem>> -> memref<1x!tpu.dma_semaphore, #tpu.memory_space<semaphore_mem>>
        %dma_start3A_758 = tpu.memref_squeeze %dma_start3A_757 : memref<1x!tpu.dma_semaphore, #tpu.memory_space<semaphore_mem>> -> memref<!tpu.dma_semaphore, #tpu.memory_space<semaphore_mem>>
        tpu.enqueue_indirect_dma source(%dma_start3A_756 : memref<1000000x64xf32, #tpu.memory_space<hbm>>) target(%dma_start3A_750 : memref<128x64xf32, #tpu.memory_space<vmem>>) offsets(%dma_start3A_753 : memref<128xi32, #tpu.memory_space<vmem>>) semaphore(%dma_start3A_758 : memref<!tpu.dma_semaphore, #tpu.memory_space<semaphore_mem>>)
      } else {
      }
      %mul3A_559 = arith.constant 5 : i32
      %mul3A_560 = arith.muli %scan3A_437, %mul3A_559 : i32
      %add3A_561 = arith.constant 2 : i32
      %add3A_562 = arith.addi %mul3A_560, %add3A_561 : i32
      %dma_wait3A_563 = arith.constant 2 : i32
      %dma_wait3A_564 = arith.constant 2 : i32
      %dma_wait3A_565 = arith.constant 0 : i32
      %dma_wait3A_566 = arith.constant 0 : i32
      %dma_wait3A_567 = tpu.memref_slice %arg6[%dma_wait3A_563, %dma_wait3A_565, %dma_wait3A_566] : memref<5x128x64xf32, #tpu.memory_space<vmem>> -> memref<1x128x64xf32, #tpu.memory_space<vmem>>
      %dma_wait3A_568 = tpu.memref_squeeze %dma_wait3A_567 : memref<1x128x64xf32, #tpu.memory_space<vmem>> -> memref<128x64xf32, #tpu.memory_space<vmem>>
      %dma_wait3A_569 = arith.constant 0 : i32
      %dma_wait3A_570 = tpu.memref_slice %arg5[%add3A_562, %dma_wait3A_569] : memref<200x128xi32, #tpu.memory_space<vmem>> -> memref<1x128xi32, #tpu.memory_space<vmem>>
      %dma_wait3A_571 = tpu.memref_squeeze %dma_wait3A_570 : memref<1x128xi32, #tpu.memory_space<vmem>> -> memref<128xi32, #tpu.memory_space<vmem>>
      %dma_wait3A_572 = arith.constant 0 : i32
      %dma_wait3A_573 = arith.constant 0 : i32
      %dma_wait3A_574 = tpu.memref_slice %arg3[%dma_wait3A_572, %dma_wait3A_573] : memref<1000000x64xf32, #tpu.memory_space<hbm>> -> memref<1000000x64xf32, #tpu.memory_space<hbm>>
      %dma_wait3A_575 = tpu.memref_slice %arg8[%dma_wait3A_564] : memref<5x!tpu.dma_semaphore, #tpu.memory_space<semaphore_mem>> -> memref<1x!tpu.dma_semaphore, #tpu.memory_space<semaphore_mem>>
      %dma_wait3A_576 = tpu.memref_squeeze %dma_wait3A_575 : memref<1x!tpu.dma_semaphore, #tpu.memory_space<semaphore_mem>> -> memref<!tpu.dma_semaphore, #tpu.memory_space<semaphore_mem>>
      tpu.wait_indirect_dma semaphore(%dma_wait3A_576 : memref<!tpu.dma_semaphore, #tpu.memory_space<semaphore_mem>>) src(%dma_wait3A_574 : memref<1000000x64xf32, #tpu.memory_space<hbm>>) dst(%dma_wait3A_568 : memref<128x64xf32, #tpu.memory_space<vmem>>)
      %ge3A_577 = arith.constant 5 : i32
      %ge3A_578 = arith.cmpi sge, %add3A_562, %ge3A_577 : i32
      %convert_element_type3A_579 = arith.extui %ge3A_578 : i1 to i32
      %cond3A_580 = arith.constant 0 : i32
      %cond3A_581 = arith.cmpi ne, %convert_element_type3A_579, %cond3A_580 : i32
      scf.if %cond3A_581 {
        %dma_wait3A_745 = arith.constant 2 : i32
        %dma_wait3A_746 = arith.constant 0 : i32
        %dma_wait3A_747 = arith.constant 0 : i32
        %dma_wait3A_748 = arith.constant 2 : i32
        %dma_wait3A_749 = arith.constant 0 : i32
        %dma_wait3A_750 = arith.constant 0 : i32
        %dma_wait3A_751 = arith.constant 0 : i32
        %dma_wait3A_752 = tpu.memref_slice %arg7[%dma_wait3A_745, %dma_wait3A_749, %dma_wait3A_750, %dma_wait3A_751] : memref<5x8x8x129xf32, #tpu.memory_space<vmem>> -> memref<1x8x8x128xf32, #tpu.memory_space<vmem>>
        %dma_wait3A_753 = tpu.memref_squeeze %dma_wait3A_752 : memref<1x8x8x128xf32, #tpu.memory_space<vmem>> -> memref<8x8x128xf32, #tpu.memory_space<vmem>>
        %dma_wait3A_754 = arith.constant 0 : i32
        %dma_wait3A_755 = arith.constant 0 : i32
        %dma_wait3A_756 = arith.constant 0 : i32
        %dma_wait3A_757 = tpu.memref_slice %arg4[%dma_wait3A_746, %dma_wait3A_754, %dma_wait3A_747, %dma_wait3A_755, %dma_wait3A_756] : memref<200x8x32x8x128xf32, #tpu.memory_space<hbm>> -> memref<1x8x1x8x128xf32, #tpu.memory_space<hbm>>
        %dma_wait3A_758 = tpu.memref_squeeze %dma_wait3A_757 : memref<1x8x1x8x128xf32, #tpu.memory_space<hbm>> -> memref<8x8x128xf32, #tpu.memory_space<hbm>>
        %dma_wait3A_759 = tpu.memref_slice %arg9[%dma_wait3A_748] : memref<5x!tpu.dma_semaphore, #tpu.memory_space<semaphore_mem>> -> memref<1x!tpu.dma_semaphore, #tpu.memory_space<semaphore_mem>>
        %dma_wait3A_760 = tpu.memref_squeeze %dma_wait3A_759 : memref<1x!tpu.dma_semaphore, #tpu.memory_space<semaphore_mem>> -> memref<!tpu.dma_semaphore, #tpu.memory_space<semaphore_mem>>
        %dma_wait3A_761 = arith.constant 0 : i32
        %dma_wait3A_762 = arith.constant 0 : i32
        %dma_wait3A_763 = arith.constant 0 : i32
        %dma_wait3A_764 = tpu.memref_slice %arg4[%dma_wait3A_746, %dma_wait3A_761, %dma_wait3A_747, %dma_wait3A_762, %dma_wait3A_763] : memref<200x8x32x8x128xf32, #tpu.memory_space<hbm>> -> memref<1x8x1x8x128xf32, #tpu.memory_space<hbm>>
        %dma_wait3A_765 = tpu.memref_squeeze %dma_wait3A_764 : memref<1x8x1x8x128xf32, #tpu.memory_space<hbm>> -> memref<8x8x128xf32, #tpu.memory_space<hbm>>
        %dma_wait3A_766 = arith.constant 0 : i32
        %dma_wait3A_767 = arith.constant 0 : i32
        %dma_wait3A_768 = arith.constant 0 : i32
        %dma_wait3A_769 = tpu.memref_slice %arg7[%dma_wait3A_745, %dma_wait3A_766, %dma_wait3A_767, %dma_wait3A_768] : memref<5x8x8x129xf32, #tpu.memory_space<vmem>> -> memref<1x8x8x128xf32, #tpu.memory_space<vmem>>
        %dma_wait3A_770 = tpu.memref_squeeze %dma_wait3A_769 : memref<1x8x8x128xf32, #tpu.memory_space<vmem>> -> memref<8x8x128xf32, #tpu.memory_space<vmem>>
        tpu.wait_dma2 semaphore(%dma_wait3A_760 : memref<!tpu.dma_semaphore, #tpu.memory_space<semaphore_mem>>) src(%dma_wait3A_770 : memref<8x8x128xf32, #tpu.memory_space<vmem>>) dst(%dma_wait3A_765 : memref<8x8x128xf32, #tpu.memory_space<hbm>>)
      } else {
      }
      %scan3A_582 = arith.constant 2 : i32
      %scan3A_583 = arith.constant 2 : i32
      %scan3A_584 = arith.constant 0 : i32
      %scan3A_585 = arith.constant 16 : i32
      %scan3A_586 = arith.addi %scan3A_584, %scan3A_585 : i32
      %scan3A_587 = arith.constant 1 : i32
      %scan3A_588 = scf.for %scan3A_745 = %scan3A_584 to %scan3A_586 step %scan3A_587 iter_args(%scan3A_746 = %broadcast_in_dim3A_301) -> (vector<16xi32>)  : i32 {
        %mul3A_747 = arith.constant 8 : i32
        %mul3A_748 = arith.muli %mul3A_747, %scan3A_745 : i32
        %add3A_749 = arith.constant 0 : i32
        %add3A_750 = arith.addi %mul3A_748, %add3A_749 : i32
        %get3A = arith.constant 0 : i32
        %get3A_751 = arith.constant 0 : i32
        %get3A_752 = tpu.memref_slice %arg6[%scan3A_582, %get3A, %get3A_751] : memref<5x128x64xf32, #tpu.memory_space<vmem>> -> memref<1x128x64xf32, #tpu.memory_space<vmem>>
        %get3A_753 = tpu.memref_squeeze %get3A_752 : memref<1x128x64xf32, #tpu.memory_space<vmem>> -> memref<128x64xf32, #tpu.memory_space<vmem>>
        %get3A_754 = arith.index_cast %add3A_750 : i32 to index
        %get3A_755 = arith.constant 0 : index
        %get3A_756 = tpu.vector_load %get3A_753[%get3A_754, %get3A_755] {strides = array<i32>} : memref<128x64xf32, #tpu.memory_space<vmem>>, vector<16xf32>,
        %scatter3A = arith.constant 0 : i32
        %scatter3A_757 = arith.constant 0 : i32
        %scatter3A_758 = arith.constant 0 : i32
        %scatter3A_759 = tpu.memref_slice %arg7[%scan3A_583, %scatter3A, %scatter3A_757, %scatter3A_758] : memref<5x8x8x129xf32, #tpu.memory_space<vmem>> -> memref<1x8x8x129xf32, #tpu.memory_space<vmem>>
        %scatter3A_760 = tpu.memref_squeeze %scatter3A_759 : memref<1x8x8x129xf32, #tpu.memory_space<vmem>> -> memref<8x8x129xf32, #tpu.memory_space<vmem>>
        tpu.vector_store_idx %scatter3A_760[%select_n3A, %select_n3A_234, %scan3A_746], %get3A_756 : memref<8x8x129xf32, #tpu.memory_space<vmem>>[vector<16xi32>, vector<16xi32>, vector<16xi32>], vector<16xf32>,
        %get3A_761 = arith.constant 0 : i32
        %get3A_762 = arith.constant 0 : i32
        %get3A_763 = tpu.memref_slice %arg6[%scan3A_582, %get3A_761, %get3A_762] : memref<5x128x64xf32, #tpu.memory_space<vmem>> -> memref<1x128x64xf32, #tpu.memory_space<vmem>>
        %get3A_764 = tpu.memref_squeeze %get3A_763 : memref<1x128x64xf32, #tpu.memory_space<vmem>> -> memref<128x64xf32, #tpu.memory_space<vmem>>
        %get3A_765 = arith.index_cast %add3A_750 : i32 to index
        %get3A_766 = arith.constant 16 : index
        %get3A_767 = tpu.vector_load %get3A_764[%get3A_765, %get3A_766] {strides = array<i32>} : memref<128x64xf32, #tpu.memory_space<vmem>>, vector<16xf32>,
        %scatter3A_768 = arith.constant 0 : i32
        %scatter3A_769 = arith.constant 0 : i32
        %scatter3A_770 = arith.constant 0 : i32
        %scatter3A_771 = tpu.memref_slice %arg7[%scan3A_583, %scatter3A_768, %scatter3A_769, %scatter3A_770] : memref<5x8x8x129xf32, #tpu.memory_space<vmem>> -> memref<1x8x8x129xf32, #tpu.memory_space<vmem>>
        %scatter3A_772 = tpu.memref_squeeze %scatter3A_771 : memref<1x8x8x129xf32, #tpu.memory_space<vmem>> -> memref<8x8x129xf32, #tpu.memory_space<vmem>>
        tpu.vector_store_idx %scatter3A_772[%select_n3A_152, %select_n3A_256, %scan3A_746], %get3A_767 : memref<8x8x129xf32, #tpu.memory_space<vmem>>[vector<16xi32>, vector<16xi32>, vector<16xi32>], vector<16xf32>,
        %get3A_773 = arith.constant 0 : i32
        %get3A_774 = arith.constant 0 : i32
        %get3A_775 = tpu.memref_slice %arg6[%scan3A_582, %get3A_773, %get3A_774] : memref<5x128x64xf32, #tpu.memory_space<vmem>> -> memref<1x128x64xf32, #tpu.memory_space<vmem>>
        %get3A_776 = tpu.memref_squeeze %get3A_775 : memref<1x128x64xf32, #tpu.memory_space<vmem>> -> memref<128x64xf32, #tpu.memory_space<vmem>>
        %get3A_777 = arith.index_cast %add3A_750 : i32 to index
        %get3A_778 = arith.constant 32 : index
        %get3A_779 = tpu.vector_load %get3A_776[%get3A_777, %get3A_778] {strides = array<i32>} : memref<128x64xf32, #tpu.memory_space<vmem>>, vector<16xf32>,
        %scatter3A_780 = arith.constant 0 : i32
        %scatter3A_781 = arith.constant 0 : i32
        %scatter3A_782 = arith.constant 0 : i32
        %scatter3A_783 = tpu.memref_slice %arg7[%scan3A_583, %scatter3A_780, %scatter3A_781, %scatter3A_782] : memref<5x8x8x129xf32, #tpu.memory_space<vmem>> -> memref<1x8x8x129xf32, #tpu.memory_space<vmem>>
        %scatter3A_784 = tpu.memref_squeeze %scatter3A_783 : memref<1x8x8x129xf32, #tpu.memory_space<vmem>> -> memref<8x8x129xf32, #tpu.memory_space<vmem>>
        tpu.vector_store_idx %scatter3A_784[%select_n3A_183, %select_n3A_278, %scan3A_746], %get3A_779 : memref<8x8x129xf32, #tpu.memory_space<vmem>>[vector<16xi32>, vector<16xi32>, vector<16xi32>], vector<16xf32>,
        %get3A_785 = arith.constant 0 : i32
        %get3A_786 = arith.constant 0 : i32
        %get3A_787 = tpu.memref_slice %arg6[%scan3A_582, %get3A_785, %get3A_786] : memref<5x128x64xf32, #tpu.memory_space<vmem>> -> memref<1x128x64xf32, #tpu.memory_space<vmem>>
        %get3A_788 = tpu.memref_squeeze %get3A_787 : memref<1x128x64xf32, #tpu.memory_space<vmem>> -> memref<128x64xf32, #tpu.memory_space<vmem>>
        %get3A_789 = arith.index_cast %add3A_750 : i32 to index
        %get3A_790 = arith.constant 48 : index
        %get3A_791 = tpu.vector_load %get3A_788[%get3A_789, %get3A_790] {strides = array<i32>} : memref<128x64xf32, #tpu.memory_space<vmem>>, vector<16xf32>,
        %scatter3A_792 = arith.constant 0 : i32
        %scatter3A_793 = arith.constant 0 : i32
        %scatter3A_794 = arith.constant 0 : i32
        %scatter3A_795 = tpu.memref_slice %arg7[%scan3A_583, %scatter3A_792, %scatter3A_793, %scatter3A_794] : memref<5x8x8x129xf32, #tpu.memory_space<vmem>> -> memref<1x8x8x129xf32, #tpu.memory_space<vmem>>
        %scatter3A_796 = tpu.memref_squeeze %scatter3A_795 : memref<1x8x8x129xf32, #tpu.memory_space<vmem>> -> memref<8x8x129xf32, #tpu.memory_space<vmem>>
        tpu.vector_store_idx %scatter3A_796[%select_n3A_214, %select_n3A_300, %scan3A_746], %get3A_791 : memref<8x8x129xf32, #tpu.memory_space<vmem>>[vector<16xi32>, vector<16xi32>, vector<16xi32>], vector<16xf32>,
        %mul3A_797 = arith.constant 8 : i32
        %mul3A_798 = arith.muli %mul3A_797, %scan3A_745 : i32
        %add3A_799 = arith.constant 1 : i32
        %add3A_800 = arith.addi %mul3A_798, %add3A_799 : i32
        %add3A_801 = arith.constant 1 : i32
        %add3A_802 = vector.broadcast %add3A_801 : i32 to vector<16xi32>
        %add3A_803 = arith.addi %scan3A_746, %add3A_802 : vector<16xi32>
        %get3A_804 = arith.constant 0 : i32
        %get3A_805 = arith.constant 0 : i32
        %get3A_806 = tpu.memref_slice %arg6[%scan3A_582, %get3A_804, %get3A_805] : memref<5x128x64xf32, #tpu.memory_space<vmem>> -> memref<1x128x64xf32, #tpu.memory_space<vmem>>
        %get3A_807 = tpu.memref_squeeze %get3A_806 : memref<1x128x64xf32, #tpu.memory_space<vmem>> -> memref<128x64xf32, #tpu.memory_space<vmem>>
        %get3A_808 = arith.index_cast %add3A_800 : i32 to index
        %get3A_809 = arith.constant 0 : index
        %get3A_810 = tpu.vector_load %get3A_807[%get3A_808, %get3A_809] {strides = array<i32>} : memref<128x64xf32, #tpu.memory_space<vmem>>, vector<16xf32>,
        %scatter3A_811 = arith.constant 0 : i32
        %scatter3A_812 = arith.constant 0 : i32
        %scatter3A_813 = arith.constant 0 : i32
        %scatter3A_814 = tpu.memref_slice %arg7[%scan3A_583, %scatter3A_811, %scatter3A_812, %scatter3A_813] : memref<5x8x8x129xf32, #tpu.memory_space<vmem>> -> memref<1x8x8x129xf32, #tpu.memory_space<vmem>>
        %scatter3A_815 = tpu.memref_squeeze %scatter3A_814 : memref<1x8x8x129xf32, #tpu.memory_space<vmem>> -> memref<8x8x129xf32, #tpu.memory_space<vmem>>
        tpu.vector_store_idx %scatter3A_815[%select_n3A, %select_n3A_234, %add3A_803], %get3A_810 : memref<8x8x129xf32, #tpu.memory_space<vmem>>[vector<16xi32>, vector<16xi32>, vector<16xi32>], vector<16xf32>,
        %get3A_816 = arith.constant 0 : i32
        %get3A_817 = arith.constant 0 : i32
        %get3A_818 = tpu.memref_slice %arg6[%scan3A_582, %get3A_816, %get3A_817] : memref<5x128x64xf32, #tpu.memory_space<vmem>> -> memref<1x128x64xf32, #tpu.memory_space<vmem>>
        %get3A_819 = tpu.memref_squeeze %get3A_818 : memref<1x128x64xf32, #tpu.memory_space<vmem>> -> memref<128x64xf32, #tpu.memory_space<vmem>>
        %get3A_820 = arith.index_cast %add3A_800 : i32 to index
        %get3A_821 = arith.constant 16 : index
        %get3A_822 = tpu.vector_load %get3A_819[%get3A_820, %get3A_821] {strides = array<i32>} : memref<128x64xf32, #tpu.memory_space<vmem>>, vector<16xf32>,
        %scatter3A_823 = arith.constant 0 : i32
        %scatter3A_824 = arith.constant 0 : i32
        %scatter3A_825 = arith.constant 0 : i32
        %scatter3A_826 = tpu.memref_slice %arg7[%scan3A_583, %scatter3A_823, %scatter3A_824, %scatter3A_825] : memref<5x8x8x129xf32, #tpu.memory_space<vmem>> -> memref<1x8x8x129xf32, #tpu.memory_space<vmem>>
        %scatter3A_827 = tpu.memref_squeeze %scatter3A_826 : memref<1x8x8x129xf32, #tpu.memory_space<vmem>> -> memref<8x8x129xf32, #tpu.memory_space<vmem>>
        tpu.vector_store_idx %scatter3A_827[%select_n3A_152, %select_n3A_256, %add3A_803], %get3A_822 : memref<8x8x129xf32, #tpu.memory_space<vmem>>[vector<16xi32>, vector<16xi32>, vector<16xi32>], vector<16xf32>,
        %get3A_828 = arith.constant 0 : i32
        %get3A_829 = arith.constant 0 : i32
        %get3A_830 = tpu.memref_slice %arg6[%scan3A_582, %get3A_828, %get3A_829] : memref<5x128x64xf32, #tpu.memory_space<vmem>> -> memref<1x128x64xf32, #tpu.memory_space<vmem>>
        %get3A_831 = tpu.memref_squeeze %get3A_830 : memref<1x128x64xf32, #tpu.memory_space<vmem>> -> memref<128x64xf32, #tpu.memory_space<vmem>>
        %get3A_832 = arith.index_cast %add3A_800 : i32 to index
        %get3A_833 = arith.constant 32 : index
        %get3A_834 = tpu.vector_load %get3A_831[%get3A_832, %get3A_833] {strides = array<i32>} : memref<128x64xf32, #tpu.memory_space<vmem>>, vector<16xf32>,
        %scatter3A_835 = arith.constant 0 : i32
        %scatter3A_836 = arith.constant 0 : i32
        %scatter3A_837 = arith.constant 0 : i32
        %scatter3A_838 = tpu.memref_slice %arg7[%scan3A_583, %scatter3A_835, %scatter3A_836, %scatter3A_837] : memref<5x8x8x129xf32, #tpu.memory_space<vmem>> -> memref<1x8x8x129xf32, #tpu.memory_space<vmem>>
        %scatter3A_839 = tpu.memref_squeeze %scatter3A_838 : memref<1x8x8x129xf32, #tpu.memory_space<vmem>> -> memref<8x8x129xf32, #tpu.memory_space<vmem>>
        tpu.vector_store_idx %scatter3A_839[%select_n3A_183, %select_n3A_278, %add3A_803], %get3A_834 : memref<8x8x129xf32, #tpu.memory_space<vmem>>[vector<16xi32>, vector<16xi32>, vector<16xi32>], vector<16xf32>,
        %get3A_840 = arith.constant 0 : i32
        %get3A_841 = arith.constant 0 : i32
        %get3A_842 = tpu.memref_slice %arg6[%scan3A_582, %get3A_840, %get3A_841] : memref<5x128x64xf32, #tpu.memory_space<vmem>> -> memref<1x128x64xf32, #tpu.memory_space<vmem>>
        %get3A_843 = tpu.memref_squeeze %get3A_842 : memref<1x128x64xf32, #tpu.memory_space<vmem>> -> memref<128x64xf32, #tpu.memory_space<vmem>>
        %get3A_844 = arith.index_cast %add3A_800 : i32 to index
        %get3A_845 = arith.constant 48 : index
        %get3A_846 = tpu.vector_load %get3A_843[%get3A_844, %get3A_845] {strides = array<i32>} : memref<128x64xf32, #tpu.memory_space<vmem>>, vector<16xf32>,
        %scatter3A_847 = arith.constant 0 : i32
        %scatter3A_848 = arith.constant 0 : i32
        %scatter3A_849 = arith.constant 0 : i32
        %scatter3A_850 = tpu.memref_slice %arg7[%scan3A_583, %scatter3A_847, %scatter3A_848, %scatter3A_849] : memref<5x8x8x129xf32, #tpu.memory_space<vmem>> -> memref<1x8x8x129xf32, #tpu.memory_space<vmem>>
        %scatter3A_851 = tpu.memref_squeeze %scatter3A_850 : memref<1x8x8x129xf32, #tpu.memory_space<vmem>> -> memref<8x8x129xf32, #tpu.memory_space<vmem>>
        tpu.vector_store_idx %scatter3A_851[%select_n3A_214, %select_n3A_300, %add3A_803], %get3A_846 : memref<8x8x129xf32, #tpu.memory_space<vmem>>[vector<16xi32>, vector<16xi32>, vector<16xi32>], vector<16xf32>,
        %mul3A_852 = arith.constant 8 : i32
        %mul3A_853 = arith.muli %mul3A_852, %scan3A_745 : i32
        %add3A_854 = arith.constant 2 : i32
        %add3A_855 = arith.addi %mul3A_853, %add3A_854 : i32
        %add3A_856 = arith.constant 2 : i32
        %add3A_857 = vector.broadcast %add3A_856 : i32 to vector<16xi32>
        %add3A_858 = arith.addi %scan3A_746, %add3A_857 : vector<16xi32>
        %get3A_859 = arith.constant 0 : i32
        %get3A_860 = arith.constant 0 : i32
        %get3A_861 = tpu.memref_slice %arg6[%scan3A_582, %get3A_859, %get3A_860] : memref<5x128x64xf32, #tpu.memory_space<vmem>> -> memref<1x128x64xf32, #tpu.memory_space<vmem>>
        %get3A_862 = tpu.memref_squeeze %get3A_861 : memref<1x128x64xf32, #tpu.memory_space<vmem>> -> memref<128x64xf32, #tpu.memory_space<vmem>>
        %get3A_863 = arith.index_cast %add3A_855 : i32 to index
        %get3A_864 = arith.constant 0 : index
        %get3A_865 = tpu.vector_load %get3A_862[%get3A_863, %get3A_864] {strides = array<i32>} : memref<128x64xf32, #tpu.memory_space<vmem>>, vector<16xf32>,
        %scatter3A_866 = arith.constant 0 : i32
        %scatter3A_867 = arith.constant 0 : i32
        %scatter3A_868 = arith.constant 0 : i32
        %scatter3A_869 = tpu.memref_slice %arg7[%scan3A_583, %scatter3A_866, %scatter3A_867, %scatter3A_868] : memref<5x8x8x129xf32, #tpu.memory_space<vmem>> -> memref<1x8x8x129xf32, #tpu.memory_space<vmem>>
        %scatter3A_870 = tpu.memref_squeeze %scatter3A_869 : memref<1x8x8x129xf32, #tpu.memory_space<vmem>> -> memref<8x8x129xf32, #tpu.memory_space<vmem>>
        tpu.vector_store_idx %scatter3A_870[%select_n3A, %select_n3A_234, %add3A_858], %get3A_865 : memref<8x8x129xf32, #tpu.memory_space<vmem>>[vector<16xi32>, vector<16xi32>, vector<16xi32>], vector<16xf32>,
        %get3A_871 = arith.constant 0 : i32
        %get3A_872 = arith.constant 0 : i32
        %get3A_873 = tpu.memref_slice %arg6[%scan3A_582, %get3A_871, %get3A_872] : memref<5x128x64xf32, #tpu.memory_space<vmem>> -> memref<1x128x64xf32, #tpu.memory_space<vmem>>
        %get3A_874 = tpu.memref_squeeze %get3A_873 : memref<1x128x64xf32, #tpu.memory_space<vmem>> -> memref<128x64xf32, #tpu.memory_space<vmem>>
        %get3A_875 = arith.index_cast %add3A_855 : i32 to index
        %get3A_876 = arith.constant 16 : index
        %get3A_877 = tpu.vector_load %get3A_874[%get3A_875, %get3A_876] {strides = array<i32>} : memref<128x64xf32, #tpu.memory_space<vmem>>, vector<16xf32>,
        %scatter3A_878 = arith.constant 0 : i32
        %scatter3A_879 = arith.constant 0 : i32
        %scatter3A_880 = arith.constant 0 : i32
        %scatter3A_881 = tpu.memref_slice %arg7[%scan3A_583, %scatter3A_878, %scatter3A_879, %scatter3A_880] : memref<5x8x8x129xf32, #tpu.memory_space<vmem>> -> memref<1x8x8x129xf32, #tpu.memory_space<vmem>>
        %scatter3A_882 = tpu.memref_squeeze %scatter3A_881 : memref<1x8x8x129xf32, #tpu.memory_space<vmem>> -> memref<8x8x129xf32, #tpu.memory_space<vmem>>
        tpu.vector_store_idx %scatter3A_882[%select_n3A_152, %select_n3A_256, %add3A_858], %get3A_877 : memref<8x8x129xf32, #tpu.memory_space<vmem>>[vector<16xi32>, vector<16xi32>, vector<16xi32>], vector<16xf32>,
        %get3A_883 = arith.constant 0 : i32
        %get3A_884 = arith.constant 0 : i32
        %get3A_885 = tpu.memref_slice %arg6[%scan3A_582, %get3A_883, %get3A_884] : memref<5x128x64xf32, #tpu.memory_space<vmem>> -> memref<1x128x64xf32, #tpu.memory_space<vmem>>
        %get3A_886 = tpu.memref_squeeze %get3A_885 : memref<1x128x64xf32, #tpu.memory_space<vmem>> -> memref<128x64xf32, #tpu.memory_space<vmem>>
        %get3A_887 = arith.index_cast %add3A_855 : i32 to index
        %get3A_888 = arith.constant 32 : index
        %get3A_889 = tpu.vector_load %get3A_886[%get3A_887, %get3A_888] {strides = array<i32>} : memref<128x64xf32, #tpu.memory_space<vmem>>, vector<16xf32>,
        %scatter3A_890 = arith.constant 0 : i32
        %scatter3A_891 = arith.constant 0 : i32
        %scatter3A_892 = arith.constant 0 : i32
        %scatter3A_893 = tpu.memref_slice %arg7[%scan3A_583, %scatter3A_890, %scatter3A_891, %scatter3A_892] : memref<5x8x8x129xf32, #tpu.memory_space<vmem>> -> memref<1x8x8x129xf32, #tpu.memory_space<vmem>>
        %scatter3A_894 = tpu.memref_squeeze %scatter3A_893 : memref<1x8x8x129xf32, #tpu.memory_space<vmem>> -> memref<8x8x129xf32, #tpu.memory_space<vmem>>
        tpu.vector_store_idx %scatter3A_894[%select_n3A_183, %select_n3A_278, %add3A_858], %get3A_889 : memref<8x8x129xf32, #tpu.memory_space<vmem>>[vector<16xi32>, vector<16xi32>, vector<16xi32>], vector<16xf32>,
        %get3A_895 = arith.constant 0 : i32
        %get3A_896 = arith.constant 0 : i32
        %get3A_897 = tpu.memref_slice %arg6[%scan3A_582, %get3A_895, %get3A_896] : memref<5x128x64xf32, #tpu.memory_space<vmem>> -> memref<1x128x64xf32, #tpu.memory_space<vmem>>
        %get3A_898 = tpu.memref_squeeze %get3A_897 : memref<1x128x64xf32, #tpu.memory_space<vmem>> -> memref<128x64xf32, #tpu.memory_space<vmem>>
        %get3A_899 = arith.index_cast %add3A_855 : i32 to index
        %get3A_900 = arith.constant 48 : index
        %get3A_901 = tpu.vector_load %get3A_898[%get3A_899, %get3A_900] {strides = array<i32>} : memref<128x64xf32, #tpu.memory_space<vmem>>, vector<16xf32>,
        %scatter3A_902 = arith.constant 0 : i32
        %scatter3A_903 = arith.constant 0 : i32
        %scatter3A_904 = arith.constant 0 : i32
        %scatter3A_905 = tpu.memref_slice %arg7[%scan3A_583, %scatter3A_902, %scatter3A_903, %scatter3A_904] : memref<5x8x8x129xf32, #tpu.memory_space<vmem>> -> memref<1x8x8x129xf32, #tpu.memory_space<vmem>>
        %scatter3A_906 = tpu.memref_squeeze %scatter3A_905 : memref<1x8x8x129xf32, #tpu.memory_space<vmem>> -> memref<8x8x129xf32, #tpu.memory_space<vmem>>
        tpu.vector_store_idx %scatter3A_906[%select_n3A_214, %select_n3A_300, %add3A_858], %get3A_901 : memref<8x8x129xf32, #tpu.memory_space<vmem>>[vector<16xi32>, vector<16xi32>, vector<16xi32>], vector<16xf32>,
        %mul3A_907 = arith.constant 8 : i32
        %mul3A_908 = arith.muli %mul3A_907, %scan3A_745 : i32
        %add3A_909 = arith.constant 3 : i32
        %add3A_910 = arith.addi %mul3A_908, %add3A_909 : i32
        %add3A_911 = arith.constant 3 : i32
        %add3A_912 = vector.broadcast %add3A_911 : i32 to vector<16xi32>
        %add3A_913 = arith.addi %scan3A_746, %add3A_912 : vector<16xi32>
        %get3A_914 = arith.constant 0 : i32
        %get3A_915 = arith.constant 0 : i32
        %get3A_916 = tpu.memref_slice %arg6[%scan3A_582, %get3A_914, %get3A_915] : memref<5x128x64xf32, #tpu.memory_space<vmem>> -> memref<1x128x64xf32, #tpu.memory_space<vmem>>
        %get3A_917 = tpu.memref_squeeze %get3A_916 : memref<1x128x64xf32, #tpu.memory_space<vmem>> -> memref<128x64xf32, #tpu.memory_space<vmem>>
        %get3A_918 = arith.index_cast %add3A_910 : i32 to index
        %get3A_919 = arith.constant 0 : index
        %get3A_920 = tpu.vector_load %get3A_917[%get3A_918, %get3A_919] {strides = array<i32>} : memref<128x64xf32, #tpu.memory_space<vmem>>, vector<16xf32>,
        %scatter3A_921 = arith.constant 0 : i32
        %scatter3A_922 = arith.constant 0 : i32
        %scatter3A_923 = arith.constant 0 : i32
        %scatter3A_924 = tpu.memref_slice %arg7[%scan3A_583, %scatter3A_921, %scatter3A_922, %scatter3A_923] : memref<5x8x8x129xf32, #tpu.memory_space<vmem>> -> memref<1x8x8x129xf32, #tpu.memory_space<vmem>>
        %scatter3A_925 = tpu.memref_squeeze %scatter3A_924 : memref<1x8x8x129xf32, #tpu.memory_space<vmem>> -> memref<8x8x129xf32, #tpu.memory_space<vmem>>
        tpu.vector_store_idx %scatter3A_925[%select_n3A, %select_n3A_234, %add3A_913], %get3A_920 : memref<8x8x129xf32, #tpu.memory_space<vmem>>[vector<16xi32>, vector<16xi32>, vector<16xi32>], vector<16xf32>,
        %get3A_926 = arith.constant 0 : i32
        %get3A_927 = arith.constant 0 : i32
        %get3A_928 = tpu.memref_slice %arg6[%scan3A_582, %get3A_926, %get3A_927] : memref<5x128x64xf32, #tpu.memory_space<vmem>> -> memref<1x128x64xf32, #tpu.memory_space<vmem>>
        %get3A_929 = tpu.memref_squeeze %get3A_928 : memref<1x128x64xf32, #tpu.memory_space<vmem>> -> memref<128x64xf32, #tpu.memory_space<vmem>>
        %get3A_930 = arith.index_cast %add3A_910 : i32 to index
        %get3A_931 = arith.constant 16 : index
        %get3A_932 = tpu.vector_load %get3A_929[%get3A_930, %get3A_931] {strides = array<i32>} : memref<128x64xf32, #tpu.memory_space<vmem>>, vector<16xf32>,
        %scatter3A_933 = arith.constant 0 : i32
        %scatter3A_934 = arith.constant 0 : i32
        %scatter3A_935 = arith.constant 0 : i32
        %scatter3A_936 = tpu.memref_slice %arg7[%scan3A_583, %scatter3A_933, %scatter3A_934, %scatter3A_935] : memref<5x8x8x129xf32, #tpu.memory_space<vmem>> -> memref<1x8x8x129xf32, #tpu.memory_space<vmem>>
        %scatter3A_937 = tpu.memref_squeeze %scatter3A_936 : memref<1x8x8x129xf32, #tpu.memory_space<vmem>> -> memref<8x8x129xf32, #tpu.memory_space<vmem>>
        tpu.vector_store_idx %scatter3A_937[%select_n3A_152, %select_n3A_256, %add3A_913], %get3A_932 : memref<8x8x129xf32, #tpu.memory_space<vmem>>[vector<16xi32>, vector<16xi32>, vector<16xi32>], vector<16xf32>,
        %get3A_938 = arith.constant 0 : i32
        %get3A_939 = arith.constant 0 : i32
        %get3A_940 = tpu.memref_slice %arg6[%scan3A_582, %get3A_938, %get3A_939] : memref<5x128x64xf32, #tpu.memory_space<vmem>> -> memref<1x128x64xf32, #tpu.memory_space<vmem>>
        %get3A_941 = tpu.memref_squeeze %get3A_940 : memref<1x128x64xf32, #tpu.memory_space<vmem>> -> memref<128x64xf32, #tpu.memory_space<vmem>>
        %get3A_942 = arith.index_cast %add3A_910 : i32 to index
        %get3A_943 = arith.constant 32 : index
        %get3A_944 = tpu.vector_load %get3A_941[%get3A_942, %get3A_943] {strides = array<i32>} : memref<128x64xf32, #tpu.memory_space<vmem>>, vector<16xf32>,
        %scatter3A_945 = arith.constant 0 : i32
        %scatter3A_946 = arith.constant 0 : i32
        %scatter3A_947 = arith.constant 0 : i32
        %scatter3A_948 = tpu.memref_slice %arg7[%scan3A_583, %scatter3A_945, %scatter3A_946, %scatter3A_947] : memref<5x8x8x129xf32, #tpu.memory_space<vmem>> -> memref<1x8x8x129xf32, #tpu.memory_space<vmem>>
        %scatter3A_949 = tpu.memref_squeeze %scatter3A_948 : memref<1x8x8x129xf32, #tpu.memory_space<vmem>> -> memref<8x8x129xf32, #tpu.memory_space<vmem>>
        tpu.vector_store_idx %scatter3A_949[%select_n3A_183, %select_n3A_278, %add3A_913], %get3A_944 : memref<8x8x129xf32, #tpu.memory_space<vmem>>[vector<16xi32>, vector<16xi32>, vector<16xi32>], vector<16xf32>,
        %get3A_950 = arith.constant 0 : i32
        %get3A_951 = arith.constant 0 : i32
        %get3A_952 = tpu.memref_slice %arg6[%scan3A_582, %get3A_950, %get3A_951] : memref<5x128x64xf32, #tpu.memory_space<vmem>> -> memref<1x128x64xf32, #tpu.memory_space<vmem>>
        %get3A_953 = tpu.memref_squeeze %get3A_952 : memref<1x128x64xf32, #tpu.memory_space<vmem>> -> memref<128x64xf32, #tpu.memory_space<vmem>>
        %get3A_954 = arith.index_cast %add3A_910 : i32 to index
        %get3A_955 = arith.constant 48 : index
        %get3A_956 = tpu.vector_load %get3A_953[%get3A_954, %get3A_955] {strides = array<i32>} : memref<128x64xf32, #tpu.memory_space<vmem>>, vector<16xf32>,
        %scatter3A_957 = arith.constant 0 : i32
        %scatter3A_958 = arith.constant 0 : i32
        %scatter3A_959 = arith.constant 0 : i32
        %scatter3A_960 = tpu.memref_slice %arg7[%scan3A_583, %scatter3A_957, %scatter3A_958, %scatter3A_959] : memref<5x8x8x129xf32, #tpu.memory_space<vmem>> -> memref<1x8x8x129xf32, #tpu.memory_space<vmem>>
        %scatter3A_961 = tpu.memref_squeeze %scatter3A_960 : memref<1x8x8x129xf32, #tpu.memory_space<vmem>> -> memref<8x8x129xf32, #tpu.memory_space<vmem>>
        tpu.vector_store_idx %scatter3A_961[%select_n3A_214, %select_n3A_300, %add3A_913], %get3A_956 : memref<8x8x129xf32, #tpu.memory_space<vmem>>[vector<16xi32>, vector<16xi32>, vector<16xi32>], vector<16xf32>,
        %mul3A_962 = arith.constant 8 : i32
        %mul3A_963 = arith.muli %mul3A_962, %scan3A_745 : i32
        %add3A_964 = arith.constant 4 : i32
        %add3A_965 = arith.addi %mul3A_963, %add3A_964 : i32
        %add3A_966 = arith.constant 4 : i32
        %add3A_967 = vector.broadcast %add3A_966 : i32 to vector<16xi32>
        %add3A_968 = arith.addi %scan3A_746, %add3A_967 : vector<16xi32>
        %get3A_969 = arith.constant 0 : i32
        %get3A_970 = arith.constant 0 : i32
        %get3A_971 = tpu.memref_slice %arg6[%scan3A_582, %get3A_969, %get3A_970] : memref<5x128x64xf32, #tpu.memory_space<vmem>> -> memref<1x128x64xf32, #tpu.memory_space<vmem>>
        %get3A_972 = tpu.memref_squeeze %get3A_971 : memref<1x128x64xf32, #tpu.memory_space<vmem>> -> memref<128x64xf32, #tpu.memory_space<vmem>>
        %get3A_973 = arith.index_cast %add3A_965 : i32 to index
        %get3A_974 = arith.constant 0 : index
        %get3A_975 = tpu.vector_load %get3A_972[%get3A_973, %get3A_974] {strides = array<i32>} : memref<128x64xf32, #tpu.memory_space<vmem>>, vector<16xf32>,
        %scatter3A_976 = arith.constant 0 : i32
        %scatter3A_977 = arith.constant 0 : i32
        %scatter3A_978 = arith.constant 0 : i32
        %scatter3A_979 = tpu.memref_slice %arg7[%scan3A_583, %scatter3A_976, %scatter3A_977, %scatter3A_978] : memref<5x8x8x129xf32, #tpu.memory_space<vmem>> -> memref<1x8x8x129xf32, #tpu.memory_space<vmem>>
        %scatter3A_980 = tpu.memref_squeeze %scatter3A_979 : memref<1x8x8x129xf32, #tpu.memory_space<vmem>> -> memref<8x8x129xf32, #tpu.memory_space<vmem>>
        tpu.vector_store_idx %scatter3A_980[%select_n3A, %select_n3A_234, %add3A_968], %get3A_975 : memref<8x8x129xf32, #tpu.memory_space<vmem>>[vector<16xi32>, vector<16xi32>, vector<16xi32>], vector<16xf32>,
        %get3A_981 = arith.constant 0 : i32
        %get3A_982 = arith.constant 0 : i32
        %get3A_983 = tpu.memref_slice %arg6[%scan3A_582, %get3A_981, %get3A_982] : memref<5x128x64xf32, #tpu.memory_space<vmem>> -> memref<1x128x64xf32, #tpu.memory_space<vmem>>
        %get3A_984 = tpu.memref_squeeze %get3A_983 : memref<1x128x64xf32, #tpu.memory_space<vmem>> -> memref<128x64xf32, #tpu.memory_space<vmem>>
        %get3A_985 = arith.index_cast %add3A_965 : i32 to index
        %get3A_986 = arith.constant 16 : index
        %get3A_987 = tpu.vector_load %get3A_984[%get3A_985, %get3A_986] {strides = array<i32>} : memref<128x64xf32, #tpu.memory_space<vmem>>, vector<16xf32>,
        %scatter3A_988 = arith.constant 0 : i32
        %scatter3A_989 = arith.constant 0 : i32
        %scatter3A_990 = arith.constant 0 : i32
        %scatter3A_991 = tpu.memref_slice %arg7[%scan3A_583, %scatter3A_988, %scatter3A_989, %scatter3A_990] : memref<5x8x8x129xf32, #tpu.memory_space<vmem>> -> memref<1x8x8x129xf32, #tpu.memory_space<vmem>>
        %scatter3A_992 = tpu.memref_squeeze %scatter3A_991 : memref<1x8x8x129xf32, #tpu.memory_space<vmem>> -> memref<8x8x129xf32, #tpu.memory_space<vmem>>
        tpu.vector_store_idx %scatter3A_992[%select_n3A_152, %select_n3A_256, %add3A_968], %get3A_987 : memref<8x8x129xf32, #tpu.memory_space<vmem>>[vector<16xi32>, vector<16xi32>, vector<16xi32>], vector<16xf32>,
        %get3A_993 = arith.constant 0 : i32
        %get3A_994 = arith.constant 0 : i32
        %get3A_995 = tpu.memref_slice %arg6[%scan3A_582, %get3A_993, %get3A_994] : memref<5x128x64xf32, #tpu.memory_space<vmem>> -> memref<1x128x64xf32, #tpu.memory_space<vmem>>
        %get3A_996 = tpu.memref_squeeze %get3A_995 : memref<1x128x64xf32, #tpu.memory_space<vmem>> -> memref<128x64xf32, #tpu.memory_space<vmem>>
        %get3A_997 = arith.index_cast %add3A_965 : i32 to index
        %get3A_998 = arith.constant 32 : index
        %get3A_999 = tpu.vector_load %get3A_996[%get3A_997, %get3A_998] {strides = array<i32>} : memref<128x64xf32, #tpu.memory_space<vmem>>, vector<16xf32>,
        %scatter3A_1000 = arith.constant 0 : i32
        %scatter3A_1001 = arith.constant 0 : i32
        %scatter3A_1002 = arith.constant 0 : i32
        %scatter3A_1003 = tpu.memref_slice %arg7[%scan3A_583, %scatter3A_1000, %scatter3A_1001, %scatter3A_1002] : memref<5x8x8x129xf32, #tpu.memory_space<vmem>> -> memref<1x8x8x129xf32, #tpu.memory_space<vmem>>
        %scatter3A_1004 = tpu.memref_squeeze %scatter3A_1003 : memref<1x8x8x129xf32, #tpu.memory_space<vmem>> -> memref<8x8x129xf32, #tpu.memory_space<vmem>>
        tpu.vector_store_idx %scatter3A_1004[%select_n3A_183, %select_n3A_278, %add3A_968], %get3A_999 : memref<8x8x129xf32, #tpu.memory_space<vmem>>[vector<16xi32>, vector<16xi32>, vector<16xi32>], vector<16xf32>,
        %get3A_1005 = arith.constant 0 : i32
        %get3A_1006 = arith.constant 0 : i32
        %get3A_1007 = tpu.memref_slice %arg6[%scan3A_582, %get3A_1005, %get3A_1006] : memref<5x128x64xf32, #tpu.memory_space<vmem>> -> memref<1x128x64xf32, #tpu.memory_space<vmem>>
        %get3A_1008 = tpu.memref_squeeze %get3A_1007 : memref<1x128x64xf32, #tpu.memory_space<vmem>> -> memref<128x64xf32, #tpu.memory_space<vmem>>
        %get3A_1009 = arith.index_cast %add3A_965 : i32 to index
        %get3A_1010 = arith.constant 48 : index
        %get3A_1011 = tpu.vector_load %get3A_1008[%get3A_1009, %get3A_1010] {strides = array<i32>} : memref<128x64xf32, #tpu.memory_space<vmem>>, vector<16xf32>,
        %scatter3A_1012 = arith.constant 0 : i32
        %scatter3A_1013 = arith.constant 0 : i32
        %scatter3A_1014 = arith.constant 0 : i32
        %scatter3A_1015 = tpu.memref_slice %arg7[%scan3A_583, %scatter3A_1012, %scatter3A_1013, %scatter3A_1014] : memref<5x8x8x129xf32, #tpu.memory_space<vmem>> -> memref<1x8x8x129xf32, #tpu.memory_space<vmem>>
        %scatter3A_1016 = tpu.memref_squeeze %scatter3A_1015 : memref<1x8x8x129xf32, #tpu.memory_space<vmem>> -> memref<8x8x129xf32, #tpu.memory_space<vmem>>
        tpu.vector_store_idx %scatter3A_1016[%select_n3A_214, %select_n3A_300, %add3A_968], %get3A_1011 : memref<8x8x129xf32, #tpu.memory_space<vmem>>[vector<16xi32>, vector<16xi32>, vector<16xi32>], vector<16xf32>,
        %mul3A_1017 = arith.constant 8 : i32
        %mul3A_1018 = arith.muli %mul3A_1017, %scan3A_745 : i32
        %add3A_1019 = arith.constant 5 : i32
        %add3A_1020 = arith.addi %mul3A_1018, %add3A_1019 : i32
        %add3A_1021 = arith.constant 5 : i32
        %add3A_1022 = vector.broadcast %add3A_1021 : i32 to vector<16xi32>
        %add3A_1023 = arith.addi %scan3A_746, %add3A_1022 : vector<16xi32>
        %get3A_1024 = arith.constant 0 : i32
        %get3A_1025 = arith.constant 0 : i32
        %get3A_1026 = tpu.memref_slice %arg6[%scan3A_582, %get3A_1024, %get3A_1025] : memref<5x128x64xf32, #tpu.memory_space<vmem>> -> memref<1x128x64xf32, #tpu.memory_space<vmem>>
        %get3A_1027 = tpu.memref_squeeze %get3A_1026 : memref<1x128x64xf32, #tpu.memory_space<vmem>> -> memref<128x64xf32, #tpu.memory_space<vmem>>
        %get3A_1028 = arith.index_cast %add3A_1020 : i32 to index
        %get3A_1029 = arith.constant 0 : index
        %get3A_1030 = tpu.vector_load %get3A_1027[%get3A_1028, %get3A_1029] {strides = array<i32>} : memref<128x64xf32, #tpu.memory_space<vmem>>, vector<16xf32>,
        %scatter3A_1031 = arith.constant 0 : i32
        %scatter3A_1032 = arith.constant 0 : i32
        %scatter3A_1033 = arith.constant 0 : i32
        %scatter3A_1034 = tpu.memref_slice %arg7[%scan3A_583, %scatter3A_1031, %scatter3A_1032, %scatter3A_1033] : memref<5x8x8x129xf32, #tpu.memory_space<vmem>> -> memref<1x8x8x129xf32, #tpu.memory_space<vmem>>
        %scatter3A_1035 = tpu.memref_squeeze %scatter3A_1034 : memref<1x8x8x129xf32, #tpu.memory_space<vmem>> -> memref<8x8x129xf32, #tpu.memory_space<vmem>>
        tpu.vector_store_idx %scatter3A_1035[%select_n3A, %select_n3A_234, %add3A_1023], %get3A_1030 : memref<8x8x129xf32, #tpu.memory_space<vmem>>[vector<16xi32>, vector<16xi32>, vector<16xi32>], vector<16xf32>,
        %get3A_1036 = arith.constant 0 : i32
        %get3A_1037 = arith.constant 0 : i32
        %get3A_1038 = tpu.memref_slice %arg6[%scan3A_582, %get3A_1036, %get3A_1037] : memref<5x128x64xf32, #tpu.memory_space<vmem>> -> memref<1x128x64xf32, #tpu.memory_space<vmem>>
        %get3A_1039 = tpu.memref_squeeze %get3A_1038 : memref<1x128x64xf32, #tpu.memory_space<vmem>> -> memref<128x64xf32, #tpu.memory_space<vmem>>
        %get3A_1040 = arith.index_cast %add3A_1020 : i32 to index
        %get3A_1041 = arith.constant 16 : index
        %get3A_1042 = tpu.vector_load %get3A_1039[%get3A_1040, %get3A_1041] {strides = array<i32>} : memref<128x64xf32, #tpu.memory_space<vmem>>, vector<16xf32>,
        %scatter3A_1043 = arith.constant 0 : i32
        %scatter3A_1044 = arith.constant 0 : i32
        %scatter3A_1045 = arith.constant 0 : i32
        %scatter3A_1046 = tpu.memref_slice %arg7[%scan3A_583, %scatter3A_1043, %scatter3A_1044, %scatter3A_1045] : memref<5x8x8x129xf32, #tpu.memory_space<vmem>> -> memref<1x8x8x129xf32, #tpu.memory_space<vmem>>
        %scatter3A_1047 = tpu.memref_squeeze %scatter3A_1046 : memref<1x8x8x129xf32, #tpu.memory_space<vmem>> -> memref<8x8x129xf32, #tpu.memory_space<vmem>>
        tpu.vector_store_idx %scatter3A_1047[%select_n3A_152, %select_n3A_256, %add3A_1023], %get3A_1042 : memref<8x8x129xf32, #tpu.memory_space<vmem>>[vector<16xi32>, vector<16xi32>, vector<16xi32>], vector<16xf32>,
        %get3A_1048 = arith.constant 0 : i32
        %get3A_1049 = arith.constant 0 : i32
        %get3A_1050 = tpu.memref_slice %arg6[%scan3A_582, %get3A_1048, %get3A_1049] : memref<5x128x64xf32, #tpu.memory_space<vmem>> -> memref<1x128x64xf32, #tpu.memory_space<vmem>>
        %get3A_1051 = tpu.memref_squeeze %get3A_1050 : memref<1x128x64xf32, #tpu.memory_space<vmem>> -> memref<128x64xf32, #tpu.memory_space<vmem>>
        %get3A_1052 = arith.index_cast %add3A_1020 : i32 to index
        %get3A_1053 = arith.constant 32 : index
        %get3A_1054 = tpu.vector_load %get3A_1051[%get3A_1052, %get3A_1053] {strides = array<i32>} : memref<128x64xf32, #tpu.memory_space<vmem>>, vector<16xf32>,
        %scatter3A_1055 = arith.constant 0 : i32
        %scatter3A_1056 = arith.constant 0 : i32
        %scatter3A_1057 = arith.constant 0 : i32
        %scatter3A_1058 = tpu.memref_slice %arg7[%scan3A_583, %scatter3A_1055, %scatter3A_1056, %scatter3A_1057] : memref<5x8x8x129xf32, #tpu.memory_space<vmem>> -> memref<1x8x8x129xf32, #tpu.memory_space<vmem>>
        %scatter3A_1059 = tpu.memref_squeeze %scatter3A_1058 : memref<1x8x8x129xf32, #tpu.memory_space<vmem>> -> memref<8x8x129xf32, #tpu.memory_space<vmem>>
        tpu.vector_store_idx %scatter3A_1059[%select_n3A_183, %select_n3A_278, %add3A_1023], %get3A_1054 : memref<8x8x129xf32, #tpu.memory_space<vmem>>[vector<16xi32>, vector<16xi32>, vector<16xi32>], vector<16xf32>,
        %get3A_1060 = arith.constant 0 : i32
        %get3A_1061 = arith.constant 0 : i32
        %get3A_1062 = tpu.memref_slice %arg6[%scan3A_582, %get3A_1060, %get3A_1061] : memref<5x128x64xf32, #tpu.memory_space<vmem>> -> memref<1x128x64xf32, #tpu.memory_space<vmem>>
        %get3A_1063 = tpu.memref_squeeze %get3A_1062 : memref<1x128x64xf32, #tpu.memory_space<vmem>> -> memref<128x64xf32, #tpu.memory_space<vmem>>
        %get3A_1064 = arith.index_cast %add3A_1020 : i32 to index
        %get3A_1065 = arith.constant 48 : index
        %get3A_1066 = tpu.vector_load %get3A_1063[%get3A_1064, %get3A_1065] {strides = array<i32>} : memref<128x64xf32, #tpu.memory_space<vmem>>, vector<16xf32>,
        %scatter3A_1067 = arith.constant 0 : i32
        %scatter3A_1068 = arith.constant 0 : i32
        %scatter3A_1069 = arith.constant 0 : i32
        %scatter3A_1070 = tpu.memref_slice %arg7[%scan3A_583, %scatter3A_1067, %scatter3A_1068, %scatter3A_1069] : memref<5x8x8x129xf32, #tpu.memory_space<vmem>> -> memref<1x8x8x129xf32, #tpu.memory_space<vmem>>
        %scatter3A_1071 = tpu.memref_squeeze %scatter3A_1070 : memref<1x8x8x129xf32, #tpu.memory_space<vmem>> -> memref<8x8x129xf32, #tpu.memory_space<vmem>>
        tpu.vector_store_idx %scatter3A_1071[%select_n3A_214, %select_n3A_300, %add3A_1023], %get3A_1066 : memref<8x8x129xf32, #tpu.memory_space<vmem>>[vector<16xi32>, vector<16xi32>, vector<16xi32>], vector<16xf32>,
        %mul3A_1072 = arith.constant 8 : i32
        %mul3A_1073 = arith.muli %mul3A_1072, %scan3A_745 : i32
        %add3A_1074 = arith.constant 6 : i32
        %add3A_1075 = arith.addi %mul3A_1073, %add3A_1074 : i32
        %add3A_1076 = arith.constant 6 : i32
        %add3A_1077 = vector.broadcast %add3A_1076 : i32 to vector<16xi32>
        %add3A_1078 = arith.addi %scan3A_746, %add3A_1077 : vector<16xi32>
        %get3A_1079 = arith.constant 0 : i32
        %get3A_1080 = arith.constant 0 : i32
        %get3A_1081 = tpu.memref_slice %arg6[%scan3A_582, %get3A_1079, %get3A_1080] : memref<5x128x64xf32, #tpu.memory_space<vmem>> -> memref<1x128x64xf32, #tpu.memory_space<vmem>>
        %get3A_1082 = tpu.memref_squeeze %get3A_1081 : memref<1x128x64xf32, #tpu.memory_space<vmem>> -> memref<128x64xf32, #tpu.memory_space<vmem>>
        %get3A_1083 = arith.index_cast %add3A_1075 : i32 to index
        %get3A_1084 = arith.constant 0 : index
        %get3A_1085 = tpu.vector_load %get3A_1082[%get3A_1083, %get3A_1084] {strides = array<i32>} : memref<128x64xf32, #tpu.memory_space<vmem>>, vector<16xf32>,
        %scatter3A_1086 = arith.constant 0 : i32
        %scatter3A_1087 = arith.constant 0 : i32
        %scatter3A_1088 = arith.constant 0 : i32
        %scatter3A_1089 = tpu.memref_slice %arg7[%scan3A_583, %scatter3A_1086, %scatter3A_1087, %scatter3A_1088] : memref<5x8x8x129xf32, #tpu.memory_space<vmem>> -> memref<1x8x8x129xf32, #tpu.memory_space<vmem>>
        %scatter3A_1090 = tpu.memref_squeeze %scatter3A_1089 : memref<1x8x8x129xf32, #tpu.memory_space<vmem>> -> memref<8x8x129xf32, #tpu.memory_space<vmem>>
        tpu.vector_store_idx %scatter3A_1090[%select_n3A, %select_n3A_234, %add3A_1078], %get3A_1085 : memref<8x8x129xf32, #tpu.memory_space<vmem>>[vector<16xi32>, vector<16xi32>, vector<16xi32>], vector<16xf32>,
        %get3A_1091 = arith.constant 0 : i32
        %get3A_1092 = arith.constant 0 : i32
        %get3A_1093 = tpu.memref_slice %arg6[%scan3A_582, %get3A_1091, %get3A_1092] : memref<5x128x64xf32, #tpu.memory_space<vmem>> -> memref<1x128x64xf32, #tpu.memory_space<vmem>>
        %get3A_1094 = tpu.memref_squeeze %get3A_1093 : memref<1x128x64xf32, #tpu.memory_space<vmem>> -> memref<128x64xf32, #tpu.memory_space<vmem>>
        %get3A_1095 = arith.index_cast %add3A_1075 : i32 to index
        %get3A_1096 = arith.constant 16 : index
        %get3A_1097 = tpu.vector_load %get3A_1094[%get3A_1095, %get3A_1096] {strides = array<i32>} : memref<128x64xf32, #tpu.memory_space<vmem>>, vector<16xf32>,
        %scatter3A_1098 = arith.constant 0 : i32
        %scatter3A_1099 = arith.constant 0 : i32
        %scatter3A_1100 = arith.constant 0 : i32
        %scatter3A_1101 = tpu.memref_slice %arg7[%scan3A_583, %scatter3A_1098, %scatter3A_1099, %scatter3A_1100] : memref<5x8x8x129xf32, #tpu.memory_space<vmem>> -> memref<1x8x8x129xf32, #tpu.memory_space<vmem>>
        %scatter3A_1102 = tpu.memref_squeeze %scatter3A_1101 : memref<1x8x8x129xf32, #tpu.memory_space<vmem>> -> memref<8x8x129xf32, #tpu.memory_space<vmem>>
        tpu.vector_store_idx %scatter3A_1102[%select_n3A_152, %select_n3A_256, %add3A_1078], %get3A_1097 : memref<8x8x129xf32, #tpu.memory_space<vmem>>[vector<16xi32>, vector<16xi32>, vector<16xi32>], vector<16xf32>,
        %get3A_1103 = arith.constant 0 : i32
        %get3A_1104 = arith.constant 0 : i32
        %get3A_1105 = tpu.memref_slice %arg6[%scan3A_582, %get3A_1103, %get3A_1104] : memref<5x128x64xf32, #tpu.memory_space<vmem>> -> memref<1x128x64xf32, #tpu.memory_space<vmem>>
        %get3A_1106 = tpu.memref_squeeze %get3A_1105 : memref<1x128x64xf32, #tpu.memory_space<vmem>> -> memref<128x64xf32, #tpu.memory_space<vmem>>
        %get3A_1107 = arith.index_cast %add3A_1075 : i32 to index
        %get3A_1108 = arith.constant 32 : index
        %get3A_1109 = tpu.vector_load %get3A_1106[%get3A_1107, %get3A_1108] {strides = array<i32>} : memref<128x64xf32, #tpu.memory_space<vmem>>, vector<16xf32>,
        %scatter3A_1110 = arith.constant 0 : i32
        %scatter3A_1111 = arith.constant 0 : i32
        %scatter3A_1112 = arith.constant 0 : i32
        %scatter3A_1113 = tpu.memref_slice %arg7[%scan3A_583, %scatter3A_1110, %scatter3A_1111, %scatter3A_1112] : memref<5x8x8x129xf32, #tpu.memory_space<vmem>> -> memref<1x8x8x129xf32, #tpu.memory_space<vmem>>
        %scatter3A_1114 = tpu.memref_squeeze %scatter3A_1113 : memref<1x8x8x129xf32, #tpu.memory_space<vmem>> -> memref<8x8x129xf32, #tpu.memory_space<vmem>>
        tpu.vector_store_idx %scatter3A_1114[%select_n3A_183, %select_n3A_278, %add3A_1078], %get3A_1109 : memref<8x8x129xf32, #tpu.memory_space<vmem>>[vector<16xi32>, vector<16xi32>, vector<16xi32>], vector<16xf32>,
        %get3A_1115 = arith.constant 0 : i32
        %get3A_1116 = arith.constant 0 : i32
        %get3A_1117 = tpu.memref_slice %arg6[%scan3A_582, %get3A_1115, %get3A_1116] : memref<5x128x64xf32, #tpu.memory_space<vmem>> -> memref<1x128x64xf32, #tpu.memory_space<vmem>>
        %get3A_1118 = tpu.memref_squeeze %get3A_1117 : memref<1x128x64xf32, #tpu.memory_space<vmem>> -> memref<128x64xf32, #tpu.memory_space<vmem>>
        %get3A_1119 = arith.index_cast %add3A_1075 : i32 to index
        %get3A_1120 = arith.constant 48 : index
        %get3A_1121 = tpu.vector_load %get3A_1118[%get3A_1119, %get3A_1120] {strides = array<i32>} : memref<128x64xf32, #tpu.memory_space<vmem>>, vector<16xf32>,
        %scatter3A_1122 = arith.constant 0 : i32
        %scatter3A_1123 = arith.constant 0 : i32
        %scatter3A_1124 = arith.constant 0 : i32
        %scatter3A_1125 = tpu.memref_slice %arg7[%scan3A_583, %scatter3A_1122, %scatter3A_1123, %scatter3A_1124] : memref<5x8x8x129xf32, #tpu.memory_space<vmem>> -> memref<1x8x8x129xf32, #tpu.memory_space<vmem>>
        %scatter3A_1126 = tpu.memref_squeeze %scatter3A_1125 : memref<1x8x8x129xf32, #tpu.memory_space<vmem>> -> memref<8x8x129xf32, #tpu.memory_space<vmem>>
        tpu.vector_store_idx %scatter3A_1126[%select_n3A_214, %select_n3A_300, %add3A_1078], %get3A_1121 : memref<8x8x129xf32, #tpu.memory_space<vmem>>[vector<16xi32>, vector<16xi32>, vector<16xi32>], vector<16xf32>,
        %mul3A_1127 = arith.constant 8 : i32
        %mul3A_1128 = arith.muli %mul3A_1127, %scan3A_745 : i32
        %add3A_1129 = arith.constant 7 : i32
        %add3A_1130 = arith.addi %mul3A_1128, %add3A_1129 : i32
        %add3A_1131 = arith.constant 7 : i32
        %add3A_1132 = vector.broadcast %add3A_1131 : i32 to vector<16xi32>
        %add3A_1133 = arith.addi %scan3A_746, %add3A_1132 : vector<16xi32>
        %get3A_1134 = arith.constant 0 : i32
        %get3A_1135 = arith.constant 0 : i32
        %get3A_1136 = tpu.memref_slice %arg6[%scan3A_582, %get3A_1134, %get3A_1135] : memref<5x128x64xf32, #tpu.memory_space<vmem>> -> memref<1x128x64xf32, #tpu.memory_space<vmem>>
        %get3A_1137 = tpu.memref_squeeze %get3A_1136 : memref<1x128x64xf32, #tpu.memory_space<vmem>> -> memref<128x64xf32, #tpu.memory_space<vmem>>
        %get3A_1138 = arith.index_cast %add3A_1130 : i32 to index
        %get3A_1139 = arith.constant 0 : index
        %get3A_1140 = tpu.vector_load %get3A_1137[%get3A_1138, %get3A_1139] {strides = array<i32>} : memref<128x64xf32, #tpu.memory_space<vmem>>, vector<16xf32>,
        %scatter3A_1141 = arith.constant 0 : i32
        %scatter3A_1142 = arith.constant 0 : i32
        %scatter3A_1143 = arith.constant 0 : i32
        %scatter3A_1144 = tpu.memref_slice %arg7[%scan3A_583, %scatter3A_1141, %scatter3A_1142, %scatter3A_1143] : memref<5x8x8x129xf32, #tpu.memory_space<vmem>> -> memref<1x8x8x129xf32, #tpu.memory_space<vmem>>
        %scatter3A_1145 = tpu.memref_squeeze %scatter3A_1144 : memref<1x8x8x129xf32, #tpu.memory_space<vmem>> -> memref<8x8x129xf32, #tpu.memory_space<vmem>>
        tpu.vector_store_idx %scatter3A_1145[%select_n3A, %select_n3A_234, %add3A_1133], %get3A_1140 : memref<8x8x129xf32, #tpu.memory_space<vmem>>[vector<16xi32>, vector<16xi32>, vector<16xi32>], vector<16xf32>,
        %get3A_1146 = arith.constant 0 : i32
        %get3A_1147 = arith.constant 0 : i32
        %get3A_1148 = tpu.memref_slice %arg6[%scan3A_582, %get3A_1146, %get3A_1147] : memref<5x128x64xf32, #tpu.memory_space<vmem>> -> memref<1x128x64xf32, #tpu.memory_space<vmem>>
        %get3A_1149 = tpu.memref_squeeze %get3A_1148 : memref<1x128x64xf32, #tpu.memory_space<vmem>> -> memref<128x64xf32, #tpu.memory_space<vmem>>
        %get3A_1150 = arith.index_cast %add3A_1130 : i32 to index
        %get3A_1151 = arith.constant 16 : index
        %get3A_1152 = tpu.vector_load %get3A_1149[%get3A_1150, %get3A_1151] {strides = array<i32>} : memref<128x64xf32, #tpu.memory_space<vmem>>, vector<16xf32>,
        %scatter3A_1153 = arith.constant 0 : i32
        %scatter3A_1154 = arith.constant 0 : i32
        %scatter3A_1155 = arith.constant 0 : i32
        %scatter3A_1156 = tpu.memref_slice %arg7[%scan3A_583, %scatter3A_1153, %scatter3A_1154, %scatter3A_1155] : memref<5x8x8x129xf32, #tpu.memory_space<vmem>> -> memref<1x8x8x129xf32, #tpu.memory_space<vmem>>
        %scatter3A_1157 = tpu.memref_squeeze %scatter3A_1156 : memref<1x8x8x129xf32, #tpu.memory_space<vmem>> -> memref<8x8x129xf32, #tpu.memory_space<vmem>>
        tpu.vector_store_idx %scatter3A_1157[%select_n3A_152, %select_n3A_256, %add3A_1133], %get3A_1152 : memref<8x8x129xf32, #tpu.memory_space<vmem>>[vector<16xi32>, vector<16xi32>, vector<16xi32>], vector<16xf32>,
        %get3A_1158 = arith.constant 0 : i32
        %get3A_1159 = arith.constant 0 : i32
        %get3A_1160 = tpu.memref_slice %arg6[%scan3A_582, %get3A_1158, %get3A_1159] : memref<5x128x64xf32, #tpu.memory_space<vmem>> -> memref<1x128x64xf32, #tpu.memory_space<vmem>>
        %get3A_1161 = tpu.memref_squeeze %get3A_1160 : memref<1x128x64xf32, #tpu.memory_space<vmem>> -> memref<128x64xf32, #tpu.memory_space<vmem>>
        %get3A_1162 = arith.index_cast %add3A_1130 : i32 to index
        %get3A_1163 = arith.constant 32 : index
        %get3A_1164 = tpu.vector_load %get3A_1161[%get3A_1162, %get3A_1163] {strides = array<i32>} : memref<128x64xf32, #tpu.memory_space<vmem>>, vector<16xf32>,
        %scatter3A_1165 = arith.constant 0 : i32
        %scatter3A_1166 = arith.constant 0 : i32
        %scatter3A_1167 = arith.constant 0 : i32
        %scatter3A_1168 = tpu.memref_slice %arg7[%scan3A_583, %scatter3A_1165, %scatter3A_1166, %scatter3A_1167] : memref<5x8x8x129xf32, #tpu.memory_space<vmem>> -> memref<1x8x8x129xf32, #tpu.memory_space<vmem>>
        %scatter3A_1169 = tpu.memref_squeeze %scatter3A_1168 : memref<1x8x8x129xf32, #tpu.memory_space<vmem>> -> memref<8x8x129xf32, #tpu.memory_space<vmem>>
        tpu.vector_store_idx %scatter3A_1169[%select_n3A_183, %select_n3A_278, %add3A_1133], %get3A_1164 : memref<8x8x129xf32, #tpu.memory_space<vmem>>[vector<16xi32>, vector<16xi32>, vector<16xi32>], vector<16xf32>,
        %get3A_1170 = arith.constant 0 : i32
        %get3A_1171 = arith.constant 0 : i32
        %get3A_1172 = tpu.memref_slice %arg6[%scan3A_582, %get3A_1170, %get3A_1171] : memref<5x128x64xf32, #tpu.memory_space<vmem>> -> memref<1x128x64xf32, #tpu.memory_space<vmem>>
        %get3A_1173 = tpu.memref_squeeze %get3A_1172 : memref<1x128x64xf32, #tpu.memory_space<vmem>> -> memref<128x64xf32, #tpu.memory_space<vmem>>
        %get3A_1174 = arith.index_cast %add3A_1130 : i32 to index
        %get3A_1175 = arith.constant 48 : index
        %get3A_1176 = tpu.vector_load %get3A_1173[%get3A_1174, %get3A_1175] {strides = array<i32>} : memref<128x64xf32, #tpu.memory_space<vmem>>, vector<16xf32>,
        %scatter3A_1177 = arith.constant 0 : i32
        %scatter3A_1178 = arith.constant 0 : i32
        %scatter3A_1179 = arith.constant 0 : i32
        %scatter3A_1180 = tpu.memref_slice %arg7[%scan3A_583, %scatter3A_1177, %scatter3A_1178, %scatter3A_1179] : memref<5x8x8x129xf32, #tpu.memory_space<vmem>> -> memref<1x8x8x129xf32, #tpu.memory_space<vmem>>
        %scatter3A_1181 = tpu.memref_squeeze %scatter3A_1180 : memref<1x8x8x129xf32, #tpu.memory_space<vmem>> -> memref<8x8x129xf32, #tpu.memory_space<vmem>>
        tpu.vector_store_idx %scatter3A_1181[%select_n3A_214, %select_n3A_300, %add3A_1133], %get3A_1176 : memref<8x8x129xf32, #tpu.memory_space<vmem>>[vector<16xi32>, vector<16xi32>, vector<16xi32>], vector<16xf32>,
        %add3A_1182 = arith.constant 8 : i32
        %add3A_1183 = vector.broadcast %add3A_1182 : i32 to vector<16xi32>
        %add3A_1184 = arith.addi %scan3A_746, %add3A_1183 : vector<16xi32>
        scf.yield %add3A_1184 : vector<16xi32>
      }
      %scan3A_589 = arith.constant 16 : i32
      %dma_start3A_590 = arith.constant 2 : i32
      %dma_start3A_591 = arith.constant 2 : i32
      %dma_start3A_592 = arith.constant 0 : i32
      %dma_start3A_593 = arith.constant 0 : i32
      %dma_start3A_594 = arith.constant 0 : i32
      %dma_start3A_595 = tpu.memref_slice %arg7[%dma_start3A_590, %dma_start3A_592, %dma_start3A_593, %dma_start3A_594] : memref<5x8x8x129xf32, #tpu.memory_space<vmem>> -> memref<1x8x8x128xf32, #tpu.memory_space<vmem>>
      %dma_start3A_596 = tpu.memref_squeeze %dma_start3A_595 : memref<1x8x8x128xf32, #tpu.memory_space<vmem>> -> memref<8x8x128xf32, #tpu.memory_space<vmem>>
      %dma_start3A_597 = arith.constant 0 : i32
      %dma_start3A_598 = arith.constant 0 : i32
      %dma_start3A_599 = arith.constant 0 : i32
      %dma_start3A_600 = tpu.memref_slice %arg4[%add3A_562, %dma_start3A_597, %add3A, %dma_start3A_598, %dma_start3A_599] : memref<200x8x32x8x128xf32, #tpu.memory_space<hbm>> -> memref<1x8x1x8x128xf32, #tpu.memory_space<hbm>>
      %dma_start3A_601 = tpu.memref_squeeze %dma_start3A_600 : memref<1x8x1x8x128xf32, #tpu.memory_space<hbm>> -> memref<8x8x128xf32, #tpu.memory_space<hbm>>
      %dma_start3A_602 = tpu.memref_slice %arg9[%dma_start3A_591] : memref<5x!tpu.dma_semaphore, #tpu.memory_space<semaphore_mem>> -> memref<1x!tpu.dma_semaphore, #tpu.memory_space<semaphore_mem>>
      %dma_start3A_603 = tpu.memref_squeeze %dma_start3A_602 : memref<1x!tpu.dma_semaphore, #tpu.memory_space<semaphore_mem>> -> memref<!tpu.dma_semaphore, #tpu.memory_space<semaphore_mem>>
      %dma_start3A_604 = arith.constant 0 : i32
      %dma_start3A_605 = arith.constant 0 : i32
      %dma_start3A_606 = arith.constant 0 : i32
      %dma_start3A_607 = tpu.memref_slice %arg4[%add3A_562, %dma_start3A_604, %add3A, %dma_start3A_605, %dma_start3A_606] : memref<200x8x32x8x128xf32, #tpu.memory_space<hbm>> -> memref<1x8x1x8x128xf32, #tpu.memory_space<hbm>>
      %dma_start3A_608 = tpu.memref_squeeze %dma_start3A_607 : memref<1x8x1x8x128xf32, #tpu.memory_space<hbm>> -> memref<8x8x128xf32, #tpu.memory_space<hbm>>
      %dma_start3A_609 = arith.constant 0 : i32
      %dma_start3A_610 = arith.constant 0 : i32
      %dma_start3A_611 = arith.constant 0 : i32
      %dma_start3A_612 = tpu.memref_slice %arg7[%dma_start3A_590, %dma_start3A_609, %dma_start3A_610, %dma_start3A_611] : memref<5x8x8x129xf32, #tpu.memory_space<vmem>> -> memref<1x8x8x128xf32, #tpu.memory_space<vmem>>
      %dma_start3A_613 = tpu.memref_squeeze %dma_start3A_612 : memref<1x8x8x128xf32, #tpu.memory_space<vmem>> -> memref<8x8x128xf32, #tpu.memory_space<vmem>>
      tpu.enqueue_dma source(%dma_start3A_613 : memref<8x8x128xf32, #tpu.memory_space<vmem>>) target(%dma_start3A_608 : memref<8x8x128xf32, #tpu.memory_space<hbm>>) target_semaphore(%dma_start3A_603 : memref<!tpu.dma_semaphore, #tpu.memory_space<semaphore_mem>>)
      %add3A_614 = arith.constant 5 : i32
      %add3A_615 = arith.addi %add3A_562, %add3A_614 : i32
      %lt3A_616 = arith.constant 200 : i32
      %lt3A_617 = arith.cmpi slt, %add3A_615, %lt3A_616 : i32
      %convert_element_type3A_618 = arith.extui %lt3A_617 : i1 to i32
      %cond3A_619 = arith.constant 0 : i32
      %cond3A_620 = arith.cmpi ne, %convert_element_type3A_618, %cond3A_619 : i32
      scf.if %cond3A_620 {
        %dma_start3A_745 = arith.constant 2 : i32
        %dma_start3A_746 = arith.constant 2 : i32
        %dma_start3A_747 = arith.constant 0 : i32
        %dma_start3A_748 = arith.constant 0 : i32
        %dma_start3A_749 = tpu.memref_slice %arg6[%dma_start3A_745, %dma_start3A_747, %dma_start3A_748] : memref<5x128x64xf32, #tpu.memory_space<vmem>> -> memref<1x128x64xf32, #tpu.memory_space<vmem>>
        %dma_start3A_750 = tpu.memref_squeeze %dma_start3A_749 : memref<1x128x64xf32, #tpu.memory_space<vmem>> -> memref<128x64xf32, #tpu.memory_space<vmem>>
        %dma_start3A_751 = arith.constant 0 : i32
        %dma_start3A_752 = tpu.memref_slice %arg5[%add3A_615, %dma_start3A_751] : memref<200x128xi32, #tpu.memory_space<vmem>> -> memref<1x128xi32, #tpu.memory_space<vmem>>
        %dma_start3A_753 = tpu.memref_squeeze %dma_start3A_752 : memref<1x128xi32, #tpu.memory_space<vmem>> -> memref<128xi32, #tpu.memory_space<vmem>>
        %dma_start3A_754 = arith.constant 0 : i32
        %dma_start3A_755 = arith.constant 0 : i32
        %dma_start3A_756 = tpu.memref_slice %arg3[%dma_start3A_754, %dma_start3A_755] : memref<1000000x64xf32, #tpu.memory_space<hbm>> -> memref<1000000x64xf32, #tpu.memory_space<hbm>>
        %dma_start3A_757 = tpu.memref_slice %arg8[%dma_start3A_746] : memref<5x!tpu.dma_semaphore, #tpu.memory_space<semaphore_mem>> -> memref<1x!tpu.dma_semaphore, #tpu.memory_space<semaphore_mem>>
        %dma_start3A_758 = tpu.memref_squeeze %dma_start3A_757 : memref<1x!tpu.dma_semaphore, #tpu.memory_space<semaphore_mem>> -> memref<!tpu.dma_semaphore, #tpu.memory_space<semaphore_mem>>
        tpu.enqueue_indirect_dma source(%dma_start3A_756 : memref<1000000x64xf32, #tpu.memory_space<hbm>>) target(%dma_start3A_750 : memref<128x64xf32, #tpu.memory_space<vmem>>) offsets(%dma_start3A_753 : memref<128xi32, #tpu.memory_space<vmem>>) semaphore(%dma_start3A_758 : memref<!tpu.dma_semaphore, #tpu.memory_space<semaphore_mem>>)
      } else {
      }
      %mul3A_621 = arith.constant 5 : i32
      %mul3A_622 = arith.muli %scan3A_437, %mul3A_621 : i32
      %add3A_623 = arith.constant 3 : i32
      %add3A_624 = arith.addi %mul3A_622, %add3A_623 : i32
      %dma_wait3A_625 = arith.constant 3 : i32
      %dma_wait3A_626 = arith.constant 3 : i32
      %dma_wait3A_627 = arith.constant 0 : i32
      %dma_wait3A_628 = arith.constant 0 : i32
      %dma_wait3A_629 = tpu.memref_slice %arg6[%dma_wait3A_625, %dma_wait3A_627, %dma_wait3A_628] : memref<5x128x64xf32, #tpu.memory_space<vmem>> -> memref<1x128x64xf32, #tpu.memory_space<vmem>>
      %dma_wait3A_630 = tpu.memref_squeeze %dma_wait3A_629 : memref<1x128x64xf32, #tpu.memory_space<vmem>> -> memref<128x64xf32, #tpu.memory_space<vmem>>
      %dma_wait3A_631 = arith.constant 0 : i32
      %dma_wait3A_632 = tpu.memref_slice %arg5[%add3A_624, %dma_wait3A_631] : memref<200x128xi32, #tpu.memory_space<vmem>> -> memref<1x128xi32, #tpu.memory_space<vmem>>
      %dma_wait3A_633 = tpu.memref_squeeze %dma_wait3A_632 : memref<1x128xi32, #tpu.memory_space<vmem>> -> memref<128xi32, #tpu.memory_space<vmem>>
      %dma_wait3A_634 = arith.constant 0 : i32
      %dma_wait3A_635 = arith.constant 0 : i32
      %dma_wait3A_636 = tpu.memref_slice %arg3[%dma_wait3A_634, %dma_wait3A_635] : memref<1000000x64xf32, #tpu.memory_space<hbm>> -> memref<1000000x64xf32, #tpu.memory_space<hbm>>
      %dma_wait3A_637 = tpu.memref_slice %arg8[%dma_wait3A_626] : memref<5x!tpu.dma_semaphore, #tpu.memory_space<semaphore_mem>> -> memref<1x!tpu.dma_semaphore, #tpu.memory_space<semaphore_mem>>
      %dma_wait3A_638 = tpu.memref_squeeze %dma_wait3A_637 : memref<1x!tpu.dma_semaphore, #tpu.memory_space<semaphore_mem>> -> memref<!tpu.dma_semaphore, #tpu.memory_space<semaphore_mem>>
      tpu.wait_indirect_dma semaphore(%dma_wait3A_638 : memref<!tpu.dma_semaphore, #tpu.memory_space<semaphore_mem>>) src(%dma_wait3A_636 : memref<1000000x64xf32, #tpu.memory_space<hbm>>) dst(%dma_wait3A_630 : memref<128x64xf32, #tpu.memory_space<vmem>>)
      %ge3A_639 = arith.constant 5 : i32
      %ge3A_640 = arith.cmpi sge, %add3A_624, %ge3A_639 : i32
      %convert_element_type3A_641 = arith.extui %ge3A_640 : i1 to i32
      %cond3A_642 = arith.constant 0 : i32
      %cond3A_643 = arith.cmpi ne, %convert_element_type3A_641, %cond3A_642 : i32
      scf.if %cond3A_643 {
        %dma_wait3A_745 = arith.constant 3 : i32
        %dma_wait3A_746 = arith.constant 0 : i32
        %dma_wait3A_747 = arith.constant 0 : i32
        %dma_wait3A_748 = arith.constant 3 : i32
        %dma_wait3A_749 = arith.constant 0 : i32
        %dma_wait3A_750 = arith.constant 0 : i32
        %dma_wait3A_751 = arith.constant 0 : i32
        %dma_wait3A_752 = tpu.memref_slice %arg7[%dma_wait3A_745, %dma_wait3A_749, %dma_wait3A_750, %dma_wait3A_751] : memref<5x8x8x129xf32, #tpu.memory_space<vmem>> -> memref<1x8x8x128xf32, #tpu.memory_space<vmem>>
        %dma_wait3A_753 = tpu.memref_squeeze %dma_wait3A_752 : memref<1x8x8x128xf32, #tpu.memory_space<vmem>> -> memref<8x8x128xf32, #tpu.memory_space<vmem>>
        %dma_wait3A_754 = arith.constant 0 : i32
        %dma_wait3A_755 = arith.constant 0 : i32
        %dma_wait3A_756 = arith.constant 0 : i32
        %dma_wait3A_757 = tpu.memref_slice %arg4[%dma_wait3A_746, %dma_wait3A_754, %dma_wait3A_747, %dma_wait3A_755, %dma_wait3A_756] : memref<200x8x32x8x128xf32, #tpu.memory_space<hbm>> -> memref<1x8x1x8x128xf32, #tpu.memory_space<hbm>>
        %dma_wait3A_758 = tpu.memref_squeeze %dma_wait3A_757 : memref<1x8x1x8x128xf32, #tpu.memory_space<hbm>> -> memref<8x8x128xf32, #tpu.memory_space<hbm>>
        %dma_wait3A_759 = tpu.memref_slice %arg9[%dma_wait3A_748] : memref<5x!tpu.dma_semaphore, #tpu.memory_space<semaphore_mem>> -> memref<1x!tpu.dma_semaphore, #tpu.memory_space<semaphore_mem>>
        %dma_wait3A_760 = tpu.memref_squeeze %dma_wait3A_759 : memref<1x!tpu.dma_semaphore, #tpu.memory_space<semaphore_mem>> -> memref<!tpu.dma_semaphore, #tpu.memory_space<semaphore_mem>>
        %dma_wait3A_761 = arith.constant 0 : i32
        %dma_wait3A_762 = arith.constant 0 : i32
        %dma_wait3A_763 = arith.constant 0 : i32
        %dma_wait3A_764 = tpu.memref_slice %arg4[%dma_wait3A_746, %dma_wait3A_761, %dma_wait3A_747, %dma_wait3A_762, %dma_wait3A_763] : memref<200x8x32x8x128xf32, #tpu.memory_space<hbm>> -> memref<1x8x1x8x128xf32, #tpu.memory_space<hbm>>
        %dma_wait3A_765 = tpu.memref_squeeze %dma_wait3A_764 : memref<1x8x1x8x128xf32, #tpu.memory_space<hbm>> -> memref<8x8x128xf32, #tpu.memory_space<hbm>>
        %dma_wait3A_766 = arith.constant 0 : i32
        %dma_wait3A_767 = arith.constant 0 : i32
        %dma_wait3A_768 = arith.constant 0 : i32
        %dma_wait3A_769 = tpu.memref_slice %arg7[%dma_wait3A_745, %dma_wait3A_766, %dma_wait3A_767, %dma_wait3A_768] : memref<5x8x8x129xf32, #tpu.memory_space<vmem>> -> memref<1x8x8x128xf32, #tpu.memory_space<vmem>>
        %dma_wait3A_770 = tpu.memref_squeeze %dma_wait3A_769 : memref<1x8x8x128xf32, #tpu.memory_space<vmem>> -> memref<8x8x128xf32, #tpu.memory_space<vmem>>
        tpu.wait_dma2 semaphore(%dma_wait3A_760 : memref<!tpu.dma_semaphore, #tpu.memory_space<semaphore_mem>>) src(%dma_wait3A_770 : memref<8x8x128xf32, #tpu.memory_space<vmem>>) dst(%dma_wait3A_765 : memref<8x8x128xf32, #tpu.memory_space<hbm>>)
      } else {
      }
      %scan3A_644 = arith.constant 3 : i32
      %scan3A_645 = arith.constant 3 : i32
      %scan3A_646 = arith.constant 0 : i32
      %scan3A_647 = arith.constant 16 : i32
      %scan3A_648 = arith.addi %scan3A_646, %scan3A_647 : i32
      %scan3A_649 = arith.constant 1 : i32
      %scan3A_650 = scf.for %scan3A_745 = %scan3A_646 to %scan3A_648 step %scan3A_649 iter_args(%scan3A_746 = %broadcast_in_dim3A_301) -> (vector<16xi32>)  : i32 {
        %mul3A_747 = arith.constant 8 : i32
        %mul3A_748 = arith.muli %mul3A_747, %scan3A_745 : i32
        %add3A_749 = arith.constant 0 : i32
        %add3A_750 = arith.addi %mul3A_748, %add3A_749 : i32
        %get3A = arith.constant 0 : i32
        %get3A_751 = arith.constant 0 : i32
        %get3A_752 = tpu.memref_slice %arg6[%scan3A_644, %get3A, %get3A_751] : memref<5x128x64xf32, #tpu.memory_space<vmem>> -> memref<1x128x64xf32, #tpu.memory_space<vmem>>
        %get3A_753 = tpu.memref_squeeze %get3A_752 : memref<1x128x64xf32, #tpu.memory_space<vmem>> -> memref<128x64xf32, #tpu.memory_space<vmem>>
        %get3A_754 = arith.index_cast %add3A_750 : i32 to index
        %get3A_755 = arith.constant 0 : index
        %get3A_756 = tpu.vector_load %get3A_753[%get3A_754, %get3A_755] {strides = array<i32>} : memref<128x64xf32, #tpu.memory_space<vmem>>, vector<16xf32>,
        %scatter3A = arith.constant 0 : i32
        %scatter3A_757 = arith.constant 0 : i32
        %scatter3A_758 = arith.constant 0 : i32
        %scatter3A_759 = tpu.memref_slice %arg7[%scan3A_645, %scatter3A, %scatter3A_757, %scatter3A_758] : memref<5x8x8x129xf32, #tpu.memory_space<vmem>> -> memref<1x8x8x129xf32, #tpu.memory_space<vmem>>
        %scatter3A_760 = tpu.memref_squeeze %scatter3A_759 : memref<1x8x8x129xf32, #tpu.memory_space<vmem>> -> memref<8x8x129xf32, #tpu.memory_space<vmem>>
        tpu.vector_store_idx %scatter3A_760[%select_n3A, %select_n3A_234, %scan3A_746], %get3A_756 : memref<8x8x129xf32, #tpu.memory_space<vmem>>[vector<16xi32>, vector<16xi32>, vector<16xi32>], vector<16xf32>,
        %get3A_761 = arith.constant 0 : i32
        %get3A_762 = arith.constant 0 : i32
        %get3A_763 = tpu.memref_slice %arg6[%scan3A_644, %get3A_761, %get3A_762] : memref<5x128x64xf32, #tpu.memory_space<vmem>> -> memref<1x128x64xf32, #tpu.memory_space<vmem>>
        %get3A_764 = tpu.memref_squeeze %get3A_763 : memref<1x128x64xf32, #tpu.memory_space<vmem>> -> memref<128x64xf32, #tpu.memory_space<vmem>>
        %get3A_765 = arith.index_cast %add3A_750 : i32 to index
        %get3A_766 = arith.constant 16 : index
        %get3A_767 = tpu.vector_load %get3A_764[%get3A_765, %get3A_766] {strides = array<i32>} : memref<128x64xf32, #tpu.memory_space<vmem>>, vector<16xf32>,
        %scatter3A_768 = arith.constant 0 : i32
        %scatter3A_769 = arith.constant 0 : i32
        %scatter3A_770 = arith.constant 0 : i32
        %scatter3A_771 = tpu.memref_slice %arg7[%scan3A_645, %scatter3A_768, %scatter3A_769, %scatter3A_770] : memref<5x8x8x129xf32, #tpu.memory_space<vmem>> -> memref<1x8x8x129xf32, #tpu.memory_space<vmem>>
        %scatter3A_772 = tpu.memref_squeeze %scatter3A_771 : memref<1x8x8x129xf32, #tpu.memory_space<vmem>> -> memref<8x8x129xf32, #tpu.memory_space<vmem>>
        tpu.vector_store_idx %scatter3A_772[%select_n3A_152, %select_n3A_256, %scan3A_746], %get3A_767 : memref<8x8x129xf32, #tpu.memory_space<vmem>>[vector<16xi32>, vector<16xi32>, vector<16xi32>], vector<16xf32>,
        %get3A_773 = arith.constant 0 : i32
        %get3A_774 = arith.constant 0 : i32
        %get3A_775 = tpu.memref_slice %arg6[%scan3A_644, %get3A_773, %get3A_774] : memref<5x128x64xf32, #tpu.memory_space<vmem>> -> memref<1x128x64xf32, #tpu.memory_space<vmem>>
        %get3A_776 = tpu.memref_squeeze %get3A_775 : memref<1x128x64xf32, #tpu.memory_space<vmem>> -> memref<128x64xf32, #tpu.memory_space<vmem>>
        %get3A_777 = arith.index_cast %add3A_750 : i32 to index
        %get3A_778 = arith.constant 32 : index
        %get3A_779 = tpu.vector_load %get3A_776[%get3A_777, %get3A_778] {strides = array<i32>} : memref<128x64xf32, #tpu.memory_space<vmem>>, vector<16xf32>,
        %scatter3A_780 = arith.constant 0 : i32
        %scatter3A_781 = arith.constant 0 : i32
        %scatter3A_782 = arith.constant 0 : i32
        %scatter3A_783 = tpu.memref_slice %arg7[%scan3A_645, %scatter3A_780, %scatter3A_781, %scatter3A_782] : memref<5x8x8x129xf32, #tpu.memory_space<vmem>> -> memref<1x8x8x129xf32, #tpu.memory_space<vmem>>
        %scatter3A_784 = tpu.memref_squeeze %scatter3A_783 : memref<1x8x8x129xf32, #tpu.memory_space<vmem>> -> memref<8x8x129xf32, #tpu.memory_space<vmem>>
        tpu.vector_store_idx %scatter3A_784[%select_n3A_183, %select_n3A_278, %scan3A_746], %get3A_779 : memref<8x8x129xf32, #tpu.memory_space<vmem>>[vector<16xi32>, vector<16xi32>, vector<16xi32>], vector<16xf32>,
        %get3A_785 = arith.constant 0 : i32
        %get3A_786 = arith.constant 0 : i32
        %get3A_787 = tpu.memref_slice %arg6[%scan3A_644, %get3A_785, %get3A_786] : memref<5x128x64xf32, #tpu.memory_space<vmem>> -> memref<1x128x64xf32, #tpu.memory_space<vmem>>
        %get3A_788 = tpu.memref_squeeze %get3A_787 : memref<1x128x64xf32, #tpu.memory_space<vmem>> -> memref<128x64xf32, #tpu.memory_space<vmem>>
        %get3A_789 = arith.index_cast %add3A_750 : i32 to index
        %get3A_790 = arith.constant 48 : index
        %get3A_791 = tpu.vector_load %get3A_788[%get3A_789, %get3A_790] {strides = array<i32>} : memref<128x64xf32, #tpu.memory_space<vmem>>, vector<16xf32>,
        %scatter3A_792 = arith.constant 0 : i32
        %scatter3A_793 = arith.constant 0 : i32
        %scatter3A_794 = arith.constant 0 : i32
        %scatter3A_795 = tpu.memref_slice %arg7[%scan3A_645, %scatter3A_792, %scatter3A_793, %scatter3A_794] : memref<5x8x8x129xf32, #tpu.memory_space<vmem>> -> memref<1x8x8x129xf32, #tpu.memory_space<vmem>>
        %scatter3A_796 = tpu.memref_squeeze %scatter3A_795 : memref<1x8x8x129xf32, #tpu.memory_space<vmem>> -> memref<8x8x129xf32, #tpu.memory_space<vmem>>
        tpu.vector_store_idx %scatter3A_796[%select_n3A_214, %select_n3A_300, %scan3A_746], %get3A_791 : memref<8x8x129xf32, #tpu.memory_space<vmem>>[vector<16xi32>, vector<16xi32>, vector<16xi32>], vector<16xf32>,
        %mul3A_797 = arith.constant 8 : i32
        %mul3A_798 = arith.muli %mul3A_797, %scan3A_745 : i32
        %add3A_799 = arith.constant 1 : i32
        %add3A_800 = arith.addi %mul3A_798, %add3A_799 : i32
        %add3A_801 = arith.constant 1 : i32
        %add3A_802 = vector.broadcast %add3A_801 : i32 to vector<16xi32>
        %add3A_803 = arith.addi %scan3A_746, %add3A_802 : vector<16xi32>
        %get3A_804 = arith.constant 0 : i32
        %get3A_805 = arith.constant 0 : i32
        %get3A_806 = tpu.memref_slice %arg6[%scan3A_644, %get3A_804, %get3A_805] : memref<5x128x64xf32, #tpu.memory_space<vmem>> -> memref<1x128x64xf32, #tpu.memory_space<vmem>>
        %get3A_807 = tpu.memref_squeeze %get3A_806 : memref<1x128x64xf32, #tpu.memory_space<vmem>> -> memref<128x64xf32, #tpu.memory_space<vmem>>
        %get3A_808 = arith.index_cast %add3A_800 : i32 to index
        %get3A_809 = arith.constant 0 : index
        %get3A_810 = tpu.vector_load %get3A_807[%get3A_808, %get3A_809] {strides = array<i32>} : memref<128x64xf32, #tpu.memory_space<vmem>>, vector<16xf32>,
        %scatter3A_811 = arith.constant 0 : i32
        %scatter3A_812 = arith.constant 0 : i32
        %scatter3A_813 = arith.constant 0 : i32
        %scatter3A_814 = tpu.memref_slice %arg7[%scan3A_645, %scatter3A_811, %scatter3A_812, %scatter3A_813] : memref<5x8x8x129xf32, #tpu.memory_space<vmem>> -> memref<1x8x8x129xf32, #tpu.memory_space<vmem>>
        %scatter3A_815 = tpu.memref_squeeze %scatter3A_814 : memref<1x8x8x129xf32, #tpu.memory_space<vmem>> -> memref<8x8x129xf32, #tpu.memory_space<vmem>>
        tpu.vector_store_idx %scatter3A_815[%select_n3A, %select_n3A_234, %add3A_803], %get3A_810 : memref<8x8x129xf32, #tpu.memory_space<vmem>>[vector<16xi32>, vector<16xi32>, vector<16xi32>], vector<16xf32>,
        %get3A_816 = arith.constant 0 : i32
        %get3A_817 = arith.constant 0 : i32
        %get3A_818 = tpu.memref_slice %arg6[%scan3A_644, %get3A_816, %get3A_817] : memref<5x128x64xf32, #tpu.memory_space<vmem>> -> memref<1x128x64xf32, #tpu.memory_space<vmem>>
        %get3A_819 = tpu.memref_squeeze %get3A_818 : memref<1x128x64xf32, #tpu.memory_space<vmem>> -> memref<128x64xf32, #tpu.memory_space<vmem>>
        %get3A_820 = arith.index_cast %add3A_800 : i32 to index
        %get3A_821 = arith.constant 16 : index
        %get3A_822 = tpu.vector_load %get3A_819[%get3A_820, %get3A_821] {strides = array<i32>} : memref<128x64xf32, #tpu.memory_space<vmem>>, vector<16xf32>,
        %scatter3A_823 = arith.constant 0 : i32
        %scatter3A_824 = arith.constant 0 : i32
        %scatter3A_825 = arith.constant 0 : i32
        %scatter3A_826 = tpu.memref_slice %arg7[%scan3A_645, %scatter3A_823, %scatter3A_824, %scatter3A_825] : memref<5x8x8x129xf32, #tpu.memory_space<vmem>> -> memref<1x8x8x129xf32, #tpu.memory_space<vmem>>
        %scatter3A_827 = tpu.memref_squeeze %scatter3A_826 : memref<1x8x8x129xf32, #tpu.memory_space<vmem>> -> memref<8x8x129xf32, #tpu.memory_space<vmem>>
        tpu.vector_store_idx %scatter3A_827[%select_n3A_152, %select_n3A_256, %add3A_803], %get3A_822 : memref<8x8x129xf32, #tpu.memory_space<vmem>>[vector<16xi32>, vector<16xi32>, vector<16xi32>], vector<16xf32>,
        %get3A_828 = arith.constant 0 : i32
        %get3A_829 = arith.constant 0 : i32
        %get3A_830 = tpu.memref_slice %arg6[%scan3A_644, %get3A_828, %get3A_829] : memref<5x128x64xf32, #tpu.memory_space<vmem>> -> memref<1x128x64xf32, #tpu.memory_space<vmem>>
        %get3A_831 = tpu.memref_squeeze %get3A_830 : memref<1x128x64xf32, #tpu.memory_space<vmem>> -> memref<128x64xf32, #tpu.memory_space<vmem>>
        %get3A_832 = arith.index_cast %add3A_800 : i32 to index
        %get3A_833 = arith.constant 32 : index
        %get3A_834 = tpu.vector_load %get3A_831[%get3A_832, %get3A_833] {strides = array<i32>} : memref<128x64xf32, #tpu.memory_space<vmem>>, vector<16xf32>,
        %scatter3A_835 = arith.constant 0 : i32
        %scatter3A_836 = arith.constant 0 : i32
        %scatter3A_837 = arith.constant 0 : i32
        %scatter3A_838 = tpu.memref_slice %arg7[%scan3A_645, %scatter3A_835, %scatter3A_836, %scatter3A_837] : memref<5x8x8x129xf32, #tpu.memory_space<vmem>> -> memref<1x8x8x129xf32, #tpu.memory_space<vmem>>
        %scatter3A_839 = tpu.memref_squeeze %scatter3A_838 : memref<1x8x8x129xf32, #tpu.memory_space<vmem>> -> memref<8x8x129xf32, #tpu.memory_space<vmem>>
        tpu.vector_store_idx %scatter3A_839[%select_n3A_183, %select_n3A_278, %add3A_803], %get3A_834 : memref<8x8x129xf32, #tpu.memory_space<vmem>>[vector<16xi32>, vector<16xi32>, vector<16xi32>], vector<16xf32>,
        %get3A_840 = arith.constant 0 : i32
        %get3A_841 = arith.constant 0 : i32
        %get3A_842 = tpu.memref_slice %arg6[%scan3A_644, %get3A_840, %get3A_841] : memref<5x128x64xf32, #tpu.memory_space<vmem>> -> memref<1x128x64xf32, #tpu.memory_space<vmem>>
        %get3A_843 = tpu.memref_squeeze %get3A_842 : memref<1x128x64xf32, #tpu.memory_space<vmem>> -> memref<128x64xf32, #tpu.memory_space<vmem>>
        %get3A_844 = arith.index_cast %add3A_800 : i32 to index
        %get3A_845 = arith.constant 48 : index
        %get3A_846 = tpu.vector_load %get3A_843[%get3A_844, %get3A_845] {strides = array<i32>} : memref<128x64xf32, #tpu.memory_space<vmem>>, vector<16xf32>,
        %scatter3A_847 = arith.constant 0 : i32
        %scatter3A_848 = arith.constant 0 : i32
        %scatter3A_849 = arith.constant 0 : i32
        %scatter3A_850 = tpu.memref_slice %arg7[%scan3A_645, %scatter3A_847, %scatter3A_848, %scatter3A_849] : memref<5x8x8x129xf32, #tpu.memory_space<vmem>> -> memref<1x8x8x129xf32, #tpu.memory_space<vmem>>
        %scatter3A_851 = tpu.memref_squeeze %scatter3A_850 : memref<1x8x8x129xf32, #tpu.memory_space<vmem>> -> memref<8x8x129xf32, #tpu.memory_space<vmem>>
        tpu.vector_store_idx %scatter3A_851[%select_n3A_214, %select_n3A_300, %add3A_803], %get3A_846 : memref<8x8x129xf32, #tpu.memory_space<vmem>>[vector<16xi32>, vector<16xi32>, vector<16xi32>], vector<16xf32>,
        %mul3A_852 = arith.constant 8 : i32
        %mul3A_853 = arith.muli %mul3A_852, %scan3A_745 : i32
        %add3A_854 = arith.constant 2 : i32
        %add3A_855 = arith.addi %mul3A_853, %add3A_854 : i32
        %add3A_856 = arith.constant 2 : i32
        %add3A_857 = vector.broadcast %add3A_856 : i32 to vector<16xi32>
        %add3A_858 = arith.addi %scan3A_746, %add3A_857 : vector<16xi32>
        %get3A_859 = arith.constant 0 : i32
        %get3A_860 = arith.constant 0 : i32
        %get3A_861 = tpu.memref_slice %arg6[%scan3A_644, %get3A_859, %get3A_860] : memref<5x128x64xf32, #tpu.memory_space<vmem>> -> memref<1x128x64xf32, #tpu.memory_space<vmem>>
        %get3A_862 = tpu.memref_squeeze %get3A_861 : memref<1x128x64xf32, #tpu.memory_space<vmem>> -> memref<128x64xf32, #tpu.memory_space<vmem>>
        %get3A_863 = arith.index_cast %add3A_855 : i32 to index
        %get3A_864 = arith.constant 0 : index
        %get3A_865 = tpu.vector_load %get3A_862[%get3A_863, %get3A_864] {strides = array<i32>} : memref<128x64xf32, #tpu.memory_space<vmem>>, vector<16xf32>,
        %scatter3A_866 = arith.constant 0 : i32
        %scatter3A_867 = arith.constant 0 : i32
        %scatter3A_868 = arith.constant 0 : i32
        %scatter3A_869 = tpu.memref_slice %arg7[%scan3A_645, %scatter3A_866, %scatter3A_867, %scatter3A_868] : memref<5x8x8x129xf32, #tpu.memory_space<vmem>> -> memref<1x8x8x129xf32, #tpu.memory_space<vmem>>
        %scatter3A_870 = tpu.memref_squeeze %scatter3A_869 : memref<1x8x8x129xf32, #tpu.memory_space<vmem>> -> memref<8x8x129xf32, #tpu.memory_space<vmem>>
        tpu.vector_store_idx %scatter3A_870[%select_n3A, %select_n3A_234, %add3A_858], %get3A_865 : memref<8x8x129xf32, #tpu.memory_space<vmem>>[vector<16xi32>, vector<16xi32>, vector<16xi32>], vector<16xf32>,
        %get3A_871 = arith.constant 0 : i32
        %get3A_872 = arith.constant 0 : i32
        %get3A_873 = tpu.memref_slice %arg6[%scan3A_644, %get3A_871, %get3A_872] : memref<5x128x64xf32, #tpu.memory_space<vmem>> -> memref<1x128x64xf32, #tpu.memory_space<vmem>>
        %get3A_874 = tpu.memref_squeeze %get3A_873 : memref<1x128x64xf32, #tpu.memory_space<vmem>> -> memref<128x64xf32, #tpu.memory_space<vmem>>
        %get3A_875 = arith.index_cast %add3A_855 : i32 to index
        %get3A_876 = arith.constant 16 : index
        %get3A_877 = tpu.vector_load %get3A_874[%get3A_875, %get3A_876] {strides = array<i32>} : memref<128x64xf32, #tpu.memory_space<vmem>>, vector<16xf32>,
        %scatter3A_878 = arith.constant 0 : i32
        %scatter3A_879 = arith.constant 0 : i32
        %scatter3A_880 = arith.constant 0 : i32
        %scatter3A_881 = tpu.memref_slice %arg7[%scan3A_645, %scatter3A_878, %scatter3A_879, %scatter3A_880] : memref<5x8x8x129xf32, #tpu.memory_space<vmem>> -> memref<1x8x8x129xf32, #tpu.memory_space<vmem>>
        %scatter3A_882 = tpu.memref_squeeze %scatter3A_881 : memref<1x8x8x129xf32, #tpu.memory_space<vmem>> -> memref<8x8x129xf32, #tpu.memory_space<vmem>>
        tpu.vector_store_idx %scatter3A_882[%select_n3A_152, %select_n3A_256, %add3A_858], %get3A_877 : memref<8x8x129xf32, #tpu.memory_space<vmem>>[vector<16xi32>, vector<16xi32>, vector<16xi32>], vector<16xf32>,
        %get3A_883 = arith.constant 0 : i32
        %get3A_884 = arith.constant 0 : i32
        %get3A_885 = tpu.memref_slice %arg6[%scan3A_644, %get3A_883, %get3A_884] : memref<5x128x64xf32, #tpu.memory_space<vmem>> -> memref<1x128x64xf32, #tpu.memory_space<vmem>>
        %get3A_886 = tpu.memref_squeeze %get3A_885 : memref<1x128x64xf32, #tpu.memory_space<vmem>> -> memref<128x64xf32, #tpu.memory_space<vmem>>
        %get3A_887 = arith.index_cast %add3A_855 : i32 to index
        %get3A_888 = arith.constant 32 : index
        %get3A_889 = tpu.vector_load %get3A_886[%get3A_887, %get3A_888] {strides = array<i32>} : memref<128x64xf32, #tpu.memory_space<vmem>>, vector<16xf32>,
        %scatter3A_890 = arith.constant 0 : i32
        %scatter3A_891 = arith.constant 0 : i32
        %scatter3A_892 = arith.constant 0 : i32
        %scatter3A_893 = tpu.memref_slice %arg7[%scan3A_645, %scatter3A_890, %scatter3A_891, %scatter3A_892] : memref<5x8x8x129xf32, #tpu.memory_space<vmem>> -> memref<1x8x8x129xf32, #tpu.memory_space<vmem>>
        %scatter3A_894 = tpu.memref_squeeze %scatter3A_893 : memref<1x8x8x129xf32, #tpu.memory_space<vmem>> -> memref<8x8x129xf32, #tpu.memory_space<vmem>>
        tpu.vector_store_idx %scatter3A_894[%select_n3A_183, %select_n3A_278, %add3A_858], %get3A_889 : memref<8x8x129xf32, #tpu.memory_space<vmem>>[vector<16xi32>, vector<16xi32>, vector<16xi32>], vector<16xf32>,
        %get3A_895 = arith.constant 0 : i32
        %get3A_896 = arith.constant 0 : i32
        %get3A_897 = tpu.memref_slice %arg6[%scan3A_644, %get3A_895, %get3A_896] : memref<5x128x64xf32, #tpu.memory_space<vmem>> -> memref<1x128x64xf32, #tpu.memory_space<vmem>>
        %get3A_898 = tpu.memref_squeeze %get3A_897 : memref<1x128x64xf32, #tpu.memory_space<vmem>> -> memref<128x64xf32, #tpu.memory_space<vmem>>
        %get3A_899 = arith.index_cast %add3A_855 : i32 to index
        %get3A_900 = arith.constant 48 : index
        %get3A_901 = tpu.vector_load %get3A_898[%get3A_899, %get3A_900] {strides = array<i32>} : memref<128x64xf32, #tpu.memory_space<vmem>>, vector<16xf32>,
        %scatter3A_902 = arith.constant 0 : i32
        %scatter3A_903 = arith.constant 0 : i32
        %scatter3A_904 = arith.constant 0 : i32
        %scatter3A_905 = tpu.memref_slice %arg7[%scan3A_645, %scatter3A_902, %scatter3A_903, %scatter3A_904] : memref<5x8x8x129xf32, #tpu.memory_space<vmem>> -> memref<1x8x8x129xf32, #tpu.memory_space<vmem>>
        %scatter3A_906 = tpu.memref_squeeze %scatter3A_905 : memref<1x8x8x129xf32, #tpu.memory_space<vmem>> -> memref<8x8x129xf32, #tpu.memory_space<vmem>>
        tpu.vector_store_idx %scatter3A_906[%select_n3A_214, %select_n3A_300, %add3A_858], %get3A_901 : memref<8x8x129xf32, #tpu.memory_space<vmem>>[vector<16xi32>, vector<16xi32>, vector<16xi32>], vector<16xf32>,
        %mul3A_907 = arith.constant 8 : i32
        %mul3A_908 = arith.muli %mul3A_907, %scan3A_745 : i32
        %add3A_909 = arith.constant 3 : i32
        %add3A_910 = arith.addi %mul3A_908, %add3A_909 : i32
        %add3A_911 = arith.constant 3 : i32
        %add3A_912 = vector.broadcast %add3A_911 : i32 to vector<16xi32>
        %add3A_913 = arith.addi %scan3A_746, %add3A_912 : vector<16xi32>
        %get3A_914 = arith.constant 0 : i32
        %get3A_915 = arith.constant 0 : i32
        %get3A_916 = tpu.memref_slice %arg6[%scan3A_644, %get3A_914, %get3A_915] : memref<5x128x64xf32, #tpu.memory_space<vmem>> -> memref<1x128x64xf32, #tpu.memory_space<vmem>>
        %get3A_917 = tpu.memref_squeeze %get3A_916 : memref<1x128x64xf32, #tpu.memory_space<vmem>> -> memref<128x64xf32, #tpu.memory_space<vmem>>
        %get3A_918 = arith.index_cast %add3A_910 : i32 to index
        %get3A_919 = arith.constant 0 : index
        %get3A_920 = tpu.vector_load %get3A_917[%get3A_918, %get3A_919] {strides = array<i32>} : memref<128x64xf32, #tpu.memory_space<vmem>>, vector<16xf32>,
        %scatter3A_921 = arith.constant 0 : i32
        %scatter3A_922 = arith.constant 0 : i32
        %scatter3A_923 = arith.constant 0 : i32
        %scatter3A_924 = tpu.memref_slice %arg7[%scan3A_645, %scatter3A_921, %scatter3A_922, %scatter3A_923] : memref<5x8x8x129xf32, #tpu.memory_space<vmem>> -> memref<1x8x8x129xf32, #tpu.memory_space<vmem>>
        %scatter3A_925 = tpu.memref_squeeze %scatter3A_924 : memref<1x8x8x129xf32, #tpu.memory_space<vmem>> -> memref<8x8x129xf32, #tpu.memory_space<vmem>>
        tpu.vector_store_idx %scatter3A_925[%select_n3A, %select_n3A_234, %add3A_913], %get3A_920 : memref<8x8x129xf32, #tpu.memory_space<vmem>>[vector<16xi32>, vector<16xi32>, vector<16xi32>], vector<16xf32>,
        %get3A_926 = arith.constant 0 : i32
        %get3A_927 = arith.constant 0 : i32
        %get3A_928 = tpu.memref_slice %arg6[%scan3A_644, %get3A_926, %get3A_927] : memref<5x128x64xf32, #tpu.memory_space<vmem>> -> memref<1x128x64xf32, #tpu.memory_space<vmem>>
        %get3A_929 = tpu.memref_squeeze %get3A_928 : memref<1x128x64xf32, #tpu.memory_space<vmem>> -> memref<128x64xf32, #tpu.memory_space<vmem>>
        %get3A_930 = arith.index_cast %add3A_910 : i32 to index
        %get3A_931 = arith.constant 16 : index
        %get3A_932 = tpu.vector_load %get3A_929[%get3A_930, %get3A_931] {strides = array<i32>} : memref<128x64xf32, #tpu.memory_space<vmem>>, vector<16xf32>,
        %scatter3A_933 = arith.constant 0 : i32
        %scatter3A_934 = arith.constant 0 : i32
        %scatter3A_935 = arith.constant 0 : i32
        %scatter3A_936 = tpu.memref_slice %arg7[%scan3A_645, %scatter3A_933, %scatter3A_934, %scatter3A_935] : memref<5x8x8x129xf32, #tpu.memory_space<vmem>> -> memref<1x8x8x129xf32, #tpu.memory_space<vmem>>
        %scatter3A_937 = tpu.memref_squeeze %scatter3A_936 : memref<1x8x8x129xf32, #tpu.memory_space<vmem>> -> memref<8x8x129xf32, #tpu.memory_space<vmem>>
        tpu.vector_store_idx %scatter3A_937[%select_n3A_152, %select_n3A_256, %add3A_913], %get3A_932 : memref<8x8x129xf32, #tpu.memory_space<vmem>>[vector<16xi32>, vector<16xi32>, vector<16xi32>], vector<16xf32>,
        %get3A_938 = arith.constant 0 : i32
        %get3A_939 = arith.constant 0 : i32
        %get3A_940 = tpu.memref_slice %arg6[%scan3A_644, %get3A_938, %get3A_939] : memref<5x128x64xf32, #tpu.memory_space<vmem>> -> memref<1x128x64xf32, #tpu.memory_space<vmem>>
        %get3A_941 = tpu.memref_squeeze %get3A_940 : memref<1x128x64xf32, #tpu.memory_space<vmem>> -> memref<128x64xf32, #tpu.memory_space<vmem>>
        %get3A_942 = arith.index_cast %add3A_910 : i32 to index
        %get3A_943 = arith.constant 32 : index
        %get3A_944 = tpu.vector_load %get3A_941[%get3A_942, %get3A_943] {strides = array<i32>} : memref<128x64xf32, #tpu.memory_space<vmem>>, vector<16xf32>,
        %scatter3A_945 = arith.constant 0 : i32
        %scatter3A_946 = arith.constant 0 : i32
        %scatter3A_947 = arith.constant 0 : i32
        %scatter3A_948 = tpu.memref_slice %arg7[%scan3A_645, %scatter3A_945, %scatter3A_946, %scatter3A_947] : memref<5x8x8x129xf32, #tpu.memory_space<vmem>> -> memref<1x8x8x129xf32, #tpu.memory_space<vmem>>
        %scatter3A_949 = tpu.memref_squeeze %scatter3A_948 : memref<1x8x8x129xf32, #tpu.memory_space<vmem>> -> memref<8x8x129xf32, #tpu.memory_space<vmem>>
        tpu.vector_store_idx %scatter3A_949[%select_n3A_183, %select_n3A_278, %add3A_913], %get3A_944 : memref<8x8x129xf32, #tpu.memory_space<vmem>>[vector<16xi32>, vector<16xi32>, vector<16xi32>], vector<16xf32>,
        %get3A_950 = arith.constant 0 : i32
        %get3A_951 = arith.constant 0 : i32
        %get3A_952 = tpu.memref_slice %arg6[%scan3A_644, %get3A_950, %get3A_951] : memref<5x128x64xf32, #tpu.memory_space<vmem>> -> memref<1x128x64xf32, #tpu.memory_space<vmem>>
        %get3A_953 = tpu.memref_squeeze %get3A_952 : memref<1x128x64xf32, #tpu.memory_space<vmem>> -> memref<128x64xf32, #tpu.memory_space<vmem>>
        %get3A_954 = arith.index_cast %add3A_910 : i32 to index
        %get3A_955 = arith.constant 48 : index
        %get3A_956 = tpu.vector_load %get3A_953[%get3A_954, %get3A_955] {strides = array<i32>} : memref<128x64xf32, #tpu.memory_space<vmem>>, vector<16xf32>,
        %scatter3A_957 = arith.constant 0 : i32
        %scatter3A_958 = arith.constant 0 : i32
        %scatter3A_959 = arith.constant 0 : i32
        %scatter3A_960 = tpu.memref_slice %arg7[%scan3A_645, %scatter3A_957, %scatter3A_958, %scatter3A_959] : memref<5x8x8x129xf32, #tpu.memory_space<vmem>> -> memref<1x8x8x129xf32, #tpu.memory_space<vmem>>
        %scatter3A_961 = tpu.memref_squeeze %scatter3A_960 : memref<1x8x8x129xf32, #tpu.memory_space<vmem>> -> memref<8x8x129xf32, #tpu.memory_space<vmem>>
        tpu.vector_store_idx %scatter3A_961[%select_n3A_214, %select_n3A_300, %add3A_913], %get3A_956 : memref<8x8x129xf32, #tpu.memory_space<vmem>>[vector<16xi32>, vector<16xi32>, vector<16xi32>], vector<16xf32>,
        %mul3A_962 = arith.constant 8 : i32
        %mul3A_963 = arith.muli %mul3A_962, %scan3A_745 : i32
        %add3A_964 = arith.constant 4 : i32
        %add3A_965 = arith.addi %mul3A_963, %add3A_964 : i32
        %add3A_966 = arith.constant 4 : i32
        %add3A_967 = vector.broadcast %add3A_966 : i32 to vector<16xi32>
        %add3A_968 = arith.addi %scan3A_746, %add3A_967 : vector<16xi32>
        %get3A_969 = arith.constant 0 : i32
        %get3A_970 = arith.constant 0 : i32
        %get3A_971 = tpu.memref_slice %arg6[%scan3A_644, %get3A_969, %get3A_970] : memref<5x128x64xf32, #tpu.memory_space<vmem>> -> memref<1x128x64xf32, #tpu.memory_space<vmem>>
        %get3A_972 = tpu.memref_squeeze %get3A_971 : memref<1x128x64xf32, #tpu.memory_space<vmem>> -> memref<128x64xf32, #tpu.memory_space<vmem>>
        %get3A_973 = arith.index_cast %add3A_965 : i32 to index
        %get3A_974 = arith.constant 0 : index
        %get3A_975 = tpu.vector_load %get3A_972[%get3A_973, %get3A_974] {strides = array<i32>} : memref<128x64xf32, #tpu.memory_space<vmem>>, vector<16xf32>,
        %scatter3A_976 = arith.constant 0 : i32
        %scatter3A_977 = arith.constant 0 : i32
        %scatter3A_978 = arith.constant 0 : i32
        %scatter3A_979 = tpu.memref_slice %arg7[%scan3A_645, %scatter3A_976, %scatter3A_977, %scatter3A_978] : memref<5x8x8x129xf32, #tpu.memory_space<vmem>> -> memref<1x8x8x129xf32, #tpu.memory_space<vmem>>
        %scatter3A_980 = tpu.memref_squeeze %scatter3A_979 : memref<1x8x8x129xf32, #tpu.memory_space<vmem>> -> memref<8x8x129xf32, #tpu.memory_space<vmem>>
        tpu.vector_store_idx %scatter3A_980[%select_n3A, %select_n3A_234, %add3A_968], %get3A_975 : memref<8x8x129xf32, #tpu.memory_space<vmem>>[vector<16xi32>, vector<16xi32>, vector<16xi32>], vector<16xf32>,
        %get3A_981 = arith.constant 0 : i32
        %get3A_982 = arith.constant 0 : i32
        %get3A_983 = tpu.memref_slice %arg6[%scan3A_644, %get3A_981, %get3A_982] : memref<5x128x64xf32, #tpu.memory_space<vmem>> -> memref<1x128x64xf32, #tpu.memory_space<vmem>>
        %get3A_984 = tpu.memref_squeeze %get3A_983 : memref<1x128x64xf32, #tpu.memory_space<vmem>> -> memref<128x64xf32, #tpu.memory_space<vmem>>
        %get3A_985 = arith.index_cast %add3A_965 : i32 to index
        %get3A_986 = arith.constant 16 : index
        %get3A_987 = tpu.vector_load %get3A_984[%get3A_985, %get3A_986] {strides = array<i32>} : memref<128x64xf32, #tpu.memory_space<vmem>>, vector<16xf32>,
        %scatter3A_988 = arith.constant 0 : i32
        %scatter3A_989 = arith.constant 0 : i32
        %scatter3A_990 = arith.constant 0 : i32
        %scatter3A_991 = tpu.memref_slice %arg7[%scan3A_645, %scatter3A_988, %scatter3A_989, %scatter3A_990] : memref<5x8x8x129xf32, #tpu.memory_space<vmem>> -> memref<1x8x8x129xf32, #tpu.memory_space<vmem>>
        %scatter3A_992 = tpu.memref_squeeze %scatter3A_991 : memref<1x8x8x129xf32, #tpu.memory_space<vmem>> -> memref<8x8x129xf32, #tpu.memory_space<vmem>>
        tpu.vector_store_idx %scatter3A_992[%select_n3A_152, %select_n3A_256, %add3A_968], %get3A_987 : memref<8x8x129xf32, #tpu.memory_space<vmem>>[vector<16xi32>, vector<16xi32>, vector<16xi32>], vector<16xf32>,
        %get3A_993 = arith.constant 0 : i32
        %get3A_994 = arith.constant 0 : i32
        %get3A_995 = tpu.memref_slice %arg6[%scan3A_644, %get3A_993, %get3A_994] : memref<5x128x64xf32, #tpu.memory_space<vmem>> -> memref<1x128x64xf32, #tpu.memory_space<vmem>>
        %get3A_996 = tpu.memref_squeeze %get3A_995 : memref<1x128x64xf32, #tpu.memory_space<vmem>> -> memref<128x64xf32, #tpu.memory_space<vmem>>
        %get3A_997 = arith.index_cast %add3A_965 : i32 to index
        %get3A_998 = arith.constant 32 : index
        %get3A_999 = tpu.vector_load %get3A_996[%get3A_997, %get3A_998] {strides = array<i32>} : memref<128x64xf32, #tpu.memory_space<vmem>>, vector<16xf32>,
        %scatter3A_1000 = arith.constant 0 : i32
        %scatter3A_1001 = arith.constant 0 : i32
        %scatter3A_1002 = arith.constant 0 : i32
        %scatter3A_1003 = tpu.memref_slice %arg7[%scan3A_645, %scatter3A_1000, %scatter3A_1001, %scatter3A_1002] : memref<5x8x8x129xf32, #tpu.memory_space<vmem>> -> memref<1x8x8x129xf32, #tpu.memory_space<vmem>>
        %scatter3A_1004 = tpu.memref_squeeze %scatter3A_1003 : memref<1x8x8x129xf32, #tpu.memory_space<vmem>> -> memref<8x8x129xf32, #tpu.memory_space<vmem>>
        tpu.vector_store_idx %scatter3A_1004[%select_n3A_183, %select_n3A_278, %add3A_968], %get3A_999 : memref<8x8x129xf32, #tpu.memory_space<vmem>>[vector<16xi32>, vector<16xi32>, vector<16xi32>], vector<16xf32>,
        %get3A_1005 = arith.constant 0 : i32
        %get3A_1006 = arith.constant 0 : i32
        %get3A_1007 = tpu.memref_slice %arg6[%scan3A_644, %get3A_1005, %get3A_1006] : memref<5x128x64xf32, #tpu.memory_space<vmem>> -> memref<1x128x64xf32, #tpu.memory_space<vmem>>
        %get3A_1008 = tpu.memref_squeeze %get3A_1007 : memref<1x128x64xf32, #tpu.memory_space<vmem>> -> memref<128x64xf32, #tpu.memory_space<vmem>>
        %get3A_1009 = arith.index_cast %add3A_965 : i32 to index
        %get3A_1010 = arith.constant 48 : index
        %get3A_1011 = tpu.vector_load %get3A_1008[%get3A_1009, %get3A_1010] {strides = array<i32>} : memref<128x64xf32, #tpu.memory_space<vmem>>, vector<16xf32>,
        %scatter3A_1012 = arith.constant 0 : i32
        %scatter3A_1013 = arith.constant 0 : i32
        %scatter3A_1014 = arith.constant 0 : i32
        %scatter3A_1015 = tpu.memref_slice %arg7[%scan3A_645, %scatter3A_1012, %scatter3A_1013, %scatter3A_1014] : memref<5x8x8x129xf32, #tpu.memory_space<vmem>> -> memref<1x8x8x129xf32, #tpu.memory_space<vmem>>
        %scatter3A_1016 = tpu.memref_squeeze %scatter3A_1015 : memref<1x8x8x129xf32, #tpu.memory_space<vmem>> -> memref<8x8x129xf32, #tpu.memory_space<vmem>>
        tpu.vector_store_idx %scatter3A_1016[%select_n3A_214, %select_n3A_300, %add3A_968], %get3A_1011 : memref<8x8x129xf32, #tpu.memory_space<vmem>>[vector<16xi32>, vector<16xi32>, vector<16xi32>], vector<16xf32>,
        %mul3A_1017 = arith.constant 8 : i32
        %mul3A_1018 = arith.muli %mul3A_1017, %scan3A_745 : i32
        %add3A_1019 = arith.constant 5 : i32
        %add3A_1020 = arith.addi %mul3A_1018, %add3A_1019 : i32
        %add3A_1021 = arith.constant 5 : i32
        %add3A_1022 = vector.broadcast %add3A_1021 : i32 to vector<16xi32>
        %add3A_1023 = arith.addi %scan3A_746, %add3A_1022 : vector<16xi32>
        %get3A_1024 = arith.constant 0 : i32
        %get3A_1025 = arith.constant 0 : i32
        %get3A_1026 = tpu.memref_slice %arg6[%scan3A_644, %get3A_1024, %get3A_1025] : memref<5x128x64xf32, #tpu.memory_space<vmem>> -> memref<1x128x64xf32, #tpu.memory_space<vmem>>
        %get3A_1027 = tpu.memref_squeeze %get3A_1026 : memref<1x128x64xf32, #tpu.memory_space<vmem>> -> memref<128x64xf32, #tpu.memory_space<vmem>>
        %get3A_1028 = arith.index_cast %add3A_1020 : i32 to index
        %get3A_1029 = arith.constant 0 : index
        %get3A_1030 = tpu.vector_load %get3A_1027[%get3A_1028, %get3A_1029] {strides = array<i32>} : memref<128x64xf32, #tpu.memory_space<vmem>>, vector<16xf32>,
        %scatter3A_1031 = arith.constant 0 : i32
        %scatter3A_1032 = arith.constant 0 : i32
        %scatter3A_1033 = arith.constant 0 : i32
        %scatter3A_1034 = tpu.memref_slice %arg7[%scan3A_645, %scatter3A_1031, %scatter3A_1032, %scatter3A_1033] : memref<5x8x8x129xf32, #tpu.memory_space<vmem>> -> memref<1x8x8x129xf32, #tpu.memory_space<vmem>>
        %scatter3A_1035 = tpu.memref_squeeze %scatter3A_1034 : memref<1x8x8x129xf32, #tpu.memory_space<vmem>> -> memref<8x8x129xf32, #tpu.memory_space<vmem>>
        tpu.vector_store_idx %scatter3A_1035[%select_n3A, %select_n3A_234, %add3A_1023], %get3A_1030 : memref<8x8x129xf32, #tpu.memory_space<vmem>>[vector<16xi32>, vector<16xi32>, vector<16xi32>], vector<16xf32>,
        %get3A_1036 = arith.constant 0 : i32
        %get3A_1037 = arith.constant 0 : i32
        %get3A_1038 = tpu.memref_slice %arg6[%scan3A_644, %get3A_1036, %get3A_1037] : memref<5x128x64xf32, #tpu.memory_space<vmem>> -> memref<1x128x64xf32, #tpu.memory_space<vmem>>
        %get3A_1039 = tpu.memref_squeeze %get3A_1038 : memref<1x128x64xf32, #tpu.memory_space<vmem>> -> memref<128x64xf32, #tpu.memory_space<vmem>>
        %get3A_1040 = arith.index_cast %add3A_1020 : i32 to index
        %get3A_1041 = arith.constant 16 : index
        %get3A_1042 = tpu.vector_load %get3A_1039[%get3A_1040, %get3A_1041] {strides = array<i32>} : memref<128x64xf32, #tpu.memory_space<vmem>>, vector<16xf32>,
        %scatter3A_1043 = arith.constant 0 : i32
        %scatter3A_1044 = arith.constant 0 : i32
        %scatter3A_1045 = arith.constant 0 : i32
        %scatter3A_1046 = tpu.memref_slice %arg7[%scan3A_645, %scatter3A_1043, %scatter3A_1044, %scatter3A_1045] : memref<5x8x8x129xf32, #tpu.memory_space<vmem>> -> memref<1x8x8x129xf32, #tpu.memory_space<vmem>>
        %scatter3A_1047 = tpu.memref_squeeze %scatter3A_1046 : memref<1x8x8x129xf32, #tpu.memory_space<vmem>> -> memref<8x8x129xf32, #tpu.memory_space<vmem>>
        tpu.vector_store_idx %scatter3A_1047[%select_n3A_152, %select_n3A_256, %add3A_1023], %get3A_1042 : memref<8x8x129xf32, #tpu.memory_space<vmem>>[vector<16xi32>, vector<16xi32>, vector<16xi32>], vector<16xf32>,
        %get3A_1048 = arith.constant 0 : i32
        %get3A_1049 = arith.constant 0 : i32
        %get3A_1050 = tpu.memref_slice %arg6[%scan3A_644, %get3A_1048, %get3A_1049] : memref<5x128x64xf32, #tpu.memory_space<vmem>> -> memref<1x128x64xf32, #tpu.memory_space<vmem>>
        %get3A_1051 = tpu.memref_squeeze %get3A_1050 : memref<1x128x64xf32, #tpu.memory_space<vmem>> -> memref<128x64xf32, #tpu.memory_space<vmem>>
        %get3A_1052 = arith.index_cast %add3A_1020 : i32 to index
        %get3A_1053 = arith.constant 32 : index
        %get3A_1054 = tpu.vector_load %get3A_1051[%get3A_1052, %get3A_1053] {strides = array<i32>} : memref<128x64xf32, #tpu.memory_space<vmem>>, vector<16xf32>,
        %scatter3A_1055 = arith.constant 0 : i32
        %scatter3A_1056 = arith.constant 0 : i32
        %scatter3A_1057 = arith.constant 0 : i32
        %scatter3A_1058 = tpu.memref_slice %arg7[%scan3A_645, %scatter3A_1055, %scatter3A_1056, %scatter3A_1057] : memref<5x8x8x129xf32, #tpu.memory_space<vmem>> -> memref<1x8x8x129xf32, #tpu.memory_space<vmem>>
        %scatter3A_1059 = tpu.memref_squeeze %scatter3A_1058 : memref<1x8x8x129xf32, #tpu.memory_space<vmem>> -> memref<8x8x129xf32, #tpu.memory_space<vmem>>
        tpu.vector_store_idx %scatter3A_1059[%select_n3A_183, %select_n3A_278, %add3A_1023], %get3A_1054 : memref<8x8x129xf32, #tpu.memory_space<vmem>>[vector<16xi32>, vector<16xi32>, vector<16xi32>], vector<16xf32>,
        %get3A_1060 = arith.constant 0 : i32
        %get3A_1061 = arith.constant 0 : i32
        %get3A_1062 = tpu.memref_slice %arg6[%scan3A_644, %get3A_1060, %get3A_1061] : memref<5x128x64xf32, #tpu.memory_space<vmem>> -> memref<1x128x64xf32, #tpu.memory_space<vmem>>
        %get3A_1063 = tpu.memref_squeeze %get3A_1062 : memref<1x128x64xf32, #tpu.memory_space<vmem>> -> memref<128x64xf32, #tpu.memory_space<vmem>>
        %get3A_1064 = arith.index_cast %add3A_1020 : i32 to index
        %get3A_1065 = arith.constant 48 : index
        %get3A_1066 = tpu.vector_load %get3A_1063[%get3A_1064, %get3A_1065] {strides = array<i32>} : memref<128x64xf32, #tpu.memory_space<vmem>>, vector<16xf32>,
        %scatter3A_1067 = arith.constant 0 : i32
        %scatter3A_1068 = arith.constant 0 : i32
        %scatter3A_1069 = arith.constant 0 : i32
        %scatter3A_1070 = tpu.memref_slice %arg7[%scan3A_645, %scatter3A_1067, %scatter3A_1068, %scatter3A_1069] : memref<5x8x8x129xf32, #tpu.memory_space<vmem>> -> memref<1x8x8x129xf32, #tpu.memory_space<vmem>>
        %scatter3A_1071 = tpu.memref_squeeze %scatter3A_1070 : memref<1x8x8x129xf32, #tpu.memory_space<vmem>> -> memref<8x8x129xf32, #tpu.memory_space<vmem>>
        tpu.vector_store_idx %scatter3A_1071[%select_n3A_214, %select_n3A_300, %add3A_1023], %get3A_1066 : memref<8x8x129xf32, #tpu.memory_space<vmem>>[vector<16xi32>, vector<16xi32>, vector<16xi32>], vector<16xf32>,
        %mul3A_1072 = arith.constant 8 : i32
        %mul3A_1073 = arith.muli %mul3A_1072, %scan3A_745 : i32
        %add3A_1074 = arith.constant 6 : i32
        %add3A_1075 = arith.addi %mul3A_1073, %add3A_1074 : i32
        %add3A_1076 = arith.constant 6 : i32
        %add3A_1077 = vector.broadcast %add3A_1076 : i32 to vector<16xi32>
        %add3A_1078 = arith.addi %scan3A_746, %add3A_1077 : vector<16xi32>
        %get3A_1079 = arith.constant 0 : i32
        %get3A_1080 = arith.constant 0 : i32
        %get3A_1081 = tpu.memref_slice %arg6[%scan3A_644, %get3A_1079, %get3A_1080] : memref<5x128x64xf32, #tpu.memory_space<vmem>> -> memref<1x128x64xf32, #tpu.memory_space<vmem>>
        %get3A_1082 = tpu.memref_squeeze %get3A_1081 : memref<1x128x64xf32, #tpu.memory_space<vmem>> -> memref<128x64xf32, #tpu.memory_space<vmem>>
        %get3A_1083 = arith.index_cast %add3A_1075 : i32 to index
        %get3A_1084 = arith.constant 0 : index
        %get3A_1085 = tpu.vector_load %get3A_1082[%get3A_1083, %get3A_1084] {strides = array<i32>} : memref<128x64xf32, #tpu.memory_space<vmem>>, vector<16xf32>,
        %scatter3A_1086 = arith.constant 0 : i32
        %scatter3A_1087 = arith.constant 0 : i32
        %scatter3A_1088 = arith.constant 0 : i32
        %scatter3A_1089 = tpu.memref_slice %arg7[%scan3A_645, %scatter3A_1086, %scatter3A_1087, %scatter3A_1088] : memref<5x8x8x129xf32, #tpu.memory_space<vmem>> -> memref<1x8x8x129xf32, #tpu.memory_space<vmem>>
        %scatter3A_1090 = tpu.memref_squeeze %scatter3A_1089 : memref<1x8x8x129xf32, #tpu.memory_space<vmem>> -> memref<8x8x129xf32, #tpu.memory_space<vmem>>
        tpu.vector_store_idx %scatter3A_1090[%select_n3A, %select_n3A_234, %add3A_1078], %get3A_1085 : memref<8x8x129xf32, #tpu.memory_space<vmem>>[vector<16xi32>, vector<16xi32>, vector<16xi32>], vector<16xf32>,
        %get3A_1091 = arith.constant 0 : i32
        %get3A_1092 = arith.constant 0 : i32
        %get3A_1093 = tpu.memref_slice %arg6[%scan3A_644, %get3A_1091, %get3A_1092] : memref<5x128x64xf32, #tpu.memory_space<vmem>> -> memref<1x128x64xf32, #tpu.memory_space<vmem>>
        %get3A_1094 = tpu.memref_squeeze %get3A_1093 : memref<1x128x64xf32, #tpu.memory_space<vmem>> -> memref<128x64xf32, #tpu.memory_space<vmem>>
        %get3A_1095 = arith.index_cast %add3A_1075 : i32 to index
        %get3A_1096 = arith.constant 16 : index
        %get3A_1097 = tpu.vector_load %get3A_1094[%get3A_1095, %get3A_1096] {strides = array<i32>} : memref<128x64xf32, #tpu.memory_space<vmem>>, vector<16xf32>,
        %scatter3A_1098 = arith.constant 0 : i32
        %scatter3A_1099 = arith.constant 0 : i32
        %scatter3A_1100 = arith.constant 0 : i32
        %scatter3A_1101 = tpu.memref_slice %arg7[%scan3A_645, %scatter3A_1098, %scatter3A_1099, %scatter3A_1100] : memref<5x8x8x129xf32, #tpu.memory_space<vmem>> -> memref<1x8x8x129xf32, #tpu.memory_space<vmem>>
        %scatter3A_1102 = tpu.memref_squeeze %scatter3A_1101 : memref<1x8x8x129xf32, #tpu.memory_space<vmem>> -> memref<8x8x129xf32, #tpu.memory_space<vmem>>
        tpu.vector_store_idx %scatter3A_1102[%select_n3A_152, %select_n3A_256, %add3A_1078], %get3A_1097 : memref<8x8x129xf32, #tpu.memory_space<vmem>>[vector<16xi32>, vector<16xi32>, vector<16xi32>], vector<16xf32>,
        %get3A_1103 = arith.constant 0 : i32
        %get3A_1104 = arith.constant 0 : i32
        %get3A_1105 = tpu.memref_slice %arg6[%scan3A_644, %get3A_1103, %get3A_1104] : memref<5x128x64xf32, #tpu.memory_space<vmem>> -> memref<1x128x64xf32, #tpu.memory_space<vmem>>
        %get3A_1106 = tpu.memref_squeeze %get3A_1105 : memref<1x128x64xf32, #tpu.memory_space<vmem>> -> memref<128x64xf32, #tpu.memory_space<vmem>>
        %get3A_1107 = arith.index_cast %add3A_1075 : i32 to index
        %get3A_1108 = arith.constant 32 : index
        %get3A_1109 = tpu.vector_load %get3A_1106[%get3A_1107, %get3A_1108] {strides = array<i32>} : memref<128x64xf32, #tpu.memory_space<vmem>>, vector<16xf32>,
        %scatter3A_1110 = arith.constant 0 : i32
        %scatter3A_1111 = arith.constant 0 : i32
        %scatter3A_1112 = arith.constant 0 : i32
        %scatter3A_1113 = tpu.memref_slice %arg7[%scan3A_645, %scatter3A_1110, %scatter3A_1111, %scatter3A_1112] : memref<5x8x8x129xf32, #tpu.memory_space<vmem>> -> memref<1x8x8x129xf32, #tpu.memory_space<vmem>>
        %scatter3A_1114 = tpu.memref_squeeze %scatter3A_1113 : memref<1x8x8x129xf32, #tpu.memory_space<vmem>> -> memref<8x8x129xf32, #tpu.memory_space<vmem>>
        tpu.vector_store_idx %scatter3A_1114[%select_n3A_183, %select_n3A_278, %add3A_1078], %get3A_1109 : memref<8x8x129xf32, #tpu.memory_space<vmem>>[vector<16xi32>, vector<16xi32>, vector<16xi32>], vector<16xf32>,
        %get3A_1115 = arith.constant 0 : i32
        %get3A_1116 = arith.constant 0 : i32
        %get3A_1117 = tpu.memref_slice %arg6[%scan3A_644, %get3A_1115, %get3A_1116] : memref<5x128x64xf32, #tpu.memory_space<vmem>> -> memref<1x128x64xf32, #tpu.memory_space<vmem>>
        %get3A_1118 = tpu.memref_squeeze %get3A_1117 : memref<1x128x64xf32, #tpu.memory_space<vmem>> -> memref<128x64xf32, #tpu.memory_space<vmem>>
        %get3A_1119 = arith.index_cast %add3A_1075 : i32 to index
        %get3A_1120 = arith.constant 48 : index
        %get3A_1121 = tpu.vector_load %get3A_1118[%get3A_1119, %get3A_1120] {strides = array<i32>} : memref<128x64xf32, #tpu.memory_space<vmem>>, vector<16xf32>,
        %scatter3A_1122 = arith.constant 0 : i32
        %scatter3A_1123 = arith.constant 0 : i32
        %scatter3A_1124 = arith.constant 0 : i32
        %scatter3A_1125 = tpu.memref_slice %arg7[%scan3A_645, %scatter3A_1122, %scatter3A_1123, %scatter3A_1124] : memref<5x8x8x129xf32, #tpu.memory_space<vmem>> -> memref<1x8x8x129xf32, #tpu.memory_space<vmem>>
        %scatter3A_1126 = tpu.memref_squeeze %scatter3A_1125 : memref<1x8x8x129xf32, #tpu.memory_space<vmem>> -> memref<8x8x129xf32, #tpu.memory_space<vmem>>
        tpu.vector_store_idx %scatter3A_1126[%select_n3A_214, %select_n3A_300, %add3A_1078], %get3A_1121 : memref<8x8x129xf32, #tpu.memory_space<vmem>>[vector<16xi32>, vector<16xi32>, vector<16xi32>], vector<16xf32>,
        %mul3A_1127 = arith.constant 8 : i32
        %mul3A_1128 = arith.muli %mul3A_1127, %scan3A_745 : i32
        %add3A_1129 = arith.constant 7 : i32
        %add3A_1130 = arith.addi %mul3A_1128, %add3A_1129 : i32
        %add3A_1131 = arith.constant 7 : i32
        %add3A_1132 = vector.broadcast %add3A_1131 : i32 to vector<16xi32>
        %add3A_1133 = arith.addi %scan3A_746, %add3A_1132 : vector<16xi32>
        %get3A_1134 = arith.constant 0 : i32
        %get3A_1135 = arith.constant 0 : i32
        %get3A_1136 = tpu.memref_slice %arg6[%scan3A_644, %get3A_1134, %get3A_1135] : memref<5x128x64xf32, #tpu.memory_space<vmem>> -> memref<1x128x64xf32, #tpu.memory_space<vmem>>
        %get3A_1137 = tpu.memref_squeeze %get3A_1136 : memref<1x128x64xf32, #tpu.memory_space<vmem>> -> memref<128x64xf32, #tpu.memory_space<vmem>>
        %get3A_1138 = arith.index_cast %add3A_1130 : i32 to index
        %get3A_1139 = arith.constant 0 : index
        %get3A_1140 = tpu.vector_load %get3A_1137[%get3A_1138, %get3A_1139] {strides = array<i32>} : memref<128x64xf32, #tpu.memory_space<vmem>>, vector<16xf32>,
        %scatter3A_1141 = arith.constant 0 : i32
        %scatter3A_1142 = arith.constant 0 : i32
        %scatter3A_1143 = arith.constant 0 : i32
        %scatter3A_1144 = tpu.memref_slice %arg7[%scan3A_645, %scatter3A_1141, %scatter3A_1142, %scatter3A_1143] : memref<5x8x8x129xf32, #tpu.memory_space<vmem>> -> memref<1x8x8x129xf32, #tpu.memory_space<vmem>>
        %scatter3A_1145 = tpu.memref_squeeze %scatter3A_1144 : memref<1x8x8x129xf32, #tpu.memory_space<vmem>> -> memref<8x8x129xf32, #tpu.memory_space<vmem>>
        tpu.vector_store_idx %scatter3A_1145[%select_n3A, %select_n3A_234, %add3A_1133], %get3A_1140 : memref<8x8x129xf32, #tpu.memory_space<vmem>>[vector<16xi32>, vector<16xi32>, vector<16xi32>], vector<16xf32>,
        %get3A_1146 = arith.constant 0 : i32
        %get3A_1147 = arith.constant 0 : i32
        %get3A_1148 = tpu.memref_slice %arg6[%scan3A_644, %get3A_1146, %get3A_1147] : memref<5x128x64xf32, #tpu.memory_space<vmem>> -> memref<1x128x64xf32, #tpu.memory_space<vmem>>
        %get3A_1149 = tpu.memref_squeeze %get3A_1148 : memref<1x128x64xf32, #tpu.memory_space<vmem>> -> memref<128x64xf32, #tpu.memory_space<vmem>>
        %get3A_1150 = arith.index_cast %add3A_1130 : i32 to index
        %get3A_1151 = arith.constant 16 : index
        %get3A_1152 = tpu.vector_load %get3A_1149[%get3A_1150, %get3A_1151] {strides = array<i32>} : memref<128x64xf32, #tpu.memory_space<vmem>>, vector<16xf32>,
        %scatter3A_1153 = arith.constant 0 : i32
        %scatter3A_1154 = arith.constant 0 : i32
        %scatter3A_1155 = arith.constant 0 : i32
        %scatter3A_1156 = tpu.memref_slice %arg7[%scan3A_645, %scatter3A_1153, %scatter3A_1154, %scatter3A_1155] : memref<5x8x8x129xf32, #tpu.memory_space<vmem>> -> memref<1x8x8x129xf32, #tpu.memory_space<vmem>>
        %scatter3A_1157 = tpu.memref_squeeze %scatter3A_1156 : memref<1x8x8x129xf32, #tpu.memory_space<vmem>> -> memref<8x8x129xf32, #tpu.memory_space<vmem>>
        tpu.vector_store_idx %scatter3A_1157[%select_n3A_152, %select_n3A_256, %add3A_1133], %get3A_1152 : memref<8x8x129xf32, #tpu.memory_space<vmem>>[vector<16xi32>, vector<16xi32>, vector<16xi32>], vector<16xf32>,
        %get3A_1158 = arith.constant 0 : i32
        %get3A_1159 = arith.constant 0 : i32
        %get3A_1160 = tpu.memref_slice %arg6[%scan3A_644, %get3A_1158, %get3A_1159] : memref<5x128x64xf32, #tpu.memory_space<vmem>> -> memref<1x128x64xf32, #tpu.memory_space<vmem>>
        %get3A_1161 = tpu.memref_squeeze %get3A_1160 : memref<1x128x64xf32, #tpu.memory_space<vmem>> -> memref<128x64xf32, #tpu.memory_space<vmem>>
        %get3A_1162 = arith.index_cast %add3A_1130 : i32 to index
        %get3A_1163 = arith.constant 32 : index
        %get3A_1164 = tpu.vector_load %get3A_1161[%get3A_1162, %get3A_1163] {strides = array<i32>} : memref<128x64xf32, #tpu.memory_space<vmem>>, vector<16xf32>,
        %scatter3A_1165 = arith.constant 0 : i32
        %scatter3A_1166 = arith.constant 0 : i32
        %scatter3A_1167 = arith.constant 0 : i32
        %scatter3A_1168 = tpu.memref_slice %arg7[%scan3A_645, %scatter3A_1165, %scatter3A_1166, %scatter3A_1167] : memref<5x8x8x129xf32, #tpu.memory_space<vmem>> -> memref<1x8x8x129xf32, #tpu.memory_space<vmem>>
        %scatter3A_1169 = tpu.memref_squeeze %scatter3A_1168 : memref<1x8x8x129xf32, #tpu.memory_space<vmem>> -> memref<8x8x129xf32, #tpu.memory_space<vmem>>
        tpu.vector_store_idx %scatter3A_1169[%select_n3A_183, %select_n3A_278, %add3A_1133], %get3A_1164 : memref<8x8x129xf32, #tpu.memory_space<vmem>>[vector<16xi32>, vector<16xi32>, vector<16xi32>], vector<16xf32>,
        %get3A_1170 = arith.constant 0 : i32
        %get3A_1171 = arith.constant 0 : i32
        %get3A_1172 = tpu.memref_slice %arg6[%scan3A_644, %get3A_1170, %get3A_1171] : memref<5x128x64xf32, #tpu.memory_space<vmem>> -> memref<1x128x64xf32, #tpu.memory_space<vmem>>
        %get3A_1173 = tpu.memref_squeeze %get3A_1172 : memref<1x128x64xf32, #tpu.memory_space<vmem>> -> memref<128x64xf32, #tpu.memory_space<vmem>>
        %get3A_1174 = arith.index_cast %add3A_1130 : i32 to index
        %get3A_1175 = arith.constant 48 : index
        %get3A_1176 = tpu.vector_load %get3A_1173[%get3A_1174, %get3A_1175] {strides = array<i32>} : memref<128x64xf32, #tpu.memory_space<vmem>>, vector<16xf32>,
        %scatter3A_1177 = arith.constant 0 : i32
        %scatter3A_1178 = arith.constant 0 : i32
        %scatter3A_1179 = arith.constant 0 : i32
        %scatter3A_1180 = tpu.memref_slice %arg7[%scan3A_645, %scatter3A_1177, %scatter3A_1178, %scatter3A_1179] : memref<5x8x8x129xf32, #tpu.memory_space<vmem>> -> memref<1x8x8x129xf32, #tpu.memory_space<vmem>>
        %scatter3A_1181 = tpu.memref_squeeze %scatter3A_1180 : memref<1x8x8x129xf32, #tpu.memory_space<vmem>> -> memref<8x8x129xf32, #tpu.memory_space<vmem>>
        tpu.vector_store_idx %scatter3A_1181[%select_n3A_214, %select_n3A_300, %add3A_1133], %get3A_1176 : memref<8x8x129xf32, #tpu.memory_space<vmem>>[vector<16xi32>, vector<16xi32>, vector<16xi32>], vector<16xf32>,
        %add3A_1182 = arith.constant 8 : i32
        %add3A_1183 = vector.broadcast %add3A_1182 : i32 to vector<16xi32>
        %add3A_1184 = arith.addi %scan3A_746, %add3A_1183 : vector<16xi32>
        scf.yield %add3A_1184 : vector<16xi32>
      }
      %scan3A_651 = arith.constant 16 : i32
      %dma_start3A_652 = arith.constant 3 : i32
      %dma_start3A_653 = arith.constant 3 : i32
      %dma_start3A_654 = arith.constant 0 : i32
      %dma_start3A_655 = arith.constant 0 : i32
      %dma_start3A_656 = arith.constant 0 : i32
      %dma_start3A_657 = tpu.memref_slice %arg7[%dma_start3A_652, %dma_start3A_654, %dma_start3A_655, %dma_start3A_656] : memref<5x8x8x129xf32, #tpu.memory_space<vmem>> -> memref<1x8x8x128xf32, #tpu.memory_space<vmem>>
      %dma_start3A_658 = tpu.memref_squeeze %dma_start3A_657 : memref<1x8x8x128xf32, #tpu.memory_space<vmem>> -> memref<8x8x128xf32, #tpu.memory_space<vmem>>
      %dma_start3A_659 = arith.constant 0 : i32
      %dma_start3A_660 = arith.constant 0 : i32
      %dma_start3A_661 = arith.constant 0 : i32
      %dma_start3A_662 = tpu.memref_slice %arg4[%add3A_624, %dma_start3A_659, %add3A, %dma_start3A_660, %dma_start3A_661] : memref<200x8x32x8x128xf32, #tpu.memory_space<hbm>> -> memref<1x8x1x8x128xf32, #tpu.memory_space<hbm>>
      %dma_start3A_663 = tpu.memref_squeeze %dma_start3A_662 : memref<1x8x1x8x128xf32, #tpu.memory_space<hbm>> -> memref<8x8x128xf32, #tpu.memory_space<hbm>>
      %dma_start3A_664 = tpu.memref_slice %arg9[%dma_start3A_653] : memref<5x!tpu.dma_semaphore, #tpu.memory_space<semaphore_mem>> -> memref<1x!tpu.dma_semaphore, #tpu.memory_space<semaphore_mem>>
      %dma_start3A_665 = tpu.memref_squeeze %dma_start3A_664 : memref<1x!tpu.dma_semaphore, #tpu.memory_space<semaphore_mem>> -> memref<!tpu.dma_semaphore, #tpu.memory_space<semaphore_mem>>
      %dma_start3A_666 = arith.constant 0 : i32
      %dma_start3A_667 = arith.constant 0 : i32
      %dma_start3A_668 = arith.constant 0 : i32
      %dma_start3A_669 = tpu.memref_slice %arg4[%add3A_624, %dma_start3A_666, %add3A, %dma_start3A_667, %dma_start3A_668] : memref<200x8x32x8x128xf32, #tpu.memory_space<hbm>> -> memref<1x8x1x8x128xf32, #tpu.memory_space<hbm>>
      %dma_start3A_670 = tpu.memref_squeeze %dma_start3A_669 : memref<1x8x1x8x128xf32, #tpu.memory_space<hbm>> -> memref<8x8x128xf32, #tpu.memory_space<hbm>>
      %dma_start3A_671 = arith.constant 0 : i32
      %dma_start3A_672 = arith.constant 0 : i32
      %dma_start3A_673 = arith.constant 0 : i32
      %dma_start3A_674 = tpu.memref_slice %arg7[%dma_start3A_652, %dma_start3A_671, %dma_start3A_672, %dma_start3A_673] : memref<5x8x8x129xf32, #tpu.memory_space<vmem>> -> memref<1x8x8x128xf32, #tpu.memory_space<vmem>>
      %dma_start3A_675 = tpu.memref_squeeze %dma_start3A_674 : memref<1x8x8x128xf32, #tpu.memory_space<vmem>> -> memref<8x8x128xf32, #tpu.memory_space<vmem>>
      tpu.enqueue_dma source(%dma_start3A_675 : memref<8x8x128xf32, #tpu.memory_space<vmem>>) target(%dma_start3A_670 : memref<8x8x128xf32, #tpu.memory_space<hbm>>) target_semaphore(%dma_start3A_665 : memref<!tpu.dma_semaphore, #tpu.memory_space<semaphore_mem>>)
      %add3A_676 = arith.constant 5 : i32
      %add3A_677 = arith.addi %add3A_624, %add3A_676 : i32
      %lt3A_678 = arith.constant 200 : i32
      %lt3A_679 = arith.cmpi slt, %add3A_677, %lt3A_678 : i32
      %convert_element_type3A_680 = arith.extui %lt3A_679 : i1 to i32
      %cond3A_681 = arith.constant 0 : i32
      %cond3A_682 = arith.cmpi ne, %convert_element_type3A_680, %cond3A_681 : i32
      scf.if %cond3A_682 {
        %dma_start3A_745 = arith.constant 3 : i32
        %dma_start3A_746 = arith.constant 3 : i32
        %dma_start3A_747 = arith.constant 0 : i32
        %dma_start3A_748 = arith.constant 0 : i32
        %dma_start3A_749 = tpu.memref_slice %arg6[%dma_start3A_745, %dma_start3A_747, %dma_start3A_748] : memref<5x128x64xf32, #tpu.memory_space<vmem>> -> memref<1x128x64xf32, #tpu.memory_space<vmem>>
        %dma_start3A_750 = tpu.memref_squeeze %dma_start3A_749 : memref<1x128x64xf32, #tpu.memory_space<vmem>> -> memref<128x64xf32, #tpu.memory_space<vmem>>
        %dma_start3A_751 = arith.constant 0 : i32
        %dma_start3A_752 = tpu.memref_slice %arg5[%add3A_677, %dma_start3A_751] : memref<200x128xi32, #tpu.memory_space<vmem>> -> memref<1x128xi32, #tpu.memory_space<vmem>>
        %dma_start3A_753 = tpu.memref_squeeze %dma_start3A_752 : memref<1x128xi32, #tpu.memory_space<vmem>> -> memref<128xi32, #tpu.memory_space<vmem>>
        %dma_start3A_754 = arith.constant 0 : i32
        %dma_start3A_755 = arith.constant 0 : i32
        %dma_start3A_756 = tpu.memref_slice %arg3[%dma_start3A_754, %dma_start3A_755] : memref<1000000x64xf32, #tpu.memory_space<hbm>> -> memref<1000000x64xf32, #tpu.memory_space<hbm>>
        %dma_start3A_757 = tpu.memref_slice %arg8[%dma_start3A_746] : memref<5x!tpu.dma_semaphore, #tpu.memory_space<semaphore_mem>> -> memref<1x!tpu.dma_semaphore, #tpu.memory_space<semaphore_mem>>
        %dma_start3A_758 = tpu.memref_squeeze %dma_start3A_757 : memref<1x!tpu.dma_semaphore, #tpu.memory_space<semaphore_mem>> -> memref<!tpu.dma_semaphore, #tpu.memory_space<semaphore_mem>>
        tpu.enqueue_indirect_dma source(%dma_start3A_756 : memref<1000000x64xf32, #tpu.memory_space<hbm>>) target(%dma_start3A_750 : memref<128x64xf32, #tpu.memory_space<vmem>>) offsets(%dma_start3A_753 : memref<128xi32, #tpu.memory_space<vmem>>) semaphore(%dma_start3A_758 : memref<!tpu.dma_semaphore, #tpu.memory_space<semaphore_mem>>)
      } else {
      }
      %mul3A_683 = arith.constant 5 : i32
      %mul3A_684 = arith.muli %scan3A_437, %mul3A_683 : i32
      %add3A_685 = arith.constant 4 : i32
      %add3A_686 = arith.addi %mul3A_684, %add3A_685 : i32
      %dma_wait3A_687 = arith.constant 4 : i32
      %dma_wait3A_688 = arith.constant 4 : i32
      %dma_wait3A_689 = arith.constant 0 : i32
      %dma_wait3A_690 = arith.constant 0 : i32
      %dma_wait3A_691 = tpu.memref_slice %arg6[%dma_wait3A_687, %dma_wait3A_689, %dma_wait3A_690] : memref<5x128x64xf32, #tpu.memory_space<vmem>> -> memref<1x128x64xf32, #tpu.memory_space<vmem>>
      %dma_wait3A_692 = tpu.memref_squeeze %dma_wait3A_691 : memref<1x128x64xf32, #tpu.memory_space<vmem>> -> memref<128x64xf32, #tpu.memory_space<vmem>>
      %dma_wait3A_693 = arith.constant 0 : i32
      %dma_wait3A_694 = tpu.memref_slice %arg5[%add3A_686, %dma_wait3A_693] : memref<200x128xi32, #tpu.memory_space<vmem>> -> memref<1x128xi32, #tpu.memory_space<vmem>>
      %dma_wait3A_695 = tpu.memref_squeeze %dma_wait3A_694 : memref<1x128xi32, #tpu.memory_space<vmem>> -> memref<128xi32, #tpu.memory_space<vmem>>
      %dma_wait3A_696 = arith.constant 0 : i32
      %dma_wait3A_697 = arith.constant 0 : i32
      %dma_wait3A_698 = tpu.memref_slice %arg3[%dma_wait3A_696, %dma_wait3A_697] : memref<1000000x64xf32, #tpu.memory_space<hbm>> -> memref<1000000x64xf32, #tpu.memory_space<hbm>>
      %dma_wait3A_699 = tpu.memref_slice %arg8[%dma_wait3A_688] : memref<5x!tpu.dma_semaphore, #tpu.memory_space<semaphore_mem>> -> memref<1x!tpu.dma_semaphore, #tpu.memory_space<semaphore_mem>>
      %dma_wait3A_700 = tpu.memref_squeeze %dma_wait3A_699 : memref<1x!tpu.dma_semaphore, #tpu.memory_space<semaphore_mem>> -> memref<!tpu.dma_semaphore, #tpu.memory_space<semaphore_mem>>
      tpu.wait_indirect_dma semaphore(%dma_wait3A_700 : memref<!tpu.dma_semaphore, #tpu.memory_space<semaphore_mem>>) src(%dma_wait3A_698 : memref<1000000x64xf32, #tpu.memory_space<hbm>>) dst(%dma_wait3A_692 : memref<128x64xf32, #tpu.memory_space<vmem>>)
      %ge3A_701 = arith.constant 5 : i32
      %ge3A_702 = arith.cmpi sge, %add3A_686, %ge3A_701 : i32
      %convert_element_type3A_703 = arith.extui %ge3A_702 : i1 to i32
      %cond3A_704 = arith.constant 0 : i32
      %cond3A_705 = arith.cmpi ne, %convert_element_type3A_703, %cond3A_704 : i32
      scf.if %cond3A_705 {
        %dma_wait3A_745 = arith.constant 4 : i32
        %dma_wait3A_746 = arith.constant 0 : i32
        %dma_wait3A_747 = arith.constant 0 : i32
        %dma_wait3A_748 = arith.constant 4 : i32
        %dma_wait3A_749 = arith.constant 0 : i32
        %dma_wait3A_750 = arith.constant 0 : i32
        %dma_wait3A_751 = arith.constant 0 : i32
        %dma_wait3A_752 = tpu.memref_slice %arg7[%dma_wait3A_745, %dma_wait3A_749, %dma_wait3A_750, %dma_wait3A_751] : memref<5x8x8x129xf32, #tpu.memory_space<vmem>> -> memref<1x8x8x128xf32, #tpu.memory_space<vmem>>
        %dma_wait3A_753 = tpu.memref_squeeze %dma_wait3A_752 : memref<1x8x8x128xf32, #tpu.memory_space<vmem>> -> memref<8x8x128xf32, #tpu.memory_space<vmem>>
        %dma_wait3A_754 = arith.constant 0 : i32
        %dma_wait3A_755 = arith.constant 0 : i32
        %dma_wait3A_756 = arith.constant 0 : i32
        %dma_wait3A_757 = tpu.memref_slice %arg4[%dma_wait3A_746, %dma_wait3A_754, %dma_wait3A_747, %dma_wait3A_755, %dma_wait3A_756] : memref<200x8x32x8x128xf32, #tpu.memory_space<hbm>> -> memref<1x8x1x8x128xf32, #tpu.memory_space<hbm>>
        %dma_wait3A_758 = tpu.memref_squeeze %dma_wait3A_757 : memref<1x8x1x8x128xf32, #tpu.memory_space<hbm>> -> memref<8x8x128xf32, #tpu.memory_space<hbm>>
        %dma_wait3A_759 = tpu.memref_slice %arg9[%dma_wait3A_748] : memref<5x!tpu.dma_semaphore, #tpu.memory_space<semaphore_mem>> -> memref<1x!tpu.dma_semaphore, #tpu.memory_space<semaphore_mem>>
        %dma_wait3A_760 = tpu.memref_squeeze %dma_wait3A_759 : memref<1x!tpu.dma_semaphore, #tpu.memory_space<semaphore_mem>> -> memref<!tpu.dma_semaphore, #tpu.memory_space<semaphore_mem>>
        %dma_wait3A_761 = arith.constant 0 : i32
        %dma_wait3A_762 = arith.constant 0 : i32
        %dma_wait3A_763 = arith.constant 0 : i32
        %dma_wait3A_764 = tpu.memref_slice %arg4[%dma_wait3A_746, %dma_wait3A_761, %dma_wait3A_747, %dma_wait3A_762, %dma_wait3A_763] : memref<200x8x32x8x128xf32, #tpu.memory_space<hbm>> -> memref<1x8x1x8x128xf32, #tpu.memory_space<hbm>>
        %dma_wait3A_765 = tpu.memref_squeeze %dma_wait3A_764 : memref<1x8x1x8x128xf32, #tpu.memory_space<hbm>> -> memref<8x8x128xf32, #tpu.memory_space<hbm>>
        %dma_wait3A_766 = arith.constant 0 : i32
        %dma_wait3A_767 = arith.constant 0 : i32
        %dma_wait3A_768 = arith.constant 0 : i32
        %dma_wait3A_769 = tpu.memref_slice %arg7[%dma_wait3A_745, %dma_wait3A_766, %dma_wait3A_767, %dma_wait3A_768] : memref<5x8x8x129xf32, #tpu.memory_space<vmem>> -> memref<1x8x8x128xf32, #tpu.memory_space<vmem>>
        %dma_wait3A_770 = tpu.memref_squeeze %dma_wait3A_769 : memref<1x8x8x128xf32, #tpu.memory_space<vmem>> -> memref<8x8x128xf32, #tpu.memory_space<vmem>>
        tpu.wait_dma2 semaphore(%dma_wait3A_760 : memref<!tpu.dma_semaphore, #tpu.memory_space<semaphore_mem>>) src(%dma_wait3A_770 : memref<8x8x128xf32, #tpu.memory_space<vmem>>) dst(%dma_wait3A_765 : memref<8x8x128xf32, #tpu.memory_space<hbm>>)
      } else {
      }
      %scan3A_706 = arith.constant 4 : i32
      %scan3A_707 = arith.constant 4 : i32
      %scan3A_708 = arith.constant 0 : i32
      %scan3A_709 = arith.constant 16 : i32
      %scan3A_710 = arith.addi %scan3A_708, %scan3A_709 : i32
      %scan3A_711 = arith.constant 1 : i32
      %scan3A_712 = scf.for %scan3A_745 = %scan3A_708 to %scan3A_710 step %scan3A_711 iter_args(%scan3A_746 = %broadcast_in_dim3A_301) -> (vector<16xi32>)  : i32 {
        %mul3A_747 = arith.constant 8 : i32
        %mul3A_748 = arith.muli %mul3A_747, %scan3A_745 : i32
        %add3A_749 = arith.constant 0 : i32
        %add3A_750 = arith.addi %mul3A_748, %add3A_749 : i32
        %get3A = arith.constant 0 : i32
        %get3A_751 = arith.constant 0 : i32
        %get3A_752 = tpu.memref_slice %arg6[%scan3A_706, %get3A, %get3A_751] : memref<5x128x64xf32, #tpu.memory_space<vmem>> -> memref<1x128x64xf32, #tpu.memory_space<vmem>>
        %get3A_753 = tpu.memref_squeeze %get3A_752 : memref<1x128x64xf32, #tpu.memory_space<vmem>> -> memref<128x64xf32, #tpu.memory_space<vmem>>
        %get3A_754 = arith.index_cast %add3A_750 : i32 to index
        %get3A_755 = arith.constant 0 : index
        %get3A_756 = tpu.vector_load %get3A_753[%get3A_754, %get3A_755] {strides = array<i32>} : memref<128x64xf32, #tpu.memory_space<vmem>>, vector<16xf32>,
        %scatter3A = arith.constant 0 : i32
        %scatter3A_757 = arith.constant 0 : i32
        %scatter3A_758 = arith.constant 0 : i32
        %scatter3A_759 = tpu.memref_slice %arg7[%scan3A_707, %scatter3A, %scatter3A_757, %scatter3A_758] : memref<5x8x8x129xf32, #tpu.memory_space<vmem>> -> memref<1x8x8x129xf32, #tpu.memory_space<vmem>>
        %scatter3A_760 = tpu.memref_squeeze %scatter3A_759 : memref<1x8x8x129xf32, #tpu.memory_space<vmem>> -> memref<8x8x129xf32, #tpu.memory_space<vmem>>
        tpu.vector_store_idx %scatter3A_760[%select_n3A, %select_n3A_234, %scan3A_746], %get3A_756 : memref<8x8x129xf32, #tpu.memory_space<vmem>>[vector<16xi32>, vector<16xi32>, vector<16xi32>], vector<16xf32>,
        %get3A_761 = arith.constant 0 : i32
        %get3A_762 = arith.constant 0 : i32
        %get3A_763 = tpu.memref_slice %arg6[%scan3A_706, %get3A_761, %get3A_762] : memref<5x128x64xf32, #tpu.memory_space<vmem>> -> memref<1x128x64xf32, #tpu.memory_space<vmem>>
        %get3A_764 = tpu.memref_squeeze %get3A_763 : memref<1x128x64xf32, #tpu.memory_space<vmem>> -> memref<128x64xf32, #tpu.memory_space<vmem>>
        %get3A_765 = arith.index_cast %add3A_750 : i32 to index
        %get3A_766 = arith.constant 16 : index
        %get3A_767 = tpu.vector_load %get3A_764[%get3A_765, %get3A_766] {strides = array<i32>} : memref<128x64xf32, #tpu.memory_space<vmem>>, vector<16xf32>,
        %scatter3A_768 = arith.constant 0 : i32
        %scatter3A_769 = arith.constant 0 : i32
        %scatter3A_770 = arith.constant 0 : i32
        %scatter3A_771 = tpu.memref_slice %arg7[%scan3A_707, %scatter3A_768, %scatter3A_769, %scatter3A_770] : memref<5x8x8x129xf32, #tpu.memory_space<vmem>> -> memref<1x8x8x129xf32, #tpu.memory_space<vmem>>
        %scatter3A_772 = tpu.memref_squeeze %scatter3A_771 : memref<1x8x8x129xf32, #tpu.memory_space<vmem>> -> memref<8x8x129xf32, #tpu.memory_space<vmem>>
        tpu.vector_store_idx %scatter3A_772[%select_n3A_152, %select_n3A_256, %scan3A_746], %get3A_767 : memref<8x8x129xf32, #tpu.memory_space<vmem>>[vector<16xi32>, vector<16xi32>, vector<16xi32>], vector<16xf32>,
        %get3A_773 = arith.constant 0 : i32
        %get3A_774 = arith.constant 0 : i32
        %get3A_775 = tpu.memref_slice %arg6[%scan3A_706, %get3A_773, %get3A_774] : memref<5x128x64xf32, #tpu.memory_space<vmem>> -> memref<1x128x64xf32, #tpu.memory_space<vmem>>
        %get3A_776 = tpu.memref_squeeze %get3A_775 : memref<1x128x64xf32, #tpu.memory_space<vmem>> -> memref<128x64xf32, #tpu.memory_space<vmem>>
        %get3A_777 = arith.index_cast %add3A_750 : i32 to index
        %get3A_778 = arith.constant 32 : index
        %get3A_779 = tpu.vector_load %get3A_776[%get3A_777, %get3A_778] {strides = array<i32>} : memref<128x64xf32, #tpu.memory_space<vmem>>, vector<16xf32>,
        %scatter3A_780 = arith.constant 0 : i32
        %scatter3A_781 = arith.constant 0 : i32
        %scatter3A_782 = arith.constant 0 : i32
        %scatter3A_783 = tpu.memref_slice %arg7[%scan3A_707, %scatter3A_780, %scatter3A_781, %scatter3A_782] : memref<5x8x8x129xf32, #tpu.memory_space<vmem>> -> memref<1x8x8x129xf32, #tpu.memory_space<vmem>>
        %scatter3A_784 = tpu.memref_squeeze %scatter3A_783 : memref<1x8x8x129xf32, #tpu.memory_space<vmem>> -> memref<8x8x129xf32, #tpu.memory_space<vmem>>
        tpu.vector_store_idx %scatter3A_784[%select_n3A_183, %select_n3A_278, %scan3A_746], %get3A_779 : memref<8x8x129xf32, #tpu.memory_space<vmem>>[vector<16xi32>, vector<16xi32>, vector<16xi32>], vector<16xf32>,
        %get3A_785 = arith.constant 0 : i32
        %get3A_786 = arith.constant 0 : i32
        %get3A_787 = tpu.memref_slice %arg6[%scan3A_706, %get3A_785, %get3A_786] : memref<5x128x64xf32, #tpu.memory_space<vmem>> -> memref<1x128x64xf32, #tpu.memory_space<vmem>>
        %get3A_788 = tpu.memref_squeeze %get3A_787 : memref<1x128x64xf32, #tpu.memory_space<vmem>> -> memref<128x64xf32, #tpu.memory_space<vmem>>
        %get3A_789 = arith.index_cast %add3A_750 : i32 to index
        %get3A_790 = arith.constant 48 : index
        %get3A_791 = tpu.vector_load %get3A_788[%get3A_789, %get3A_790] {strides = array<i32>} : memref<128x64xf32, #tpu.memory_space<vmem>>, vector<16xf32>,
        %scatter3A_792 = arith.constant 0 : i32
        %scatter3A_793 = arith.constant 0 : i32
        %scatter3A_794 = arith.constant 0 : i32
        %scatter3A_795 = tpu.memref_slice %arg7[%scan3A_707, %scatter3A_792, %scatter3A_793, %scatter3A_794] : memref<5x8x8x129xf32, #tpu.memory_space<vmem>> -> memref<1x8x8x129xf32, #tpu.memory_space<vmem>>
        %scatter3A_796 = tpu.memref_squeeze %scatter3A_795 : memref<1x8x8x129xf32, #tpu.memory_space<vmem>> -> memref<8x8x129xf32, #tpu.memory_space<vmem>>
        tpu.vector_store_idx %scatter3A_796[%select_n3A_214, %select_n3A_300, %scan3A_746], %get3A_791 : memref<8x8x129xf32, #tpu.memory_space<vmem>>[vector<16xi32>, vector<16xi32>, vector<16xi32>], vector<16xf32>,
        %mul3A_797 = arith.constant 8 : i32
        %mul3A_798 = arith.muli %mul3A_797, %scan3A_745 : i32
        %add3A_799 = arith.constant 1 : i32
        %add3A_800 = arith.addi %mul3A_798, %add3A_799 : i32
        %add3A_801 = arith.constant 1 : i32
        %add3A_802 = vector.broadcast %add3A_801 : i32 to vector<16xi32>
        %add3A_803 = arith.addi %scan3A_746, %add3A_802 : vector<16xi32>
        %get3A_804 = arith.constant 0 : i32
        %get3A_805 = arith.constant 0 : i32
        %get3A_806 = tpu.memref_slice %arg6[%scan3A_706, %get3A_804, %get3A_805] : memref<5x128x64xf32, #tpu.memory_space<vmem>> -> memref<1x128x64xf32, #tpu.memory_space<vmem>>
        %get3A_807 = tpu.memref_squeeze %get3A_806 : memref<1x128x64xf32, #tpu.memory_space<vmem>> -> memref<128x64xf32, #tpu.memory_space<vmem>>
        %get3A_808 = arith.index_cast %add3A_800 : i32 to index
        %get3A_809 = arith.constant 0 : index
        %get3A_810 = tpu.vector_load %get3A_807[%get3A_808, %get3A_809] {strides = array<i32>} : memref<128x64xf32, #tpu.memory_space<vmem>>, vector<16xf32>,
        %scatter3A_811 = arith.constant 0 : i32
        %scatter3A_812 = arith.constant 0 : i32
        %scatter3A_813 = arith.constant 0 : i32
        %scatter3A_814 = tpu.memref_slice %arg7[%scan3A_707, %scatter3A_811, %scatter3A_812, %scatter3A_813] : memref<5x8x8x129xf32, #tpu.memory_space<vmem>> -> memref<1x8x8x129xf32, #tpu.memory_space<vmem>>
        %scatter3A_815 = tpu.memref_squeeze %scatter3A_814 : memref<1x8x8x129xf32, #tpu.memory_space<vmem>> -> memref<8x8x129xf32, #tpu.memory_space<vmem>>
        tpu.vector_store_idx %scatter3A_815[%select_n3A, %select_n3A_234, %add3A_803], %get3A_810 : memref<8x8x129xf32, #tpu.memory_space<vmem>>[vector<16xi32>, vector<16xi32>, vector<16xi32>], vector<16xf32>,
        %get3A_816 = arith.constant 0 : i32
        %get3A_817 = arith.constant 0 : i32
        %get3A_818 = tpu.memref_slice %arg6[%scan3A_706, %get3A_816, %get3A_817] : memref<5x128x64xf32, #tpu.memory_space<vmem>> -> memref<1x128x64xf32, #tpu.memory_space<vmem>>
        %get3A_819 = tpu.memref_squeeze %get3A_818 : memref<1x128x64xf32, #tpu.memory_space<vmem>> -> memref<128x64xf32, #tpu.memory_space<vmem>>
        %get3A_820 = arith.index_cast %add3A_800 : i32 to index
        %get3A_821 = arith.constant 16 : index
        %get3A_822 = tpu.vector_load %get3A_819[%get3A_820, %get3A_821] {strides = array<i32>} : memref<128x64xf32, #tpu.memory_space<vmem>>, vector<16xf32>,
        %scatter3A_823 = arith.constant 0 : i32
        %scatter3A_824 = arith.constant 0 : i32
        %scatter3A_825 = arith.constant 0 : i32
        %scatter3A_826 = tpu.memref_slice %arg7[%scan3A_707, %scatter3A_823, %scatter3A_824, %scatter3A_825] : memref<5x8x8x129xf32, #tpu.memory_space<vmem>> -> memref<1x8x8x129xf32, #tpu.memory_space<vmem>>
        %scatter3A_827 = tpu.memref_squeeze %scatter3A_826 : memref<1x8x8x129xf32, #tpu.memory_space<vmem>> -> memref<8x8x129xf32, #tpu.memory_space<vmem>>
        tpu.vector_store_idx %scatter3A_827[%select_n3A_152, %select_n3A_256, %add3A_803], %get3A_822 : memref<8x8x129xf32, #tpu.memory_space<vmem>>[vector<16xi32>, vector<16xi32>, vector<16xi32>], vector<16xf32>,
        %get3A_828 = arith.constant 0 : i32
        %get3A_829 = arith.constant 0 : i32
        %get3A_830 = tpu.memref_slice %arg6[%scan3A_706, %get3A_828, %get3A_829] : memref<5x128x64xf32, #tpu.memory_space<vmem>> -> memref<1x128x64xf32, #tpu.memory_space<vmem>>
        %get3A_831 = tpu.memref_squeeze %get3A_830 : memref<1x128x64xf32, #tpu.memory_space<vmem>> -> memref<128x64xf32, #tpu.memory_space<vmem>>
        %get3A_832 = arith.index_cast %add3A_800 : i32 to index
        %get3A_833 = arith.constant 32 : index
        %get3A_834 = tpu.vector_load %get3A_831[%get3A_832, %get3A_833] {strides = array<i32>} : memref<128x64xf32, #tpu.memory_space<vmem>>, vector<16xf32>,
        %scatter3A_835 = arith.constant 0 : i32
        %scatter3A_836 = arith.constant 0 : i32
        %scatter3A_837 = arith.constant 0 : i32
        %scatter3A_838 = tpu.memref_slice %arg7[%scan3A_707, %scatter3A_835, %scatter3A_836, %scatter3A_837] : memref<5x8x8x129xf32, #tpu.memory_space<vmem>> -> memref<1x8x8x129xf32, #tpu.memory_space<vmem>>
        %scatter3A_839 = tpu.memref_squeeze %scatter3A_838 : memref<1x8x8x129xf32, #tpu.memory_space<vmem>> -> memref<8x8x129xf32, #tpu.memory_space<vmem>>
        tpu.vector_store_idx %scatter3A_839[%select_n3A_183, %select_n3A_278, %add3A_803], %get3A_834 : memref<8x8x129xf32, #tpu.memory_space<vmem>>[vector<16xi32>, vector<16xi32>, vector<16xi32>], vector<16xf32>,
        %get3A_840 = arith.constant 0 : i32
        %get3A_841 = arith.constant 0 : i32
        %get3A_842 = tpu.memref_slice %arg6[%scan3A_706, %get3A_840, %get3A_841] : memref<5x128x64xf32, #tpu.memory_space<vmem>> -> memref<1x128x64xf32, #tpu.memory_space<vmem>>
        %get3A_843 = tpu.memref_squeeze %get3A_842 : memref<1x128x64xf32, #tpu.memory_space<vmem>> -> memref<128x64xf32, #tpu.memory_space<vmem>>
        %get3A_844 = arith.index_cast %add3A_800 : i32 to index
        %get3A_845 = arith.constant 48 : index
        %get3A_846 = tpu.vector_load %get3A_843[%get3A_844, %get3A_845] {strides = array<i32>} : memref<128x64xf32, #tpu.memory_space<vmem>>, vector<16xf32>,
        %scatter3A_847 = arith.constant 0 : i32
        %scatter3A_848 = arith.constant 0 : i32
        %scatter3A_849 = arith.constant 0 : i32
        %scatter3A_850 = tpu.memref_slice %arg7[%scan3A_707, %scatter3A_847, %scatter3A_848, %scatter3A_849] : memref<5x8x8x129xf32, #tpu.memory_space<vmem>> -> memref<1x8x8x129xf32, #tpu.memory_space<vmem>>
        %scatter3A_851 = tpu.memref_squeeze %scatter3A_850 : memref<1x8x8x129xf32, #tpu.memory_space<vmem>> -> memref<8x8x129xf32, #tpu.memory_space<vmem>>
        tpu.vector_store_idx %scatter3A_851[%select_n3A_214, %select_n3A_300, %add3A_803], %get3A_846 : memref<8x8x129xf32, #tpu.memory_space<vmem>>[vector<16xi32>, vector<16xi32>, vector<16xi32>], vector<16xf32>,
        %mul3A_852 = arith.constant 8 : i32
        %mul3A_853 = arith.muli %mul3A_852, %scan3A_745 : i32
        %add3A_854 = arith.constant 2 : i32
        %add3A_855 = arith.addi %mul3A_853, %add3A_854 : i32
        %add3A_856 = arith.constant 2 : i32
        %add3A_857 = vector.broadcast %add3A_856 : i32 to vector<16xi32>
        %add3A_858 = arith.addi %scan3A_746, %add3A_857 : vector<16xi32>
        %get3A_859 = arith.constant 0 : i32
        %get3A_860 = arith.constant 0 : i32
        %get3A_861 = tpu.memref_slice %arg6[%scan3A_706, %get3A_859, %get3A_860] : memref<5x128x64xf32, #tpu.memory_space<vmem>> -> memref<1x128x64xf32, #tpu.memory_space<vmem>>
        %get3A_862 = tpu.memref_squeeze %get3A_861 : memref<1x128x64xf32, #tpu.memory_space<vmem>> -> memref<128x64xf32, #tpu.memory_space<vmem>>
        %get3A_863 = arith.index_cast %add3A_855 : i32 to index
        %get3A_864 = arith.constant 0 : index
        %get3A_865 = tpu.vector_load %get3A_862[%get3A_863, %get3A_864] {strides = array<i32>} : memref<128x64xf32, #tpu.memory_space<vmem>>, vector<16xf32>,
        %scatter3A_866 = arith.constant 0 : i32
        %scatter3A_867 = arith.constant 0 : i32
        %scatter3A_868 = arith.constant 0 : i32
        %scatter3A_869 = tpu.memref_slice %arg7[%scan3A_707, %scatter3A_866, %scatter3A_867, %scatter3A_868] : memref<5x8x8x129xf32, #tpu.memory_space<vmem>> -> memref<1x8x8x129xf32, #tpu.memory_space<vmem>>
        %scatter3A_870 = tpu.memref_squeeze %scatter3A_869 : memref<1x8x8x129xf32, #tpu.memory_space<vmem>> -> memref<8x8x129xf32, #tpu.memory_space<vmem>>
        tpu.vector_store_idx %scatter3A_870[%select_n3A, %select_n3A_234, %add3A_858], %get3A_865 : memref<8x8x129xf32, #tpu.memory_space<vmem>>[vector<16xi32>, vector<16xi32>, vector<16xi32>], vector<16xf32>,
        %get3A_871 = arith.constant 0 : i32
        %get3A_872 = arith.constant 0 : i32
        %get3A_873 = tpu.memref_slice %arg6[%scan3A_706, %get3A_871, %get3A_872] : memref<5x128x64xf32, #tpu.memory_space<vmem>> -> memref<1x128x64xf32, #tpu.memory_space<vmem>>
        %get3A_874 = tpu.memref_squeeze %get3A_873 : memref<1x128x64xf32, #tpu.memory_space<vmem>> -> memref<128x64xf32, #tpu.memory_space<vmem>>
        %get3A_875 = arith.index_cast %add3A_855 : i32 to index
        %get3A_876 = arith.constant 16 : index
        %get3A_877 = tpu.vector_load %get3A_874[%get3A_875, %get3A_876] {strides = array<i32>} : memref<128x64xf32, #tpu.memory_space<vmem>>, vector<16xf32>,
        %scatter3A_878 = arith.constant 0 : i32
        %scatter3A_879 = arith.constant 0 : i32
        %scatter3A_880 = arith.constant 0 : i32
        %scatter3A_881 = tpu.memref_slice %arg7[%scan3A_707, %scatter3A_878, %scatter3A_879, %scatter3A_880] : memref<5x8x8x129xf32, #tpu.memory_space<vmem>> -> memref<1x8x8x129xf32, #tpu.memory_space<vmem>>
        %scatter3A_882 = tpu.memref_squeeze %scatter3A_881 : memref<1x8x8x129xf32, #tpu.memory_space<vmem>> -> memref<8x8x129xf32, #tpu.memory_space<vmem>>
        tpu.vector_store_idx %scatter3A_882[%select_n3A_152, %select_n3A_256, %add3A_858], %get3A_877 : memref<8x8x129xf32, #tpu.memory_space<vmem>>[vector<16xi32>, vector<16xi32>, vector<16xi32>], vector<16xf32>,
        %get3A_883 = arith.constant 0 : i32
        %get3A_884 = arith.constant 0 : i32
        %get3A_885 = tpu.memref_slice %arg6[%scan3A_706, %get3A_883, %get3A_884] : memref<5x128x64xf32, #tpu.memory_space<vmem>> -> memref<1x128x64xf32, #tpu.memory_space<vmem>>
        %get3A_886 = tpu.memref_squeeze %get3A_885 : memref<1x128x64xf32, #tpu.memory_space<vmem>> -> memref<128x64xf32, #tpu.memory_space<vmem>>
        %get3A_887 = arith.index_cast %add3A_855 : i32 to index
        %get3A_888 = arith.constant 32 : index
        %get3A_889 = tpu.vector_load %get3A_886[%get3A_887, %get3A_888] {strides = array<i32>} : memref<128x64xf32, #tpu.memory_space<vmem>>, vector<16xf32>,
        %scatter3A_890 = arith.constant 0 : i32
        %scatter3A_891 = arith.constant 0 : i32
        %scatter3A_892 = arith.constant 0 : i32
        %scatter3A_893 = tpu.memref_slice %arg7[%scan3A_707, %scatter3A_890, %scatter3A_891, %scatter3A_892] : memref<5x8x8x129xf32, #tpu.memory_space<vmem>> -> memref<1x8x8x129xf32, #tpu.memory_space<vmem>>
        %scatter3A_894 = tpu.memref_squeeze %scatter3A_893 : memref<1x8x8x129xf32, #tpu.memory_space<vmem>> -> memref<8x8x129xf32, #tpu.memory_space<vmem>>
        tpu.vector_store_idx %scatter3A_894[%select_n3A_183, %select_n3A_278, %add3A_858], %get3A_889 : memref<8x8x129xf32, #tpu.memory_space<vmem>>[vector<16xi32>, vector<16xi32>, vector<16xi32>], vector<16xf32>,
        %get3A_895 = arith.constant 0 : i32
        %get3A_896 = arith.constant 0 : i32
        %get3A_897 = tpu.memref_slice %arg6[%scan3A_706, %get3A_895, %get3A_896] : memref<5x128x64xf32, #tpu.memory_space<vmem>> -> memref<1x128x64xf32, #tpu.memory_space<vmem>>
        %get3A_898 = tpu.memref_squeeze %get3A_897 : memref<1x128x64xf32, #tpu.memory_space<vmem>> -> memref<128x64xf32, #tpu.memory_space<vmem>>
        %get3A_899 = arith.index_cast %add3A_855 : i32 to index
        %get3A_900 = arith.constant 48 : index
        %get3A_901 = tpu.vector_load %get3A_898[%get3A_899, %get3A_900] {strides = array<i32>} : memref<128x64xf32, #tpu.memory_space<vmem>>, vector<16xf32>,
        %scatter3A_902 = arith.constant 0 : i32
        %scatter3A_903 = arith.constant 0 : i32
        %scatter3A_904 = arith.constant 0 : i32
        %scatter3A_905 = tpu.memref_slice %arg7[%scan3A_707, %scatter3A_902, %scatter3A_903, %scatter3A_904] : memref<5x8x8x129xf32, #tpu.memory_space<vmem>> -> memref<1x8x8x129xf32, #tpu.memory_space<vmem>>
        %scatter3A_906 = tpu.memref_squeeze %scatter3A_905 : memref<1x8x8x129xf32, #tpu.memory_space<vmem>> -> memref<8x8x129xf32, #tpu.memory_space<vmem>>
        tpu.vector_store_idx %scatter3A_906[%select_n3A_214, %select_n3A_300, %add3A_858], %get3A_901 : memref<8x8x129xf32, #tpu.memory_space<vmem>>[vector<16xi32>, vector<16xi32>, vector<16xi32>], vector<16xf32>,
        %mul3A_907 = arith.constant 8 : i32
        %mul3A_908 = arith.muli %mul3A_907, %scan3A_745 : i32
        %add3A_909 = arith.constant 3 : i32
        %add3A_910 = arith.addi %mul3A_908, %add3A_909 : i32
        %add3A_911 = arith.constant 3 : i32
        %add3A_912 = vector.broadcast %add3A_911 : i32 to vector<16xi32>
        %add3A_913 = arith.addi %scan3A_746, %add3A_912 : vector<16xi32>
        %get3A_914 = arith.constant 0 : i32
        %get3A_915 = arith.constant 0 : i32
        %get3A_916 = tpu.memref_slice %arg6[%scan3A_706, %get3A_914, %get3A_915] : memref<5x128x64xf32, #tpu.memory_space<vmem>> -> memref<1x128x64xf32, #tpu.memory_space<vmem>>
        %get3A_917 = tpu.memref_squeeze %get3A_916 : memref<1x128x64xf32, #tpu.memory_space<vmem>> -> memref<128x64xf32, #tpu.memory_space<vmem>>
        %get3A_918 = arith.index_cast %add3A_910 : i32 to index
        %get3A_919 = arith.constant 0 : index
        %get3A_920 = tpu.vector_load %get3A_917[%get3A_918, %get3A_919] {strides = array<i32>} : memref<128x64xf32, #tpu.memory_space<vmem>>, vector<16xf32>,
        %scatter3A_921 = arith.constant 0 : i32
        %scatter3A_922 = arith.constant 0 : i32
        %scatter3A_923 = arith.constant 0 : i32
        %scatter3A_924 = tpu.memref_slice %arg7[%scan3A_707, %scatter3A_921, %scatter3A_922, %scatter3A_923] : memref<5x8x8x129xf32, #tpu.memory_space<vmem>> -> memref<1x8x8x129xf32, #tpu.memory_space<vmem>>
        %scatter3A_925 = tpu.memref_squeeze %scatter3A_924 : memref<1x8x8x129xf32, #tpu.memory_space<vmem>> -> memref<8x8x129xf32, #tpu.memory_space<vmem>>
        tpu.vector_store_idx %scatter3A_925[%select_n3A, %select_n3A_234, %add3A_913], %get3A_920 : memref<8x8x129xf32, #tpu.memory_space<vmem>>[vector<16xi32>, vector<16xi32>, vector<16xi32>], vector<16xf32>,
        %get3A_926 = arith.constant 0 : i32
        %get3A_927 = arith.constant 0 : i32
        %get3A_928 = tpu.memref_slice %arg6[%scan3A_706, %get3A_926, %get3A_927] : memref<5x128x64xf32, #tpu.memory_space<vmem>> -> memref<1x128x64xf32, #tpu.memory_space<vmem>>
        %get3A_929 = tpu.memref_squeeze %get3A_928 : memref<1x128x64xf32, #tpu.memory_space<vmem>> -> memref<128x64xf32, #tpu.memory_space<vmem>>
        %get3A_930 = arith.index_cast %add3A_910 : i32 to index
        %get3A_931 = arith.constant 16 : index
        %get3A_932 = tpu.vector_load %get3A_929[%get3A_930, %get3A_931] {strides = array<i32>} : memref<128x64xf32, #tpu.memory_space<vmem>>, vector<16xf32>,
        %scatter3A_933 = arith.constant 0 : i32
        %scatter3A_934 = arith.constant 0 : i32
        %scatter3A_935 = arith.constant 0 : i32
        %scatter3A_936 = tpu.memref_slice %arg7[%scan3A_707, %scatter3A_933, %scatter3A_934, %scatter3A_935] : memref<5x8x8x129xf32, #tpu.memory_space<vmem>> -> memref<1x8x8x129xf32, #tpu.memory_space<vmem>>
        %scatter3A_937 = tpu.memref_squeeze %scatter3A_936 : memref<1x8x8x129xf32, #tpu.memory_space<vmem>> -> memref<8x8x129xf32, #tpu.memory_space<vmem>>
        tpu.vector_store_idx %scatter3A_937[%select_n3A_152, %select_n3A_256, %add3A_913], %get3A_932 : memref<8x8x129xf32, #tpu.memory_space<vmem>>[vector<16xi32>, vector<16xi32>, vector<16xi32>], vector<16xf32>,
        %get3A_938 = arith.constant 0 : i32
        %get3A_939 = arith.constant 0 : i32
        %get3A_940 = tpu.memref_slice %arg6[%scan3A_706, %get3A_938, %get3A_939] : memref<5x128x64xf32, #tpu.memory_space<vmem>> -> memref<1x128x64xf32, #tpu.memory_space<vmem>>
        %get3A_941 = tpu.memref_squeeze %get3A_940 : memref<1x128x64xf32, #tpu.memory_space<vmem>> -> memref<128x64xf32, #tpu.memory_space<vmem>>
        %get3A_942 = arith.index_cast %add3A_910 : i32 to index
        %get3A_943 = arith.constant 32 : index
        %get3A_944 = tpu.vector_load %get3A_941[%get3A_942, %get3A_943] {strides = array<i32>} : memref<128x64xf32, #tpu.memory_space<vmem>>, vector<16xf32>,
        %scatter3A_945 = arith.constant 0 : i32
        %scatter3A_946 = arith.constant 0 : i32
        %scatter3A_947 = arith.constant 0 : i32
        %scatter3A_948 = tpu.memref_slice %arg7[%scan3A_707, %scatter3A_945, %scatter3A_946, %scatter3A_947] : memref<5x8x8x129xf32, #tpu.memory_space<vmem>> -> memref<1x8x8x129xf32, #tpu.memory_space<vmem>>
        %scatter3A_949 = tpu.memref_squeeze %scatter3A_948 : memref<1x8x8x129xf32, #tpu.memory_space<vmem>> -> memref<8x8x129xf32, #tpu.memory_space<vmem>>
        tpu.vector_store_idx %scatter3A_949[%select_n3A_183, %select_n3A_278, %add3A_913], %get3A_944 : memref<8x8x129xf32, #tpu.memory_space<vmem>>[vector<16xi32>, vector<16xi32>, vector<16xi32>], vector<16xf32>,
        %get3A_950 = arith.constant 0 : i32
        %get3A_951 = arith.constant 0 : i32
        %get3A_952 = tpu.memref_slice %arg6[%scan3A_706, %get3A_950, %get3A_951] : memref<5x128x64xf32, #tpu.memory_space<vmem>> -> memref<1x128x64xf32, #tpu.memory_space<vmem>>
        %get3A_953 = tpu.memref_squeeze %get3A_952 : memref<1x128x64xf32, #tpu.memory_space<vmem>> -> memref<128x64xf32, #tpu.memory_space<vmem>>
        %get3A_954 = arith.index_cast %add3A_910 : i32 to index
        %get3A_955 = arith.constant 48 : index
        %get3A_956 = tpu.vector_load %get3A_953[%get3A_954, %get3A_955] {strides = array<i32>} : memref<128x64xf32, #tpu.memory_space<vmem>>, vector<16xf32>,
        %scatter3A_957 = arith.constant 0 : i32
        %scatter3A_958 = arith.constant 0 : i32
        %scatter3A_959 = arith.constant 0 : i32
        %scatter3A_960 = tpu.memref_slice %arg7[%scan3A_707, %scatter3A_957, %scatter3A_958, %scatter3A_959] : memref<5x8x8x129xf32, #tpu.memory_space<vmem>> -> memref<1x8x8x129xf32, #tpu.memory_space<vmem>>
        %scatter3A_961 = tpu.memref_squeeze %scatter3A_960 : memref<1x8x8x129xf32, #tpu.memory_space<vmem>> -> memref<8x8x129xf32, #tpu.memory_space<vmem>>
        tpu.vector_store_idx %scatter3A_961[%select_n3A_214, %select_n3A_300, %add3A_913], %get3A_956 : memref<8x8x129xf32, #tpu.memory_space<vmem>>[vector<16xi32>, vector<16xi32>, vector<16xi32>], vector<16xf32>,
        %mul3A_962 = arith.constant 8 : i32
        %mul3A_963 = arith.muli %mul3A_962, %scan3A_745 : i32
        %add3A_964 = arith.constant 4 : i32
        %add3A_965 = arith.addi %mul3A_963, %add3A_964 : i32
        %add3A_966 = arith.constant 4 : i32
        %add3A_967 = vector.broadcast %add3A_966 : i32 to vector<16xi32>
        %add3A_968 = arith.addi %scan3A_746, %add3A_967 : vector<16xi32>
        %get3A_969 = arith.constant 0 : i32
        %get3A_970 = arith.constant 0 : i32
        %get3A_971 = tpu.memref_slice %arg6[%scan3A_706, %get3A_969, %get3A_970] : memref<5x128x64xf32, #tpu.memory_space<vmem>> -> memref<1x128x64xf32, #tpu.memory_space<vmem>>
        %get3A_972 = tpu.memref_squeeze %get3A_971 : memref<1x128x64xf32, #tpu.memory_space<vmem>> -> memref<128x64xf32, #tpu.memory_space<vmem>>
        %get3A_973 = arith.index_cast %add3A_965 : i32 to index
        %get3A_974 = arith.constant 0 : index
        %get3A_975 = tpu.vector_load %get3A_972[%get3A_973, %get3A_974] {strides = array<i32>} : memref<128x64xf32, #tpu.memory_space<vmem>>, vector<16xf32>,
        %scatter3A_976 = arith.constant 0 : i32
        %scatter3A_977 = arith.constant 0 : i32
        %scatter3A_978 = arith.constant 0 : i32
        %scatter3A_979 = tpu.memref_slice %arg7[%scan3A_707, %scatter3A_976, %scatter3A_977, %scatter3A_978] : memref<5x8x8x129xf32, #tpu.memory_space<vmem>> -> memref<1x8x8x129xf32, #tpu.memory_space<vmem>>
        %scatter3A_980 = tpu.memref_squeeze %scatter3A_979 : memref<1x8x8x129xf32, #tpu.memory_space<vmem>> -> memref<8x8x129xf32, #tpu.memory_space<vmem>>
        tpu.vector_store_idx %scatter3A_980[%select_n3A, %select_n3A_234, %add3A_968], %get3A_975 : memref<8x8x129xf32, #tpu.memory_space<vmem>>[vector<16xi32>, vector<16xi32>, vector<16xi32>], vector<16xf32>,
        %get3A_981 = arith.constant 0 : i32
        %get3A_982 = arith.constant 0 : i32
        %get3A_983 = tpu.memref_slice %arg6[%scan3A_706, %get3A_981, %get3A_982] : memref<5x128x64xf32, #tpu.memory_space<vmem>> -> memref<1x128x64xf32, #tpu.memory_space<vmem>>
        %get3A_984 = tpu.memref_squeeze %get3A_983 : memref<1x128x64xf32, #tpu.memory_space<vmem>> -> memref<128x64xf32, #tpu.memory_space<vmem>>
        %get3A_985 = arith.index_cast %add3A_965 : i32 to index
        %get3A_986 = arith.constant 16 : index
        %get3A_987 = tpu.vector_load %get3A_984[%get3A_985, %get3A_986] {strides = array<i32>} : memref<128x64xf32, #tpu.memory_space<vmem>>, vector<16xf32>,
        %scatter3A_988 = arith.constant 0 : i32
        %scatter3A_989 = arith.constant 0 : i32
        %scatter3A_990 = arith.constant 0 : i32
        %scatter3A_991 = tpu.memref_slice %arg7[%scan3A_707, %scatter3A_988, %scatter3A_989, %scatter3A_990] : memref<5x8x8x129xf32, #tpu.memory_space<vmem>> -> memref<1x8x8x129xf32, #tpu.memory_space<vmem>>
        %scatter3A_992 = tpu.memref_squeeze %scatter3A_991 : memref<1x8x8x129xf32, #tpu.memory_space<vmem>> -> memref<8x8x129xf32, #tpu.memory_space<vmem>>
        tpu.vector_store_idx %scatter3A_992[%select_n3A_152, %select_n3A_256, %add3A_968], %get3A_987 : memref<8x8x129xf32, #tpu.memory_space<vmem>>[vector<16xi32>, vector<16xi32>, vector<16xi32>], vector<16xf32>,
        %get3A_993 = arith.constant 0 : i32
        %get3A_994 = arith.constant 0 : i32
        %get3A_995 = tpu.memref_slice %arg6[%scan3A_706, %get3A_993, %get3A_994] : memref<5x128x64xf32, #tpu.memory_space<vmem>> -> memref<1x128x64xf32, #tpu.memory_space<vmem>>
        %get3A_996 = tpu.memref_squeeze %get3A_995 : memref<1x128x64xf32, #tpu.memory_space<vmem>> -> memref<128x64xf32, #tpu.memory_space<vmem>>
        %get3A_997 = arith.index_cast %add3A_965 : i32 to index
        %get3A_998 = arith.constant 32 : index
        %get3A_999 = tpu.vector_load %get3A_996[%get3A_997, %get3A_998] {strides = array<i32>} : memref<128x64xf32, #tpu.memory_space<vmem>>, vector<16xf32>,
        %scatter3A_1000 = arith.constant 0 : i32
        %scatter3A_1001 = arith.constant 0 : i32
        %scatter3A_1002 = arith.constant 0 : i32
        %scatter3A_1003 = tpu.memref_slice %arg7[%scan3A_707, %scatter3A_1000, %scatter3A_1001, %scatter3A_1002] : memref<5x8x8x129xf32, #tpu.memory_space<vmem>> -> memref<1x8x8x129xf32, #tpu.memory_space<vmem>>
        %scatter3A_1004 = tpu.memref_squeeze %scatter3A_1003 : memref<1x8x8x129xf32, #tpu.memory_space<vmem>> -> memref<8x8x129xf32, #tpu.memory_space<vmem>>
        tpu.vector_store_idx %scatter3A_1004[%select_n3A_183, %select_n3A_278, %add3A_968], %get3A_999 : memref<8x8x129xf32, #tpu.memory_space<vmem>>[vector<16xi32>, vector<16xi32>, vector<16xi32>], vector<16xf32>,
        %get3A_1005 = arith.constant 0 : i32
        %get3A_1006 = arith.constant 0 : i32
        %get3A_1007 = tpu.memref_slice %arg6[%scan3A_706, %get3A_1005, %get3A_1006] : memref<5x128x64xf32, #tpu.memory_space<vmem>> -> memref<1x128x64xf32, #tpu.memory_space<vmem>>
        %get3A_1008 = tpu.memref_squeeze %get3A_1007 : memref<1x128x64xf32, #tpu.memory_space<vmem>> -> memref<128x64xf32, #tpu.memory_space<vmem>>
        %get3A_1009 = arith.index_cast %add3A_965 : i32 to index
        %get3A_1010 = arith.constant 48 : index
        %get3A_1011 = tpu.vector_load %get3A_1008[%get3A_1009, %get3A_1010] {strides = array<i32>} : memref<128x64xf32, #tpu.memory_space<vmem>>, vector<16xf32>,
        %scatter3A_1012 = arith.constant 0 : i32
        %scatter3A_1013 = arith.constant 0 : i32
        %scatter3A_1014 = arith.constant 0 : i32
        %scatter3A_1015 = tpu.memref_slice %arg7[%scan3A_707, %scatter3A_1012, %scatter3A_1013, %scatter3A_1014] : memref<5x8x8x129xf32, #tpu.memory_space<vmem>> -> memref<1x8x8x129xf32, #tpu.memory_space<vmem>>
        %scatter3A_1016 = tpu.memref_squeeze %scatter3A_1015 : memref<1x8x8x129xf32, #tpu.memory_space<vmem>> -> memref<8x8x129xf32, #tpu.memory_space<vmem>>
        tpu.vector_store_idx %scatter3A_1016[%select_n3A_214, %select_n3A_300, %add3A_968], %get3A_1011 : memref<8x8x129xf32, #tpu.memory_space<vmem>>[vector<16xi32>, vector<16xi32>, vector<16xi32>], vector<16xf32>,
        %mul3A_1017 = arith.constant 8 : i32
        %mul3A_1018 = arith.muli %mul3A_1017, %scan3A_745 : i32
        %add3A_1019 = arith.constant 5 : i32
        %add3A_1020 = arith.addi %mul3A_1018, %add3A_1019 : i32
        %add3A_1021 = arith.constant 5 : i32
        %add3A_1022 = vector.broadcast %add3A_1021 : i32 to vector<16xi32>
        %add3A_1023 = arith.addi %scan3A_746, %add3A_1022 : vector<16xi32>
        %get3A_1024 = arith.constant 0 : i32
        %get3A_1025 = arith.constant 0 : i32
        %get3A_1026 = tpu.memref_slice %arg6[%scan3A_706, %get3A_1024, %get3A_1025] : memref<5x128x64xf32, #tpu.memory_space<vmem>> -> memref<1x128x64xf32, #tpu.memory_space<vmem>>
        %get3A_1027 = tpu.memref_squeeze %get3A_1026 : memref<1x128x64xf32, #tpu.memory_space<vmem>> -> memref<128x64xf32, #tpu.memory_space<vmem>>
        %get3A_1028 = arith.index_cast %add3A_1020 : i32 to index
        %get3A_1029 = arith.constant 0 : index
        %get3A_1030 = tpu.vector_load %get3A_1027[%get3A_1028, %get3A_1029] {strides = array<i32>} : memref<128x64xf32, #tpu.memory_space<vmem>>, vector<16xf32>,
        %scatter3A_1031 = arith.constant 0 : i32
        %scatter3A_1032 = arith.constant 0 : i32
        %scatter3A_1033 = arith.constant 0 : i32
        %scatter3A_1034 = tpu.memref_slice %arg7[%scan3A_707, %scatter3A_1031, %scatter3A_1032, %scatter3A_1033] : memref<5x8x8x129xf32, #tpu.memory_space<vmem>> -> memref<1x8x8x129xf32, #tpu.memory_space<vmem>>
        %scatter3A_1035 = tpu.memref_squeeze %scatter3A_1034 : memref<1x8x8x129xf32, #tpu.memory_space<vmem>> -> memref<8x8x129xf32, #tpu.memory_space<vmem>>
        tpu.vector_store_idx %scatter3A_1035[%select_n3A, %select_n3A_234, %add3A_1023], %get3A_1030 : memref<8x8x129xf32, #tpu.memory_space<vmem>>[vector<16xi32>, vector<16xi32>, vector<16xi32>], vector<16xf32>,
        %get3A_1036 = arith.constant 0 : i32
        %get3A_1037 = arith.constant 0 : i32
        %get3A_1038 = tpu.memref_slice %arg6[%scan3A_706, %get3A_1036, %get3A_1037] : memref<5x128x64xf32, #tpu.memory_space<vmem>> -> memref<1x128x64xf32, #tpu.memory_space<vmem>>
        %get3A_1039 = tpu.memref_squeeze %get3A_1038 : memref<1x128x64xf32, #tpu.memory_space<vmem>> -> memref<128x64xf32, #tpu.memory_space<vmem>>
        %get3A_1040 = arith.index_cast %add3A_1020 : i32 to index
        %get3A_1041 = arith.constant 16 : index
        %get3A_1042 = tpu.vector_load %get3A_1039[%get3A_1040, %get3A_1041] {strides = array<i32>} : memref<128x64xf32, #tpu.memory_space<vmem>>, vector<16xf32>,
        %scatter3A_1043 = arith.constant 0 : i32
        %scatter3A_1044 = arith.constant 0 : i32
        %scatter3A_1045 = arith.constant 0 : i32
        %scatter3A_1046 = tpu.memref_slice %arg7[%scan3A_707, %scatter3A_1043, %scatter3A_1044, %scatter3A_1045] : memref<5x8x8x129xf32, #tpu.memory_space<vmem>> -> memref<1x8x8x129xf32, #tpu.memory_space<vmem>>
        %scatter3A_1047 = tpu.memref_squeeze %scatter3A_1046 : memref<1x8x8x129xf32, #tpu.memory_space<vmem>> -> memref<8x8x129xf32, #tpu.memory_space<vmem>>
        tpu.vector_store_idx %scatter3A_1047[%select_n3A_152, %select_n3A_256, %add3A_1023], %get3A_1042 : memref<8x8x129xf32, #tpu.memory_space<vmem>>[vector<16xi32>, vector<16xi32>, vector<16xi32>], vector<16xf32>,
        %get3A_1048 = arith.constant 0 : i32
        %get3A_1049 = arith.constant 0 : i32
        %get3A_1050 = tpu.memref_slice %arg6[%scan3A_706, %get3A_1048, %get3A_1049] : memref<5x128x64xf32, #tpu.memory_space<vmem>> -> memref<1x128x64xf32, #tpu.memory_space<vmem>>
        %get3A_1051 = tpu.memref_squeeze %get3A_1050 : memref<1x128x64xf32, #tpu.memory_space<vmem>> -> memref<128x64xf32, #tpu.memory_space<vmem>>
        %get3A_1052 = arith.index_cast %add3A_1020 : i32 to index
        %get3A_1053 = arith.constant 32 : index
        %get3A_1054 = tpu.vector_load %get3A_1051[%get3A_1052, %get3A_1053] {strides = array<i32>} : memref<128x64xf32, #tpu.memory_space<vmem>>, vector<16xf32>,
        %scatter3A_1055 = arith.constant 0 : i32
        %scatter3A_1056 = arith.constant 0 : i32
        %scatter3A_1057 = arith.constant 0 : i32
        %scatter3A_1058 = tpu.memref_slice %arg7[%scan3A_707, %scatter3A_1055, %scatter3A_1056, %scatter3A_1057] : memref<5x8x8x129xf32, #tpu.memory_space<vmem>> -> memref<1x8x8x129xf32, #tpu.memory_space<vmem>>
        %scatter3A_1059 = tpu.memref_squeeze %scatter3A_1058 : memref<1x8x8x129xf32, #tpu.memory_space<vmem>> -> memref<8x8x129xf32, #tpu.memory_space<vmem>>
        tpu.vector_store_idx %scatter3A_1059[%select_n3A_183, %select_n3A_278, %add3A_1023], %get3A_1054 : memref<8x8x129xf32, #tpu.memory_space<vmem>>[vector<16xi32>, vector<16xi32>, vector<16xi32>], vector<16xf32>,
        %get3A_1060 = arith.constant 0 : i32
        %get3A_1061 = arith.constant 0 : i32
        %get3A_1062 = tpu.memref_slice %arg6[%scan3A_706, %get3A_1060, %get3A_1061] : memref<5x128x64xf32, #tpu.memory_space<vmem>> -> memref<1x128x64xf32, #tpu.memory_space<vmem>>
        %get3A_1063 = tpu.memref_squeeze %get3A_1062 : memref<1x128x64xf32, #tpu.memory_space<vmem>> -> memref<128x64xf32, #tpu.memory_space<vmem>>
        %get3A_1064 = arith.index_cast %add3A_1020 : i32 to index
        %get3A_1065 = arith.constant 48 : index
        %get3A_1066 = tpu.vector_load %get3A_1063[%get3A_1064, %get3A_1065] {strides = array<i32>} : memref<128x64xf32, #tpu.memory_space<vmem>>, vector<16xf32>,
        %scatter3A_1067 = arith.constant 0 : i32
        %scatter3A_1068 = arith.constant 0 : i32
        %scatter3A_1069 = arith.constant 0 : i32
        %scatter3A_1070 = tpu.memref_slice %arg7[%scan3A_707, %scatter3A_1067, %scatter3A_1068, %scatter3A_1069] : memref<5x8x8x129xf32, #tpu.memory_space<vmem>> -> memref<1x8x8x129xf32, #tpu.memory_space<vmem>>
        %scatter3A_1071 = tpu.memref_squeeze %scatter3A_1070 : memref<1x8x8x129xf32, #tpu.memory_space<vmem>> -> memref<8x8x129xf32, #tpu.memory_space<vmem>>
        tpu.vector_store_idx %scatter3A_1071[%select_n3A_214, %select_n3A_300, %add3A_1023], %get3A_1066 : memref<8x8x129xf32, #tpu.memory_space<vmem>>[vector<16xi32>, vector<16xi32>, vector<16xi32>], vector<16xf32>,
        %mul3A_1072 = arith.constant 8 : i32
        %mul3A_1073 = arith.muli %mul3A_1072, %scan3A_745 : i32
        %add3A_1074 = arith.constant 6 : i32
        %add3A_1075 = arith.addi %mul3A_1073, %add3A_1074 : i32
        %add3A_1076 = arith.constant 6 : i32
        %add3A_1077 = vector.broadcast %add3A_1076 : i32 to vector<16xi32>
        %add3A_1078 = arith.addi %scan3A_746, %add3A_1077 : vector<16xi32>
        %get3A_1079 = arith.constant 0 : i32
        %get3A_1080 = arith.constant 0 : i32
        %get3A_1081 = tpu.memref_slice %arg6[%scan3A_706, %get3A_1079, %get3A_1080] : memref<5x128x64xf32, #tpu.memory_space<vmem>> -> memref<1x128x64xf32, #tpu.memory_space<vmem>>
        %get3A_1082 = tpu.memref_squeeze %get3A_1081 : memref<1x128x64xf32, #tpu.memory_space<vmem>> -> memref<128x64xf32, #tpu.memory_space<vmem>>
        %get3A_1083 = arith.index_cast %add3A_1075 : i32 to index
        %get3A_1084 = arith.constant 0 : index
        %get3A_1085 = tpu.vector_load %get3A_1082[%get3A_1083, %get3A_1084] {strides = array<i32>} : memref<128x64xf32, #tpu.memory_space<vmem>>, vector<16xf32>,
        %scatter3A_1086 = arith.constant 0 : i32
        %scatter3A_1087 = arith.constant 0 : i32
        %scatter3A_1088 = arith.constant 0 : i32
        %scatter3A_1089 = tpu.memref_slice %arg7[%scan3A_707, %scatter3A_1086, %scatter3A_1087, %scatter3A_1088] : memref<5x8x8x129xf32, #tpu.memory_space<vmem>> -> memref<1x8x8x129xf32, #tpu.memory_space<vmem>>
        %scatter3A_1090 = tpu.memref_squeeze %scatter3A_1089 : memref<1x8x8x129xf32, #tpu.memory_space<vmem>> -> memref<8x8x129xf32, #tpu.memory_space<vmem>>
        tpu.vector_store_idx %scatter3A_1090[%select_n3A, %select_n3A_234, %add3A_1078], %get3A_1085 : memref<8x8x129xf32, #tpu.memory_space<vmem>>[vector<16xi32>, vector<16xi32>, vector<16xi32>], vector<16xf32>,
        %get3A_1091 = arith.constant 0 : i32
        %get3A_1092 = arith.constant 0 : i32
        %get3A_1093 = tpu.memref_slice %arg6[%scan3A_706, %get3A_1091, %get3A_1092] : memref<5x128x64xf32, #tpu.memory_space<vmem>> -> memref<1x128x64xf32, #tpu.memory_space<vmem>>
        %get3A_1094 = tpu.memref_squeeze %get3A_1093 : memref<1x128x64xf32, #tpu.memory_space<vmem>> -> memref<128x64xf32, #tpu.memory_space<vmem>>
        %get3A_1095 = arith.index_cast %add3A_1075 : i32 to index
        %get3A_1096 = arith.constant 16 : index
        %get3A_1097 = tpu.vector_load %get3A_1094[%get3A_1095, %get3A_1096] {strides = array<i32>} : memref<128x64xf32, #tpu.memory_space<vmem>>, vector<16xf32>,
        %scatter3A_1098 = arith.constant 0 : i32
        %scatter3A_1099 = arith.constant 0 : i32
        %scatter3A_1100 = arith.constant 0 : i32
        %scatter3A_1101 = tpu.memref_slice %arg7[%scan3A_707, %scatter3A_1098, %scatter3A_1099, %scatter3A_1100] : memref<5x8x8x129xf32, #tpu.memory_space<vmem>> -> memref<1x8x8x129xf32, #tpu.memory_space<vmem>>
        %scatter3A_1102 = tpu.memref_squeeze %scatter3A_1101 : memref<1x8x8x129xf32, #tpu.memory_space<vmem>> -> memref<8x8x129xf32, #tpu.memory_space<vmem>>
        tpu.vector_store_idx %scatter3A_1102[%select_n3A_152, %select_n3A_256, %add3A_1078], %get3A_1097 : memref<8x8x129xf32, #tpu.memory_space<vmem>>[vector<16xi32>, vector<16xi32>, vector<16xi32>], vector<16xf32>,
        %get3A_1103 = arith.constant 0 : i32
        %get3A_1104 = arith.constant 0 : i32
        %get3A_1105 = tpu.memref_slice %arg6[%scan3A_706, %get3A_1103, %get3A_1104] : memref<5x128x64xf32, #tpu.memory_space<vmem>> -> memref<1x128x64xf32, #tpu.memory_space<vmem>>
        %get3A_1106 = tpu.memref_squeeze %get3A_1105 : memref<1x128x64xf32, #tpu.memory_space<vmem>> -> memref<128x64xf32, #tpu.memory_space<vmem>>
        %get3A_1107 = arith.index_cast %add3A_1075 : i32 to index
        %get3A_1108 = arith.constant 32 : index
        %get3A_1109 = tpu.vector_load %get3A_1106[%get3A_1107, %get3A_1108] {strides = array<i32>} : memref<128x64xf32, #tpu.memory_space<vmem>>, vector<16xf32>,
        %scatter3A_1110 = arith.constant 0 : i32
        %scatter3A_1111 = arith.constant 0 : i32
        %scatter3A_1112 = arith.constant 0 : i32
        %scatter3A_1113 = tpu.memref_slice %arg7[%scan3A_707, %scatter3A_1110, %scatter3A_1111, %scatter3A_1112] : memref<5x8x8x129xf32, #tpu.memory_space<vmem>> -> memref<1x8x8x129xf32, #tpu.memory_space<vmem>>
        %scatter3A_1114 = tpu.memref_squeeze %scatter3A_1113 : memref<1x8x8x129xf32, #tpu.memory_space<vmem>> -> memref<8x8x129xf32, #tpu.memory_space<vmem>>
        tpu.vector_store_idx %scatter3A_1114[%select_n3A_183, %select_n3A_278, %add3A_1078], %get3A_1109 : memref<8x8x129xf32, #tpu.memory_space<vmem>>[vector<16xi32>, vector<16xi32>, vector<16xi32>], vector<16xf32>,
        %get3A_1115 = arith.constant 0 : i32
        %get3A_1116 = arith.constant 0 : i32
        %get3A_1117 = tpu.memref_slice %arg6[%scan3A_706, %get3A_1115, %get3A_1116] : memref<5x128x64xf32, #tpu.memory_space<vmem>> -> memref<1x128x64xf32, #tpu.memory_space<vmem>>
        %get3A_1118 = tpu.memref_squeeze %get3A_1117 : memref<1x128x64xf32, #tpu.memory_space<vmem>> -> memref<128x64xf32, #tpu.memory_space<vmem>>
        %get3A_1119 = arith.index_cast %add3A_1075 : i32 to index
        %get3A_1120 = arith.constant 48 : index
        %get3A_1121 = tpu.vector_load %get3A_1118[%get3A_1119, %get3A_1120] {strides = array<i32>} : memref<128x64xf32, #tpu.memory_space<vmem>>, vector<16xf32>,
        %scatter3A_1122 = arith.constant 0 : i32
        %scatter3A_1123 = arith.constant 0 : i32
        %scatter3A_1124 = arith.constant 0 : i32
        %scatter3A_1125 = tpu.memref_slice %arg7[%scan3A_707, %scatter3A_1122, %scatter3A_1123, %scatter3A_1124] : memref<5x8x8x129xf32, #tpu.memory_space<vmem>> -> memref<1x8x8x129xf32, #tpu.memory_space<vmem>>
        %scatter3A_1126 = tpu.memref_squeeze %scatter3A_1125 : memref<1x8x8x129xf32, #tpu.memory_space<vmem>> -> memref<8x8x129xf32, #tpu.memory_space<vmem>>
        tpu.vector_store_idx %scatter3A_1126[%select_n3A_214, %select_n3A_300, %add3A_1078], %get3A_1121 : memref<8x8x129xf32, #tpu.memory_space<vmem>>[vector<16xi32>, vector<16xi32>, vector<16xi32>], vector<16xf32>,
        %mul3A_1127 = arith.constant 8 : i32
        %mul3A_1128 = arith.muli %mul3A_1127, %scan3A_745 : i32
        %add3A_1129 = arith.constant 7 : i32
        %add3A_1130 = arith.addi %mul3A_1128, %add3A_1129 : i32
        %add3A_1131 = arith.constant 7 : i32
        %add3A_1132 = vector.broadcast %add3A_1131 : i32 to vector<16xi32>
        %add3A_1133 = arith.addi %scan3A_746, %add3A_1132 : vector<16xi32>
        %get3A_1134 = arith.constant 0 : i32
        %get3A_1135 = arith.constant 0 : i32
        %get3A_1136 = tpu.memref_slice %arg6[%scan3A_706, %get3A_1134, %get3A_1135] : memref<5x128x64xf32, #tpu.memory_space<vmem>> -> memref<1x128x64xf32, #tpu.memory_space<vmem>>
        %get3A_1137 = tpu.memref_squeeze %get3A_1136 : memref<1x128x64xf32, #tpu.memory_space<vmem>> -> memref<128x64xf32, #tpu.memory_space<vmem>>
        %get3A_1138 = arith.index_cast %add3A_1130 : i32 to index
        %get3A_1139 = arith.constant 0 : index
        %get3A_1140 = tpu.vector_load %get3A_1137[%get3A_1138, %get3A_1139] {strides = array<i32>} : memref<128x64xf32, #tpu.memory_space<vmem>>, vector<16xf32>,
        %scatter3A_1141 = arith.constant 0 : i32
        %scatter3A_1142 = arith.constant 0 : i32
        %scatter3A_1143 = arith.constant 0 : i32
        %scatter3A_1144 = tpu.memref_slice %arg7[%scan3A_707, %scatter3A_1141, %scatter3A_1142, %scatter3A_1143] : memref<5x8x8x129xf32, #tpu.memory_space<vmem>> -> memref<1x8x8x129xf32, #tpu.memory_space<vmem>>
        %scatter3A_1145 = tpu.memref_squeeze %scatter3A_1144 : memref<1x8x8x129xf32, #tpu.memory_space<vmem>> -> memref<8x8x129xf32, #tpu.memory_space<vmem>>
        tpu.vector_store_idx %scatter3A_1145[%select_n3A, %select_n3A_234, %add3A_1133], %get3A_1140 : memref<8x8x129xf32, #tpu.memory_space<vmem>>[vector<16xi32>, vector<16xi32>, vector<16xi32>], vector<16xf32>,
        %get3A_1146 = arith.constant 0 : i32
        %get3A_1147 = arith.constant 0 : i32
        %get3A_1148 = tpu.memref_slice %arg6[%scan3A_706, %get3A_1146, %get3A_1147] : memref<5x128x64xf32, #tpu.memory_space<vmem>> -> memref<1x128x64xf32, #tpu.memory_space<vmem>>
        %get3A_1149 = tpu.memref_squeeze %get3A_1148 : memref<1x128x64xf32, #tpu.memory_space<vmem>> -> memref<128x64xf32, #tpu.memory_space<vmem>>
        %get3A_1150 = arith.index_cast %add3A_1130 : i32 to index
        %get3A_1151 = arith.constant 16 : index
        %get3A_1152 = tpu.vector_load %get3A_1149[%get3A_1150, %get3A_1151] {strides = array<i32>} : memref<128x64xf32, #tpu.memory_space<vmem>>, vector<16xf32>,
        %scatter3A_1153 = arith.constant 0 : i32
        %scatter3A_1154 = arith.constant 0 : i32
        %scatter3A_1155 = arith.constant 0 : i32
        %scatter3A_1156 = tpu.memref_slice %arg7[%scan3A_707, %scatter3A_1153, %scatter3A_1154, %scatter3A_1155] : memref<5x8x8x129xf32, #tpu.memory_space<vmem>> -> memref<1x8x8x129xf32, #tpu.memory_space<vmem>>
        %scatter3A_1157 = tpu.memref_squeeze %scatter3A_1156 : memref<1x8x8x129xf32, #tpu.memory_space<vmem>> -> memref<8x8x129xf32, #tpu.memory_space<vmem>>
        tpu.vector_store_idx %scatter3A_1157[%select_n3A_152, %select_n3A_256, %add3A_1133], %get3A_1152 : memref<8x8x129xf32, #tpu.memory_space<vmem>>[vector<16xi32>, vector<16xi32>, vector<16xi32>], vector<16xf32>,
        %get3A_1158 = arith.constant 0 : i32
        %get3A_1159 = arith.constant 0 : i32
        %get3A_1160 = tpu.memref_slice %arg6[%scan3A_706, %get3A_1158, %get3A_1159] : memref<5x128x64xf32, #tpu.memory_space<vmem>> -> memref<1x128x64xf32, #tpu.memory_space<vmem>>
        %get3A_1161 = tpu.memref_squeeze %get3A_1160 : memref<1x128x64xf32, #tpu.memory_space<vmem>> -> memref<128x64xf32, #tpu.memory_space<vmem>>
        %get3A_1162 = arith.index_cast %add3A_1130 : i32 to index
        %get3A_1163 = arith.constant 32 : index
        %get3A_1164 = tpu.vector_load %get3A_1161[%get3A_1162, %get3A_1163] {strides = array<i32>} : memref<128x64xf32, #tpu.memory_space<vmem>>, vector<16xf32>,
        %scatter3A_1165 = arith.constant 0 : i32
        %scatter3A_1166 = arith.constant 0 : i32
        %scatter3A_1167 = arith.constant 0 : i32
        %scatter3A_1168 = tpu.memref_slice %arg7[%scan3A_707, %scatter3A_1165, %scatter3A_1166, %scatter3A_1167] : memref<5x8x8x129xf32, #tpu.memory_space<vmem>> -> memref<1x8x8x129xf32, #tpu.memory_space<vmem>>
        %scatter3A_1169 = tpu.memref_squeeze %scatter3A_1168 : memref<1x8x8x129xf32, #tpu.memory_space<vmem>> -> memref<8x8x129xf32, #tpu.memory_space<vmem>>
        tpu.vector_store_idx %scatter3A_1169[%select_n3A_183, %select_n3A_278, %add3A_1133], %get3A_1164 : memref<8x8x129xf32, #tpu.memory_space<vmem>>[vector<16xi32>, vector<16xi32>, vector<16xi32>], vector<16xf32>,
        %get3A_1170 = arith.constant 0 : i32
        %get3A_1171 = arith.constant 0 : i32
        %get3A_1172 = tpu.memref_slice %arg6[%scan3A_706, %get3A_1170, %get3A_1171] : memref<5x128x64xf32, #tpu.memory_space<vmem>> -> memref<1x128x64xf32, #tpu.memory_space<vmem>>
        %get3A_1173 = tpu.memref_squeeze %get3A_1172 : memref<1x128x64xf32, #tpu.memory_space<vmem>> -> memref<128x64xf32, #tpu.memory_space<vmem>>
        %get3A_1174 = arith.index_cast %add3A_1130 : i32 to index
        %get3A_1175 = arith.constant 48 : index
        %get3A_1176 = tpu.vector_load %get3A_1173[%get3A_1174, %get3A_1175] {strides = array<i32>} : memref<128x64xf32, #tpu.memory_space<vmem>>, vector<16xf32>,
        %scatter3A_1177 = arith.constant 0 : i32
        %scatter3A_1178 = arith.constant 0 : i32
        %scatter3A_1179 = arith.constant 0 : i32
        %scatter3A_1180 = tpu.memref_slice %arg7[%scan3A_707, %scatter3A_1177, %scatter3A_1178, %scatter3A_1179] : memref<5x8x8x129xf32, #tpu.memory_space<vmem>> -> memref<1x8x8x129xf32, #tpu.memory_space<vmem>>
        %scatter3A_1181 = tpu.memref_squeeze %scatter3A_1180 : memref<1x8x8x129xf32, #tpu.memory_space<vmem>> -> memref<8x8x129xf32, #tpu.memory_space<vmem>>
        tpu.vector_store_idx %scatter3A_1181[%select_n3A_214, %select_n3A_300, %add3A_1133], %get3A_1176 : memref<8x8x129xf32, #tpu.memory_space<vmem>>[vector<16xi32>, vector<16xi32>, vector<16xi32>], vector<16xf32>,
        %add3A_1182 = arith.constant 8 : i32
        %add3A_1183 = vector.broadcast %add3A_1182 : i32 to vector<16xi32>
        %add3A_1184 = arith.addi %scan3A_746, %add3A_1183 : vector<16xi32>
        scf.yield %add3A_1184 : vector<16xi32>
      }
      %scan3A_713 = arith.constant 16 : i32
      %dma_start3A_714 = arith.constant 4 : i32
      %dma_start3A_715 = arith.constant 4 : i32
      %dma_start3A_716 = arith.constant 0 : i32
      %dma_start3A_717 = arith.constant 0 : i32
      %dma_start3A_718 = arith.constant 0 : i32
      %dma_start3A_719 = tpu.memref_slice %arg7[%dma_start3A_714, %dma_start3A_716, %dma_start3A_717, %dma_start3A_718] : memref<5x8x8x129xf32, #tpu.memory_space<vmem>> -> memref<1x8x8x128xf32, #tpu.memory_space<vmem>>
      %dma_start3A_720 = tpu.memref_squeeze %dma_start3A_719 : memref<1x8x8x128xf32, #tpu.memory_space<vmem>> -> memref<8x8x128xf32, #tpu.memory_space<vmem>>
      %dma_start3A_721 = arith.constant 0 : i32
      %dma_start3A_722 = arith.constant 0 : i32
      %dma_start3A_723 = arith.constant 0 : i32
      %dma_start3A_724 = tpu.memref_slice %arg4[%add3A_686, %dma_start3A_721, %add3A, %dma_start3A_722, %dma_start3A_723] : memref<200x8x32x8x128xf32, #tpu.memory_space<hbm>> -> memref<1x8x1x8x128xf32, #tpu.memory_space<hbm>>
      %dma_start3A_725 = tpu.memref_squeeze %dma_start3A_724 : memref<1x8x1x8x128xf32, #tpu.memory_space<hbm>> -> memref<8x8x128xf32, #tpu.memory_space<hbm>>
      %dma_start3A_726 = tpu.memref_slice %arg9[%dma_start3A_715] : memref<5x!tpu.dma_semaphore, #tpu.memory_space<semaphore_mem>> -> memref<1x!tpu.dma_semaphore, #tpu.memory_space<semaphore_mem>>
      %dma_start3A_727 = tpu.memref_squeeze %dma_start3A_726 : memref<1x!tpu.dma_semaphore, #tpu.memory_space<semaphore_mem>> -> memref<!tpu.dma_semaphore, #tpu.memory_space<semaphore_mem>>
      %dma_start3A_728 = arith.constant 0 : i32
      %dma_start3A_729 = arith.constant 0 : i32
      %dma_start3A_730 = arith.constant 0 : i32
      %dma_start3A_731 = tpu.memref_slice %arg4[%add3A_686, %dma_start3A_728, %add3A, %dma_start3A_729, %dma_start3A_730] : memref<200x8x32x8x128xf32, #tpu.memory_space<hbm>> -> memref<1x8x1x8x128xf32, #tpu.memory_space<hbm>>
      %dma_start3A_732 = tpu.memref_squeeze %dma_start3A_731 : memref<1x8x1x8x128xf32, #tpu.memory_space<hbm>> -> memref<8x8x128xf32, #tpu.memory_space<hbm>>
      %dma_start3A_733 = arith.constant 0 : i32
      %dma_start3A_734 = arith.constant 0 : i32
      %dma_start3A_735 = arith.constant 0 : i32
      %dma_start3A_736 = tpu.memref_slice %arg7[%dma_start3A_714, %dma_start3A_733, %dma_start3A_734, %dma_start3A_735] : memref<5x8x8x129xf32, #tpu.memory_space<vmem>> -> memref<1x8x8x128xf32, #tpu.memory_space<vmem>>
      %dma_start3A_737 = tpu.memref_squeeze %dma_start3A_736 : memref<1x8x8x128xf32, #tpu.memory_space<vmem>> -> memref<8x8x128xf32, #tpu.memory_space<vmem>>
      tpu.enqueue_dma source(%dma_start3A_737 : memref<8x8x128xf32, #tpu.memory_space<vmem>>) target(%dma_start3A_732 : memref<8x8x128xf32, #tpu.memory_space<hbm>>) target_semaphore(%dma_start3A_727 : memref<!tpu.dma_semaphore, #tpu.memory_space<semaphore_mem>>)
      %add3A_738 = arith.constant 5 : i32
      %add3A_739 = arith.addi %add3A_686, %add3A_738 : i32
      %lt3A_740 = arith.constant 200 : i32
      %lt3A_741 = arith.cmpi slt, %add3A_739, %lt3A_740 : i32
      %convert_element_type3A_742 = arith.extui %lt3A_741 : i1 to i32
      %cond3A_743 = arith.constant 0 : i32
      %cond3A_744 = arith.cmpi ne, %convert_element_type3A_742, %cond3A_743 : i32
      scf.if %cond3A_744 {
        %dma_start3A_745 = arith.constant 4 : i32
        %dma_start3A_746 = arith.constant 4 : i32
        %dma_start3A_747 = arith.constant 0 : i32
        %dma_start3A_748 = arith.constant 0 : i32
        %dma_start3A_749 = tpu.memref_slice %arg6[%dma_start3A_745, %dma_start3A_747, %dma_start3A_748] : memref<5x128x64xf32, #tpu.memory_space<vmem>> -> memref<1x128x64xf32, #tpu.memory_space<vmem>>
        %dma_start3A_750 = tpu.memref_squeeze %dma_start3A_749 : memref<1x128x64xf32, #tpu.memory_space<vmem>> -> memref<128x64xf32, #tpu.memory_space<vmem>>
        %dma_start3A_751 = arith.constant 0 : i32
        %dma_start3A_752 = tpu.memref_slice %arg5[%add3A_739, %dma_start3A_751] : memref<200x128xi32, #tpu.memory_space<vmem>> -> memref<1x128xi32, #tpu.memory_space<vmem>>
        %dma_start3A_753 = tpu.memref_squeeze %dma_start3A_752 : memref<1x128xi32, #tpu.memory_space<vmem>> -> memref<128xi32, #tpu.memory_space<vmem>>
        %dma_start3A_754 = arith.constant 0 : i32
        %dma_start3A_755 = arith.constant 0 : i32
        %dma_start3A_756 = tpu.memref_slice %arg3[%dma_start3A_754, %dma_start3A_755] : memref<1000000x64xf32, #tpu.memory_space<hbm>> -> memref<1000000x64xf32, #tpu.memory_space<hbm>>
        %dma_start3A_757 = tpu.memref_slice %arg8[%dma_start3A_746] : memref<5x!tpu.dma_semaphore, #tpu.memory_space<semaphore_mem>> -> memref<1x!tpu.dma_semaphore, #tpu.memory_space<semaphore_mem>>
        %dma_start3A_758 = tpu.memref_squeeze %dma_start3A_757 : memref<1x!tpu.dma_semaphore, #tpu.memory_space<semaphore_mem>> -> memref<!tpu.dma_semaphore, #tpu.memory_space<semaphore_mem>>
        tpu.enqueue_indirect_dma source(%dma_start3A_756 : memref<1000000x64xf32, #tpu.memory_space<hbm>>) target(%dma_start3A_750 : memref<128x64xf32, #tpu.memory_space<vmem>>) offsets(%dma_start3A_753 : memref<128xi32, #tpu.memory_space<vmem>>) semaphore(%dma_start3A_758 : memref<!tpu.dma_semaphore, #tpu.memory_space<semaphore_mem>>)
      } else {
      }
    }
    %scan3A_306 = arith.constant 40 : i32
    %dma_wait3A_307 = arith.constant 0 : i32
    %dma_wait3A_308 = arith.constant 0 : i32
    %dma_wait3A_309 = arith.constant 0 : i32
    %dma_wait3A_310 = arith.constant 0 : i32
    %dma_wait3A_311 = arith.constant 0 : i32
    %dma_wait3A_312 = arith.constant 0 : i32
    %dma_wait3A_313 = arith.constant 0 : i32
    %dma_wait3A_314 = tpu.memref_slice %arg7[%dma_wait3A_307, %dma_wait3A_311, %dma_wait3A_312, %dma_wait3A_313] : memref<5x8x8x129xf32, #tpu.memory_space<vmem>> -> memref<1x8x8x128xf32, #tpu.memory_space<vmem>>
    %dma_wait3A_315 = tpu.memref_squeeze %dma_wait3A_314 : memref<1x8x8x128xf32, #tpu.memory_space<vmem>> -> memref<8x8x128xf32, #tpu.memory_space<vmem>>
    %dma_wait3A_316 = arith.constant 0 : i32
    %dma_wait3A_317 = arith.constant 0 : i32
    %dma_wait3A_318 = arith.constant 0 : i32
    %dma_wait3A_319 = tpu.memref_slice %arg4[%dma_wait3A_308, %dma_wait3A_316, %dma_wait3A_309, %dma_wait3A_317, %dma_wait3A_318] : memref<200x8x32x8x128xf32, #tpu.memory_space<hbm>> -> memref<1x8x1x8x128xf32, #tpu.memory_space<hbm>>
    %dma_wait3A_320 = tpu.memref_squeeze %dma_wait3A_319 : memref<1x8x1x8x128xf32, #tpu.memory_space<hbm>> -> memref<8x8x128xf32, #tpu.memory_space<hbm>>
    %dma_wait3A_321 = tpu.memref_slice %arg9[%dma_wait3A_310] : memref<5x!tpu.dma_semaphore, #tpu.memory_space<semaphore_mem>> -> memref<1x!tpu.dma_semaphore, #tpu.memory_space<semaphore_mem>>
    %dma_wait3A_322 = tpu.memref_squeeze %dma_wait3A_321 : memref<1x!tpu.dma_semaphore, #tpu.memory_space<semaphore_mem>> -> memref<!tpu.dma_semaphore, #tpu.memory_space<semaphore_mem>>
    %dma_wait3A_323 = arith.constant 0 : i32
    %dma_wait3A_324 = arith.constant 0 : i32
    %dma_wait3A_325 = arith.constant 0 : i32
    %dma_wait3A_326 = tpu.memref_slice %arg4[%dma_wait3A_308, %dma_wait3A_323, %dma_wait3A_309, %dma_wait3A_324, %dma_wait3A_325] : memref<200x8x32x8x128xf32, #tpu.memory_space<hbm>> -> memref<1x8x1x8x128xf32, #tpu.memory_space<hbm>>
    %dma_wait3A_327 = tpu.memref_squeeze %dma_wait3A_326 : memref<1x8x1x8x128xf32, #tpu.memory_space<hbm>> -> memref<8x8x128xf32, #tpu.memory_space<hbm>>
    %dma_wait3A_328 = arith.constant 0 : i32
    %dma_wait3A_329 = arith.constant 0 : i32
    %dma_wait3A_330 = arith.constant 0 : i32
    %dma_wait3A_331 = tpu.memref_slice %arg7[%dma_wait3A_307, %dma_wait3A_328, %dma_wait3A_329, %dma_wait3A_330] : memref<5x8x8x129xf32, #tpu.memory_space<vmem>> -> memref<1x8x8x128xf32, #tpu.memory_space<vmem>>
    %dma_wait3A_332 = tpu.memref_squeeze %dma_wait3A_331 : memref<1x8x8x128xf32, #tpu.memory_space<vmem>> -> memref<8x8x128xf32, #tpu.memory_space<vmem>>
    tpu.wait_dma2 semaphore(%dma_wait3A_322 : memref<!tpu.dma_semaphore, #tpu.memory_space<semaphore_mem>>) src(%dma_wait3A_332 : memref<8x8x128xf32, #tpu.memory_space<vmem>>) dst(%dma_wait3A_327 : memref<8x8x128xf32, #tpu.memory_space<hbm>>)
    %dma_wait3A_333 = arith.constant 1 : i32
    %dma_wait3A_334 = arith.constant 0 : i32
    %dma_wait3A_335 = arith.constant 0 : i32
    %dma_wait3A_336 = arith.constant 1 : i32
    %dma_wait3A_337 = arith.constant 0 : i32
    %dma_wait3A_338 = arith.constant 0 : i32
    %dma_wait3A_339 = arith.constant 0 : i32
    %dma_wait3A_340 = tpu.memref_slice %arg7[%dma_wait3A_333, %dma_wait3A_337, %dma_wait3A_338, %dma_wait3A_339] : memref<5x8x8x129xf32, #tpu.memory_space<vmem>> -> memref<1x8x8x128xf32, #tpu.memory_space<vmem>>
    %dma_wait3A_341 = tpu.memref_squeeze %dma_wait3A_340 : memref<1x8x8x128xf32, #tpu.memory_space<vmem>> -> memref<8x8x128xf32, #tpu.memory_space<vmem>>
    %dma_wait3A_342 = arith.constant 0 : i32
    %dma_wait3A_343 = arith.constant 0 : i32
    %dma_wait3A_344 = arith.constant 0 : i32
    %dma_wait3A_345 = tpu.memref_slice %arg4[%dma_wait3A_334, %dma_wait3A_342, %dma_wait3A_335, %dma_wait3A_343, %dma_wait3A_344] : memref<200x8x32x8x128xf32, #tpu.memory_space<hbm>> -> memref<1x8x1x8x128xf32, #tpu.memory_space<hbm>>
    %dma_wait3A_346 = tpu.memref_squeeze %dma_wait3A_345 : memref<1x8x1x8x128xf32, #tpu.memory_space<hbm>> -> memref<8x8x128xf32, #tpu.memory_space<hbm>>
    %dma_wait3A_347 = tpu.memref_slice %arg9[%dma_wait3A_336] : memref<5x!tpu.dma_semaphore, #tpu.memory_space<semaphore_mem>> -> memref<1x!tpu.dma_semaphore, #tpu.memory_space<semaphore_mem>>
    %dma_wait3A_348 = tpu.memref_squeeze %dma_wait3A_347 : memref<1x!tpu.dma_semaphore, #tpu.memory_space<semaphore_mem>> -> memref<!tpu.dma_semaphore, #tpu.memory_space<semaphore_mem>>
    %dma_wait3A_349 = arith.constant 0 : i32
    %dma_wait3A_350 = arith.constant 0 : i32
    %dma_wait3A_351 = arith.constant 0 : i32
    %dma_wait3A_352 = tpu.memref_slice %arg4[%dma_wait3A_334, %dma_wait3A_349, %dma_wait3A_335, %dma_wait3A_350, %dma_wait3A_351] : memref<200x8x32x8x128xf32, #tpu.memory_space<hbm>> -> memref<1x8x1x8x128xf32, #tpu.memory_space<hbm>>
    %dma_wait3A_353 = tpu.memref_squeeze %dma_wait3A_352 : memref<1x8x1x8x128xf32, #tpu.memory_space<hbm>> -> memref<8x8x128xf32, #tpu.memory_space<hbm>>
    %dma_wait3A_354 = arith.constant 0 : i32
    %dma_wait3A_355 = arith.constant 0 : i32
    %dma_wait3A_356 = arith.constant 0 : i32
    %dma_wait3A_357 = tpu.memref_slice %arg7[%dma_wait3A_333, %dma_wait3A_354, %dma_wait3A_355, %dma_wait3A_356] : memref<5x8x8x129xf32, #tpu.memory_space<vmem>> -> memref<1x8x8x128xf32, #tpu.memory_space<vmem>>
    %dma_wait3A_358 = tpu.memref_squeeze %dma_wait3A_357 : memref<1x8x8x128xf32, #tpu.memory_space<vmem>> -> memref<8x8x128xf32, #tpu.memory_space<vmem>>
    tpu.wait_dma2 semaphore(%dma_wait3A_348 : memref<!tpu.dma_semaphore, #tpu.memory_space<semaphore_mem>>) src(%dma_wait3A_358 : memref<8x8x128xf32, #tpu.memory_space<vmem>>) dst(%dma_wait3A_353 : memref<8x8x128xf32, #tpu.memory_space<hbm>>)
    %dma_wait3A_359 = arith.constant 2 : i32
    %dma_wait3A_360 = arith.constant 0 : i32
    %dma_wait3A_361 = arith.constant 0 : i32
    %dma_wait3A_362 = arith.constant 2 : i32
    %dma_wait3A_363 = arith.constant 0 : i32
    %dma_wait3A_364 = arith.constant 0 : i32
    %dma_wait3A_365 = arith.constant 0 : i32
    %dma_wait3A_366 = tpu.memref_slice %arg7[%dma_wait3A_359, %dma_wait3A_363, %dma_wait3A_364, %dma_wait3A_365] : memref<5x8x8x129xf32, #tpu.memory_space<vmem>> -> memref<1x8x8x128xf32, #tpu.memory_space<vmem>>
    %dma_wait3A_367 = tpu.memref_squeeze %dma_wait3A_366 : memref<1x8x8x128xf32, #tpu.memory_space<vmem>> -> memref<8x8x128xf32, #tpu.memory_space<vmem>>
    %dma_wait3A_368 = arith.constant 0 : i32
    %dma_wait3A_369 = arith.constant 0 : i32
    %dma_wait3A_370 = arith.constant 0 : i32
    %dma_wait3A_371 = tpu.memref_slice %arg4[%dma_wait3A_360, %dma_wait3A_368, %dma_wait3A_361, %dma_wait3A_369, %dma_wait3A_370] : memref<200x8x32x8x128xf32, #tpu.memory_space<hbm>> -> memref<1x8x1x8x128xf32, #tpu.memory_space<hbm>>
    %dma_wait3A_372 = tpu.memref_squeeze %dma_wait3A_371 : memref<1x8x1x8x128xf32, #tpu.memory_space<hbm>> -> memref<8x8x128xf32, #tpu.memory_space<hbm>>
    %dma_wait3A_373 = tpu.memref_slice %arg9[%dma_wait3A_362] : memref<5x!tpu.dma_semaphore, #tpu.memory_space<semaphore_mem>> -> memref<1x!tpu.dma_semaphore, #tpu.memory_space<semaphore_mem>>
    %dma_wait3A_374 = tpu.memref_squeeze %dma_wait3A_373 : memref<1x!tpu.dma_semaphore, #tpu.memory_space<semaphore_mem>> -> memref<!tpu.dma_semaphore, #tpu.memory_space<semaphore_mem>>
    %dma_wait3A_375 = arith.constant 0 : i32
    %dma_wait3A_376 = arith.constant 0 : i32
    %dma_wait3A_377 = arith.constant 0 : i32
    %dma_wait3A_378 = tpu.memref_slice %arg4[%dma_wait3A_360, %dma_wait3A_375, %dma_wait3A_361, %dma_wait3A_376, %dma_wait3A_377] : memref<200x8x32x8x128xf32, #tpu.memory_space<hbm>> -> memref<1x8x1x8x128xf32, #tpu.memory_space<hbm>>
    %dma_wait3A_379 = tpu.memref_squeeze %dma_wait3A_378 : memref<1x8x1x8x128xf32, #tpu.memory_space<hbm>> -> memref<8x8x128xf32, #tpu.memory_space<hbm>>
    %dma_wait3A_380 = arith.constant 0 : i32
    %dma_wait3A_381 = arith.constant 0 : i32
    %dma_wait3A_382 = arith.constant 0 : i32
    %dma_wait3A_383 = tpu.memref_slice %arg7[%dma_wait3A_359, %dma_wait3A_380, %dma_wait3A_381, %dma_wait3A_382] : memref<5x8x8x129xf32, #tpu.memory_space<vmem>> -> memref<1x8x8x128xf32, #tpu.memory_space<vmem>>
    %dma_wait3A_384 = tpu.memref_squeeze %dma_wait3A_383 : memref<1x8x8x128xf32, #tpu.memory_space<vmem>> -> memref<8x8x128xf32, #tpu.memory_space<vmem>>
    tpu.wait_dma2 semaphore(%dma_wait3A_374 : memref<!tpu.dma_semaphore, #tpu.memory_space<semaphore_mem>>) src(%dma_wait3A_384 : memref<8x8x128xf32, #tpu.memory_space<vmem>>) dst(%dma_wait3A_379 : memref<8x8x128xf32, #tpu.memory_space<hbm>>)
    %dma_wait3A_385 = arith.constant 3 : i32
    %dma_wait3A_386 = arith.constant 0 : i32
    %dma_wait3A_387 = arith.constant 0 : i32
    %dma_wait3A_388 = arith.constant 3 : i32
    %dma_wait3A_389 = arith.constant 0 : i32
    %dma_wait3A_390 = arith.constant 0 : i32
    %dma_wait3A_391 = arith.constant 0 : i32
    %dma_wait3A_392 = tpu.memref_slice %arg7[%dma_wait3A_385, %dma_wait3A_389, %dma_wait3A_390, %dma_wait3A_391] : memref<5x8x8x129xf32, #tpu.memory_space<vmem>> -> memref<1x8x8x128xf32, #tpu.memory_space<vmem>>
    %dma_wait3A_393 = tpu.memref_squeeze %dma_wait3A_392 : memref<1x8x8x128xf32, #tpu.memory_space<vmem>> -> memref<8x8x128xf32, #tpu.memory_space<vmem>>
    %dma_wait3A_394 = arith.constant 0 : i32
    %dma_wait3A_395 = arith.constant 0 : i32
    %dma_wait3A_396 = arith.constant 0 : i32
    %dma_wait3A_397 = tpu.memref_slice %arg4[%dma_wait3A_386, %dma_wait3A_394, %dma_wait3A_387, %dma_wait3A_395, %dma_wait3A_396] : memref<200x8x32x8x128xf32, #tpu.memory_space<hbm>> -> memref<1x8x1x8x128xf32, #tpu.memory_space<hbm>>
    %dma_wait3A_398 = tpu.memref_squeeze %dma_wait3A_397 : memref<1x8x1x8x128xf32, #tpu.memory_space<hbm>> -> memref<8x8x128xf32, #tpu.memory_space<hbm>>
    %dma_wait3A_399 = tpu.memref_slice %arg9[%dma_wait3A_388] : memref<5x!tpu.dma_semaphore, #tpu.memory_space<semaphore_mem>> -> memref<1x!tpu.dma_semaphore, #tpu.memory_space<semaphore_mem>>
    %dma_wait3A_400 = tpu.memref_squeeze %dma_wait3A_399 : memref<1x!tpu.dma_semaphore, #tpu.memory_space<semaphore_mem>> -> memref<!tpu.dma_semaphore, #tpu.memory_space<semaphore_mem>>
    %dma_wait3A_401 = arith.constant 0 : i32
    %dma_wait3A_402 = arith.constant 0 : i32
    %dma_wait3A_403 = arith.constant 0 : i32
    %dma_wait3A_404 = tpu.memref_slice %arg4[%dma_wait3A_386, %dma_wait3A_401, %dma_wait3A_387, %dma_wait3A_402, %dma_wait3A_403] : memref<200x8x32x8x128xf32, #tpu.memory_space<hbm>> -> memref<1x8x1x8x128xf32, #tpu.memory_space<hbm>>
    %dma_wait3A_405 = tpu.memref_squeeze %dma_wait3A_404 : memref<1x8x1x8x128xf32, #tpu.memory_space<hbm>> -> memref<8x8x128xf32, #tpu.memory_space<hbm>>
    %dma_wait3A_406 = arith.constant 0 : i32
    %dma_wait3A_407 = arith.constant 0 : i32
    %dma_wait3A_408 = arith.constant 0 : i32
    %dma_wait3A_409 = tpu.memref_slice %arg7[%dma_wait3A_385, %dma_wait3A_406, %dma_wait3A_407, %dma_wait3A_408] : memref<5x8x8x129xf32, #tpu.memory_space<vmem>> -> memref<1x8x8x128xf32, #tpu.memory_space<vmem>>
    %dma_wait3A_410 = tpu.memref_squeeze %dma_wait3A_409 : memref<1x8x8x128xf32, #tpu.memory_space<vmem>> -> memref<8x8x128xf32, #tpu.memory_space<vmem>>
    tpu.wait_dma2 semaphore(%dma_wait3A_400 : memref<!tpu.dma_semaphore, #tpu.memory_space<semaphore_mem>>) src(%dma_wait3A_410 : memref<8x8x128xf32, #tpu.memory_space<vmem>>) dst(%dma_wait3A_405 : memref<8x8x128xf32, #tpu.memory_space<hbm>>)
    %dma_wait3A_411 = arith.constant 4 : i32
    %dma_wait3A_412 = arith.constant 0 : i32
    %dma_wait3A_413 = arith.constant 0 : i32
    %dma_wait3A_414 = arith.constant 4 : i32
    %dma_wait3A_415 = arith.constant 0 : i32
    %dma_wait3A_416 = arith.constant 0 : i32
    %dma_wait3A_417 = arith.constant 0 : i32
    %dma_wait3A_418 = tpu.memref_slice %arg7[%dma_wait3A_411, %dma_wait3A_415, %dma_wait3A_416, %dma_wait3A_417] : memref<5x8x8x129xf32, #tpu.memory_space<vmem>> -> memref<1x8x8x128xf32, #tpu.memory_space<vmem>>
    %dma_wait3A_419 = tpu.memref_squeeze %dma_wait3A_418 : memref<1x8x8x128xf32, #tpu.memory_space<vmem>> -> memref<8x8x128xf32, #tpu.memory_space<vmem>>
    %dma_wait3A_420 = arith.constant 0 : i32
    %dma_wait3A_421 = arith.constant 0 : i32
    %dma_wait3A_422 = arith.constant 0 : i32
    %dma_wait3A_423 = tpu.memref_slice %arg4[%dma_wait3A_412, %dma_wait3A_420, %dma_wait3A_413, %dma_wait3A_421, %dma_wait3A_422] : memref<200x8x32x8x128xf32, #tpu.memory_space<hbm>> -> memref<1x8x1x8x128xf32, #tpu.memory_space<hbm>>
    %dma_wait3A_424 = tpu.memref_squeeze %dma_wait3A_423 : memref<1x8x1x8x128xf32, #tpu.memory_space<hbm>> -> memref<8x8x128xf32, #tpu.memory_space<hbm>>
    %dma_wait3A_425 = tpu.memref_slice %arg9[%dma_wait3A_414] : memref<5x!tpu.dma_semaphore, #tpu.memory_space<semaphore_mem>> -> memref<1x!tpu.dma_semaphore, #tpu.memory_space<semaphore_mem>>
    %dma_wait3A_426 = tpu.memref_squeeze %dma_wait3A_425 : memref<1x!tpu.dma_semaphore, #tpu.memory_space<semaphore_mem>> -> memref<!tpu.dma_semaphore, #tpu.memory_space<semaphore_mem>>
    %dma_wait3A_427 = arith.constant 0 : i32
    %dma_wait3A_428 = arith.constant 0 : i32
    %dma_wait3A_429 = arith.constant 0 : i32
    %dma_wait3A_430 = tpu.memref_slice %arg4[%dma_wait3A_412, %dma_wait3A_427, %dma_wait3A_413, %dma_wait3A_428, %dma_wait3A_429] : memref<200x8x32x8x128xf32, #tpu.memory_space<hbm>> -> memref<1x8x1x8x128xf32, #tpu.memory_space<hbm>>
    %dma_wait3A_431 = tpu.memref_squeeze %dma_wait3A_430 : memref<1x8x1x8x128xf32, #tpu.memory_space<hbm>> -> memref<8x8x128xf32, #tpu.memory_space<hbm>>
    %dma_wait3A_432 = arith.constant 0 : i32
    %dma_wait3A_433 = arith.constant 0 : i32
    %dma_wait3A_434 = arith.constant 0 : i32
    %dma_wait3A_435 = tpu.memref_slice %arg7[%dma_wait3A_411, %dma_wait3A_432, %dma_wait3A_433, %dma_wait3A_434] : memref<5x8x8x129xf32, #tpu.memory_space<vmem>> -> memref<1x8x8x128xf32, #tpu.memory_space<vmem>>
    %dma_wait3A_436 = tpu.memref_squeeze %dma_wait3A_435 : memref<1x8x8x128xf32, #tpu.memory_space<vmem>> -> memref<8x8x128xf32, #tpu.memory_space<vmem>>
    tpu.wait_dma2 semaphore(%dma_wait3A_426 : memref<!tpu.dma_semaphore, #tpu.memory_space<semaphore_mem>>) src(%dma_wait3A_436 : memref<8x8x128xf32, #tpu.memory_space<vmem>>) dst(%dma_wait3A_431 : memref<8x8x128xf32, #tpu.memory_space<hbm>>)
    return
  }
}

</mosaic_0001>

<sc_bundles>
// kernel: kernel.3.cloned.1.call-start
scs
__scs_entry_jumppad:
0x0: {  	(pc) =	sbr.rel $0x88, $3  }
0x1: {  	(tag) =	ssettag $0x0;
	lr =	simm.s32 $0x1  }
0x2: {  	[smem:$0x3F9F] =	sst lr;
	_ =	strace $0xD0000000  }
0x3: {  	_ = 	snop  }
0x4: {  	_ = 	snop  }
0x5: {  	_ = 	snop  }
0x6: {  	_ = 	snop  }
0x7: {  	_ = 	snop  }
__scs_overlays_trampoline_lowered:
0x8: {  	[smem:$0x3FAE] =	sst s0  }
0x9: {  	[smem:$0x3FAF] =	sst s1  }
0xa: {  	[smem:$0x3FB0] =	sst s2  }
0xb: {  	[smem:$0x3FB1] =	sst s3  }
0xc: {  	[smem:$0x3FB2] =	sst s4  }
0xd: {  	[smem:$0x3FB3] =	sst s5  }
0xe: {  	[smem:$0x3FB4] =	sst s6  }
0xf: {  	[smem:$0x3FB5] =	sst s7  }
0x10: {  	[smem:$0x3FB6] =	sst s8  }
0x11: {  	[smem:$0x3FB7] =	sst s9;
	s0 =	simm.s32 @!p0 $0x0  }
0x12: {  	s1 =	sld [smem:$0x3F9D];
	s0 =	simm.s32 @p0 $0x1  }
0x13: {  	[smem:$0x3FB8] =	sst s0;
	s0 =	simm.s32 @!p1 $0x0  }
0x14: {  	s2 =	sld [smem:$0x3F9C];
	s0 =	simm.s32 @p1 $0x1  }
0x15: {  	[smem:$0x3FB9] =	sst s0;
	s0 =	simm.s32 @!p2 $0x0  }
0x16: {  	s3 =	sld [smem:$0x3FDB];
	s0 =	simm.s32 @p2 $0x1  }
0x17: {  	s4 =	simm.s32 $0x1BF5;
	[smem:$0x3FBB] =	sst s0  }
0x18: {  	s0 =	sld [smem:$0x3F9E];
	_ =	swait.ge [sflag:s4], $0x0  }
0x19: {  	s7 =	sld [smem:$0x3F9F]  }
0x1a: {  	s8 =	sadd.s32 $0xFFFFE003, lr  }
0x1b: {  	s9 =	sadd.s32 $0xFFFFFEF7, lr;
	s5 =	simm.s32 $0xFFFFFFFF;
	p2 =	slt.u32 s8, $0xFFFFF086  }
0x1c: {  	p1 =	slt.u32 s9, $0xF7A;
	s5 =	simm.s32 @!p2 $0x0  }
0x1d: {  	s5 =	simm.s32 @p1 $0x1;
	p0 =	seq.s32 s7, s2  }
0x1e: {  	s7 =	smul.u32 @!p0 $0xF7A, s2;
	p2 =	seq.s32 @!p0 s5, $0x0  }
0x1f: {  	s9 =	smul.u32 $0xF7A, s1;
	s8 =	simm.s32 @!p0 $0x1BF5;
	p2 =	por !p2, p0  }
0x20: {  	[sflag:s8] =	ssyncset.s32 @!p0 $0xFFFFF086;
	s6 =	sadd.s32 @!p0 s3, s7;
	s7 =	simm.s32 @!p0 $0x108  }
0x21: {  	s3 =	sadd.s32 s3, s9;
	s6 =	sadd.s32 @!p0 $0x88, s6;
	s7 =	simm.s32 @p2 $0x1082  }
0x22: {  	[simem:s7], [sflag:s8] =	dma.local @!p0 [hbm:s6], $0xF7A  }
0x23: {  	s9 =	sor.u32 $0xD0000000, s2;
	s6 =	simm.s32 $0x108;
	_ =	swait.ge @!p0 [sflag:s8], $0x0  }
0x24: {  	s3 =	sadd.s32 $0x88, s3;
	s6 =	simm.s32 @!p1 $0x1082;
	[sflag:s4] =	ssyncset.s32 $0xFFFFF086  }
0x25: {  	[simem:s6], [sflag:s4] =	dma.local [hbm:s3], $0xF7A  }
0x26: {  	[smem:$0x3F9F] =	sst s1;
	(tag) =	ssettag s2;
	_ =	strace s9  }
0x27: {  	s1 =	sld [smem:$0x3FAF]  }
0x28: {  	s2 =	sld [smem:$0x3FB0]  }
0x29: {  	s4 =	sld [smem:$0x3FB2]  }
0x2a: {  	p0 =	seq.s32 s5, $0x0;
	s5 =	sld [smem:$0x3FB3]  }
0x2b: {  	s6 =	sld [smem:$0x3FB4]  }
0x2c: {  	s7 =	sld [smem:$0x3FB5]  }
0x2d: {  	s3 =	simm.s32 $0x108;
	s8 =	sld [smem:$0x3FB6]  }
0x2e: {  	s3 =	simm.s32 @!p0 $0x1082;
	s9 =	sld [smem:$0x3FB7]  }
0x2f: {  	lr =	sadd.s32 s0, s3;
	s0 =	sld [smem:$0x3FAE]  }
0x30: {  	s3 =	sld [smem:$0x3FB1]  }
0x31: {  	[smem:$0x3FBA] =	sst s10  }
0x32: {  	s10 =	sld [smem:$0x3FB8];
	_ =	sdelay $0x3  }
0x33: {  	p0 =	seq.s32 s10, $0x1;
	s10 =	sld [smem:$0x3FBA];
	_ =	sdelay $0x3  }
0x34: {  	[smem:$0x3FBA] =	sst s10  }
0x35: {  	s10 =	sld [smem:$0x3FB9];
	_ =	sdelay $0x3  }
0x36: {  	p1 =	seq.s32 s10, $0x1;
	s10 =	sld [smem:$0x3FBA];
	_ =	sdelay $0x3  }
0x37: {  	[smem:$0x3FBA] =	sst s10  }
0x38: {  	s10 =	sld [smem:$0x3FBB]  }
0x39: {  	_ = 	snop;
	(pc) =	sbr.ind lr, $3  }
0x3a: {  	_ = 	snop  }
0x3b: {  	_ = 	snop  }
0x3c: {  	p2 =	seq.s32 s10, $0x1;
	s10 =	sld [smem:$0x3FBA]  }
0x3d: {  	_ =	shalt  }
0x3e: {  	_ =	shalt  }
0x3f: {  	_ =	shalt  }
0x40: {  	_ =	shalt  }
0x41: {  	_ =	shalt  }
0x42: {  	_ =	shalt  }
0x43: {  	_ =	shalt  }
0x44: {  	_ =	shalt  }
0x45: {  	_ =	shalt  }
0x46: {  	_ =	shalt  }
0x47: {  	_ =	shalt  }
0x48: {  	_ =	shalt  }
0x49: {  	_ =	shalt  }
0x4a: {  	_ =	shalt  }
0x4b: {  	_ =	shalt  }
0x4c: {  	_ =	shalt  }
0x4d: {  	_ =	shalt  }
0x4e: {  	_ =	shalt  }
0x4f: {  	_ =	shalt  }
0x50: {  	_ =	shalt  }
0x51: {  	_ =	shalt  }
0x52: {  	_ =	shalt  }
0x53: {  	_ =	shalt  }
0x54: {  	_ =	shalt  }
0x55: {  	_ =	shalt  }
0x56: {  	_ =	shalt  }
0x57: {  	_ =	shalt  }
0x58: {  	_ =	shalt  }
0x59: {  	_ =	shalt  }
0x5a: {  	_ =	shalt  }
0x5b: {  	_ =	shalt  }
0x5c: {  	_ =	shalt  }
0x5d: {  	_ =	shalt  }
0x5e: {  	_ =	shalt  }
0x5f: {  	_ =	shalt  }
0x60: {  	_ =	shalt  }
0x61: {  	_ =	shalt  }
0x62: {  	_ =	shalt  }
0x63: {  	_ =	shalt  }
0x64: {  	_ =	shalt  }
0x65: {  	_ =	shalt  }
0x66: {  	_ =	shalt  }
0x67: {  	_ =	shalt  }
0x68: {  	_ =	shalt  }
0x69: {  	_ =	shalt  }
0x6a: {  	_ =	shalt  }
0x6b: {  	_ =	shalt  }
0x6c: {  	_ =	shalt  }
0x6d: {  	_ =	shalt  }
0x6e: {  	_ =	shalt  }
0x6f: {  	_ =	shalt  }
0x70: {  	_ =	shalt  }
0x71: {  	_ =	shalt  }
0x72: {  	_ =	shalt  }
0x73: {  	_ =	shalt  }
0x74: {  	_ =	shalt  }
0x75: {  	_ =	shalt  }
0x76: {  	_ =	shalt  }
0x77: {  	_ =	shalt  }
0x78: {  	_ =	shalt  }
0x79: {  	_ =	shalt  }
0x7a: {  	_ =	shalt  }
0x7b: {  	_ =	shalt  }
0x7c: {  	_ =	shalt  }
0x7d: {  	_ =	shalt  }
0x7e: {  	_ =	shalt  }
0x7f: {  	_ =	shalt  }
0x80: {  	_ =	shalt  }
0x81: {  	_ =	shalt  }
0x82: {  	_ =	shalt  }
0x83: {  	_ =	shalt  }
0x84: {  	_ =	shalt  }
0x85: {  	_ =	shalt  }
0x86: {  	_ =	shalt  }
0x87: {  	_ =	shalt  }
.Lfunc_end0:
.L_simem_size_0:
called_computation_lowered:
.L_overlay_start_0:
0x88: {  	s2 =	sld [smem:$0x3FD9]  }
0x89: {  	s3 =	sld [smem:$0x3FFE];
	_ =	sdelay $0x1  }
0x8a: {  	s1 =	srdreg.scid  }
0x8b: {  	s0 =	sand.u32 $0x1, s1  }
0x8c: {  	s17 =	sshll.u32 s0, $0xA;
	s2 =	sadd.s32 s3, s2  }
0x8d: {  	s2 =	sadd.s32 s2, s17  }
0x8e: {  	[smem:$0x3FC6] =	sst s2  }
0x8f: {  	_ = 	snop  }
0x90: {  	s2 =	sld [smem:$0x3FD0];
	(tm) =	ssettm $0x1  }
0x91: {  	s18 =	sld [smem:$0x3FFB];
	_ =	sdelay $0x3  }
0x92: {  	_ =	strace s18  }
0x93: {  	s3 =	sld [smem:$0x3FFC];
	_ =	sdelay $0x3  }
0x94: {  	_ =	strace s3  }
0x95: {  	s3 =	sld [smem:$0x3FFD];
	_ =	sdelay $0x3  }
0x96: {  	_ =	strace s3  }
0x97: {  	_ =	strace $0x8FFFFFFF  }
0x98: {  	s19 =	sld [smem:$0x3FDB];
	_ =	sdelay $0x1  }
0x99: {  	s4 =	simm.s32 $_scs_section_size  }
0x9a: {  	s5 =	simm.s32 $_size__tile_overlayer_lowered;
	s6 =	simm.s32 $_tile_overlayer_lowered  }
0x9b: {  	s22 =	simm.s32 $0x1BFF;
	s21 =	sshll.u32 s6, $0x1;
	s3 =	sadd.s32 s4, s19  }
0x9c: {  	s7 =	simm.s32 $0x0;
	s20 =	sshll.u32 s5, $0x1;
	s5 =	sadd.s32 s21, s3  }
0x9d: {  	[timem:s7], [sflag:s22] =	dma.local [hbm:s5], s20  }
0x9e: {  	_ =	swait.ge [sflag:s22], s20  }
0x9f: {  	s4 =	ssub.s32 $0x0, s20;
	[sflag:s22] =	ssyncset.done $0x0  }
0xa0: {  	[sflag:s22] =	ssyncadd.s32 s4;
	_ =	sdelay $0x1  }
0xa1: {  	s23 =	simm.s32 $0x1B8B  }
0xa2: {  	_ =	swait.ge [sflag:s23], $0x1  }
0xa3: {  	[sflag:s23] =	ssyncset.done $0x0  }
0xa4: {  	s25 =	simm.s32 $0x1B8E;
	s24 =	sld [smem:$0x3FFE];
	[sflag:s23] =	ssyncadd.s32 $0xFFFFFFFF  }
0xa5: {  	s26 =	simm.s32 $execute0_lowered;
	[smem:$0x3FD2] =	sst s25  }
0xa6: {  	s5 =	sshll.u32 s26, $0x1;
	_ =	strace $0x80000046;
	[dreg:$0x1] =	wrdreg $0xFFFFFFFF  }
0xa7: {  	s28 =	simm.s32 $_size_execute0_lowered;
	s3 =	sadd.s32 s3, s5;
	[dreg:$0x0] =	wrdreg $0x0  }
0xa8: {  	s5 =	sshll.u32 s28, $0x1;
	[dreg:$0x2] =	wrdreg s3  }
0xa9: {  	[dreg:$0x3] =	wrdreg s5  }
0xaa: {  	[dreg:$0x4] =	wrdreg $0xC0  }
0xab: {  	_ =	task [dreg:s7], $0x5FFFF  }
0xac: {  	[dreg:$0x1] =	wrdreg $0xFFFFFFFF  }
0xad: {  	[dreg:$0x0] =	wrdreg $0x60  }
0xae: {  	[dreg:$0x2] =	wrdreg s24  }
0xaf: {  	[dreg:$0x3] =	wrdreg s2  }
0xb0: {  	[dreg:$0x4] =	wrdreg $0x9  }
0xb1: {  	_ =	task.clear_ibuf [dreg:s7], $0x5FFFF;
	_ =	strace $0x90000046  }
0xb2: {  	s29 =	simm.s32 $0x9;
	_ =	strace $0x80000048  }
0xb3: {  	_ =	swait.ge [sflag:s29], $0x1  }
0xb4: {  	[sflag:s29] =	ssyncadd.s32 $0xFFFFFFFF  }
0xb5: {  	_ =	strace $0x90000048  }
0xb6: {  	_ =	sfence  }
0xb7: {  	s30 =	sld [smem:$0x0];
	_ =	sdelay $0x2  }
0xb8: {  	s31 =	sshll.u32 s1, $0xD;
	s1 =	sshrl.u32 s1, $0x2  }
0xb9: {  	s3 =	sand.u32 $0x4000, s31;
	s1 =	sadd.s32 s1, s30  }
0xba: {  	s0 =	sor.u32 s3, s0;
	s1 =	sshll.u32 s1, $0x11  }
0xbb: {  	s0 =	sor.u32 s1, s0  }
0xbc: {  	s0 =	sadd.s32 $0x8F2B, s0  }
0xbd: {  	[sflag:s0] =	ssyncadd.remote.s32 $0x1  }
0xbe: {  	_ =	sfence.sel $0xFFFF  }
0xbf: {  	[dreg:$0x0] =	wrdreg $0xFFFFFFFF;
	(pc) =	sbr.abs _section_cstart, $3  }
0xc0: {  	[dreg:$0x1] =	wrdreg $0xFFFFFFFF  }
0xc1: {  	_ =	task.clear_ibuf [dreg:s7], $0x2FFFF;
	_ =	strace $0x9FFFFFFF  }
0xc2: {  	(tm) =	ssettm $0x7FFFFFFF  }
0xc3: {  	_ =	shalt  }
tec
execute0_lowered:
.L_overlay_start_1:
0x0: {  	(tag) =	ssettag $0x1  }
0x1: {  	s0 =	rddreg [dreg:$0x0]  }
0x2: {  	s1 =	srdreg.scid;
	s3 =	stileid.u32;
	v0 =	vlaneseq.u32  }
0x3: {  	s2 =	rddreg [dreg:$0x1];
	s12 =	simm.s32 $0x80;
	s23 =	simm.s32 $0x1;
	v0 =	vmul.u32 $0x88, v0  }
0x4: {  	s24 =	simm.s32 $0x10400;
	s28 =	simm.s32 $0x12600;
	s29 =	simm.s32 $0x3  }
0x5: {  	s30 =	simm.s32 $0x8;
	s31 =	simm.s32 $0x14800;
	s13 =	simm.s32 $0x16A00;
	v1 =	vadd.s32 $0x880, v0  }
0x6: {  	s17 =	simm.s32 $0x5;
	s19 =	simm.s32 $0xA;
	s21 =	simm.s32 $0x18C00;
	v2 =	vadd.s32 $0x1100, v0;
	v3 =	vadd.s32 $0x1980, v0;
	v4 =	vor.u32 $0x1, v0  }
0x7: {  	s1 =	sand.u32 $0x1, s1;
	s4 =	sshll.u32 s3, $0x1;
	s3 =	simm.s32 $0x0;
	v5 =	vadd.s32 $0x881, v0;
	v6 =	vadd.s32 $0x1101, v0;
	v7 =	vadd.s32 $0x1981, v0  }
0x8: {  	s11 =	simm.s32 $0x0;
	s5 =	sor.u32 s1, s4;
	[smem:$0x7FF] =	sst s3;
	v8 =	vor.u32 $0x2, v0;
	v9 =	vadd.s32 $0x882, v0;
	v10 =	vadd.s32 $0x1102, v0  }
0x9: {  	s1 =	ssub.s32 $0x2, s1;
	s4 =	sshll.u32 s5, $0x4;
	_ =	strace $0x80000047;
	v11 =	vadd.s32 $0x1982, v0;
	v12 =	vor.u32 $0x3, v0;
	v13 =	vadd.s32 $0x883, v0  }
0xa: {  	s7 =	sshrl.u32 s1, $0x1;
	s5 =	sshll.u32 s5, $0xA;
	v14 =	vadd.s32 $0x1103, v0;
	v15 =	vadd.s32 $0x1983, v0;
	v16 =	vor.u32 $0x4, v0;
	s6 =	sadd.s32 s4, s0  }
.Ltmp0:
0xb: {  	v17 =	vadd.s32 $0x884, v0;
	v18 =	vadd.s32 $0x1104, v0;
	v19 =	vadd.s32 $0x1984, v0;
	s4 =	sadd.s32 $0xF42A00, s0;
	s25 =	ssub.s32 s1, s7;
	(pc) =	sbr.rel .LBB2_1-.Ltmp0, $4  }
0xc: {  	v20 =	vor.u32 $0x5, v0;
	v21 =	vadd.s32 $0x885, v0;
	v22 =	vadd.s32 $0x1105, v0;
	s7 =	sor.u32 $0x40000, s5;
	s8 =	sor.u32 $0x80000, s5;
	s9 =	sor.u32 $0xC0000, s5  }
0xd: {  	v23 =	vadd.s32 $0x1985, v0;
	v24 =	vor.u32 $0x6, v0;
	v25 =	vadd.s32 $0x886, v0;
	s10 =	sor.u32 $0x100000, s5;
	s1 =	simm.s32 $0x4;
	s26 =	sadd.s32 $0x600, s6  }
0xe: {  	v26 =	vadd.s32 $0x1106, v0;
	v27 =	vadd.s32 $0x1986, v0;
	v28 =	vor.u32 $0x7, v0;
	s0 =	smax.u32 s25, $0x1;
	s25 =	simm.s32 $0x2;
	[dreg:$0x3] =	wrdreg s26  }
0xf: {  	v29 =	vadd.s32 $0x887, v0;
	v30 =	vadd.s32 $0x1107, v0;
	v31 =	vadd.s32 $0x1987, v0;
	[dreg:$0x4] =	wrdreg s0;
	s26 =	simm.s32 $0x7;
	s0 =	simm.s32 $0x9  }
.LBB2_40:
0x10: {  	s6 =	simm.s32 $0x6  }
0x11: {  	_ =	swait.ge [sflag:s6], $0x2000  }
0x12: {  	[sflag:s6] =	ssyncset.done $0x0  }
0x13: {  	[sflag:s6] =	ssyncadd.s32 $0xFFFFE000  }
0x14: {  	_ =	swait.ge [sflag:s26], $0x2000  }
0x15: {  	[sflag:s26] =	ssyncset.done $0x0  }
0x16: {  	[sflag:s26] =	ssyncadd.s32 $0xFFFFE000  }
0x17: {  	_ =	swait.ge [sflag:s30], $0x2000  }
0x18: {  	[sflag:s30] =	ssyncset.done $0x0  }
0x19: {  	[sflag:s30] =	ssyncadd.s32 $0xFFFFE000  }
0x1a: {  	_ =	swait.ge [sflag:s0], $0x2000  }
0x1b: {  	[sflag:s0] =	ssyncset.done $0x0  }
0x1c: {  	[sflag:s0] =	ssyncadd.s32 $0xFFFFE000  }
0x1d: {  	_ =	swait.ge [sflag:s19], $0x2000  }
0x1e: {  	s11 =	rddreg [dreg:$0x5]  }
0x1f: {  	s22 =	rddreg [dreg:$0x4];
	s11 =	sadd.s32 $0x1, s11  }
0x20: {  	p0 =	sne.s32 s11, s22  }
.Ltmp1:
0x21: {  	_ = 	snop;
	(pc) =	sbr.rel @!p0 .LBB2_41-.Ltmp1, $3  }
0x22: {  	_ =	sdelay $0x1  }
0x23: {  	[sflag:s19] =	ssyncset.done $0x0  }
0x24: {  	[sflag:s19] =	ssyncadd.s32 $0xFFFFE000  }
.LBB2_1:
0x25: {  	[dreg:$0x5] =	wrdreg s11  }
0x26: {  	s6 =	rddreg [dreg:$0x3];
	s18 =	simm.s32 $0x1000;
	s20 =	simm.s32 $0xB  }
0x27: {  	[tilespmem:s3], [sflag:$0xB] =	stream.strided.gather [hbm4b:s6+s12], $0x6400, s18, s12, $0x38;
	[tilespmem:$0x1AE00] =	vst v63  }
0x28: {  	_ =	swait.ge [sflag:s20], $0x6400  }
0x29: {  	[sflag:s20] =	ssyncset.done $0x0  }
0x2a: {  	s22 =	simm.s32 $0x6400;
	[sflag:s20] =	ssyncadd.s32 $0xFFFF9C00  }
0x2b: {  	[tilespmem:s22], [sflag:$0x1] =	stream.indirect.gather [hbm4b:s4+s12], $0x40, s3, s12, $0xb8;
	[tilespmem:$0x1AE00] =	vst v63  }
0x2c: {  	s11 =	simm.s32 $0x8400  }
0x2d: {  	[tilespmem:s11], [sflag:$0x2] =	stream.indirect.gather [hbm4b:s4+s12], $0x40, s12, s12, $0xb8;
	[tilespmem:$0x1AE00] =	vst v63  }
0x2e: {  	s14 =	simm.s32 $0x100;
	s15 =	simm.s32 $0xA400  }
0x2f: {  	[tilespmem:s15], [sflag:$0x3] =	stream.indirect.gather [hbm4b:s4+s12], $0x40, s14, s12, $0xb8;
	[tilespmem:$0x1AE00] =	vst v63  }
0x30: {  	s16 =	simm.s32 $0x180;
	s18 =	simm.s32 $0xC400  }
0x31: {  	[tilespmem:s18], [sflag:$0x4] =	stream.indirect.gather [hbm4b:s4+s12], $0x40, s16, s12, $0xb8;
	[tilespmem:$0x1AE00] =	vst v63  }
0x32: {  	s20 =	simm.s32 $0x200;
	s22 =	simm.s32 $0xE400;
	s14 =	simm.s32 $0x0  }
0x33: {  	[tilespmem:s22], [sflag:$0x5] =	stream.indirect.gather [hbm4b:s4+s12], $0x40, s20, s12, $0xb8;
	[tilespmem:$0x1AE00] =	vst v63  }
.LBB2_2:
0x34: {  	_ =	swait.ge [sflag:s23], $0x2000  }
0x35: {  	p0 =	seq.s32 s14, $0x0;
	[sflag:s23] =	ssyncset.done $0x0  }
0x36: {  	s6 =	simm.s32 @!p0 $0x6;
	[sflag:s23] =	ssyncadd.s32 $0xFFFFE000  }
0x37: {  	_ =	swait.ge @!p0 [sflag:s6], $0x2000  }
0x38: {  	[sflag:s6] =	ssyncset.done @!p0 $0x0  }
0x39: {  	v32 =	vimm.s32 $0x0;
	s11 =	simm.s32 $0x800;
	[sflag:s6] =	ssyncadd.s32 @!p0 $0xFFFFE000;
	s6 =	simm.s32 $0x0  }
.LBB2_3:
0x3a: {  	p1 =	sne.s32 s11, $0x7800;
	v33 =	vld [tilespmem:s6+$0x6400];
	v34 =	vadd.s32 v0, v32;
	_ =	sdelay $0x4  }
0x3b: {  	[tilespmem:v34+s24+$0x0] =	vst.idx.msk $0xffff, v33  }
0x3c: {  	v34 =	vadd.s32 v1, v32;
	v33 =	vld [tilespmem:s6+$0x6410];
	_ =	sdelay $0x4  }
0x3d: {  	[tilespmem:v34+s24+$0x0] =	vst.idx.msk $0xffff, v33  }
0x3e: {  	v34 =	vadd.s32 v2, v32;
	v33 =	vld [tilespmem:s6+$0x6420];
	_ =	sdelay $0x4  }
0x3f: {  	[tilespmem:v34+s24+$0x0] =	vst.idx.msk $0xffff, v33  }
0x40: {  	v34 =	vadd.s32 v3, v32;
	v33 =	vld [tilespmem:s6+$0x6430];
	_ =	sdelay $0x4  }
0x41: {  	[tilespmem:v34+s24+$0x0] =	vst.idx.msk $0xffff, v33  }
0x42: {  	v34 =	vadd.s32 v4, v32;
	v33 =	vld [tilespmem:s6+$0x6440];
	_ =	sdelay $0x4  }
0x43: {  	[tilespmem:v34+s24+$0x0] =	vst.idx.msk $0xffff, v33  }
0x44: {  	v34 =	vadd.s32 v5, v32;
	v33 =	vld [tilespmem:s6+$0x6450];
	_ =	sdelay $0x4  }
0x45: {  	[tilespmem:v34+s24+$0x0] =	vst.idx.msk $0xffff, v33  }
0x46: {  	v34 =	vadd.s32 v6, v32;
	v33 =	vld [tilespmem:s6+$0x6460];
	_ =	sdelay $0x4  }
0x47: {  	[tilespmem:v34+s24+$0x0] =	vst.idx.msk $0xffff, v33  }
0x48: {  	v34 =	vadd.s32 v7, v32;
	v33 =	vld [tilespmem:s6+$0x6470];
	_ =	sdelay $0x4  }
0x49: {  	[tilespmem:v34+s24+$0x0] =	vst.idx.msk $0xffff, v33  }
0x4a: {  	v34 =	vadd.s32 v8, v32;
	v33 =	vld [tilespmem:s6+$0x6480];
	_ =	sdelay $0x4  }
0x4b: {  	[tilespmem:v34+s24+$0x0] =	vst.idx.msk $0xffff, v33  }
0x4c: {  	v34 =	vadd.s32 v9, v32;
	v33 =	vld [tilespmem:s6+$0x6490];
	_ =	sdelay $0x4  }
0x4d: {  	[tilespmem:v34+s24+$0x0] =	vst.idx.msk $0xffff, v33  }
0x4e: {  	v34 =	vadd.s32 v10, v32;
	v33 =	vld [tilespmem:s6+$0x64A0];
	_ =	sdelay $0x4  }
0x4f: {  	[tilespmem:v34+s24+$0x0] =	vst.idx.msk $0xffff, v33  }
0x50: {  	v34 =	vadd.s32 v11, v32;
	v33 =	vld [tilespmem:s6+$0x64B0];
	_ =	sdelay $0x4  }
0x51: {  	[tilespmem:v34+s24+$0x0] =	vst.idx.msk $0xffff, v33  }
0x52: {  	v34 =	vadd.s32 v12, v32;
	v33 =	vld [tilespmem:s6+$0x64C0];
	_ =	sdelay $0x4  }
0x53: {  	[tilespmem:v34+s24+$0x0] =	vst.idx.msk $0xffff, v33  }
0x54: {  	v34 =	vadd.s32 v13, v32;
	v33 =	vld [tilespmem:s6+$0x64D0];
	_ =	sdelay $0x4  }
0x55: {  	[tilespmem:v34+s24+$0x0] =	vst.idx.msk $0xffff, v33  }
0x56: {  	v34 =	vadd.s32 v14, v32;
	v33 =	vld [tilespmem:s6+$0x64E0];
	_ =	sdelay $0x4  }
0x57: {  	[tilespmem:v34+s24+$0x0] =	vst.idx.msk $0xffff, v33  }
0x58: {  	v34 =	vadd.s32 v15, v32;
	v33 =	vld [tilespmem:s6+$0x64F0];
	_ =	sdelay $0x4  }
0x59: {  	[tilespmem:v34+s24+$0x0] =	vst.idx.msk $0xffff, v33  }
0x5a: {  	v34 =	vadd.s32 v16, v32;
	v33 =	vld [tilespmem:s6+$0x6500];
	_ =	sdelay $0x4  }
0x5b: {  	[tilespmem:v34+s24+$0x0] =	vst.idx.msk $0xffff, v33  }
0x5c: {  	v34 =	vadd.s32 v17, v32;
	v33 =	vld [tilespmem:s6+$0x6510];
	_ =	sdelay $0x4  }
0x5d: {  	[tilespmem:v34+s24+$0x0] =	vst.idx.msk $0xffff, v33  }
0x5e: {  	v34 =	vadd.s32 v18, v32;
	v33 =	vld [tilespmem:s6+$0x6520];
	_ =	sdelay $0x4  }
0x5f: {  	[tilespmem:v34+s24+$0x0] =	vst.idx.msk $0xffff, v33  }
0x60: {  	v34 =	vadd.s32 v19, v32;
	v33 =	vld [tilespmem:s6+$0x6530];
	_ =	sdelay $0x4  }
0x61: {  	[tilespmem:v34+s24+$0x0] =	vst.idx.msk $0xffff, v33  }
0x62: {  	v34 =	vadd.s32 v20, v32;
	v33 =	vld [tilespmem:s6+$0x6540];
	_ =	sdelay $0x4  }
0x63: {  	[tilespmem:v34+s24+$0x0] =	vst.idx.msk $0xffff, v33  }
0x64: {  	v34 =	vadd.s32 v21, v32;
	v33 =	vld [tilespmem:s6+$0x6550];
	_ =	sdelay $0x4  }
0x65: {  	[tilespmem:v34+s24+$0x0] =	vst.idx.msk $0xffff, v33  }
0x66: {  	v34 =	vadd.s32 v22, v32;
	v33 =	vld [tilespmem:s6+$0x6560];
	_ =	sdelay $0x4  }
0x67: {  	[tilespmem:v34+s24+$0x0] =	vst.idx.msk $0xffff, v33  }
0x68: {  	v34 =	vadd.s32 v23, v32;
	v33 =	vld [tilespmem:s6+$0x6570];
	_ =	sdelay $0x4  }
0x69: {  	[tilespmem:v34+s24+$0x0] =	vst.idx.msk $0xffff, v33  }
0x6a: {  	v34 =	vadd.s32 v24, v32;
	v33 =	vld [tilespmem:s6+$0x6580];
	_ =	sdelay $0x4  }
0x6b: {  	[tilespmem:v34+s24+$0x0] =	vst.idx.msk $0xffff, v33  }
0x6c: {  	v34 =	vadd.s32 v25, v32;
	v33 =	vld [tilespmem:s6+$0x6590];
	_ =	sdelay $0x4  }
0x6d: {  	[tilespmem:v34+s24+$0x0] =	vst.idx.msk $0xffff, v33  }
0x6e: {  	v34 =	vadd.s32 v26, v32;
	v33 =	vld [tilespmem:s6+$0x65A0];
	_ =	sdelay $0x4  }
0x6f: {  	[tilespmem:v34+s24+$0x0] =	vst.idx.msk $0xffff, v33  }
0x70: {  	v34 =	vadd.s32 v27, v32;
	v33 =	vld [tilespmem:s6+$0x65B0];
	_ =	sdelay $0x4  }
0x71: {  	[tilespmem:v34+s24+$0x0] =	vst.idx.msk $0xffff, v33  }
0x72: {  	v34 =	vadd.s32 v28, v32;
	v33 =	vld [tilespmem:s6+$0x65C0];
	_ =	sdelay $0x4  }
0x73: {  	[tilespmem:v34+s24+$0x0] =	vst.idx.msk $0xffff, v33  }
0x74: {  	v34 =	vadd.s32 v29, v32;
	v33 =	vld [tilespmem:s6+$0x65D0];
	_ =	sdelay $0x4  }
0x75: {  	[tilespmem:v34+s24+$0x0] =	vst.idx.msk $0xffff, v33  }
0x76: {  	v34 =	vadd.s32 v30, v32;
	v33 =	vld [tilespmem:s6+$0x65E0];
	_ =	sdelay $0x4  }
0x77: {  	[tilespmem:v34+s24+$0x0] =	vst.idx.msk $0xffff, v33  }
0x78: {  	v34 =	vadd.s32 v31, v32;
	v33 =	vld [tilespmem:s6+$0x65F0]  }
.Ltmp2:
0x79: {  	(pc) =	sbr.rel @p1 .LBB2_3-.Ltmp2, $2  }
0x7a: {  	_ =	sdelay $0x2  }
0x7b: {  	v32 =	vadd.s32 $0x8, v32;
	s6 =	sshra.s32 s11, $0x2;
	s11 =	sadd.s32 $0x800, s11;
	[tilespmem:v34+s24+$0x0] =	vst.idx.msk $0xffff, v33  }
0x7c: {  	v33 =	vld [tilespmem:s6+$0x6400];
	v34 =	vadd.s32 v0, v32;
	_ =	sdelay $0x4  }
0x7d: {  	[tilespmem:v34+s24+$0x0] =	vst.idx.msk $0xffff, v33  }
0x7e: {  	v61 =	vadd.s32 v1, v32;
	v33 =	vld [tilespmem:s6+$0x6410];
	_ =	sdelay $0x4  }
0x7f: {  	[tilespmem:v61+s24+$0x0] =	vst.idx.msk $0xffff, v33  }
0x80: {  	v62 =	vadd.s32 v2, v32;
	v33 =	vld [tilespmem:s6+$0x6420];
	_ =	sdelay $0x4  }
0x81: {  	[tilespmem:v62+s24+$0x0] =	vst.idx.msk $0xffff, v33  }
0x82: {  	v63 =	vadd.s32 v3, v32;
	v33 =	vld [tilespmem:s6+$0x6430];
	_ =	sdelay $0x4  }
0x83: {  	[tilespmem:v63+s24+$0x0] =	vst.idx.msk $0xffff, v33  }
0x84: {  	v36 =	vadd.s32 v4, v32;
	v33 =	vld [tilespmem:s6+$0x6440];
	_ =	sdelay $0x4  }
0x85: {  	[tilespmem:v36+s24+$0x0] =	vst.idx.msk $0xffff, v33  }
0x86: {  	v37 =	vadd.s32 v5, v32;
	v33 =	vld [tilespmem:s6+$0x6450];
	_ =	sdelay $0x4  }
0x87: {  	[tilespmem:v37+s24+$0x0] =	vst.idx.msk $0xffff, v33  }
0x88: {  	v38 =	vadd.s32 v6, v32;
	v33 =	vld [tilespmem:s6+$0x6460];
	_ =	sdelay $0x4  }
0x89: {  	[tilespmem:v38+s24+$0x0] =	vst.idx.msk $0xffff, v33  }
0x8a: {  	v39 =	vadd.s32 v7, v32;
	v33 =	vld [tilespmem:s6+$0x6470];
	_ =	sdelay $0x4  }
0x8b: {  	[tilespmem:v39+s24+$0x0] =	vst.idx.msk $0xffff, v33  }
0x8c: {  	v40 =	vadd.s32 v8, v32;
	v33 =	vld [tilespmem:s6+$0x6480];
	_ =	sdelay $0x4  }
0x8d: {  	[tilespmem:v40+s24+$0x0] =	vst.idx.msk $0xffff, v33  }
0x8e: {  	v41 =	vadd.s32 v9, v32;
	v33 =	vld [tilespmem:s6+$0x6490];
	_ =	sdelay $0x4  }
0x8f: {  	[tilespmem:v41+s24+$0x0] =	vst.idx.msk $0xffff, v33  }
0x90: {  	v42 =	vadd.s32 v10, v32;
	v33 =	vld [tilespmem:s6+$0x64A0];
	_ =	sdelay $0x4  }
0x91: {  	[tilespmem:v42+s24+$0x0] =	vst.idx.msk $0xffff, v33  }
0x92: {  	v43 =	vadd.s32 v11, v32;
	v33 =	vld [tilespmem:s6+$0x64B0];
	_ =	sdelay $0x4  }
0x93: {  	[tilespmem:v43+s24+$0x0] =	vst.idx.msk $0xffff, v33  }
0x94: {  	v44 =	vadd.s32 v12, v32;
	v33 =	vld [tilespmem:s6+$0x64C0];
	_ =	sdelay $0x4  }
0x95: {  	[tilespmem:v44+s24+$0x0] =	vst.idx.msk $0xffff, v33  }
0x96: {  	v45 =	vadd.s32 v13, v32;
	v33 =	vld [tilespmem:s6+$0x64D0];
	_ =	sdelay $0x4  }
0x97: {  	[tilespmem:v45+s24+$0x0] =	vst.idx.msk $0xffff, v33  }
0x98: {  	v46 =	vadd.s32 v14, v32;
	v33 =	vld [tilespmem:s6+$0x64E0];
	_ =	sdelay $0x4  }
0x99: {  	[tilespmem:v46+s24+$0x0] =	vst.idx.msk $0xffff, v33  }
0x9a: {  	v47 =	vadd.s32 v15, v32;
	v33 =	vld [tilespmem:s6+$0x64F0];
	_ =	sdelay $0x4  }
0x9b: {  	[tilespmem:v47+s24+$0x0] =	vst.idx.msk $0xffff, v33  }
0x9c: {  	v48 =	vadd.s32 v16, v32;
	v33 =	vld [tilespmem:s6+$0x6500];
	_ =	sdelay $0x4  }
0x9d: {  	[tilespmem:v48+s24+$0x0] =	vst.idx.msk $0xffff, v33  }
0x9e: {  	v49 =	vadd.s32 v17, v32;
	v33 =	vld [tilespmem:s6+$0x6510];
	_ =	sdelay $0x4  }
0x9f: {  	[tilespmem:v49+s24+$0x0] =	vst.idx.msk $0xffff, v33  }
0xa0: {  	v50 =	vadd.s32 v18, v32;
	v33 =	vld [tilespmem:s6+$0x6520];
	_ =	sdelay $0x4  }
0xa1: {  	[tilespmem:v50+s24+$0x0] =	vst.idx.msk $0xffff, v33  }
0xa2: {  	v51 =	vadd.s32 v19, v32;
	v33 =	vld [tilespmem:s6+$0x6530];
	_ =	sdelay $0x4  }
0xa3: {  	[tilespmem:v51+s24+$0x0] =	vst.idx.msk $0xffff, v33  }
0xa4: {  	v52 =	vadd.s32 v20, v32;
	v33 =	vld [tilespmem:s6+$0x6540];
	_ =	sdelay $0x4  }
0xa5: {  	[tilespmem:v52+s24+$0x0] =	vst.idx.msk $0xffff, v33  }
0xa6: {  	v53 =	vadd.s32 v21, v32;
	v33 =	vld [tilespmem:s6+$0x6550];
	_ =	sdelay $0x4  }
0xa7: {  	[tilespmem:v53+s24+$0x0] =	vst.idx.msk $0xffff, v33  }
0xa8: {  	v54 =	vadd.s32 v22, v32;
	v33 =	vld [tilespmem:s6+$0x6560];
	_ =	sdelay $0x4  }
0xa9: {  	[tilespmem:v54+s24+$0x0] =	vst.idx.msk $0xffff, v33  }
0xaa: {  	v55 =	vadd.s32 v23, v32;
	v33 =	vld [tilespmem:s6+$0x6570];
	_ =	sdelay $0x4  }
0xab: {  	[tilespmem:v55+s24+$0x0] =	vst.idx.msk $0xffff, v33  }
0xac: {  	v56 =	vadd.s32 v24, v32;
	v33 =	vld [tilespmem:s6+$0x6580];
	_ =	sdelay $0x4  }
0xad: {  	[tilespmem:v56+s24+$0x0] =	vst.idx.msk $0xffff, v33  }
0xae: {  	v57 =	vadd.s32 v25, v32;
	v33 =	vld [tilespmem:s6+$0x6590];
	_ =	sdelay $0x4  }
0xaf: {  	[tilespmem:v57+s24+$0x0] =	vst.idx.msk $0xffff, v33  }
0xb0: {  	v58 =	vadd.s32 v26, v32;
	v33 =	vld [tilespmem:s6+$0x65A0];
	_ =	sdelay $0x4  }
0xb1: {  	[tilespmem:v58+s24+$0x0] =	vst.idx.msk $0xffff, v33  }
0xb2: {  	v59 =	vadd.s32 v27, v32;
	v33 =	vld [tilespmem:s6+$0x65B0];
	_ =	sdelay $0x4  }
0xb3: {  	[tilespmem:v59+s24+$0x0] =	vst.idx.msk $0xffff, v33  }
0xb4: {  	v60 =	vadd.s32 v28, v32;
	v33 =	vld [tilespmem:s6+$0x65C0];
	_ =	sdelay $0x4  }
0xb5: {  	[tilespmem:v60+s24+$0x0] =	vst.idx.msk $0xffff, v33  }
0xb6: {  	v61 =	vadd.s32 v29, v32;
	v33 =	vld [tilespmem:s6+$0x65D0];
	_ =	sdelay $0x4  }
0xb7: {  	[tilespmem:v61+s24+$0x0] =	vst.idx.msk $0xffff, v33  }
0xb8: {  	v62 =	vadd.s32 v30, v32;
	v33 =	vld [tilespmem:s6+$0x65E0];
	_ =	sdelay $0x4  }
0xb9: {  	[tilespmem:v62+s24+$0x0] =	vst.idx.msk $0xffff, v33  }
0xba: {  	v63 =	vadd.s32 v31, v32;
	v33 =	vld [tilespmem:s6+$0x65F0]  }
0xbb: {  	s6 =	smul.u32 $0x140000, s14;
	_ =	sdelay $0x1  }
0xbc: {  	s11 =	sor.u32 s5, s6  }
0xbd: {  	s11 =	sshrl.u32 s11, $0x3  }
0xbe: {  	s16 =	simm.s32 $0x10400;
	s15 =	sadd.s32 s2, s11;
	[tilespmem:v63+s24+$0x0] =	vst.idx.msk $0xffff, v33  }
0xbf: {  	[hbm4b:s15+s3] =	stream.linear.scatter [tilespmem:s16], [sflag:$0x6], $0x80, $0x38;
	[tilespmem:$0x1AE00] =	vst v63  }
0xc0: {  	s18 =	simm.s32 $0x10488;
	s16 =	sadd.s32 $0x10, s15  }
0xc1: {  	[hbm4b:s16+s3] =	stream.linear.scatter [tilespmem:s18], [sflag:$0x6], $0x80, $0x38;
	[tilespmem:$0x1AE00] =	vst v63  }
0xc2: {  	s20 =	simm.s32 $0x10510;
	s22 =	sadd.s32 $0x20, s15  }
0xc3: {  	[hbm4b:s22+s3] =	stream.linear.scatter [tilespmem:s20], [sflag:$0x6], $0x80, $0x38;
	[tilespmem:$0x1AE00] =	vst v63  }
0xc4: {  	s16 =	simm.s32 $0x10598;
	s18 =	sadd.s32 $0x30, s15  }
0xc5: {  	[hbm4b:s18+s3] =	stream.linear.scatter [tilespmem:s16], [sflag:$0x6], $0x80, $0x38;
	[tilespmem:$0x1AE00] =	vst v63  }
0xc6: {  	s20 =	simm.s32 $0x10620;
	s22 =	sadd.s32 $0x40, s15  }
0xc7: {  	[hbm4b:s22+s3] =	stream.linear.scatter [tilespmem:s20], [sflag:$0x6], $0x80, $0x38;
	[tilespmem:$0x1AE00] =	vst v63  }
0xc8: {  	s11 =	simm.s32 $0x440;
	s16 =	simm.s32 $0x106A8;
	s18 =	sadd.s32 $0x50, s15  }
0xc9: {  	[hbm4b:s18+s3] =	stream.linear.scatter [tilespmem:s16], [sflag:$0x6], $0x80, $0x38;
	[tilespmem:$0x1AE00] =	vst v63  }
0xca: {  	s20 =	simm.s32 $0x10730;
	s22 =	sadd.s32 $0x60, s15;
	s16 =	simm.s32 $0x2200  }
0xcb: {  	[hbm4b:s22+s3] =	stream.linear.scatter [tilespmem:s20], [sflag:$0x6], $0x80, $0x38;
	[tilespmem:$0x1AE00] =	vst v63  }
0xcc: {  	s18 =	simm.s32 $0x107B8;
	s20 =	sadd.s32 $0x70, s15;
	s15 =	sadd.s32 $0x1000, s15  }
.LBB2_5:
0xcd: {  	[hbm4b:s20+s3] =	stream.linear.scatter [tilespmem:s18], [sflag:$0x6], $0x80, $0x38;
	[tilespmem:$0x1AE00] =	vst v63  }
0xce: {  	s18 =	smov.u32 s11;
	s11 =	smov.u32 s16  }
0xcf: {  	s22 =	sadd.s32 $0x1100, s16;
	s11 =	sshra.s32 s11, $0x2;
	s20 =	sadd.s32 $0x10400, s18  }
0xd0: {  	[hbm4b:s15+s3] =	stream.linear.scatter [tilespmem:s20], [sflag:$0x6], $0x80, $0x38;
	[tilespmem:$0x1AE00] =	vst v63  }
0xd1: {  	p1 =	sne.s32 s16, $0x7700;
	s16 =	sadd.s32 $0x10488, s18;
	s20 =	sadd.s32 $0x10, s15  }
0xd2: {  	[hbm4b:s20+s3] =	stream.linear.scatter [tilespmem:s16], [sflag:$0x6], $0x80, $0x38;
	[tilespmem:$0x1AE00] =	vst v63  }
0xd3: {  	s16 =	sadd.s32 $0x10510, s18;
	s20 =	sadd.s32 $0x20, s15  }
0xd4: {  	[hbm4b:s20+s3] =	stream.linear.scatter [tilespmem:s16], [sflag:$0x6], $0x80, $0x38;
	[tilespmem:$0x1AE00] =	vst v63  }
0xd5: {  	s16 =	sadd.s32 $0x10598, s18;
	s20 =	sadd.s32 $0x30, s15  }
0xd6: {  	[hbm4b:s20+s3] =	stream.linear.scatter [tilespmem:s16], [sflag:$0x6], $0x80, $0x38;
	[tilespmem:$0x1AE00] =	vst v63  }
0xd7: {  	s16 =	sadd.s32 $0x10620, s18;
	s20 =	sadd.s32 $0x40, s15  }
0xd8: {  	[hbm4b:s20+s3] =	stream.linear.scatter [tilespmem:s16], [sflag:$0x6], $0x80, $0x38;
	[tilespmem:$0x1AE00] =	vst v63  }
.Ltmp3:
0xd9: {  	s16 =	sadd.s32 $0x106A8, s18;
	s20 =	sadd.s32 $0x50, s15;
	(pc) =	sbr.rel @p1 .LBB2_5-.Ltmp3, $4  }
0xda: {  	[hbm4b:s20+s3] =	stream.linear.scatter [tilespmem:s16], [sflag:$0x6], $0x80, $0x38;
	[tilespmem:$0x1AE00] =	vst v63  }
0xdb: {  	s16 =	sadd.s32 $0x10730, s18;
	s20 =	sadd.s32 $0x60, s15;
	s18 =	sadd.s32 $0x107B8, s18  }
0xdc: {  	[hbm4b:s20+s3] =	stream.linear.scatter [tilespmem:s16], [sflag:$0x6], $0x80, $0x38;
	[tilespmem:$0x1AE00] =	vst v63  }
0xdd: {  	s20 =	sadd.s32 $0x70, s15;
	s15 =	sadd.s32 $0x1000, s15;
	s16 =	smov.u32 s22  }
0xde: {  	[hbm4b:s20+s3] =	stream.linear.scatter [tilespmem:s18], [sflag:$0x6], $0x80, $0x38;
	[tilespmem:$0x1AE00] =	vst v63  }
0xdf: {  	s16 =	sadd.s32 $0x10400, s11  }
0xe0: {  	[hbm4b:s15+s3] =	stream.linear.scatter [tilespmem:s16], [sflag:$0x6], $0x80, $0x38;
	[tilespmem:$0x1AE00] =	vst v63  }
0xe1: {  	s20 =	sadd.s32 $0x10488, s11;
	s22 =	sadd.s32 $0x10, s15  }
0xe2: {  	[hbm4b:s22+s3] =	stream.linear.scatter [tilespmem:s20], [sflag:$0x6], $0x80, $0x38;
	[tilespmem:$0x1AE00] =	vst v63  }
0xe3: {  	s20 =	sadd.s32 $0x10510, s11;
	s22 =	sadd.s32 $0x20, s15  }
0xe4: {  	[hbm4b:s22+s3] =	stream.linear.scatter [tilespmem:s20], [sflag:$0x6], $0x80, $0x38;
	[tilespmem:$0x1AE00] =	vst v63  }
0xe5: {  	s20 =	sadd.s32 $0x10598, s11;
	s22 =	sadd.s32 $0x30, s15  }
0xe6: {  	[hbm4b:s22+s3] =	stream.linear.scatter [tilespmem:s20], [sflag:$0x6], $0x80, $0x38;
	[tilespmem:$0x1AE00] =	vst v63  }
0xe7: {  	s20 =	sadd.s32 $0x10620, s11;
	s22 =	sadd.s32 $0x40, s15  }
0xe8: {  	[hbm4b:s22+s3] =	stream.linear.scatter [tilespmem:s20], [sflag:$0x6], $0x80, $0x38;
	[tilespmem:$0x1AE00] =	vst v63  }
0xe9: {  	p1 =	sne.s32 s14, $0x27;
	s20 =	sadd.s32 $0x106A8, s11;
	s22 =	sadd.s32 $0x50, s15  }
0xea: {  	[hbm4b:s22+s3] =	stream.linear.scatter [tilespmem:s20], [sflag:$0x6], $0x80, $0x38;
	[tilespmem:$0x1AE00] =	vst v63  }
.Ltmp4:
0xeb: {  	_ = 	snop;
	(pc) =	sbr.rel @p1 .LBB2_8-.Ltmp4, $4  }
0xec: {  	s20 =	sadd.s32 $0x10730, s11;
	s22 =	sadd.s32 $0x60, s15  }
0xed: {  	[hbm4b:s22+s3] =	stream.linear.scatter [tilespmem:s20], [sflag:$0x6], $0x80, $0x38;
	[tilespmem:$0x1AE00] =	vst v63  }
0xee: {  	s20 =	sadd.s32 $0x107B8, s11;
	s22 =	sadd.s32 $0x70, s15  }
0xef: {  	[hbm4b:s22+s3] =	stream.linear.scatter [tilespmem:s20], [sflag:$0x6], $0x80, $0x38;
	[tilespmem:$0x1AE00] =	vst v63  }
.Ltmp5:
0xf0: {  	(pc) =	sbr.rel .LBB2_9-.Ltmp5, $4  }
0xf1: {  	_ = 	snop  }
0xf2: {  	_ =	swait.ge [sflag:s25], $0x2000  }
0xf3: {  	[sflag:s25] =	ssyncset.done $0x0  }
0xf4: {  	[sflag:s25] =	ssyncadd.s32 $0xFFFFE000  }
.LBB2_8:
0xf5: {  	s11 =	smul.u32 $0xA00, s14;
	_ =	sdelay $0x1  }
0xf6: {  	s11 =	sshra.s32 s11, $0x2  }
.Ltmp6:
0xf7: {  	s15 =	simm.s32 $0x6400;
	s11 =	sadd.s32 $0x280, s11;
	(pc) =	sbr.rel @p0 .LBB2_10-.Ltmp6, $4  }
0xf8: {  	[tilespmem:s15], [sflag:$0x1] =	stream.indirect.gather [hbm4b:s4+s12], $0x40, s11, s12, $0xb8;
	[tilespmem:$0x1AE00] =	vst v63  }
0xf9: {  	_ =	swait.ge [sflag:s25], $0x2000  }
0xfa: {  	[sflag:s25] =	ssyncset.done $0x0  }
0xfb: {  	[sflag:s25] =	ssyncadd.s32 $0xFFFFE000  }
.LBB2_9:
0xfc: {  	_ =	swait.ge [sflag:s26], $0x2000  }
0xfd: {  	[sflag:s26] =	ssyncset.done $0x0  }
0xfe: {  	[sflag:s26] =	ssyncadd.s32 $0xFFFFE000  }
.LBB2_10:
0xff: {  	v32 =	vimm.s32 $0x0;
	s11 =	simm.s32 $0x0;
	s15 =	simm.s32 $0x800  }
.LBB2_11:
0x100: {  	p2 =	sne.s32 s15, $0x7800;
	v33 =	vld [tilespmem:s11+$0x8400];
	v34 =	vadd.s32 v0, v32;
	_ =	sdelay $0x4  }
0x101: {  	[tilespmem:v34+s28+$0x0] =	vst.idx.msk $0xffff, v33  }
0x102: {  	v34 =	vadd.s32 v1, v32;
	v33 =	vld [tilespmem:s11+$0x8410];
	_ =	sdelay $0x4  }
0x103: {  	[tilespmem:v34+s28+$0x0] =	vst.idx.msk $0xffff, v33  }
0x104: {  	v34 =	vadd.s32 v2, v32;
	v33 =	vld [tilespmem:s11+$0x8420];
	_ =	sdelay $0x4  }
0x105: {  	[tilespmem:v34+s28+$0x0] =	vst.idx.msk $0xffff, v33  }
0x106: {  	v34 =	vadd.s32 v3, v32;
	v33 =	vld [tilespmem:s11+$0x8430];
	_ =	sdelay $0x4  }
0x107: {  	[tilespmem:v34+s28+$0x0] =	vst.idx.msk $0xffff, v33  }
0x108: {  	v34 =	vadd.s32 v4, v32;
	v33 =	vld [tilespmem:s11+$0x8440];
	_ =	sdelay $0x4  }
0x109: {  	[tilespmem:v34+s28+$0x0] =	vst.idx.msk $0xffff, v33  }
0x10a: {  	v34 =	vadd.s32 v5, v32;
	v33 =	vld [tilespmem:s11+$0x8450];
	_ =	sdelay $0x4  }
0x10b: {  	[tilespmem:v34+s28+$0x0] =	vst.idx.msk $0xffff, v33  }
0x10c: {  	v34 =	vadd.s32 v6, v32;
	v33 =	vld [tilespmem:s11+$0x8460];
	_ =	sdelay $0x4  }
0x10d: {  	[tilespmem:v34+s28+$0x0] =	vst.idx.msk $0xffff, v33  }
0x10e: {  	v34 =	vadd.s32 v7, v32;
	v33 =	vld [tilespmem:s11+$0x8470];
	_ =	sdelay $0x4  }
0x10f: {  	[tilespmem:v34+s28+$0x0] =	vst.idx.msk $0xffff, v33  }
0x110: {  	v34 =	vadd.s32 v8, v32;
	v33 =	vld [tilespmem:s11+$0x8480];
	_ =	sdelay $0x4  }
0x111: {  	[tilespmem:v34+s28+$0x0] =	vst.idx.msk $0xffff, v33  }
0x112: {  	v34 =	vadd.s32 v9, v32;
	v33 =	vld [tilespmem:s11+$0x8490];
	_ =	sdelay $0x4  }
0x113: {  	[tilespmem:v34+s28+$0x0] =	vst.idx.msk $0xffff, v33  }
0x114: {  	v34 =	vadd.s32 v10, v32;
	v33 =	vld [tilespmem:s11+$0x84A0];
	_ =	sdelay $0x4  }
0x115: {  	[tilespmem:v34+s28+$0x0] =	vst.idx.msk $0xffff, v33  }
0x116: {  	v34 =	vadd.s32 v11, v32;
	v33 =	vld [tilespmem:s11+$0x84B0];
	_ =	sdelay $0x4  }
0x117: {  	[tilespmem:v34+s28+$0x0] =	vst.idx.msk $0xffff, v33  }
0x118: {  	v34 =	vadd.s32 v12, v32;
	v33 =	vld [tilespmem:s11+$0x84C0];
	_ =	sdelay $0x4  }
0x119: {  	[tilespmem:v34+s28+$0x0] =	vst.idx.msk $0xffff, v33  }
0x11a: {  	v34 =	vadd.s32 v13, v32;
	v33 =	vld [tilespmem:s11+$0x84D0];
	_ =	sdelay $0x4  }
0x11b: {  	[tilespmem:v34+s28+$0x0] =	vst.idx.msk $0xffff, v33  }
0x11c: {  	v34 =	vadd.s32 v14, v32;
	v33 =	vld [tilespmem:s11+$0x84E0];
	_ =	sdelay $0x4  }
0x11d: {  	[tilespmem:v34+s28+$0x0] =	vst.idx.msk $0xffff, v33  }
0x11e: {  	v34 =	vadd.s32 v15, v32;
	v33 =	vld [tilespmem:s11+$0x84F0];
	_ =	sdelay $0x4  }
0x11f: {  	[tilespmem:v34+s28+$0x0] =	vst.idx.msk $0xffff, v33  }
0x120: {  	v34 =	vadd.s32 v16, v32;
	v33 =	vld [tilespmem:s11+$0x8500];
	_ =	sdelay $0x4  }
0x121: {  	[tilespmem:v34+s28+$0x0] =	vst.idx.msk $0xffff, v33  }
0x122: {  	v34 =	vadd.s32 v17, v32;
	v33 =	vld [tilespmem:s11+$0x8510];
	_ =	sdelay $0x4  }
0x123: {  	[tilespmem:v34+s28+$0x0] =	vst.idx.msk $0xffff, v33  }
0x124: {  	v34 =	vadd.s32 v18, v32;
	v33 =	vld [tilespmem:s11+$0x8520];
	_ =	sdelay $0x4  }
0x125: {  	[tilespmem:v34+s28+$0x0] =	vst.idx.msk $0xffff, v33  }
0x126: {  	v34 =	vadd.s32 v19, v32;
	v33 =	vld [tilespmem:s11+$0x8530];
	_ =	sdelay $0x4  }
0x127: {  	[tilespmem:v34+s28+$0x0] =	vst.idx.msk $0xffff, v33  }
0x128: {  	v34 =	vadd.s32 v20, v32;
	v33 =	vld [tilespmem:s11+$0x8540];
	_ =	sdelay $0x4  }
0x129: {  	[tilespmem:v34+s28+$0x0] =	vst.idx.msk $0xffff, v33  }
0x12a: {  	v34 =	vadd.s32 v21, v32;
	v33 =	vld [tilespmem:s11+$0x8550];
	_ =	sdelay $0x4  }
0x12b: {  	[tilespmem:v34+s28+$0x0] =	vst.idx.msk $0xffff, v33  }
0x12c: {  	v34 =	vadd.s32 v22, v32;
	v33 =	vld [tilespmem:s11+$0x8560];
	_ =	sdelay $0x4  }
0x12d: {  	[tilespmem:v34+s28+$0x0] =	vst.idx.msk $0xffff, v33  }
0x12e: {  	v34 =	vadd.s32 v23, v32;
	v33 =	vld [tilespmem:s11+$0x8570];
	_ =	sdelay $0x4  }
0x12f: {  	[tilespmem:v34+s28+$0x0] =	vst.idx.msk $0xffff, v33  }
0x130: {  	v34 =	vadd.s32 v24, v32;
	v33 =	vld [tilespmem:s11+$0x8580];
	_ =	sdelay $0x4  }
0x131: {  	[tilespmem:v34+s28+$0x0] =	vst.idx.msk $0xffff, v33  }
0x132: {  	v34 =	vadd.s32 v25, v32;
	v33 =	vld [tilespmem:s11+$0x8590];
	_ =	sdelay $0x4  }
0x133: {  	[tilespmem:v34+s28+$0x0] =	vst.idx.msk $0xffff, v33  }
0x134: {  	v34 =	vadd.s32 v26, v32;
	v33 =	vld [tilespmem:s11+$0x85A0];
	_ =	sdelay $0x4  }
0x135: {  	[tilespmem:v34+s28+$0x0] =	vst.idx.msk $0xffff, v33  }
0x136: {  	v34 =	vadd.s32 v27, v32;
	v33 =	vld [tilespmem:s11+$0x85B0];
	_ =	sdelay $0x4  }
0x137: {  	[tilespmem:v34+s28+$0x0] =	vst.idx.msk $0xffff, v33  }
0x138: {  	v34 =	vadd.s32 v28, v32;
	v33 =	vld [tilespmem:s11+$0x85C0];
	_ =	sdelay $0x4  }
0x139: {  	[tilespmem:v34+s28+$0x0] =	vst.idx.msk $0xffff, v33  }
0x13a: {  	v34 =	vadd.s32 v29, v32;
	v33 =	vld [tilespmem:s11+$0x85D0];
	_ =	sdelay $0x4  }
0x13b: {  	[tilespmem:v34+s28+$0x0] =	vst.idx.msk $0xffff, v33  }
0x13c: {  	v34 =	vadd.s32 v30, v32;
	v33 =	vld [tilespmem:s11+$0x85E0];
	_ =	sdelay $0x4  }
0x13d: {  	[tilespmem:v34+s28+$0x0] =	vst.idx.msk $0xffff, v33  }
0x13e: {  	v34 =	vadd.s32 v31, v32;
	v33 =	vld [tilespmem:s11+$0x85F0]  }
.Ltmp7:
0x13f: {  	(pc) =	sbr.rel @p2 .LBB2_11-.Ltmp7, $2  }
0x140: {  	_ =	sdelay $0x2  }
0x141: {  	v32 =	vadd.s32 $0x8, v32;
	s11 =	sshra.s32 s15, $0x2;
	s15 =	sadd.s32 $0x800, s15;
	[tilespmem:v34+s28+$0x0] =	vst.idx.msk $0xffff, v33  }
0x142: {  	v33 =	vld [tilespmem:s11+$0x8400];
	v34 =	vadd.s32 v0, v32;
	_ =	sdelay $0x4  }
0x143: {  	[tilespmem:v34+s28+$0x0] =	vst.idx.msk $0xffff, v33  }
0x144: {  	v61 =	vadd.s32 v1, v32;
	v33 =	vld [tilespmem:s11+$0x8410];
	_ =	sdelay $0x4  }
0x145: {  	[tilespmem:v61+s28+$0x0] =	vst.idx.msk $0xffff, v33  }
0x146: {  	v62 =	vadd.s32 v2, v32;
	v33 =	vld [tilespmem:s11+$0x8420];
	_ =	sdelay $0x4  }
0x147: {  	[tilespmem:v62+s28+$0x0] =	vst.idx.msk $0xffff, v33  }
0x148: {  	v63 =	vadd.s32 v3, v32;
	v33 =	vld [tilespmem:s11+$0x8430];
	_ =	sdelay $0x4  }
0x149: {  	[tilespmem:v63+s28+$0x0] =	vst.idx.msk $0xffff, v33  }
0x14a: {  	v36 =	vadd.s32 v4, v32;
	v33 =	vld [tilespmem:s11+$0x8440];
	_ =	sdelay $0x4  }
0x14b: {  	[tilespmem:v36+s28+$0x0] =	vst.idx.msk $0xffff, v33  }
0x14c: {  	v37 =	vadd.s32 v5, v32;
	v33 =	vld [tilespmem:s11+$0x8450];
	_ =	sdelay $0x4  }
0x14d: {  	[tilespmem:v37+s28+$0x0] =	vst.idx.msk $0xffff, v33  }
0x14e: {  	v38 =	vadd.s32 v6, v32;
	v33 =	vld [tilespmem:s11+$0x8460];
	_ =	sdelay $0x4  }
0x14f: {  	[tilespmem:v38+s28+$0x0] =	vst.idx.msk $0xffff, v33  }
0x150: {  	v39 =	vadd.s32 v7, v32;
	v33 =	vld [tilespmem:s11+$0x8470];
	_ =	sdelay $0x4  }
0x151: {  	[tilespmem:v39+s28+$0x0] =	vst.idx.msk $0xffff, v33  }
0x152: {  	v40 =	vadd.s32 v8, v32;
	v33 =	vld [tilespmem:s11+$0x8480];
	_ =	sdelay $0x4  }
0x153: {  	[tilespmem:v40+s28+$0x0] =	vst.idx.msk $0xffff, v33  }
0x154: {  	v41 =	vadd.s32 v9, v32;
	v33 =	vld [tilespmem:s11+$0x8490];
	_ =	sdelay $0x4  }
0x155: {  	[tilespmem:v41+s28+$0x0] =	vst.idx.msk $0xffff, v33  }
0x156: {  	v42 =	vadd.s32 v10, v32;
	v33 =	vld [tilespmem:s11+$0x84A0];
	_ =	sdelay $0x4  }
0x157: {  	[tilespmem:v42+s28+$0x0] =	vst.idx.msk $0xffff, v33  }
0x158: {  	v43 =	vadd.s32 v11, v32;
	v33 =	vld [tilespmem:s11+$0x84B0];
	_ =	sdelay $0x4  }
0x159: {  	[tilespmem:v43+s28+$0x0] =	vst.idx.msk $0xffff, v33  }
0x15a: {  	v44 =	vadd.s32 v12, v32;
	v33 =	vld [tilespmem:s11+$0x84C0];
	_ =	sdelay $0x4  }
0x15b: {  	[tilespmem:v44+s28+$0x0] =	vst.idx.msk $0xffff, v33  }
0x15c: {  	v45 =	vadd.s32 v13, v32;
	v33 =	vld [tilespmem:s11+$0x84D0];
	_ =	sdelay $0x4  }
0x15d: {  	[tilespmem:v45+s28+$0x0] =	vst.idx.msk $0xffff, v33  }
0x15e: {  	v46 =	vadd.s32 v14, v32;
	v33 =	vld [tilespmem:s11+$0x84E0];
	_ =	sdelay $0x4  }
0x15f: {  	[tilespmem:v46+s28+$0x0] =	vst.idx.msk $0xffff, v33  }
0x160: {  	v47 =	vadd.s32 v15, v32;
	v33 =	vld [tilespmem:s11+$0x84F0];
	_ =	sdelay $0x4  }
0x161: {  	[tilespmem:v47+s28+$0x0] =	vst.idx.msk $0xffff, v33  }
0x162: {  	v48 =	vadd.s32 v16, v32;
	v33 =	vld [tilespmem:s11+$0x8500];
	_ =	sdelay $0x4  }
0x163: {  	[tilespmem:v48+s28+$0x0] =	vst.idx.msk $0xffff, v33  }
0x164: {  	v49 =	vadd.s32 v17, v32;
	v33 =	vld [tilespmem:s11+$0x8510];
	_ =	sdelay $0x4  }
0x165: {  	[tilespmem:v49+s28+$0x0] =	vst.idx.msk $0xffff, v33  }
0x166: {  	v50 =	vadd.s32 v18, v32;
	v33 =	vld [tilespmem:s11+$0x8520];
	_ =	sdelay $0x4  }
0x167: {  	[tilespmem:v50+s28+$0x0] =	vst.idx.msk $0xffff, v33  }
0x168: {  	v51 =	vadd.s32 v19, v32;
	v33 =	vld [tilespmem:s11+$0x8530];
	_ =	sdelay $0x4  }
0x169: {  	[tilespmem:v51+s28+$0x0] =	vst.idx.msk $0xffff, v33  }
0x16a: {  	v52 =	vadd.s32 v20, v32;
	v33 =	vld [tilespmem:s11+$0x8540];
	_ =	sdelay $0x4  }
0x16b: {  	[tilespmem:v52+s28+$0x0] =	vst.idx.msk $0xffff, v33  }
0x16c: {  	v53 =	vadd.s32 v21, v32;
	v33 =	vld [tilespmem:s11+$0x8550];
	_ =	sdelay $0x4  }
0x16d: {  	[tilespmem:v53+s28+$0x0] =	vst.idx.msk $0xffff, v33  }
0x16e: {  	v54 =	vadd.s32 v22, v32;
	v33 =	vld [tilespmem:s11+$0x8560];
	_ =	sdelay $0x4  }
0x16f: {  	[tilespmem:v54+s28+$0x0] =	vst.idx.msk $0xffff, v33  }
0x170: {  	v55 =	vadd.s32 v23, v32;
	v33 =	vld [tilespmem:s11+$0x8570];
	_ =	sdelay $0x4  }
0x171: {  	[tilespmem:v55+s28+$0x0] =	vst.idx.msk $0xffff, v33  }
0x172: {  	v56 =	vadd.s32 v24, v32;
	v33 =	vld [tilespmem:s11+$0x8580];
	_ =	sdelay $0x4  }
0x173: {  	[tilespmem:v56+s28+$0x0] =	vst.idx.msk $0xffff, v33  }
0x174: {  	v57 =	vadd.s32 v25, v32;
	v33 =	vld [tilespmem:s11+$0x8590];
	_ =	sdelay $0x4  }
0x175: {  	[tilespmem:v57+s28+$0x0] =	vst.idx.msk $0xffff, v33  }
0x176: {  	v58 =	vadd.s32 v26, v32;
	v33 =	vld [tilespmem:s11+$0x85A0];
	_ =	sdelay $0x4  }
0x177: {  	[tilespmem:v58+s28+$0x0] =	vst.idx.msk $0xffff, v33  }
0x178: {  	v59 =	vadd.s32 v27, v32;
	v33 =	vld [tilespmem:s11+$0x85B0];
	_ =	sdelay $0x4  }
0x179: {  	[tilespmem:v59+s28+$0x0] =	vst.idx.msk $0xffff, v33  }
0x17a: {  	v60 =	vadd.s32 v28, v32;
	v33 =	vld [tilespmem:s11+$0x85C0];
	_ =	sdelay $0x4  }
0x17b: {  	[tilespmem:v60+s28+$0x0] =	vst.idx.msk $0xffff, v33  }
0x17c: {  	v61 =	vadd.s32 v29, v32;
	v33 =	vld [tilespmem:s11+$0x85D0];
	_ =	sdelay $0x4  }
0x17d: {  	[tilespmem:v61+s28+$0x0] =	vst.idx.msk $0xffff, v33  }
0x17e: {  	v62 =	vadd.s32 v30, v32;
	v33 =	vld [tilespmem:s11+$0x85E0];
	_ =	sdelay $0x4  }
0x17f: {  	[tilespmem:v62+s28+$0x0] =	vst.idx.msk $0xffff, v33  }
0x180: {  	v63 =	vadd.s32 v31, v32;
	v33 =	vld [tilespmem:s11+$0x85F0];
	_ =	sdelay $0x2  }
0x181: {  	s15 =	sadd.s32 s7, s6  }
0x182: {  	s11 =	sshrl.u32 s15, $0x3  }
0x183: {  	s16 =	simm.s32 $0x12600;
	s15 =	sadd.s32 s2, s11;
	[tilespmem:v63+s28+$0x0] =	vst.idx.msk $0xffff, v33  }
0x184: {  	[hbm4b:s15+s3] =	stream.linear.scatter [tilespmem:s16], [sflag:$0x7], $0x80, $0x38;
	[tilespmem:$0x1AE00] =	vst v63  }
0x185: {  	s18 =	simm.s32 $0x12688;
	s16 =	sadd.s32 $0x10, s15  }
0x186: {  	[hbm4b:s16+s3] =	stream.linear.scatter [tilespmem:s18], [sflag:$0x7], $0x80, $0x38;
	[tilespmem:$0x1AE00] =	vst v63  }
0x187: {  	s20 =	simm.s32 $0x12710;
	s22 =	sadd.s32 $0x20, s15  }
0x188: {  	[hbm4b:s22+s3] =	stream.linear.scatter [tilespmem:s20], [sflag:$0x7], $0x80, $0x38;
	[tilespmem:$0x1AE00] =	vst v63  }
0x189: {  	s16 =	simm.s32 $0x12798;
	s18 =	sadd.s32 $0x30, s15  }
0x18a: {  	[hbm4b:s18+s3] =	stream.linear.scatter [tilespmem:s16], [sflag:$0x7], $0x80, $0x38;
	[tilespmem:$0x1AE00] =	vst v63  }
0x18b: {  	s20 =	simm.s32 $0x12820;
	s22 =	sadd.s32 $0x40, s15  }
0x18c: {  	[hbm4b:s22+s3] =	stream.linear.scatter [tilespmem:s20], [sflag:$0x7], $0x80, $0x38;
	[tilespmem:$0x1AE00] =	vst v63  }
0x18d: {  	s11 =	simm.s32 $0x440;
	s16 =	simm.s32 $0x128A8;
	s18 =	sadd.s32 $0x50, s15  }
0x18e: {  	[hbm4b:s18+s3] =	stream.linear.scatter [tilespmem:s16], [sflag:$0x7], $0x80, $0x38;
	[tilespmem:$0x1AE00] =	vst v63  }
0x18f: {  	s20 =	simm.s32 $0x12930;
	s22 =	sadd.s32 $0x60, s15;
	s16 =	simm.s32 $0x2200  }
0x190: {  	[hbm4b:s22+s3] =	stream.linear.scatter [tilespmem:s20], [sflag:$0x7], $0x80, $0x38;
	[tilespmem:$0x1AE00] =	vst v63  }
0x191: {  	s18 =	simm.s32 $0x129B8;
	s20 =	sadd.s32 $0x70, s15;
	s15 =	sadd.s32 $0x1000, s15  }
.LBB2_13:
0x192: {  	[hbm4b:s20+s3] =	stream.linear.scatter [tilespmem:s18], [sflag:$0x7], $0x80, $0x38;
	[tilespmem:$0x1AE00] =	vst v63  }
0x193: {  	s18 =	smov.u32 s11;
	s11 =	smov.u32 s16  }
0x194: {  	s22 =	sadd.s32 $0x1100, s16;
	s11 =	sshra.s32 s11, $0x2;
	s20 =	sadd.s32 $0x12600, s18  }
0x195: {  	[hbm4b:s15+s3] =	stream.linear.scatter [tilespmem:s20], [sflag:$0x7], $0x80, $0x38;
	[tilespmem:$0x1AE00] =	vst v63  }
0x196: {  	p2 =	sne.s32 s16, $0x7700;
	s16 =	sadd.s32 $0x12688, s18;
	s20 =	sadd.s32 $0x10, s15  }
0x197: {  	[hbm4b:s20+s3] =	stream.linear.scatter [tilespmem:s16], [sflag:$0x7], $0x80, $0x38;
	[tilespmem:$0x1AE00] =	vst v63  }
0x198: {  	s16 =	sadd.s32 $0x12710, s18;
	s20 =	sadd.s32 $0x20, s15  }
0x199: {  	[hbm4b:s20+s3] =	stream.linear.scatter [tilespmem:s16], [sflag:$0x7], $0x80, $0x38;
	[tilespmem:$0x1AE00] =	vst v63  }
0x19a: {  	s16 =	sadd.s32 $0x12798, s18;
	s20 =	sadd.s32 $0x30, s15  }
0x19b: {  	[hbm4b:s20+s3] =	stream.linear.scatter [tilespmem:s16], [sflag:$0x7], $0x80, $0x38;
	[tilespmem:$0x1AE00] =	vst v63  }
0x19c: {  	s16 =	sadd.s32 $0x12820, s18;
	s20 =	sadd.s32 $0x40, s15  }
0x19d: {  	[hbm4b:s20+s3] =	stream.linear.scatter [tilespmem:s16], [sflag:$0x7], $0x80, $0x38;
	[tilespmem:$0x1AE00] =	vst v63  }
.Ltmp8:
0x19e: {  	s16 =	sadd.s32 $0x128A8, s18;
	s20 =	sadd.s32 $0x50, s15;
	(pc) =	sbr.rel @p2 .LBB2_13-.Ltmp8, $4  }
0x19f: {  	[hbm4b:s20+s3] =	stream.linear.scatter [tilespmem:s16], [sflag:$0x7], $0x80, $0x38;
	[tilespmem:$0x1AE00] =	vst v63  }
0x1a0: {  	s16 =	sadd.s32 $0x12930, s18;
	s20 =	sadd.s32 $0x60, s15;
	s18 =	sadd.s32 $0x129B8, s18  }
0x1a1: {  	[hbm4b:s20+s3] =	stream.linear.scatter [tilespmem:s16], [sflag:$0x7], $0x80, $0x38;
	[tilespmem:$0x1AE00] =	vst v63  }
0x1a2: {  	s20 =	sadd.s32 $0x70, s15;
	s15 =	sadd.s32 $0x1000, s15;
	s16 =	smov.u32 s22  }
0x1a3: {  	[hbm4b:s20+s3] =	stream.linear.scatter [tilespmem:s18], [sflag:$0x7], $0x80, $0x38;
	[tilespmem:$0x1AE00] =	vst v63  }
0x1a4: {  	s16 =	sadd.s32 $0x12600, s11  }
0x1a5: {  	[hbm4b:s15+s3] =	stream.linear.scatter [tilespmem:s16], [sflag:$0x7], $0x80, $0x38;
	[tilespmem:$0x1AE00] =	vst v63  }
0x1a6: {  	s20 =	sadd.s32 $0x12688, s11;
	s22 =	sadd.s32 $0x10, s15  }
0x1a7: {  	[hbm4b:s22+s3] =	stream.linear.scatter [tilespmem:s20], [sflag:$0x7], $0x80, $0x38;
	[tilespmem:$0x1AE00] =	vst v63  }
0x1a8: {  	s20 =	sadd.s32 $0x12710, s11;
	s22 =	sadd.s32 $0x20, s15  }
0x1a9: {  	[hbm4b:s22+s3] =	stream.linear.scatter [tilespmem:s20], [sflag:$0x7], $0x80, $0x38;
	[tilespmem:$0x1AE00] =	vst v63  }
0x1aa: {  	s20 =	sadd.s32 $0x12798, s11;
	s22 =	sadd.s32 $0x30, s15  }
0x1ab: {  	[hbm4b:s22+s3] =	stream.linear.scatter [tilespmem:s20], [sflag:$0x7], $0x80, $0x38;
	[tilespmem:$0x1AE00] =	vst v63  }
0x1ac: {  	s20 =	sadd.s32 $0x12820, s11;
	s22 =	sadd.s32 $0x40, s15  }
0x1ad: {  	[hbm4b:s22+s3] =	stream.linear.scatter [tilespmem:s20], [sflag:$0x7], $0x80, $0x38;
	[tilespmem:$0x1AE00] =	vst v63  }
0x1ae: {  	s20 =	sadd.s32 $0x128A8, s11;
	s22 =	sadd.s32 $0x50, s15  }
0x1af: {  	[hbm4b:s22+s3] =	stream.linear.scatter [tilespmem:s20], [sflag:$0x7], $0x80, $0x38;
	[tilespmem:$0x1AE00] =	vst v63  }
.Ltmp9:
0x1b0: {  	_ = 	snop;
	(pc) =	sbr.rel @p1 .LBB2_16-.Ltmp9, $4  }
0x1b1: {  	s20 =	sadd.s32 $0x12930, s11;
	s22 =	sadd.s32 $0x60, s15  }
0x1b2: {  	[hbm4b:s22+s3] =	stream.linear.scatter [tilespmem:s20], [sflag:$0x7], $0x80, $0x38;
	[tilespmem:$0x1AE00] =	vst v63  }
0x1b3: {  	s20 =	sadd.s32 $0x129B8, s11;
	s22 =	sadd.s32 $0x70, s15  }
0x1b4: {  	[hbm4b:s22+s3] =	stream.linear.scatter [tilespmem:s20], [sflag:$0x7], $0x80, $0x38;
	[tilespmem:$0x1AE00] =	vst v63  }
.Ltmp10:
0x1b5: {  	(pc) =	sbr.rel .LBB2_17-.Ltmp10, $4  }
0x1b6: {  	_ = 	snop  }
0x1b7: {  	_ =	swait.ge [sflag:s29], $0x2000  }
0x1b8: {  	[sflag:s29] =	ssyncset.done $0x0  }
0x1b9: {  	[sflag:s29] =	ssyncadd.s32 $0xFFFFE000  }
.LBB2_16:
0x1ba: {  	s11 =	smul.u32 $0xA00, s14;
	_ =	sdelay $0x1  }
0x1bb: {  	s11 =	sshra.s32 s11, $0x2  }
.Ltmp11:
0x1bc: {  	s15 =	simm.s32 $0x8400;
	s11 =	sadd.s32 $0x300, s11;
	(pc) =	sbr.rel @p0 .LBB2_18-.Ltmp11, $4  }
0x1bd: {  	[tilespmem:s15], [sflag:$0x2] =	stream.indirect.gather [hbm4b:s4+s12], $0x40, s11, s12, $0xb8;
	[tilespmem:$0x1AE00] =	vst v63  }
0x1be: {  	_ =	swait.ge [sflag:s29], $0x2000  }
0x1bf: {  	[sflag:s29] =	ssyncset.done $0x0  }
0x1c0: {  	[sflag:s29] =	ssyncadd.s32 $0xFFFFE000  }
.LBB2_17:
0x1c1: {  	_ =	swait.ge [sflag:s30], $0x2000  }
0x1c2: {  	[sflag:s30] =	ssyncset.done $0x0  }
0x1c3: {  	[sflag:s30] =	ssyncadd.s32 $0xFFFFE000  }
.LBB2_18:
0x1c4: {  	v32 =	vimm.s32 $0x0;
	s11 =	simm.s32 $0x0;
	s15 =	simm.s32 $0x800  }
.LBB2_19:
0x1c5: {  	p2 =	sne.s32 s15, $0x7800;
	v33 =	vld [tilespmem:s11+$0xA400];
	v34 =	vadd.s32 v0, v32;
	_ =	sdelay $0x4  }
0x1c6: {  	[tilespmem:v34+s31+$0x0] =	vst.idx.msk $0xffff, v33  }
0x1c7: {  	v34 =	vadd.s32 v1, v32;
	v33 =	vld [tilespmem:s11+$0xA410];
	_ =	sdelay $0x4  }
0x1c8: {  	[tilespmem:v34+s31+$0x0] =	vst.idx.msk $0xffff, v33  }
0x1c9: {  	v34 =	vadd.s32 v2, v32;
	v33 =	vld [tilespmem:s11+$0xA420];
	_ =	sdelay $0x4  }
0x1ca: {  	[tilespmem:v34+s31+$0x0] =	vst.idx.msk $0xffff, v33  }
0x1cb: {  	v34 =	vadd.s32 v3, v32;
	v33 =	vld [tilespmem:s11+$0xA430];
	_ =	sdelay $0x4  }
0x1cc: {  	[tilespmem:v34+s31+$0x0] =	vst.idx.msk $0xffff, v33  }
0x1cd: {  	v34 =	vadd.s32 v4, v32;
	v33 =	vld [tilespmem:s11+$0xA440];
	_ =	sdelay $0x4  }
0x1ce: {  	[tilespmem:v34+s31+$0x0] =	vst.idx.msk $0xffff, v33  }
0x1cf: {  	v34 =	vadd.s32 v5, v32;
	v33 =	vld [tilespmem:s11+$0xA450];
	_ =	sdelay $0x4  }
0x1d0: {  	[tilespmem:v34+s31+$0x0] =	vst.idx.msk $0xffff, v33  }
0x1d1: {  	v34 =	vadd.s32 v6, v32;
	v33 =	vld [tilespmem:s11+$0xA460];
	_ =	sdelay $0x4  }
0x1d2: {  	[tilespmem:v34+s31+$0x0] =	vst.idx.msk $0xffff, v33  }
0x1d3: {  	v34 =	vadd.s32 v7, v32;
	v33 =	vld [tilespmem:s11+$0xA470];
	_ =	sdelay $0x4  }
0x1d4: {  	[tilespmem:v34+s31+$0x0] =	vst.idx.msk $0xffff, v33  }
0x1d5: {  	v34 =	vadd.s32 v8, v32;
	v33 =	vld [tilespmem:s11+$0xA480];
	_ =	sdelay $0x4  }
0x1d6: {  	[tilespmem:v34+s31+$0x0] =	vst.idx.msk $0xffff, v33  }
0x1d7: {  	v34 =	vadd.s32 v9, v32;
	v33 =	vld [tilespmem:s11+$0xA490];
	_ =	sdelay $0x4  }
0x1d8: {  	[tilespmem:v34+s31+$0x0] =	vst.idx.msk $0xffff, v33  }
0x1d9: {  	v34 =	vadd.s32 v10, v32;
	v33 =	vld [tilespmem:s11+$0xA4A0];
	_ =	sdelay $0x4  }
0x1da: {  	[tilespmem:v34+s31+$0x0] =	vst.idx.msk $0xffff, v33  }
0x1db: {  	v34 =	vadd.s32 v11, v32;
	v33 =	vld [tilespmem:s11+$0xA4B0];
	_ =	sdelay $0x4  }
0x1dc: {  	[tilespmem:v34+s31+$0x0] =	vst.idx.msk $0xffff, v33  }
0x1dd: {  	v34 =	vadd.s32 v12, v32;
	v33 =	vld [tilespmem:s11+$0xA4C0];
	_ =	sdelay $0x4  }
0x1de: {  	[tilespmem:v34+s31+$0x0] =	vst.idx.msk $0xffff, v33  }
0x1df: {  	v34 =	vadd.s32 v13, v32;
	v33 =	vld [tilespmem:s11+$0xA4D0];
	_ =	sdelay $0x4  }
0x1e0: {  	[tilespmem:v34+s31+$0x0] =	vst.idx.msk $0xffff, v33  }
0x1e1: {  	v34 =	vadd.s32 v14, v32;
	v33 =	vld [tilespmem:s11+$0xA4E0];
	_ =	sdelay $0x4  }
0x1e2: {  	[tilespmem:v34+s31+$0x0] =	vst.idx.msk $0xffff, v33  }
0x1e3: {  	v34 =	vadd.s32 v15, v32;
	v33 =	vld [tilespmem:s11+$0xA4F0];
	_ =	sdelay $0x4  }
0x1e4: {  	[tilespmem:v34+s31+$0x0] =	vst.idx.msk $0xffff, v33  }
0x1e5: {  	v34 =	vadd.s32 v16, v32;
	v33 =	vld [tilespmem:s11+$0xA500];
	_ =	sdelay $0x4  }
0x1e6: {  	[tilespmem:v34+s31+$0x0] =	vst.idx.msk $0xffff, v33  }
0x1e7: {  	v34 =	vadd.s32 v17, v32;
	v33 =	vld [tilespmem:s11+$0xA510];
	_ =	sdelay $0x4  }
0x1e8: {  	[tilespmem:v34+s31+$0x0] =	vst.idx.msk $0xffff, v33  }
0x1e9: {  	v34 =	vadd.s32 v18, v32;
	v33 =	vld [tilespmem:s11+$0xA520];
	_ =	sdelay $0x4  }
0x1ea: {  	[tilespmem:v34+s31+$0x0] =	vst.idx.msk $0xffff, v33  }
0x1eb: {  	v34 =	vadd.s32 v19, v32;
	v33 =	vld [tilespmem:s11+$0xA530];
	_ =	sdelay $0x4  }
0x1ec: {  	[tilespmem:v34+s31+$0x0] =	vst.idx.msk $0xffff, v33  }
0x1ed: {  	v34 =	vadd.s32 v20, v32;
	v33 =	vld [tilespmem:s11+$0xA540];
	_ =	sdelay $0x4  }
0x1ee: {  	[tilespmem:v34+s31+$0x0] =	vst.idx.msk $0xffff, v33  }
0x1ef: {  	v34 =	vadd.s32 v21, v32;
	v33 =	vld [tilespmem:s11+$0xA550];
	_ =	sdelay $0x4  }
0x1f0: {  	[tilespmem:v34+s31+$0x0] =	vst.idx.msk $0xffff, v33  }
0x1f1: {  	v34 =	vadd.s32 v22, v32;
	v33 =	vld [tilespmem:s11+$0xA560];
	_ =	sdelay $0x4  }
0x1f2: {  	[tilespmem:v34+s31+$0x0] =	vst.idx.msk $0xffff, v33  }
0x1f3: {  	v34 =	vadd.s32 v23, v32;
	v33 =	vld [tilespmem:s11+$0xA570];
	_ =	sdelay $0x4  }
0x1f4: {  	[tilespmem:v34+s31+$0x0] =	vst.idx.msk $0xffff, v33  }
0x1f5: {  	v34 =	vadd.s32 v24, v32;
	v33 =	vld [tilespmem:s11+$0xA580];
	_ =	sdelay $0x4  }
0x1f6: {  	[tilespmem:v34+s31+$0x0] =	vst.idx.msk $0xffff, v33  }
0x1f7: {  	v34 =	vadd.s32 v25, v32;
	v33 =	vld [tilespmem:s11+$0xA590];
	_ =	sdelay $0x4  }
0x1f8: {  	[tilespmem:v34+s31+$0x0] =	vst.idx.msk $0xffff, v33  }
0x1f9: {  	v34 =	vadd.s32 v26, v32;
	v33 =	vld [tilespmem:s11+$0xA5A0];
	_ =	sdelay $0x4  }
0x1fa: {  	[tilespmem:v34+s31+$0x0] =	vst.idx.msk $0xffff, v33  }
0x1fb: {  	v34 =	vadd.s32 v27, v32;
	v33 =	vld [tilespmem:s11+$0xA5B0];
	_ =	sdelay $0x4  }
0x1fc: {  	[tilespmem:v34+s31+$0x0] =	vst.idx.msk $0xffff, v33  }
0x1fd: {  	v34 =	vadd.s32 v28, v32;
	v33 =	vld [tilespmem:s11+$0xA5C0];
	_ =	sdelay $0x4  }
0x1fe: {  	[tilespmem:v34+s31+$0x0] =	vst.idx.msk $0xffff, v33  }
0x1ff: {  	v34 =	vadd.s32 v29, v32;
	v33 =	vld [tilespmem:s11+$0xA5D0];
	_ =	sdelay $0x4  }
0x200: {  	[tilespmem:v34+s31+$0x0] =	vst.idx.msk $0xffff, v33  }
0x201: {  	v34 =	vadd.s32 v30, v32;
	v33 =	vld [tilespmem:s11+$0xA5E0];
	_ =	sdelay $0x4  }
0x202: {  	[tilespmem:v34+s31+$0x0] =	vst.idx.msk $0xffff, v33  }
0x203: {  	v34 =	vadd.s32 v31, v32;
	v33 =	vld [tilespmem:s11+$0xA5F0]  }
.Ltmp12:
0x204: {  	(pc) =	sbr.rel @p2 .LBB2_19-.Ltmp12, $2  }
0x205: {  	_ =	sdelay $0x2  }
0x206: {  	v32 =	vadd.s32 $0x8, v32;
	s11 =	sshra.s32 s15, $0x2;
	s15 =	sadd.s32 $0x800, s15;
	[tilespmem:v34+s31+$0x0] =	vst.idx.msk $0xffff, v33  }
0x207: {  	v33 =	vld [tilespmem:s11+$0xA400];
	v34 =	vadd.s32 v0, v32;
	_ =	sdelay $0x4  }
0x208: {  	[tilespmem:v34+s31+$0x0] =	vst.idx.msk $0xffff, v33  }
0x209: {  	v61 =	vadd.s32 v1, v32;
	v33 =	vld [tilespmem:s11+$0xA410];
	_ =	sdelay $0x4  }
0x20a: {  	[tilespmem:v61+s31+$0x0] =	vst.idx.msk $0xffff, v33  }
0x20b: {  	v62 =	vadd.s32 v2, v32;
	v33 =	vld [tilespmem:s11+$0xA420];
	_ =	sdelay $0x4  }
0x20c: {  	[tilespmem:v62+s31+$0x0] =	vst.idx.msk $0xffff, v33  }
0x20d: {  	v63 =	vadd.s32 v3, v32;
	v33 =	vld [tilespmem:s11+$0xA430];
	_ =	sdelay $0x4  }
0x20e: {  	[tilespmem:v63+s31+$0x0] =	vst.idx.msk $0xffff, v33  }
0x20f: {  	v36 =	vadd.s32 v4, v32;
	v33 =	vld [tilespmem:s11+$0xA440];
	_ =	sdelay $0x4  }
0x210: {  	[tilespmem:v36+s31+$0x0] =	vst.idx.msk $0xffff, v33  }
0x211: {  	v37 =	vadd.s32 v5, v32;
	v33 =	vld [tilespmem:s11+$0xA450];
	_ =	sdelay $0x4  }
0x212: {  	[tilespmem:v37+s31+$0x0] =	vst.idx.msk $0xffff, v33  }
0x213: {  	v38 =	vadd.s32 v6, v32;
	v33 =	vld [tilespmem:s11+$0xA460];
	_ =	sdelay $0x4  }
0x214: {  	[tilespmem:v38+s31+$0x0] =	vst.idx.msk $0xffff, v33  }
0x215: {  	v39 =	vadd.s32 v7, v32;
	v33 =	vld [tilespmem:s11+$0xA470];
	_ =	sdelay $0x4  }
0x216: {  	[tilespmem:v39+s31+$0x0] =	vst.idx.msk $0xffff, v33  }
0x217: {  	v40 =	vadd.s32 v8, v32;
	v33 =	vld [tilespmem:s11+$0xA480];
	_ =	sdelay $0x4  }
0x218: {  	[tilespmem:v40+s31+$0x0] =	vst.idx.msk $0xffff, v33  }
0x219: {  	v41 =	vadd.s32 v9, v32;
	v33 =	vld [tilespmem:s11+$0xA490];
	_ =	sdelay $0x4  }
0x21a: {  	[tilespmem:v41+s31+$0x0] =	vst.idx.msk $0xffff, v33  }
0x21b: {  	v42 =	vadd.s32 v10, v32;
	v33 =	vld [tilespmem:s11+$0xA4A0];
	_ =	sdelay $0x4  }
0x21c: {  	[tilespmem:v42+s31+$0x0] =	vst.idx.msk $0xffff, v33  }
0x21d: {  	v43 =	vadd.s32 v11, v32;
	v33 =	vld [tilespmem:s11+$0xA4B0];
	_ =	sdelay $0x4  }
0x21e: {  	[tilespmem:v43+s31+$0x0] =	vst.idx.msk $0xffff, v33  }
0x21f: {  	v44 =	vadd.s32 v12, v32;
	v33 =	vld [tilespmem:s11+$0xA4C0];
	_ =	sdelay $0x4  }
0x220: {  	[tilespmem:v44+s31+$0x0] =	vst.idx.msk $0xffff, v33  }
0x221: {  	v45 =	vadd.s32 v13, v32;
	v33 =	vld [tilespmem:s11+$0xA4D0];
	_ =	sdelay $0x4  }
0x222: {  	[tilespmem:v45+s31+$0x0] =	vst.idx.msk $0xffff, v33  }
0x223: {  	v46 =	vadd.s32 v14, v32;
	v33 =	vld [tilespmem:s11+$0xA4E0];
	_ =	sdelay $0x4  }
0x224: {  	[tilespmem:v46+s31+$0x0] =	vst.idx.msk $0xffff, v33  }
0x225: {  	v47 =	vadd.s32 v15, v32;
	v33 =	vld [tilespmem:s11+$0xA4F0];
	_ =	sdelay $0x4  }
0x226: {  	[tilespmem:v47+s31+$0x0] =	vst.idx.msk $0xffff, v33  }
0x227: {  	v48 =	vadd.s32 v16, v32;
	v33 =	vld [tilespmem:s11+$0xA500];
	_ =	sdelay $0x4  }
0x228: {  	[tilespmem:v48+s31+$0x0] =	vst.idx.msk $0xffff, v33  }
0x229: {  	v49 =	vadd.s32 v17, v32;
	v33 =	vld [tilespmem:s11+$0xA510];
	_ =	sdelay $0x4  }
0x22a: {  	[tilespmem:v49+s31+$0x0] =	vst.idx.msk $0xffff, v33  }
0x22b: {  	v50 =	vadd.s32 v18, v32;
	v33 =	vld [tilespmem:s11+$0xA520];
	_ =	sdelay $0x4  }
0x22c: {  	[tilespmem:v50+s31+$0x0] =	vst.idx.msk $0xffff, v33  }
0x22d: {  	v51 =	vadd.s32 v19, v32;
	v33 =	vld [tilespmem:s11+$0xA530];
	_ =	sdelay $0x4  }
0x22e: {  	[tilespmem:v51+s31+$0x0] =	vst.idx.msk $0xffff, v33  }
0x22f: {  	v52 =	vadd.s32 v20, v32;
	v33 =	vld [tilespmem:s11+$0xA540];
	_ =	sdelay $0x4  }
0x230: {  	[tilespmem:v52+s31+$0x0] =	vst.idx.msk $0xffff, v33  }
0x231: {  	v53 =	vadd.s32 v21, v32;
	v33 =	vld [tilespmem:s11+$0xA550];
	_ =	sdelay $0x4  }
0x232: {  	[tilespmem:v53+s31+$0x0] =	vst.idx.msk $0xffff, v33  }
0x233: {  	v54 =	vadd.s32 v22, v32;
	v33 =	vld [tilespmem:s11+$0xA560];
	_ =	sdelay $0x4  }
0x234: {  	[tilespmem:v54+s31+$0x0] =	vst.idx.msk $0xffff, v33  }
0x235: {  	v55 =	vadd.s32 v23, v32;
	v33 =	vld [tilespmem:s11+$0xA570];
	_ =	sdelay $0x4  }
0x236: {  	[tilespmem:v55+s31+$0x0] =	vst.idx.msk $0xffff, v33  }
0x237: {  	v56 =	vadd.s32 v24, v32;
	v33 =	vld [tilespmem:s11+$0xA580];
	_ =	sdelay $0x4  }
0x238: {  	[tilespmem:v56+s31+$0x0] =	vst.idx.msk $0xffff, v33  }
0x239: {  	v57 =	vadd.s32 v25, v32;
	v33 =	vld [tilespmem:s11+$0xA590];
	_ =	sdelay $0x4  }
0x23a: {  	[tilespmem:v57+s31+$0x0] =	vst.idx.msk $0xffff, v33  }
0x23b: {  	v58 =	vadd.s32 v26, v32;
	v33 =	vld [tilespmem:s11+$0xA5A0];
	_ =	sdelay $0x4  }
0x23c: {  	[tilespmem:v58+s31+$0x0] =	vst.idx.msk $0xffff, v33  }
0x23d: {  	v59 =	vadd.s32 v27, v32;
	v33 =	vld [tilespmem:s11+$0xA5B0];
	_ =	sdelay $0x4  }
0x23e: {  	[tilespmem:v59+s31+$0x0] =	vst.idx.msk $0xffff, v33  }
0x23f: {  	v60 =	vadd.s32 v28, v32;
	v33 =	vld [tilespmem:s11+$0xA5C0];
	_ =	sdelay $0x4  }
0x240: {  	[tilespmem:v60+s31+$0x0] =	vst.idx.msk $0xffff, v33  }
0x241: {  	v61 =	vadd.s32 v29, v32;
	v33 =	vld [tilespmem:s11+$0xA5D0];
	_ =	sdelay $0x4  }
0x242: {  	[tilespmem:v61+s31+$0x0] =	vst.idx.msk $0xffff, v33  }
0x243: {  	v62 =	vadd.s32 v30, v32;
	v33 =	vld [tilespmem:s11+$0xA5E0];
	_ =	sdelay $0x4  }
0x244: {  	[tilespmem:v62+s31+$0x0] =	vst.idx.msk $0xffff, v33  }
0x245: {  	v63 =	vadd.s32 v31, v32;
	v33 =	vld [tilespmem:s11+$0xA5F0];
	_ =	sdelay $0x2  }
0x246: {  	s15 =	sadd.s32 s8, s6  }
0x247: {  	s11 =	sshrl.u32 s15, $0x3  }
0x248: {  	s16 =	simm.s32 $0x14800;
	s15 =	sadd.s32 s2, s11;
	[tilespmem:v63+s31+$0x0] =	vst.idx.msk $0xffff, v33  }
0x249: {  	[hbm4b:s15+s3] =	stream.linear.scatter [tilespmem:s16], [sflag:$0x8], $0x80, $0x38;
	[tilespmem:$0x1AE00] =	vst v63  }
0x24a: {  	s18 =	simm.s32 $0x14888;
	s16 =	sadd.s32 $0x10, s15  }
0x24b: {  	[hbm4b:s16+s3] =	stream.linear.scatter [tilespmem:s18], [sflag:$0x8], $0x80, $0x38;
	[tilespmem:$0x1AE00] =	vst v63  }
0x24c: {  	s20 =	simm.s32 $0x14910;
	s22 =	sadd.s32 $0x20, s15  }
0x24d: {  	[hbm4b:s22+s3] =	stream.linear.scatter [tilespmem:s20], [sflag:$0x8], $0x80, $0x38;
	[tilespmem:$0x1AE00] =	vst v63  }
0x24e: {  	s16 =	simm.s32 $0x14998;
	s18 =	sadd.s32 $0x30, s15  }
0x24f: {  	[hbm4b:s18+s3] =	stream.linear.scatter [tilespmem:s16], [sflag:$0x8], $0x80, $0x38;
	[tilespmem:$0x1AE00] =	vst v63  }
0x250: {  	s20 =	simm.s32 $0x14A20;
	s22 =	sadd.s32 $0x40, s15  }
0x251: {  	[hbm4b:s22+s3] =	stream.linear.scatter [tilespmem:s20], [sflag:$0x8], $0x80, $0x38;
	[tilespmem:$0x1AE00] =	vst v63  }
0x252: {  	s11 =	simm.s32 $0x440;
	s16 =	simm.s32 $0x14AA8;
	s18 =	sadd.s32 $0x50, s15  }
0x253: {  	[hbm4b:s18+s3] =	stream.linear.scatter [tilespmem:s16], [sflag:$0x8], $0x80, $0x38;
	[tilespmem:$0x1AE00] =	vst v63  }
0x254: {  	s20 =	simm.s32 $0x14B30;
	s22 =	sadd.s32 $0x60, s15;
	s16 =	simm.s32 $0x2200  }
0x255: {  	[hbm4b:s22+s3] =	stream.linear.scatter [tilespmem:s20], [sflag:$0x8], $0x80, $0x38;
	[tilespmem:$0x1AE00] =	vst v63  }
0x256: {  	s18 =	simm.s32 $0x14BB8;
	s20 =	sadd.s32 $0x70, s15;
	s15 =	sadd.s32 $0x1000, s15  }
.LBB2_21:
0x257: {  	[hbm4b:s20+s3] =	stream.linear.scatter [tilespmem:s18], [sflag:$0x8], $0x80, $0x38;
	[tilespmem:$0x1AE00] =	vst v63  }
0x258: {  	s18 =	smov.u32 s11;
	s11 =	smov.u32 s16  }
0x259: {  	s22 =	sadd.s32 $0x1100, s16;
	s11 =	sshra.s32 s11, $0x2;
	s20 =	sadd.s32 $0x14800, s18  }
0x25a: {  	[hbm4b:s15+s3] =	stream.linear.scatter [tilespmem:s20], [sflag:$0x8], $0x80, $0x38;
	[tilespmem:$0x1AE00] =	vst v63  }
0x25b: {  	p2 =	sne.s32 s16, $0x7700;
	s16 =	sadd.s32 $0x14888, s18;
	s20 =	sadd.s32 $0x10, s15  }
0x25c: {  	[hbm4b:s20+s3] =	stream.linear.scatter [tilespmem:s16], [sflag:$0x8], $0x80, $0x38;
	[tilespmem:$0x1AE00] =	vst v63  }
0x25d: {  	s16 =	sadd.s32 $0x14910, s18;
	s20 =	sadd.s32 $0x20, s15  }
0x25e: {  	[hbm4b:s20+s3] =	stream.linear.scatter [tilespmem:s16], [sflag:$0x8], $0x80, $0x38;
	[tilespmem:$0x1AE00] =	vst v63  }
0x25f: {  	s16 =	sadd.s32 $0x14998, s18;
	s20 =	sadd.s32 $0x30, s15  }
0x260: {  	[hbm4b:s20+s3] =	stream.linear.scatter [tilespmem:s16], [sflag:$0x8], $0x80, $0x38;
	[tilespmem:$0x1AE00] =	vst v63  }
0x261: {  	s16 =	sadd.s32 $0x14A20, s18;
	s20 =	sadd.s32 $0x40, s15  }
0x262: {  	[hbm4b:s20+s3] =	stream.linear.scatter [tilespmem:s16], [sflag:$0x8], $0x80, $0x38;
	[tilespmem:$0x1AE00] =	vst v63  }
.Ltmp13:
0x263: {  	s16 =	sadd.s32 $0x14AA8, s18;
	s20 =	sadd.s32 $0x50, s15;
	(pc) =	sbr.rel @p2 .LBB2_21-.Ltmp13, $4  }
0x264: {  	[hbm4b:s20+s3] =	stream.linear.scatter [tilespmem:s16], [sflag:$0x8], $0x80, $0x38;
	[tilespmem:$0x1AE00] =	vst v63  }
0x265: {  	s16 =	sadd.s32 $0x14B30, s18;
	s20 =	sadd.s32 $0x60, s15;
	s18 =	sadd.s32 $0x14BB8, s18  }
0x266: {  	[hbm4b:s20+s3] =	stream.linear.scatter [tilespmem:s16], [sflag:$0x8], $0x80, $0x38;
	[tilespmem:$0x1AE00] =	vst v63  }
0x267: {  	s20 =	sadd.s32 $0x70, s15;
	s15 =	sadd.s32 $0x1000, s15;
	s16 =	smov.u32 s22  }
0x268: {  	[hbm4b:s20+s3] =	stream.linear.scatter [tilespmem:s18], [sflag:$0x8], $0x80, $0x38;
	[tilespmem:$0x1AE00] =	vst v63  }
0x269: {  	s16 =	sadd.s32 $0x14800, s11  }
0x26a: {  	[hbm4b:s15+s3] =	stream.linear.scatter [tilespmem:s16], [sflag:$0x8], $0x80, $0x38;
	[tilespmem:$0x1AE00] =	vst v63  }
0x26b: {  	s20 =	sadd.s32 $0x14888, s11;
	s22 =	sadd.s32 $0x10, s15  }
0x26c: {  	[hbm4b:s22+s3] =	stream.linear.scatter [tilespmem:s20], [sflag:$0x8], $0x80, $0x38;
	[tilespmem:$0x1AE00] =	vst v63  }
0x26d: {  	s20 =	sadd.s32 $0x14910, s11;
	s22 =	sadd.s32 $0x20, s15  }
0x26e: {  	[hbm4b:s22+s3] =	stream.linear.scatter [tilespmem:s20], [sflag:$0x8], $0x80, $0x38;
	[tilespmem:$0x1AE00] =	vst v63  }
0x26f: {  	s20 =	sadd.s32 $0x14998, s11;
	s22 =	sadd.s32 $0x30, s15  }
0x270: {  	[hbm4b:s22+s3] =	stream.linear.scatter [tilespmem:s20], [sflag:$0x8], $0x80, $0x38;
	[tilespmem:$0x1AE00] =	vst v63  }
0x271: {  	s20 =	sadd.s32 $0x14A20, s11;
	s22 =	sadd.s32 $0x40, s15  }
0x272: {  	[hbm4b:s22+s3] =	stream.linear.scatter [tilespmem:s20], [sflag:$0x8], $0x80, $0x38;
	[tilespmem:$0x1AE00] =	vst v63  }
0x273: {  	s20 =	sadd.s32 $0x14AA8, s11;
	s22 =	sadd.s32 $0x50, s15  }
0x274: {  	[hbm4b:s22+s3] =	stream.linear.scatter [tilespmem:s20], [sflag:$0x8], $0x80, $0x38;
	[tilespmem:$0x1AE00] =	vst v63  }
.Ltmp14:
0x275: {  	_ = 	snop;
	(pc) =	sbr.rel @p1 .LBB2_24-.Ltmp14, $4  }
0x276: {  	s20 =	sadd.s32 $0x14B30, s11;
	s22 =	sadd.s32 $0x60, s15  }
0x277: {  	[hbm4b:s22+s3] =	stream.linear.scatter [tilespmem:s20], [sflag:$0x8], $0x80, $0x38;
	[tilespmem:$0x1AE00] =	vst v63  }
0x278: {  	s20 =	sadd.s32 $0x14BB8, s11;
	s22 =	sadd.s32 $0x70, s15  }
0x279: {  	[hbm4b:s22+s3] =	stream.linear.scatter [tilespmem:s20], [sflag:$0x8], $0x80, $0x38;
	[tilespmem:$0x1AE00] =	vst v63  }
.Ltmp15:
0x27a: {  	(pc) =	sbr.rel .LBB2_25-.Ltmp15, $4  }
0x27b: {  	_ = 	snop  }
0x27c: {  	_ =	swait.ge [sflag:s1], $0x2000  }
0x27d: {  	[sflag:s1] =	ssyncset.done $0x0  }
0x27e: {  	[sflag:s1] =	ssyncadd.s32 $0xFFFFE000  }
.LBB2_24:
0x27f: {  	s11 =	smul.u32 $0xA00, s14;
	_ =	sdelay $0x1  }
0x280: {  	s11 =	sshra.s32 s11, $0x2  }
.Ltmp16:
0x281: {  	s15 =	simm.s32 $0xA400;
	s11 =	sadd.s32 $0x380, s11;
	(pc) =	sbr.rel @p0 .LBB2_26-.Ltmp16, $4  }
0x282: {  	[tilespmem:s15], [sflag:$0x3] =	stream.indirect.gather [hbm4b:s4+s12], $0x40, s11, s12, $0xb8;
	[tilespmem:$0x1AE00] =	vst v63  }
0x283: {  	_ =	swait.ge [sflag:s1], $0x2000  }
0x284: {  	[sflag:s1] =	ssyncset.done $0x0  }
0x285: {  	[sflag:s1] =	ssyncadd.s32 $0xFFFFE000  }
.LBB2_25:
0x286: {  	_ =	swait.ge [sflag:s0], $0x2000  }
0x287: {  	[sflag:s0] =	ssyncset.done $0x0  }
0x288: {  	[sflag:s0] =	ssyncadd.s32 $0xFFFFE000  }
.LBB2_26:
0x289: {  	v32 =	vimm.s32 $0x0;
	s11 =	simm.s32 $0x0;
	s15 =	simm.s32 $0x800  }
.LBB2_27:
0x28a: {  	p2 =	sne.s32 s15, $0x7800;
	v33 =	vld [tilespmem:s11+$0xC400];
	v34 =	vadd.s32 v0, v32;
	_ =	sdelay $0x4  }
0x28b: {  	[tilespmem:v34+s13+$0x0] =	vst.idx.msk $0xffff, v33  }
0x28c: {  	v34 =	vadd.s32 v1, v32;
	v33 =	vld [tilespmem:s11+$0xC410];
	_ =	sdelay $0x4  }
0x28d: {  	[tilespmem:v34+s13+$0x0] =	vst.idx.msk $0xffff, v33  }
0x28e: {  	v34 =	vadd.s32 v2, v32;
	v33 =	vld [tilespmem:s11+$0xC420];
	_ =	sdelay $0x4  }
0x28f: {  	[tilespmem:v34+s13+$0x0] =	vst.idx.msk $0xffff, v33  }
0x290: {  	v34 =	vadd.s32 v3, v32;
	v33 =	vld [tilespmem:s11+$0xC430];
	_ =	sdelay $0x4  }
0x291: {  	[tilespmem:v34+s13+$0x0] =	vst.idx.msk $0xffff, v33  }
0x292: {  	v34 =	vadd.s32 v4, v32;
	v33 =	vld [tilespmem:s11+$0xC440];
	_ =	sdelay $0x4  }
0x293: {  	[tilespmem:v34+s13+$0x0] =	vst.idx.msk $0xffff, v33  }
0x294: {  	v34 =	vadd.s32 v5, v32;
	v33 =	vld [tilespmem:s11+$0xC450];
	_ =	sdelay $0x4  }
0x295: {  	[tilespmem:v34+s13+$0x0] =	vst.idx.msk $0xffff, v33  }
0x296: {  	v34 =	vadd.s32 v6, v32;
	v33 =	vld [tilespmem:s11+$0xC460];
	_ =	sdelay $0x4  }
0x297: {  	[tilespmem:v34+s13+$0x0] =	vst.idx.msk $0xffff, v33  }
0x298: {  	v34 =	vadd.s32 v7, v32;
	v33 =	vld [tilespmem:s11+$0xC470];
	_ =	sdelay $0x4  }
0x299: {  	[tilespmem:v34+s13+$0x0] =	vst.idx.msk $0xffff, v33  }
0x29a: {  	v34 =	vadd.s32 v8, v32;
	v33 =	vld [tilespmem:s11+$0xC480];
	_ =	sdelay $0x4  }
0x29b: {  	[tilespmem:v34+s13+$0x0] =	vst.idx.msk $0xffff, v33  }
0x29c: {  	v34 =	vadd.s32 v9, v32;
	v33 =	vld [tilespmem:s11+$0xC490];
	_ =	sdelay $0x4  }
0x29d: {  	[tilespmem:v34+s13+$0x0] =	vst.idx.msk $0xffff, v33  }
0x29e: {  	v34 =	vadd.s32 v10, v32;
	v33 =	vld [tilespmem:s11+$0xC4A0];
	_ =	sdelay $0x4  }
0x29f: {  	[tilespmem:v34+s13+$0x0] =	vst.idx.msk $0xffff, v33  }
0x2a0: {  	v34 =	vadd.s32 v11, v32;
	v33 =	vld [tilespmem:s11+$0xC4B0];
	_ =	sdelay $0x4  }
0x2a1: {  	[tilespmem:v34+s13+$0x0] =	vst.idx.msk $0xffff, v33  }
0x2a2: {  	v34 =	vadd.s32 v12, v32;
	v33 =	vld [tilespmem:s11+$0xC4C0];
	_ =	sdelay $0x4  }
0x2a3: {  	[tilespmem:v34+s13+$0x0] =	vst.idx.msk $0xffff, v33  }
0x2a4: {  	v34 =	vadd.s32 v13, v32;
	v33 =	vld [tilespmem:s11+$0xC4D0];
	_ =	sdelay $0x4  }
0x2a5: {  	[tilespmem:v34+s13+$0x0] =	vst.idx.msk $0xffff, v33  }
0x2a6: {  	v34 =	vadd.s32 v14, v32;
	v33 =	vld [tilespmem:s11+$0xC4E0];
	_ =	sdelay $0x4  }
0x2a7: {  	[tilespmem:v34+s13+$0x0] =	vst.idx.msk $0xffff, v33  }
0x2a8: {  	v34 =	vadd.s32 v15, v32;
	v33 =	vld [tilespmem:s11+$0xC4F0];
	_ =	sdelay $0x4  }
0x2a9: {  	[tilespmem:v34+s13+$0x0] =	vst.idx.msk $0xffff, v33  }
0x2aa: {  	v34 =	vadd.s32 v16, v32;
	v33 =	vld [tilespmem:s11+$0xC500];
	_ =	sdelay $0x4  }
0x2ab: {  	[tilespmem:v34+s13+$0x0] =	vst.idx.msk $0xffff, v33  }
0x2ac: {  	v34 =	vadd.s32 v17, v32;
	v33 =	vld [tilespmem:s11+$0xC510];
	_ =	sdelay $0x4  }
0x2ad: {  	[tilespmem:v34+s13+$0x0] =	vst.idx.msk $0xffff, v33  }
0x2ae: {  	v34 =	vadd.s32 v18, v32;
	v33 =	vld [tilespmem:s11+$0xC520];
	_ =	sdelay $0x4  }
0x2af: {  	[tilespmem:v34+s13+$0x0] =	vst.idx.msk $0xffff, v33  }
0x2b0: {  	v34 =	vadd.s32 v19, v32;
	v33 =	vld [tilespmem:s11+$0xC530];
	_ =	sdelay $0x4  }
0x2b1: {  	[tilespmem:v34+s13+$0x0] =	vst.idx.msk $0xffff, v33  }
0x2b2: {  	v34 =	vadd.s32 v20, v32;
	v33 =	vld [tilespmem:s11+$0xC540];
	_ =	sdelay $0x4  }
0x2b3: {  	[tilespmem:v34+s13+$0x0] =	vst.idx.msk $0xffff, v33  }
0x2b4: {  	v34 =	vadd.s32 v21, v32;
	v33 =	vld [tilespmem:s11+$0xC550];
	_ =	sdelay $0x4  }
0x2b5: {  	[tilespmem:v34+s13+$0x0] =	vst.idx.msk $0xffff, v33  }
0x2b6: {  	v34 =	vadd.s32 v22, v32;
	v33 =	vld [tilespmem:s11+$0xC560];
	_ =	sdelay $0x4  }
0x2b7: {  	[tilespmem:v34+s13+$0x0] =	vst.idx.msk $0xffff, v33  }
0x2b8: {  	v34 =	vadd.s32 v23, v32;
	v33 =	vld [tilespmem:s11+$0xC570];
	_ =	sdelay $0x4  }
0x2b9: {  	[tilespmem:v34+s13+$0x0] =	vst.idx.msk $0xffff, v33  }
0x2ba: {  	v34 =	vadd.s32 v24, v32;
	v33 =	vld [tilespmem:s11+$0xC580];
	_ =	sdelay $0x4  }
0x2bb: {  	[tilespmem:v34+s13+$0x0] =	vst.idx.msk $0xffff, v33  }
0x2bc: {  	v34 =	vadd.s32 v25, v32;
	v33 =	vld [tilespmem:s11+$0xC590];
	_ =	sdelay $0x4  }
0x2bd: {  	[tilespmem:v34+s13+$0x0] =	vst.idx.msk $0xffff, v33  }
0x2be: {  	v34 =	vadd.s32 v26, v32;
	v33 =	vld [tilespmem:s11+$0xC5A0];
	_ =	sdelay $0x4  }
0x2bf: {  	[tilespmem:v34+s13+$0x0] =	vst.idx.msk $0xffff, v33  }
0x2c0: {  	v34 =	vadd.s32 v27, v32;
	v33 =	vld [tilespmem:s11+$0xC5B0];
	_ =	sdelay $0x4  }
0x2c1: {  	[tilespmem:v34+s13+$0x0] =	vst.idx.msk $0xffff, v33  }
0x2c2: {  	v34 =	vadd.s32 v28, v32;
	v33 =	vld [tilespmem:s11+$0xC5C0];
	_ =	sdelay $0x4  }
0x2c3: {  	[tilespmem:v34+s13+$0x0] =	vst.idx.msk $0xffff, v33  }
0x2c4: {  	v34 =	vadd.s32 v29, v32;
	v33 =	vld [tilespmem:s11+$0xC5D0];
	_ =	sdelay $0x4  }
0x2c5: {  	[tilespmem:v34+s13+$0x0] =	vst.idx.msk $0xffff, v33  }
0x2c6: {  	v34 =	vadd.s32 v30, v32;
	v33 =	vld [tilespmem:s11+$0xC5E0];
	_ =	sdelay $0x4  }
0x2c7: {  	[tilespmem:v34+s13+$0x0] =	vst.idx.msk $0xffff, v33  }
0x2c8: {  	v34 =	vadd.s32 v31, v32;
	v33 =	vld [tilespmem:s11+$0xC5F0]  }
.Ltmp17:
0x2c9: {  	(pc) =	sbr.rel @p2 .LBB2_27-.Ltmp17, $2  }
0x2ca: {  	_ =	sdelay $0x2  }
0x2cb: {  	v32 =	vadd.s32 $0x8, v32;
	s11 =	sshra.s32 s15, $0x2;
	s15 =	sadd.s32 $0x800, s15;
	[tilespmem:v34+s13+$0x0] =	vst.idx.msk $0xffff, v33  }
0x2cc: {  	v33 =	vld [tilespmem:s11+$0xC400];
	v34 =	vadd.s32 v0, v32;
	_ =	sdelay $0x4  }
0x2cd: {  	[tilespmem:v34+s13+$0x0] =	vst.idx.msk $0xffff, v33  }
0x2ce: {  	v61 =	vadd.s32 v1, v32;
	v33 =	vld [tilespmem:s11+$0xC410];
	_ =	sdelay $0x4  }
0x2cf: {  	[tilespmem:v61+s13+$0x0] =	vst.idx.msk $0xffff, v33  }
0x2d0: {  	v62 =	vadd.s32 v2, v32;
	v33 =	vld [tilespmem:s11+$0xC420];
	_ =	sdelay $0x4  }
0x2d1: {  	[tilespmem:v62+s13+$0x0] =	vst.idx.msk $0xffff, v33  }
0x2d2: {  	v63 =	vadd.s32 v3, v32;
	v33 =	vld [tilespmem:s11+$0xC430];
	_ =	sdelay $0x4  }
0x2d3: {  	[tilespmem:v63+s13+$0x0] =	vst.idx.msk $0xffff, v33  }
0x2d4: {  	v36 =	vadd.s32 v4, v32;
	v33 =	vld [tilespmem:s11+$0xC440];
	_ =	sdelay $0x4  }
0x2d5: {  	[tilespmem:v36+s13+$0x0] =	vst.idx.msk $0xffff, v33  }
0x2d6: {  	v37 =	vadd.s32 v5, v32;
	v33 =	vld [tilespmem:s11+$0xC450];
	_ =	sdelay $0x4  }
0x2d7: {  	[tilespmem:v37+s13+$0x0] =	vst.idx.msk $0xffff, v33  }
0x2d8: {  	v38 =	vadd.s32 v6, v32;
	v33 =	vld [tilespmem:s11+$0xC460];
	_ =	sdelay $0x4  }
0x2d9: {  	[tilespmem:v38+s13+$0x0] =	vst.idx.msk $0xffff, v33  }
0x2da: {  	v39 =	vadd.s32 v7, v32;
	v33 =	vld [tilespmem:s11+$0xC470];
	_ =	sdelay $0x4  }
0x2db: {  	[tilespmem:v39+s13+$0x0] =	vst.idx.msk $0xffff, v33  }
0x2dc: {  	v40 =	vadd.s32 v8, v32;
	v33 =	vld [tilespmem:s11+$0xC480];
	_ =	sdelay $0x4  }
0x2dd: {  	[tilespmem:v40+s13+$0x0] =	vst.idx.msk $0xffff, v33  }
0x2de: {  	v41 =	vadd.s32 v9, v32;
	v33 =	vld [tilespmem:s11+$0xC490];
	_ =	sdelay $0x4  }
0x2df: {  	[tilespmem:v41+s13+$0x0] =	vst.idx.msk $0xffff, v33  }
0x2e0: {  	v42 =	vadd.s32 v10, v32;
	v33 =	vld [tilespmem:s11+$0xC4A0];
	_ =	sdelay $0x4  }
0x2e1: {  	[tilespmem:v42+s13+$0x0] =	vst.idx.msk $0xffff, v33  }
0x2e2: {  	v43 =	vadd.s32 v11, v32;
	v33 =	vld [tilespmem:s11+$0xC4B0];
	_ =	sdelay $0x4  }
0x2e3: {  	[tilespmem:v43+s13+$0x0] =	vst.idx.msk $0xffff, v33  }
0x2e4: {  	v44 =	vadd.s32 v12, v32;
	v33 =	vld [tilespmem:s11+$0xC4C0];
	_ =	sdelay $0x4  }
0x2e5: {  	[tilespmem:v44+s13+$0x0] =	vst.idx.msk $0xffff, v33  }
0x2e6: {  	v45 =	vadd.s32 v13, v32;
	v33 =	vld [tilespmem:s11+$0xC4D0];
	_ =	sdelay $0x4  }
0x2e7: {  	[tilespmem:v45+s13+$0x0] =	vst.idx.msk $0xffff, v33  }
0x2e8: {  	v46 =	vadd.s32 v14, v32;
	v33 =	vld [tilespmem:s11+$0xC4E0];
	_ =	sdelay $0x4  }
0x2e9: {  	[tilespmem:v46+s13+$0x0] =	vst.idx.msk $0xffff, v33  }
0x2ea: {  	v47 =	vadd.s32 v15, v32;
	v33 =	vld [tilespmem:s11+$0xC4F0];
	_ =	sdelay $0x4  }
0x2eb: {  	[tilespmem:v47+s13+$0x0] =	vst.idx.msk $0xffff, v33  }
0x2ec: {  	v48 =	vadd.s32 v16, v32;
	v33 =	vld [tilespmem:s11+$0xC500];
	_ =	sdelay $0x4  }
0x2ed: {  	[tilespmem:v48+s13+$0x0] =	vst.idx.msk $0xffff, v33  }
0x2ee: {  	v49 =	vadd.s32 v17, v32;
	v33 =	vld [tilespmem:s11+$0xC510];
	_ =	sdelay $0x4  }
0x2ef: {  	[tilespmem:v49+s13+$0x0] =	vst.idx.msk $0xffff, v33  }
0x2f0: {  	v50 =	vadd.s32 v18, v32;
	v33 =	vld [tilespmem:s11+$0xC520];
	_ =	sdelay $0x4  }
0x2f1: {  	[tilespmem:v50+s13+$0x0] =	vst.idx.msk $0xffff, v33  }
0x2f2: {  	v51 =	vadd.s32 v19, v32;
	v33 =	vld [tilespmem:s11+$0xC530];
	_ =	sdelay $0x4  }
0x2f3: {  	[tilespmem:v51+s13+$0x0] =	vst.idx.msk $0xffff, v33  }
0x2f4: {  	v52 =	vadd.s32 v20, v32;
	v33 =	vld [tilespmem:s11+$0xC540];
	_ =	sdelay $0x4  }
0x2f5: {  	[tilespmem:v52+s13+$0x0] =	vst.idx.msk $0xffff, v33  }
0x2f6: {  	v53 =	vadd.s32 v21, v32;
	v33 =	vld [tilespmem:s11+$0xC550];
	_ =	sdelay $0x4  }
0x2f7: {  	[tilespmem:v53+s13+$0x0] =	vst.idx.msk $0xffff, v33  }
0x2f8: {  	v54 =	vadd.s32 v22, v32;
	v33 =	vld [tilespmem:s11+$0xC560];
	_ =	sdelay $0x4  }
0x2f9: {  	[tilespmem:v54+s13+$0x0] =	vst.idx.msk $0xffff, v33  }
0x2fa: {  	v55 =	vadd.s32 v23, v32;
	v33 =	vld [tilespmem:s11+$0xC570];
	_ =	sdelay $0x4  }
0x2fb: {  	[tilespmem:v55+s13+$0x0] =	vst.idx.msk $0xffff, v33  }
0x2fc: {  	v56 =	vadd.s32 v24, v32;
	v33 =	vld [tilespmem:s11+$0xC580];
	_ =	sdelay $0x4  }
0x2fd: {  	[tilespmem:v56+s13+$0x0] =	vst.idx.msk $0xffff, v33  }
0x2fe: {  	v57 =	vadd.s32 v25, v32;
	v33 =	vld [tilespmem:s11+$0xC590];
	_ =	sdelay $0x4  }
0x2ff: {  	[tilespmem:v57+s13+$0x0] =	vst.idx.msk $0xffff, v33  }
0x300: {  	v58 =	vadd.s32 v26, v32;
	v33 =	vld [tilespmem:s11+$0xC5A0];
	_ =	sdelay $0x4  }
0x301: {  	[tilespmem:v58+s13+$0x0] =	vst.idx.msk $0xffff, v33  }
0x302: {  	v59 =	vadd.s32 v27, v32;
	v33 =	vld [tilespmem:s11+$0xC5B0];
	_ =	sdelay $0x4  }
0x303: {  	[tilespmem:v59+s13+$0x0] =	vst.idx.msk $0xffff, v33  }
0x304: {  	v60 =	vadd.s32 v28, v32;
	v33 =	vld [tilespmem:s11+$0xC5C0];
	_ =	sdelay $0x4  }
0x305: {  	[tilespmem:v60+s13+$0x0] =	vst.idx.msk $0xffff, v33  }
0x306: {  	v61 =	vadd.s32 v29, v32;
	v33 =	vld [tilespmem:s11+$0xC5D0];
	_ =	sdelay $0x4  }
0x307: {  	[tilespmem:v61+s13+$0x0] =	vst.idx.msk $0xffff, v33  }
0x308: {  	v62 =	vadd.s32 v30, v32;
	v33 =	vld [tilespmem:s11+$0xC5E0];
	_ =	sdelay $0x4  }
0x309: {  	[tilespmem:v62+s13+$0x0] =	vst.idx.msk $0xffff, v33  }
0x30a: {  	v63 =	vadd.s32 v31, v32;
	v33 =	vld [tilespmem:s11+$0xC5F0];
	_ =	sdelay $0x2  }
0x30b: {  	s15 =	sadd.s32 s9, s6  }
0x30c: {  	s11 =	sshrl.u32 s15, $0x3  }
0x30d: {  	s16 =	simm.s32 $0x16A00;
	s15 =	sadd.s32 s2, s11;
	[tilespmem:v63+s13+$0x0] =	vst.idx.msk $0xffff, v33  }
0x30e: {  	[hbm4b:s15+s3] =	stream.linear.scatter [tilespmem:s16], [sflag:$0x9], $0x80, $0x38;
	[tilespmem:$0x1AE00] =	vst v63  }
0x30f: {  	s18 =	simm.s32 $0x16A88;
	s16 =	sadd.s32 $0x10, s15  }
0x310: {  	[hbm4b:s16+s3] =	stream.linear.scatter [tilespmem:s18], [sflag:$0x9], $0x80, $0x38;
	[tilespmem:$0x1AE00] =	vst v63  }
0x311: {  	s20 =	simm.s32 $0x16B10;
	s22 =	sadd.s32 $0x20, s15  }
0x312: {  	[hbm4b:s22+s3] =	stream.linear.scatter [tilespmem:s20], [sflag:$0x9], $0x80, $0x38;
	[tilespmem:$0x1AE00] =	vst v63  }
0x313: {  	s16 =	simm.s32 $0x16B98;
	s18 =	sadd.s32 $0x30, s15  }
0x314: {  	[hbm4b:s18+s3] =	stream.linear.scatter [tilespmem:s16], [sflag:$0x9], $0x80, $0x38;
	[tilespmem:$0x1AE00] =	vst v63  }
0x315: {  	s20 =	simm.s32 $0x16C20;
	s22 =	sadd.s32 $0x40, s15  }
0x316: {  	[hbm4b:s22+s3] =	stream.linear.scatter [tilespmem:s20], [sflag:$0x9], $0x80, $0x38;
	[tilespmem:$0x1AE00] =	vst v63  }
0x317: {  	s11 =	simm.s32 $0x440;
	s16 =	simm.s32 $0x16CA8;
	s18 =	sadd.s32 $0x50, s15  }
0x318: {  	[hbm4b:s18+s3] =	stream.linear.scatter [tilespmem:s16], [sflag:$0x9], $0x80, $0x38;
	[tilespmem:$0x1AE00] =	vst v63  }
0x319: {  	s20 =	simm.s32 $0x16D30;
	s22 =	sadd.s32 $0x60, s15;
	s16 =	simm.s32 $0x2200  }
0x31a: {  	[hbm4b:s22+s3] =	stream.linear.scatter [tilespmem:s20], [sflag:$0x9], $0x80, $0x38;
	[tilespmem:$0x1AE00] =	vst v63  }
0x31b: {  	s18 =	simm.s32 $0x16DB8;
	s20 =	sadd.s32 $0x70, s15;
	s15 =	sadd.s32 $0x1000, s15  }
.LBB2_29:
0x31c: {  	[hbm4b:s20+s3] =	stream.linear.scatter [tilespmem:s18], [sflag:$0x9], $0x80, $0x38;
	[tilespmem:$0x1AE00] =	vst v63  }
0x31d: {  	s18 =	smov.u32 s11;
	s11 =	smov.u32 s16  }
0x31e: {  	s22 =	sadd.s32 $0x1100, s16;
	s11 =	sshra.s32 s11, $0x2;
	s20 =	sadd.s32 $0x16A00, s18  }
0x31f: {  	[hbm4b:s15+s3] =	stream.linear.scatter [tilespmem:s20], [sflag:$0x9], $0x80, $0x38;
	[tilespmem:$0x1AE00] =	vst v63  }
0x320: {  	p2 =	sne.s32 s16, $0x7700;
	s16 =	sadd.s32 $0x16A88, s18;
	s20 =	sadd.s32 $0x10, s15  }
0x321: {  	[hbm4b:s20+s3] =	stream.linear.scatter [tilespmem:s16], [sflag:$0x9], $0x80, $0x38;
	[tilespmem:$0x1AE00] =	vst v63  }
0x322: {  	s16 =	sadd.s32 $0x16B10, s18;
	s20 =	sadd.s32 $0x20, s15  }
0x323: {  	[hbm4b:s20+s3] =	stream.linear.scatter [tilespmem:s16], [sflag:$0x9], $0x80, $0x38;
	[tilespmem:$0x1AE00] =	vst v63  }
0x324: {  	s16 =	sadd.s32 $0x16B98, s18;
	s20 =	sadd.s32 $0x30, s15  }
0x325: {  	[hbm4b:s20+s3] =	stream.linear.scatter [tilespmem:s16], [sflag:$0x9], $0x80, $0x38;
	[tilespmem:$0x1AE00] =	vst v63  }
0x326: {  	s16 =	sadd.s32 $0x16C20, s18;
	s20 =	sadd.s32 $0x40, s15  }
0x327: {  	[hbm4b:s20+s3] =	stream.linear.scatter [tilespmem:s16], [sflag:$0x9], $0x80, $0x38;
	[tilespmem:$0x1AE00] =	vst v63  }
.Ltmp18:
0x328: {  	s16 =	sadd.s32 $0x16CA8, s18;
	s20 =	sadd.s32 $0x50, s15;
	(pc) =	sbr.rel @p2 .LBB2_29-.Ltmp18, $4  }
0x329: {  	[hbm4b:s20+s3] =	stream.linear.scatter [tilespmem:s16], [sflag:$0x9], $0x80, $0x38;
	[tilespmem:$0x1AE00] =	vst v63  }
0x32a: {  	s16 =	sadd.s32 $0x16D30, s18;
	s20 =	sadd.s32 $0x60, s15;
	s18 =	sadd.s32 $0x16DB8, s18  }
0x32b: {  	[hbm4b:s20+s3] =	stream.linear.scatter [tilespmem:s16], [sflag:$0x9], $0x80, $0x38;
	[tilespmem:$0x1AE00] =	vst v63  }
0x32c: {  	s20 =	sadd.s32 $0x70, s15;
	s15 =	sadd.s32 $0x1000, s15;
	s16 =	smov.u32 s22  }
0x32d: {  	[hbm4b:s20+s3] =	stream.linear.scatter [tilespmem:s18], [sflag:$0x9], $0x80, $0x38;
	[tilespmem:$0x1AE00] =	vst v63  }
0x32e: {  	s16 =	sadd.s32 $0x16A00, s11  }
0x32f: {  	[hbm4b:s15+s3] =	stream.linear.scatter [tilespmem:s16], [sflag:$0x9], $0x80, $0x38;
	[tilespmem:$0x1AE00] =	vst v63  }
0x330: {  	s20 =	sadd.s32 $0x16A88, s11;
	s22 =	sadd.s32 $0x10, s15  }
0x331: {  	[hbm4b:s22+s3] =	stream.linear.scatter [tilespmem:s20], [sflag:$0x9], $0x80, $0x38;
	[tilespmem:$0x1AE00] =	vst v63  }
0x332: {  	s20 =	sadd.s32 $0x16B10, s11;
	s22 =	sadd.s32 $0x20, s15  }
0x333: {  	[hbm4b:s22+s3] =	stream.linear.scatter [tilespmem:s20], [sflag:$0x9], $0x80, $0x38;
	[tilespmem:$0x1AE00] =	vst v63  }
0x334: {  	s20 =	sadd.s32 $0x16B98, s11;
	s22 =	sadd.s32 $0x30, s15  }
0x335: {  	[hbm4b:s22+s3] =	stream.linear.scatter [tilespmem:s20], [sflag:$0x9], $0x80, $0x38;
	[tilespmem:$0x1AE00] =	vst v63  }
0x336: {  	s20 =	sadd.s32 $0x16C20, s11;
	s22 =	sadd.s32 $0x40, s15  }
0x337: {  	[hbm4b:s22+s3] =	stream.linear.scatter [tilespmem:s20], [sflag:$0x9], $0x80, $0x38;
	[tilespmem:$0x1AE00] =	vst v63  }
0x338: {  	s20 =	sadd.s32 $0x16CA8, s11;
	s22 =	sadd.s32 $0x50, s15  }
0x339: {  	[hbm4b:s22+s3] =	stream.linear.scatter [tilespmem:s20], [sflag:$0x9], $0x80, $0x38;
	[tilespmem:$0x1AE00] =	vst v63  }
.Ltmp19:
0x33a: {  	_ = 	snop;
	(pc) =	sbr.rel @p1 .LBB2_32-.Ltmp19, $4  }
0x33b: {  	s20 =	sadd.s32 $0x16D30, s11;
	s22 =	sadd.s32 $0x60, s15  }
0x33c: {  	[hbm4b:s22+s3] =	stream.linear.scatter [tilespmem:s20], [sflag:$0x9], $0x80, $0x38;
	[tilespmem:$0x1AE00] =	vst v63  }
0x33d: {  	s20 =	sadd.s32 $0x16DB8, s11;
	s22 =	sadd.s32 $0x70, s15  }
0x33e: {  	[hbm4b:s22+s3] =	stream.linear.scatter [tilespmem:s20], [sflag:$0x9], $0x80, $0x38;
	[tilespmem:$0x1AE00] =	vst v63  }
.Ltmp20:
0x33f: {  	(pc) =	sbr.rel .LBB2_33-.Ltmp20, $4  }
0x340: {  	_ = 	snop  }
0x341: {  	_ =	swait.ge [sflag:s17], $0x2000  }
0x342: {  	[sflag:s17] =	ssyncset.done $0x0  }
0x343: {  	[sflag:s17] =	ssyncadd.s32 $0xFFFFE000  }
.LBB2_32:
0x344: {  	s11 =	smul.u32 $0xA00, s14;
	_ =	sdelay $0x1  }
0x345: {  	s11 =	sshra.s32 s11, $0x2  }
.Ltmp21:
0x346: {  	s15 =	simm.s32 $0xC400;
	s11 =	sadd.s32 $0x400, s11;
	(pc) =	sbr.rel @p0 .LBB2_34-.Ltmp21, $4  }
0x347: {  	[tilespmem:s15], [sflag:$0x4] =	stream.indirect.gather [hbm4b:s4+s12], $0x40, s11, s12, $0xb8;
	[tilespmem:$0x1AE00] =	vst v63  }
0x348: {  	_ =	swait.ge [sflag:s17], $0x2000  }
0x349: {  	[sflag:s17] =	ssyncset.done $0x0  }
0x34a: {  	[sflag:s17] =	ssyncadd.s32 $0xFFFFE000  }
.LBB2_33:
0x34b: {  	_ =	swait.ge [sflag:s19], $0x2000  }
0x34c: {  	[sflag:s19] =	ssyncset.done $0x0  }
0x34d: {  	[sflag:s19] =	ssyncadd.s32 $0xFFFFE000  }
.LBB2_34:
0x34e: {  	v32 =	vimm.s32 $0x0;
	s11 =	simm.s32 $0x0;
	s15 =	simm.s32 $0x800  }
.LBB2_35:
0x34f: {  	p0 =	sne.s32 s15, $0x7800;
	v33 =	vld [tilespmem:s11+$0xE400];
	v34 =	vadd.s32 v0, v32;
	_ =	sdelay $0x4  }
0x350: {  	[tilespmem:v34+s21+$0x0] =	vst.idx.msk $0xffff, v33  }
0x351: {  	v34 =	vadd.s32 v1, v32;
	v33 =	vld [tilespmem:s11+$0xE410];
	_ =	sdelay $0x4  }
0x352: {  	[tilespmem:v34+s21+$0x0] =	vst.idx.msk $0xffff, v33  }
0x353: {  	v34 =	vadd.s32 v2, v32;
	v33 =	vld [tilespmem:s11+$0xE420];
	_ =	sdelay $0x4  }
0x354: {  	[tilespmem:v34+s21+$0x0] =	vst.idx.msk $0xffff, v33  }
0x355: {  	v34 =	vadd.s32 v3, v32;
	v33 =	vld [tilespmem:s11+$0xE430];
	_ =	sdelay $0x4  }
0x356: {  	[tilespmem:v34+s21+$0x0] =	vst.idx.msk $0xffff, v33  }
0x357: {  	v34 =	vadd.s32 v4, v32;
	v33 =	vld [tilespmem:s11+$0xE440];
	_ =	sdelay $0x4  }
0x358: {  	[tilespmem:v34+s21+$0x0] =	vst.idx.msk $0xffff, v33  }
0x359: {  	v34 =	vadd.s32 v5, v32;
	v33 =	vld [tilespmem:s11+$0xE450];
	_ =	sdelay $0x4  }
0x35a: {  	[tilespmem:v34+s21+$0x0] =	vst.idx.msk $0xffff, v33  }
0x35b: {  	v34 =	vadd.s32 v6, v32;
	v33 =	vld [tilespmem:s11+$0xE460];
	_ =	sdelay $0x4  }
0x35c: {  	[tilespmem:v34+s21+$0x0] =	vst.idx.msk $0xffff, v33  }
0x35d: {  	v34 =	vadd.s32 v7, v32;
	v33 =	vld [tilespmem:s11+$0xE470];
	_ =	sdelay $0x4  }
0x35e: {  	[tilespmem:v34+s21+$0x0] =	vst.idx.msk $0xffff, v33  }
0x35f: {  	v34 =	vadd.s32 v8, v32;
	v33 =	vld [tilespmem:s11+$0xE480];
	_ =	sdelay $0x4  }
0x360: {  	[tilespmem:v34+s21+$0x0] =	vst.idx.msk $0xffff, v33  }
0x361: {  	v34 =	vadd.s32 v9, v32;
	v33 =	vld [tilespmem:s11+$0xE490];
	_ =	sdelay $0x4  }
0x362: {  	[tilespmem:v34+s21+$0x0] =	vst.idx.msk $0xffff, v33  }
0x363: {  	v34 =	vadd.s32 v10, v32;
	v33 =	vld [tilespmem:s11+$0xE4A0];
	_ =	sdelay $0x4  }
0x364: {  	[tilespmem:v34+s21+$0x0] =	vst.idx.msk $0xffff, v33  }
0x365: {  	v34 =	vadd.s32 v11, v32;
	v33 =	vld [tilespmem:s11+$0xE4B0];
	_ =	sdelay $0x4  }
0x366: {  	[tilespmem:v34+s21+$0x0] =	vst.idx.msk $0xffff, v33  }
0x367: {  	v34 =	vadd.s32 v12, v32;
	v33 =	vld [tilespmem:s11+$0xE4C0];
	_ =	sdelay $0x4  }
0x368: {  	[tilespmem:v34+s21+$0x0] =	vst.idx.msk $0xffff, v33  }
0x369: {  	v34 =	vadd.s32 v13, v32;
	v33 =	vld [tilespmem:s11+$0xE4D0];
	_ =	sdelay $0x4  }
0x36a: {  	[tilespmem:v34+s21+$0x0] =	vst.idx.msk $0xffff, v33  }
0x36b: {  	v34 =	vadd.s32 v14, v32;
	v33 =	vld [tilespmem:s11+$0xE4E0];
	_ =	sdelay $0x4  }
0x36c: {  	[tilespmem:v34+s21+$0x0] =	vst.idx.msk $0xffff, v33  }
0x36d: {  	v34 =	vadd.s32 v15, v32;
	v33 =	vld [tilespmem:s11+$0xE4F0];
	_ =	sdelay $0x4  }
0x36e: {  	[tilespmem:v34+s21+$0x0] =	vst.idx.msk $0xffff, v33  }
0x36f: {  	v34 =	vadd.s32 v16, v32;
	v33 =	vld [tilespmem:s11+$0xE500];
	_ =	sdelay $0x4  }
0x370: {  	[tilespmem:v34+s21+$0x0] =	vst.idx.msk $0xffff, v33  }
0x371: {  	v34 =	vadd.s32 v17, v32;
	v33 =	vld [tilespmem:s11+$0xE510];
	_ =	sdelay $0x4  }
0x372: {  	[tilespmem:v34+s21+$0x0] =	vst.idx.msk $0xffff, v33  }
0x373: {  	v34 =	vadd.s32 v18, v32;
	v33 =	vld [tilespmem:s11+$0xE520];
	_ =	sdelay $0x4  }
0x374: {  	[tilespmem:v34+s21+$0x0] =	vst.idx.msk $0xffff, v33  }
0x375: {  	v34 =	vadd.s32 v19, v32;
	v33 =	vld [tilespmem:s11+$0xE530];
	_ =	sdelay $0x4  }
0x376: {  	[tilespmem:v34+s21+$0x0] =	vst.idx.msk $0xffff, v33  }
0x377: {  	v34 =	vadd.s32 v20, v32;
	v33 =	vld [tilespmem:s11+$0xE540];
	_ =	sdelay $0x4  }
0x378: {  	[tilespmem:v34+s21+$0x0] =	vst.idx.msk $0xffff, v33  }
0x379: {  	v34 =	vadd.s32 v21, v32;
	v33 =	vld [tilespmem:s11+$0xE550];
	_ =	sdelay $0x4  }
0x37a: {  	[tilespmem:v34+s21+$0x0] =	vst.idx.msk $0xffff, v33  }
0x37b: {  	v34 =	vadd.s32 v22, v32;
	v33 =	vld [tilespmem:s11+$0xE560];
	_ =	sdelay $0x4  }
0x37c: {  	[tilespmem:v34+s21+$0x0] =	vst.idx.msk $0xffff, v33  }
0x37d: {  	v34 =	vadd.s32 v23, v32;
	v33 =	vld [tilespmem:s11+$0xE570];
	_ =	sdelay $0x4  }
0x37e: {  	[tilespmem:v34+s21+$0x0] =	vst.idx.msk $0xffff, v33  }
0x37f: {  	v34 =	vadd.s32 v24, v32;
	v33 =	vld [tilespmem:s11+$0xE580];
	_ =	sdelay $0x4  }
0x380: {  	[tilespmem:v34+s21+$0x0] =	vst.idx.msk $0xffff, v33  }
0x381: {  	v34 =	vadd.s32 v25, v32;
	v33 =	vld [tilespmem:s11+$0xE590];
	_ =	sdelay $0x4  }
0x382: {  	[tilespmem:v34+s21+$0x0] =	vst.idx.msk $0xffff, v33  }
0x383: {  	v34 =	vadd.s32 v26, v32;
	v33 =	vld [tilespmem:s11+$0xE5A0];
	_ =	sdelay $0x4  }
0x384: {  	[tilespmem:v34+s21+$0x0] =	vst.idx.msk $0xffff, v33  }
0x385: {  	v34 =	vadd.s32 v27, v32;
	v33 =	vld [tilespmem:s11+$0xE5B0];
	_ =	sdelay $0x4  }
0x386: {  	[tilespmem:v34+s21+$0x0] =	vst.idx.msk $0xffff, v33  }
0x387: {  	v34 =	vadd.s32 v28, v32;
	v33 =	vld [tilespmem:s11+$0xE5C0];
	_ =	sdelay $0x4  }
0x388: {  	[tilespmem:v34+s21+$0x0] =	vst.idx.msk $0xffff, v33  }
0x389: {  	v34 =	vadd.s32 v29, v32;
	v33 =	vld [tilespmem:s11+$0xE5D0];
	_ =	sdelay $0x4  }
0x38a: {  	[tilespmem:v34+s21+$0x0] =	vst.idx.msk $0xffff, v33  }
0x38b: {  	v34 =	vadd.s32 v30, v32;
	v33 =	vld [tilespmem:s11+$0xE5E0];
	_ =	sdelay $0x4  }
0x38c: {  	[tilespmem:v34+s21+$0x0] =	vst.idx.msk $0xffff, v33  }
0x38d: {  	v34 =	vadd.s32 v31, v32;
	v33 =	vld [tilespmem:s11+$0xE5F0]  }
.Ltmp22:
0x38e: {  	(pc) =	sbr.rel @p0 .LBB2_35-.Ltmp22, $2  }
0x38f: {  	_ =	sdelay $0x2  }
0x390: {  	v32 =	vadd.s32 $0x8, v32;
	s11 =	sshra.s32 s15, $0x2;
	s15 =	sadd.s32 $0x800, s15;
	[tilespmem:v34+s21+$0x0] =	vst.idx.msk $0xffff, v33  }
0x391: {  	v33 =	vld [tilespmem:s11+$0xE400];
	v34 =	vadd.s32 v0, v32;
	_ =	sdelay $0x4  }
0x392: {  	[tilespmem:v34+s21+$0x0] =	vst.idx.msk $0xffff, v33  }
0x393: {  	v61 =	vadd.s32 v1, v32;
	v33 =	vld [tilespmem:s11+$0xE410];
	_ =	sdelay $0x4  }
0x394: {  	[tilespmem:v61+s21+$0x0] =	vst.idx.msk $0xffff, v33  }
0x395: {  	v62 =	vadd.s32 v2, v32;
	v33 =	vld [tilespmem:s11+$0xE420];
	_ =	sdelay $0x4  }
0x396: {  	[tilespmem:v62+s21+$0x0] =	vst.idx.msk $0xffff, v33  }
0x397: {  	v63 =	vadd.s32 v3, v32;
	v33 =	vld [tilespmem:s11+$0xE430];
	_ =	sdelay $0x4  }
0x398: {  	[tilespmem:v63+s21+$0x0] =	vst.idx.msk $0xffff, v33  }
0x399: {  	v36 =	vadd.s32 v4, v32;
	v33 =	vld [tilespmem:s11+$0xE440];
	_ =	sdelay $0x4  }
0x39a: {  	[tilespmem:v36+s21+$0x0] =	vst.idx.msk $0xffff, v33  }
0x39b: {  	v37 =	vadd.s32 v5, v32;
	v33 =	vld [tilespmem:s11+$0xE450];
	_ =	sdelay $0x4  }
0x39c: {  	[tilespmem:v37+s21+$0x0] =	vst.idx.msk $0xffff, v33  }
0x39d: {  	v38 =	vadd.s32 v6, v32;
	v33 =	vld [tilespmem:s11+$0xE460];
	_ =	sdelay $0x4  }
0x39e: {  	[tilespmem:v38+s21+$0x0] =	vst.idx.msk $0xffff, v33  }
0x39f: {  	v39 =	vadd.s32 v7, v32;
	v33 =	vld [tilespmem:s11+$0xE470];
	_ =	sdelay $0x4  }
0x3a0: {  	[tilespmem:v39+s21+$0x0] =	vst.idx.msk $0xffff, v33  }
0x3a1: {  	v40 =	vadd.s32 v8, v32;
	v33 =	vld [tilespmem:s11+$0xE480];
	_ =	sdelay $0x4  }
0x3a2: {  	[tilespmem:v40+s21+$0x0] =	vst.idx.msk $0xffff, v33  }
0x3a3: {  	v41 =	vadd.s32 v9, v32;
	v33 =	vld [tilespmem:s11+$0xE490];
	_ =	sdelay $0x4  }
0x3a4: {  	[tilespmem:v41+s21+$0x0] =	vst.idx.msk $0xffff, v33  }
0x3a5: {  	v42 =	vadd.s32 v10, v32;
	v33 =	vld [tilespmem:s11+$0xE4A0];
	_ =	sdelay $0x4  }
0x3a6: {  	[tilespmem:v42+s21+$0x0] =	vst.idx.msk $0xffff, v33  }
0x3a7: {  	v43 =	vadd.s32 v11, v32;
	v33 =	vld [tilespmem:s11+$0xE4B0];
	_ =	sdelay $0x4  }
0x3a8: {  	[tilespmem:v43+s21+$0x0] =	vst.idx.msk $0xffff, v33  }
0x3a9: {  	v44 =	vadd.s32 v12, v32;
	v33 =	vld [tilespmem:s11+$0xE4C0];
	_ =	sdelay $0x4  }
0x3aa: {  	[tilespmem:v44+s21+$0x0] =	vst.idx.msk $0xffff, v33  }
0x3ab: {  	v45 =	vadd.s32 v13, v32;
	v33 =	vld [tilespmem:s11+$0xE4D0];
	_ =	sdelay $0x4  }
0x3ac: {  	[tilespmem:v45+s21+$0x0] =	vst.idx.msk $0xffff, v33  }
0x3ad: {  	v46 =	vadd.s32 v14, v32;
	v33 =	vld [tilespmem:s11+$0xE4E0];
	_ =	sdelay $0x4  }
0x3ae: {  	[tilespmem:v46+s21+$0x0] =	vst.idx.msk $0xffff, v33  }
0x3af: {  	v47 =	vadd.s32 v15, v32;
	v33 =	vld [tilespmem:s11+$0xE4F0];
	_ =	sdelay $0x4  }
0x3b0: {  	[tilespmem:v47+s21+$0x0] =	vst.idx.msk $0xffff, v33  }
0x3b1: {  	v48 =	vadd.s32 v16, v32;
	v33 =	vld [tilespmem:s11+$0xE500];
	_ =	sdelay $0x4  }
0x3b2: {  	[tilespmem:v48+s21+$0x0] =	vst.idx.msk $0xffff, v33  }
0x3b3: {  	v49 =	vadd.s32 v17, v32;
	v33 =	vld [tilespmem:s11+$0xE510];
	_ =	sdelay $0x4  }
0x3b4: {  	[tilespmem:v49+s21+$0x0] =	vst.idx.msk $0xffff, v33  }
0x3b5: {  	v50 =	vadd.s32 v18, v32;
	v33 =	vld [tilespmem:s11+$0xE520];
	_ =	sdelay $0x4  }
0x3b6: {  	[tilespmem:v50+s21+$0x0] =	vst.idx.msk $0xffff, v33  }
0x3b7: {  	v51 =	vadd.s32 v19, v32;
	v33 =	vld [tilespmem:s11+$0xE530];
	_ =	sdelay $0x4  }
0x3b8: {  	[tilespmem:v51+s21+$0x0] =	vst.idx.msk $0xffff, v33  }
0x3b9: {  	v52 =	vadd.s32 v20, v32;
	v33 =	vld [tilespmem:s11+$0xE540];
	_ =	sdelay $0x4  }
0x3ba: {  	[tilespmem:v52+s21+$0x0] =	vst.idx.msk $0xffff, v33  }
0x3bb: {  	v53 =	vadd.s32 v21, v32;
	v33 =	vld [tilespmem:s11+$0xE550];
	_ =	sdelay $0x4  }
0x3bc: {  	[tilespmem:v53+s21+$0x0] =	vst.idx.msk $0xffff, v33  }
0x3bd: {  	v54 =	vadd.s32 v22, v32;
	v33 =	vld [tilespmem:s11+$0xE560];
	_ =	sdelay $0x4  }
0x3be: {  	[tilespmem:v54+s21+$0x0] =	vst.idx.msk $0xffff, v33  }
0x3bf: {  	v55 =	vadd.s32 v23, v32;
	v33 =	vld [tilespmem:s11+$0xE570];
	_ =	sdelay $0x4  }
0x3c0: {  	[tilespmem:v55+s21+$0x0] =	vst.idx.msk $0xffff, v33  }
0x3c1: {  	v56 =	vadd.s32 v24, v32;
	v33 =	vld [tilespmem:s11+$0xE580];
	_ =	sdelay $0x4  }
0x3c2: {  	[tilespmem:v56+s21+$0x0] =	vst.idx.msk $0xffff, v33  }
0x3c3: {  	v57 =	vadd.s32 v25, v32;
	v33 =	vld [tilespmem:s11+$0xE590];
	_ =	sdelay $0x4  }
0x3c4: {  	[tilespmem:v57+s21+$0x0] =	vst.idx.msk $0xffff, v33  }
0x3c5: {  	v58 =	vadd.s32 v26, v32;
	v33 =	vld [tilespmem:s11+$0xE5A0];
	_ =	sdelay $0x4  }
0x3c6: {  	[tilespmem:v58+s21+$0x0] =	vst.idx.msk $0xffff, v33  }
0x3c7: {  	v59 =	vadd.s32 v27, v32;
	v33 =	vld [tilespmem:s11+$0xE5B0];
	_ =	sdelay $0x4  }
0x3c8: {  	[tilespmem:v59+s21+$0x0] =	vst.idx.msk $0xffff, v33  }
0x3c9: {  	v60 =	vadd.s32 v28, v32;
	v33 =	vld [tilespmem:s11+$0xE5C0];
	_ =	sdelay $0x4  }
0x3ca: {  	[tilespmem:v60+s21+$0x0] =	vst.idx.msk $0xffff, v33  }
0x3cb: {  	v61 =	vadd.s32 v29, v32;
	v33 =	vld [tilespmem:s11+$0xE5D0];
	_ =	sdelay $0x4  }
0x3cc: {  	[tilespmem:v61+s21+$0x0] =	vst.idx.msk $0xffff, v33  }
0x3cd: {  	v62 =	vadd.s32 v30, v32;
	v33 =	vld [tilespmem:s11+$0xE5E0];
	_ =	sdelay $0x4  }
0x3ce: {  	[tilespmem:v62+s21+$0x0] =	vst.idx.msk $0xffff, v33  }
0x3cf: {  	v63 =	vadd.s32 v31, v32;
	v33 =	vld [tilespmem:s11+$0xE5F0];
	_ =	sdelay $0x2  }
0x3d0: {  	s6 =	sadd.s32 s10, s6  }
0x3d1: {  	s6 =	sshrl.u32 s6, $0x3  }
0x3d2: {  	s16 =	simm.s32 $0x18C00;
	s11 =	sadd.s32 s2, s6;
	[tilespmem:v63+s21+$0x0] =	vst.idx.msk $0xffff, v33  }
0x3d3: {  	[hbm4b:s11+s3] =	stream.linear.scatter [tilespmem:s16], [sflag:$0xA], $0x80, $0x38;
	[tilespmem:$0x1AE00] =	vst v63  }
0x3d4: {  	s18 =	simm.s32 $0x18C88;
	s15 =	sadd.s32 $0x10, s11  }
0x3d5: {  	[hbm4b:s15+s3] =	stream.linear.scatter [tilespmem:s18], [sflag:$0xA], $0x80, $0x38;
	[tilespmem:$0x1AE00] =	vst v63  }
0x3d6: {  	s20 =	simm.s32 $0x18D10;
	s6 =	simm.s32 $0x440;
	s22 =	sadd.s32 $0x20, s11  }
0x3d7: {  	[hbm4b:s22+s3] =	stream.linear.scatter [tilespmem:s20], [sflag:$0xA], $0x80, $0x38;
	[tilespmem:$0x1AE00] =	vst v63  }
0x3d8: {  	s16 =	simm.s32 $0x18D98;
	s18 =	sadd.s32 $0x30, s11;
	s15 =	simm.s32 $0x2200  }
0x3d9: {  	[hbm4b:s18+s3] =	stream.linear.scatter [tilespmem:s16], [sflag:$0xA], $0x80, $0x38;
	[tilespmem:$0x1AE00] =	vst v63  }
0x3da: {  	s20 =	simm.s32 $0x18E20;
	s22 =	sadd.s32 $0x40, s11;
	s16 =	simm.s32 $0x18EA8  }
0x3db: {  	[hbm4b:s22+s3] =	stream.linear.scatter [tilespmem:s20], [sflag:$0xA], $0x80, $0x38;
	[tilespmem:$0x1AE00] =	vst v63  }
0x3dc: {  	s18 =	sadd.s32 $0x50, s11;
	s20 =	simm.s32 $0x18F30;
	s22 =	sadd.s32 $0x60, s11  }
0x3dd: {  	[hbm4b:s18+s3] =	stream.linear.scatter [tilespmem:s16], [sflag:$0xA], $0x80, $0x38;
	[tilespmem:$0x1AE00] =	vst v63  }
0x3de: {  	s16 =	simm.s32 $0x18FB8;
	s18 =	sadd.s32 $0x70, s11;
	s11 =	sadd.s32 $0x1000, s11  }
0x3df: {  	[hbm4b:s22+s3] =	stream.linear.scatter [tilespmem:s20], [sflag:$0xA], $0x80, $0x38;
	[tilespmem:$0x1AE00] =	vst v63  }
.LBB2_37:
0x3e0: {  	[hbm4b:s18+s3] =	stream.linear.scatter [tilespmem:s16], [sflag:$0xA], $0x80, $0x38;
	[tilespmem:$0x1AE00] =	vst v63  }
0x3e1: {  	s16 =	smov.u32 s6;
	s6 =	smov.u32 s15  }
0x3e2: {  	s20 =	sadd.s32 $0x1100, s15;
	s6 =	sshra.s32 s6, $0x2;
	s18 =	sadd.s32 $0x18C00, s16  }
0x3e3: {  	[hbm4b:s11+s3] =	stream.linear.scatter [tilespmem:s18], [sflag:$0xA], $0x80, $0x38;
	[tilespmem:$0x1AE00] =	vst v63  }
0x3e4: {  	p0 =	sne.s32 s15, $0x7700;
	s15 =	sadd.s32 $0x18C88, s16;
	s18 =	sadd.s32 $0x10, s11  }
0x3e5: {  	[hbm4b:s18+s3] =	stream.linear.scatter [tilespmem:s15], [sflag:$0xA], $0x80, $0x38;
	[tilespmem:$0x1AE00] =	vst v63  }
0x3e6: {  	s15 =	sadd.s32 $0x18D10, s16;
	s18 =	sadd.s32 $0x20, s11  }
0x3e7: {  	[hbm4b:s18+s3] =	stream.linear.scatter [tilespmem:s15], [sflag:$0xA], $0x80, $0x38;
	[tilespmem:$0x1AE00] =	vst v63  }
0x3e8: {  	s15 =	sadd.s32 $0x18D98, s16;
	s18 =	sadd.s32 $0x30, s11  }
0x3e9: {  	[hbm4b:s18+s3] =	stream.linear.scatter [tilespmem:s15], [sflag:$0xA], $0x80, $0x38;
	[tilespmem:$0x1AE00] =	vst v63  }
0x3ea: {  	s15 =	sadd.s32 $0x18E20, s16;
	s18 =	sadd.s32 $0x40, s11  }
0x3eb: {  	[hbm4b:s18+s3] =	stream.linear.scatter [tilespmem:s15], [sflag:$0xA], $0x80, $0x38;
	[tilespmem:$0x1AE00] =	vst v63  }
.Ltmp23:
0x3ec: {  	s15 =	sadd.s32 $0x18EA8, s16;
	s18 =	sadd.s32 $0x50, s11;
	(pc) =	sbr.rel @p0 .LBB2_37-.Ltmp23, $4  }
0x3ed: {  	[hbm4b:s18+s3] =	stream.linear.scatter [tilespmem:s15], [sflag:$0xA], $0x80, $0x38;
	[tilespmem:$0x1AE00] =	vst v63  }
0x3ee: {  	s15 =	sadd.s32 $0x18F30, s16;
	s18 =	sadd.s32 $0x60, s11;
	s16 =	sadd.s32 $0x18FB8, s16  }
0x3ef: {  	[hbm4b:s18+s3] =	stream.linear.scatter [tilespmem:s15], [sflag:$0xA], $0x80, $0x38;
	[tilespmem:$0x1AE00] =	vst v63  }
0x3f0: {  	s18 =	sadd.s32 $0x70, s11;
	s11 =	sadd.s32 $0x1000, s11;
	s15 =	smov.u32 s20  }
0x3f1: {  	[hbm4b:s18+s3] =	stream.linear.scatter [tilespmem:s16], [sflag:$0xA], $0x80, $0x38;
	[tilespmem:$0x1AE00] =	vst v63  }
0x3f2: {  	s15 =	sadd.s32 $0x18C00, s6  }
0x3f3: {  	[hbm4b:s11+s3] =	stream.linear.scatter [tilespmem:s15], [sflag:$0xA], $0x80, $0x38;
	[tilespmem:$0x1AE00] =	vst v63  }
0x3f4: {  	s20 =	sadd.s32 $0x18C88, s6;
	s22 =	sadd.s32 $0x10, s11  }
0x3f5: {  	[hbm4b:s22+s3] =	stream.linear.scatter [tilespmem:s20], [sflag:$0xA], $0x80, $0x38;
	[tilespmem:$0x1AE00] =	vst v63  }
0x3f6: {  	s16 =	sadd.s32 $0x18D10, s6;
	s18 =	sadd.s32 $0x20, s11  }
0x3f7: {  	[hbm4b:s18+s3] =	stream.linear.scatter [tilespmem:s16], [sflag:$0xA], $0x80, $0x38;
	[tilespmem:$0x1AE00] =	vst v63  }
0x3f8: {  	s20 =	sadd.s32 $0x18D98, s6;
	s22 =	sadd.s32 $0x30, s11  }
0x3f9: {  	[hbm4b:s22+s3] =	stream.linear.scatter [tilespmem:s20], [sflag:$0xA], $0x80, $0x38;
	[tilespmem:$0x1AE00] =	vst v63  }
0x3fa: {  	s16 =	sadd.s32 $0x18E20, s6;
	s18 =	sadd.s32 $0x40, s11  }
0x3fb: {  	[hbm4b:s18+s3] =	stream.linear.scatter [tilespmem:s16], [sflag:$0xA], $0x80, $0x38;
	[tilespmem:$0x1AE00] =	vst v63  }
0x3fc: {  	p0 =	seq.s32 s14, $0x27;
	s20 =	sadd.s32 $0x18EA8, s6;
	s22 =	sadd.s32 $0x50, s11  }
0x3fd: {  	[hbm4b:s22+s3] =	stream.linear.scatter [tilespmem:s20], [sflag:$0xA], $0x80, $0x38;
	[tilespmem:$0x1AE00] =	vst v63  }
.Ltmp24:
0x3fe: {  	_ = 	snop;
	(pc) =	sbr.rel @p0 .LBB2_40-.Ltmp24, $4  }
0x3ff: {  	s16 =	sadd.s32 $0x18F30, s6;
	s18 =	sadd.s32 $0x60, s11  }
0x400: {  	[hbm4b:s18+s3] =	stream.linear.scatter [tilespmem:s16], [sflag:$0xA], $0x80, $0x38;
	[tilespmem:$0x1AE00] =	vst v63  }
0x401: {  	s20 =	sadd.s32 $0x18FB8, s6;
	s22 =	sadd.s32 $0x70, s11  }
0x402: {  	[hbm4b:s22+s3] =	stream.linear.scatter [tilespmem:s20], [sflag:$0xA], $0x80, $0x38;
	[tilespmem:$0x1AE00] =	vst v63  }
0x403: {  	s6 =	smul.u32 $0xA00, s14  }
.Ltmp25:
0x404: {  	_ = 	snop;
	(pc) =	sbr.rel .LBB2_2-.Ltmp25, $4  }
0x405: {  	_ = 	snop  }
0x406: {  	s6 =	sshra.s32 s6, $0x2  }
0x407: {  	s11 =	simm.s32 $0xE400;
	s14 =	sadd.s32 $0x1, s14;
	s6 =	sadd.s32 $0x480, s6  }
0x408: {  	[tilespmem:s11], [sflag:$0x5] =	stream.indirect.gather [hbm4b:s4+s12], $0x40, s6, s12, $0xb8;
	[tilespmem:$0x1AE00] =	vst v63  }
.LBB2_41:
0x409: {  	_ =	sfence.sel $0x180000  }
0x40a: {  	[bflag:$0x0] =	sbarrier.arrive $0xFFFF  }
0x40b: {  	_ =	strace $0x90000047  }
0x40c: {  	s0 =	stileid.u32;
	[bflag:$0x2] =	sbarrier.arrive $0xFFFF  }
0x40d: {  	p0 =	sne.s32 s0, $0x0;
	s0 =	rddreg [dreg:$0x2]  }
0x40e: {  	s0 =	sadd.s32 @!p0 $0x100000, s0  }
0x40f: {  	[sflag:s0] =	ssyncadd.tile.s32 @!p0 $0x1;
	_ =	shalt  }
.Lfunc_end2:
_tile_overlayer_lowered:
.L_overlay_start_2:
0x410: {  	(tag) =	ssettag $0x2  }
0x411: {  	s0 =	rddreg [dreg:$0x0];
	s2 =	stileid.u32  }
0x412: {  	s1 =	rddreg [dreg:$0x1];
	p0 =	sne.s32 s2, $0x0  }
0x413: {  	s3 =	rddreg [dreg:$0x2];
	[bflag:$0x3] =	sbarrier.arrive $0xFFFF;
	s2 =	simm.s32 @!p0 $0x1C0C  }
0x414: {  	[timem:s3], [sflag:s2] =	dma.local @!p0 [hbm:s0], s1  }
0x415: {  	s0 =	simm.s32 @!p0 $0xC  }
0x416: {  	_ =	swait.ge @!p0 [sflag:s0], s1  }
0x417: {  	s1 =	ssub.s32 @!p0 $0x0, s1;
	[sflag:s0] =	ssyncset.done @!p0 $0x0  }
0x418: {  	[sflag:s0] =	ssyncadd.s32 @!p0 s1  }
0x419: {  	[bflag:$0x3] =	sbarrier.arrive $0xFFFF  }
0x41a: {  	_ =	shalt  }

</sc_bundles>
